<compile_context>
chip_gen: v7x
topology: tpu7x:2x2x1
jax: 0.10.2.dev20260603
libtpu: 0.0.44.dev20260713+nightly
codegen_flags: <defaults>
</compile_context>

<pallas_src>
import functools

import jax
import jax.numpy as jnp
from jax import lax
from jax.experimental import pallas as pl
from jax.experimental.pallas import tpu as pltpu
from jax.experimental.pallas import tpu_sc as plsc

_NC = 2
_NS = 16
_NW = _NC * _NS
_CHUNK = 128
_NBUF = 2
_IB = 16


@functools.lru_cache(maxsize=None)
def _sc_agg(n_acc, d, cpw):
    rpt = n_acc // _NS
    mesh = plsc.VectorSubcoreMesh(core_axis_name="c", subcore_axis_name="s")

    @functools.partial(
        pl.kernel,
        mesh=mesh,
        out_type=[
            jax.ShapeDtypeStruct((_NC, n_acc, d), jnp.float32),
            jax.ShapeDtypeStruct((_NC, n_acc), jnp.float32),
        ],
        scratch_types=[
            pltpu.VMEM((2, _IB, _CHUNK), jnp.int32),
            pltpu.VMEM((2, _IB, _CHUNK), jnp.int32),
            pltpu.VMEM((_NBUF, _CHUNK, d), jnp.float32),
            pltpu.VMEM((_CHUNK,), jnp.float32),
            pltpu.VMEM_SHARED((n_acc, d), jnp.float32),
            pltpu.VMEM_SHARED((n_acc,), jnp.float32),
        ] + [pltpu.SemaphoreType.DMA] * (_NBUF + 2),
    )
    def agg(table, src3, dst3, zrows, zdeg, sums, degs,
            src_v, dst_v, rows_v, ones_v, acc, deg, *sems):
        isrc, idst = sems[_NBUF], sems[_NBUF + 1]
        c = lax.axis_index("c")
        s = lax.axis_index("s")
        wid = c * _NS + s
        row0 = s * rpt
        nblk = cpw // _IB
        pltpu.sync_copy(zrows.at[pl.ds(row0, rpt)], acc.at[pl.ds(row0, rpt)])
        pltpu.sync_copy(zdeg.at[pl.ds(row0, rpt)], deg.at[pl.ds(row0, rpt)])
        for i in range(_CHUNK // 16):
            ones_v[pl.ds(i * 16, 16)] = jnp.ones((16,), jnp.float32)
        pltpu.sync_copy(src3.at[wid, pl.ds(0, _IB)], src_v.at[0])
        pltpu.sync_copy(dst3.at[wid, pl.ds(0, _IB)], dst_v.at[0])
        plsc.subcore_barrier()
        for b in range(_NBUF):
            pltpu.async_copy(table.at[src_v.at[0, b]], rows_v.at[b], sems[b])

        def blk_body(k, carry):
            par = lax.rem(k, 2)
            nxt_par = 1 - par

            @pl.when(k + 1 < nblk)
            def _():
                off = (k + 1) * _IB
                pltpu.async_copy(src3.at[wid, pl.ds(off, _IB)],
                                 src_v.at[nxt_par], isrc)
                pltpu.async_copy(dst3.at[wid, pl.ds(off, _IB)],
                                 dst_v.at[nxt_par], idst)

            for i in range(_IB):
                slot = i % _NBUF
                if i + _NBUF == _IB:
                    @pl.when(k + 1 < nblk)
                    def _():
                        pltpu.make_async_copy(
                            src3.at[wid, pl.ds(0, _IB)], src_v.at[nxt_par],
                            isrc).wait()
                        pltpu.make_async_copy(
                            dst3.at[wid, pl.ds(0, _IB)], dst_v.at[nxt_par],
                            idst).wait()
                pltpu.make_async_copy(
                    table.at[src_v.at[par, i]], rows_v.at[slot],
                    sems[slot]).wait()
                pltpu.sync_copy(rows_v.at[slot], acc.at[dst_v.at[par, i]],
                                add=True)
                if i + _NBUF < _IB:
                    pltpu.async_copy(table.at[src_v.at[par, i + _NBUF]],
                                     rows_v.at[slot], sems[slot])
                else:
                    @pl.when(k + 1 < nblk)
                    def _():
                        pltpu.async_copy(
                            table.at[src_v.at[nxt_par, i + _NBUF - _IB]],
                            rows_v.at[slot], sems[slot])
                pltpu.sync_copy(ones_v, deg.at[dst_v.at[par, i]], add=True)
            return carry

        lax.fori_loop(0, nblk, blk_body, 0)
        plsc.subcore_barrier()
        pltpu.sync_copy(acc.at[pl.ds(row0, rpt)], sums.at[c, pl.ds(row0, rpt)])
        pltpu.sync_copy(deg.at[pl.ds(row0, rpt)], degs.at[c, pl.ds(row0, rpt)])

    return agg


def _tc_self_body(x_ref, ws_ref, b_ref, z_ref):
    z_ref[...] = jnp.dot(x_ref[...], ws_ref[...],
                         preferred_element_type=jnp.float32) + b_ref[...]


def _tc_self(xd, ws, b, n, blk):
    d, d2 = ws.shape
    return pl.pallas_call(
        _tc_self_body,
        grid=(n // blk,),
        in_specs=[
            pl.BlockSpec((blk, d), lambda i: (i, 0)),
            pl.BlockSpec((d, d2), lambda i: (0, 0)),
            pl.BlockSpec((1, d2), lambda i: (0, 0)),
        ],
        out_specs=pl.BlockSpec((blk, d2), lambda i: (i, 0)),
        out_shape=jax.ShapeDtypeStruct((n, d2), jnp.float32),
    )(xd, ws, b)


def _tc1_body(p_ref, deg_ref, zs_ref, wn_ref, h_ref):
    dsum = deg_ref[:, 0:1] + deg_ref[:, 1:2]
    inv = 1.0 / jnp.maximum(dsum, 1.0)
    hn = (p_ref[0] + p_ref[1]) * inv
    z = jnp.dot(hn, wn_ref[...], preferred_element_type=jnp.float32)
    h_ref[...] = jnp.maximum(z + zs_ref[...], 0.0)


def _tc_layer1(p, degt, zs, wn):
    n, d = p.shape[1], p.shape[2]
    blk = 2048
    return pl.pallas_call(
        _tc1_body,
        grid=(n // blk,),
        in_specs=[
            pl.BlockSpec((_NC, blk, d), lambda i: (0, i, 0)),
            pl.BlockSpec((blk, _NC), lambda i: (i, 0)),
            pl.BlockSpec((blk, d), lambda i: (i, 0)),
            pl.BlockSpec((d, d), lambda i: (0, 0)),
        ],
        out_specs=pl.BlockSpec((blk, d), lambda i: (i, 0)),
        out_shape=jax.ShapeDtypeStruct((n, d), jnp.float32),
    )(p, degt, zs, wn)


def _tc2_body(p_ref, deg_ref, zs_ref, wn_ref, out_ref):
    dsum = deg_ref[:, 0:1] + deg_ref[:, 1:2]
    inv = 1.0 / jnp.maximum(dsum, 1.0)
    hn = (p_ref[0] + p_ref[1]) * inv
    z = jnp.dot(hn, wn_ref[...], preferred_element_type=jnp.float32)
    out_ref[...] = z + zs_ref[...]


def _tc_layer2(p, degt, zs, wn):
    n, d = p.shape[1], p.shape[2]
    d2 = wn.shape[1]
    return pl.pallas_call(
        _tc2_body,
        grid=(1,),
        in_specs=[
            pl.BlockSpec((_NC, n, d), lambda i: (0, 0, 0)),
            pl.BlockSpec((n, _NC), lambda i: (0, 0)),
            pl.BlockSpec((n, d2), lambda i: (0, 0)),
            pl.BlockSpec((d, d2), lambda i: (0, 0)),
        ],
        out_specs=pl.BlockSpec((n, d2), lambda i: (0, 0)),
        out_shape=jax.ShapeDtypeStruct((n, d2), jnp.float32),
    )(p, degt, zs, wn)


def _pad_edges(src, dst, n_src, n_dst, n_acc):
    e = src.shape[0]
    cpw = -(-e // (_NW * _CHUNK))
    cpw = -(-cpw // _IB) * _IB
    ep = _NW * _CHUNK * cpw
    ar = jnp.arange(ep - e, dtype=src.dtype)
    src_p = jnp.concatenate([src, ar % n_src])
    dst_p = jnp.concatenate([dst, n_dst + ar % (n_acc - n_dst)])
    return (src_p.reshape(_NW, cpw, _CHUNK),
            dst_p.reshape(_NW, cpw, _CHUNK), cpw)


def kernel(x, src1, dst1, src2, dst2, num_dst1, num_dst2,
           W_neigh1, W_self1, b1, W_neigh2, W_self2, b2):
    n1, n2 = 10000, 2000
    n1p, n2p = 10240, 2048
    d_in = x.shape[1]
    d_h = W_neigh1.shape[1]
    d_out = W_neigh2.shape[1]
    dst1 = dst1 + (jnp.asarray(num_dst1, dst1.dtype) - n1)
    dst2 = dst2 + (jnp.asarray(num_dst2, dst2.dtype) - n2)

    src1p, dst1p, cpw1 = _pad_edges(src1, dst1, x.shape[0], n1, n1p)
    src2p, dst2p, cpw2 = _pad_edges(src2, dst2, n1, n2, n2p)

    z1r = jnp.zeros((n1p, d_in), jnp.float32)
    z1d = jnp.zeros((n1p,), jnp.float32)
    sums1, degs1 = _sc_agg(n1p, d_in, cpw1)(x, src1p, dst1p, z1r, z1d)
    zs1 = _tc_self(x, W_self1, b1.reshape(1, d_h), n1p, 1024)

    h = _tc_layer1(sums1, degs1.T, zs1, W_neigh1)

    z2r = jnp.zeros((n2p, d_h), jnp.float32)
    z2d = jnp.zeros((n2p,), jnp.float32)
    sums2, degs2 = _sc_agg(n2p, d_h, cpw2)(h, src2p, dst2p, z2r, z2d)
    zs2 = _tc_self(h, W_self2, b2.reshape(1, d_out), n2p, 2048)

    out = _tc_layer2(sums2, degs2.T, zs2, W_neigh2)
    return out[:n2]

# --- scband reference (transcript-rebuilt; emitter-appended) ---
"""Pipeline reference for scband-model-sagesample-40097814676057 (READ-ONLY COPY).

The authoritative reference and input builder live on the scoring server;
editing this copy changes nothing except your own understanding.
"""

import jax, jax.numpy as jnp
import numpy as np


def setup_inputs(seed: int = 0) -> dict:
    key = jax.random.key(seed)
    ks = jax.random.split(key, 12)
    N0, N1, N2 = 100000, 10000, 2000
    E1, E2 = 320000, 64000
    d_in, d_h, d_out = 128, 128, 64
    x = jax.random.normal(ks[0], (N0, d_in), dtype=jnp.float32)
    src1 = jax.random.randint(ks[1], (E1,), 0, N0, dtype=jnp.int32)
    dst1 = jax.random.randint(ks[2], (E1,), 0, N1, dtype=jnp.int32)
    src2 = jax.random.randint(ks[3], (E2,), 0, N1, dtype=jnp.int32)
    dst2 = jax.random.randint(ks[4], (E2,), 0, N2, dtype=jnp.int32)
    W_neigh1 = jax.random.normal(ks[5], (d_in, d_h), dtype=jnp.float32) * (1.0 / np.sqrt(d_in))
    W_self1 = jax.random.normal(ks[6], (d_in, d_h), dtype=jnp.float32) * (1.0 / np.sqrt(d_in))
    b1 = jnp.zeros((d_h,), dtype=jnp.float32)
    W_neigh2 = jax.random.normal(ks[7], (d_h, d_out), dtype=jnp.float32) * (1.0 / np.sqrt(d_h))
    W_self2 = jax.random.normal(ks[8], (d_h, d_out), dtype=jnp.float32) * (1.0 / np.sqrt(d_h))
    b2 = jnp.zeros((d_out,), dtype=jnp.float32)
    return {"x": x, "src1": src1, "dst1": dst1, "src2": src2, "dst2": dst2,
            "num_dst1": N1, "num_dst2": N2,
            "W_neigh1": W_neigh1, "W_self1": W_self1, "b1": b1,
            "W_neigh2": W_neigh2, "W_self2": W_self2, "b2": b2}


def _sage_mean(h_src, h_dst, src, dst, n_dst, W_neigh, W_self, b):
    # DGL SAGEConv(aggregator_type='mean'): fc_neigh(mean_{u in N(v)} h_u) + fc_self(h_v) + bias
    msgs = jnp.take(h_src, src, axis=0)
    summed = jax.ops.segment_sum(msgs, dst, num_segments=n_dst)
    deg = jax.ops.segment_sum(jnp.ones((src.shape[0], 1), dtype=h_src.dtype), dst, num_segments=n_dst)
    h_neigh = summed / jnp.maximum(deg, 1.0)
    return h_neigh @ W_neigh + h_dst @ W_self + b


def reference(x, src1, dst1, src2, dst2, num_dst1, num_dst2,
              W_neigh1, W_self1, b1, W_neigh2, W_self2, b2):
    n1 = 10000
    n2 = 2000
    dst1 = dst1 + (jnp.asarray(num_dst1, dtype=dst1.dtype) - n1)
    dst2 = dst2 + (jnp.asarray(num_dst2, dtype=dst2.dtype) - n2)
    # layer 1: dst nodes are the first num_dst1 rows of x (DGL MFG convention)
    h_dst = x[:n1]
    h = _sage_mean(x, h_dst, src1, dst1, n1, W_neigh1, W_self1, b1)
    h = jax.nn.relu(h)  # dropout(p=0.5) is identity at inference
    # layer 2
    h_dst2 = h[:n2]
    out = _sage_mean(h, h_dst2, src2, dst2, n2, W_neigh2, W_self2, b2)
    return out

if __name__ == "__main__":
    import jax
    _d = setup_inputs()
    print(jax.jit(kernel)(*tuple(_d.values())))

</pallas_src>

<mosaic_0001>
#map = affine_map<(d0, d1) -> (0, 0)>
#map1 = affine_map<(d0, d1) -> (0, 0, 0)>
#map2 = affine_map<(d0, d1) -> (0)>
module attributes {stable_mosaic.version = 14 : i64} {
  func.func @agg(%arg0: i32, %arg1: i32, %arg2: memref<100000x128xf32, #tpu.memory_space<hbm>>, %arg3: memref<32x80x128xi32, #tpu.memory_space<hbm>>, %arg4: memref<32x80x128xi32, #tpu.memory_space<hbm>>, %arg5: memref<10240x128xf32, #tpu.memory_space<hbm>>, %arg6: memref<10240xf32, #tpu.memory_space<hbm>>, %arg7: memref<2x10240x128xf32, #tpu.memory_space<hbm>>, %arg8: memref<2x10240xf32, #tpu.memory_space<hbm>>, %arg9: memref<2x16x128xi32, #tpu.memory_space<vmem>>, %arg10: memref<2x16x128xi32, #tpu.memory_space<vmem>>, %arg11: memref<2x128x128xf32, #tpu.memory_space<vmem>>, %arg12: memref<128xf32, #tpu.memory_space<vmem>>, %arg13: memref<10240x128xf32, #tpu.memory_space<vmem_shared>>, %arg14: memref<10240xf32, #tpu.memory_space<vmem_shared>>, %arg15: memref<!tpu.dma_semaphore, #tpu.memory_space<semaphore_mem>>, %arg16: memref<!tpu.dma_semaphore, #tpu.memory_space<semaphore_mem>>, %arg17: memref<!tpu.dma_semaphore, #tpu.memory_space<semaphore_mem>>, %arg18: memref<!tpu.dma_semaphore, #tpu.memory_space<semaphore_mem>>) attributes {dimension_semantics = [#tpu.dimension_semantics<core_parallel>, #tpu.dimension_semantics<subcore_parallel>], iteration_bounds = array<i64: 2, 16>, scalar_prefetch = 0 : i64, scratch_operands = 10 : i64, tpu.core_type = #tpu.core_type<sc_vector_subcore>, window_params = [{transform_indices = #map}, {transform_indices = #map1}, {transform_indices = #map1}, {transform_indices = #map}, {transform_indices = #map2}, {transform_indices = #map1}, {transform_indices = #map}]} {
    %mul3A = arith.constant 16 : i32
    %mul3A_0 = arith.muli %arg0, %mul3A : i32
    %add3A = arith.addi %mul3A_0, %arg1 : i32
    %mul3A_1 = arith.constant 640 : i32
    %mul3A_2 = arith.muli %arg1, %mul3A_1 : i32
    "tpu.region"() ({
      %run_scoped3A_81 = tpu.sem_alloc : memref<!tpu.dma_semaphore, #tpu.memory_space<semaphore_mem>>
      %dma_start3A_82 = arith.constant 0 : i32
      %dma_start3A_83 = tpu.memref_slice %arg13[%mul3A_2, %dma_start3A_82] : memref<10240x128xf32, #tpu.memory_space<vmem_shared>> -> memref<640x128xf32, #tpu.memory_space<vmem_shared>>
      %dma_start3A_84 = arith.constant 0 : i32
      %dma_start3A_85 = tpu.memref_slice %arg5[%mul3A_2, %dma_start3A_84] : memref<10240x128xf32, #tpu.memory_space<hbm>> -> memref<640x128xf32, #tpu.memory_space<hbm>>
      tpu.enqueue_dma source(%dma_start3A_85 : memref<640x128xf32, #tpu.memory_space<hbm>>) target(%dma_start3A_83 : memref<640x128xf32, #tpu.memory_space<vmem_shared>>) target_semaphore(%run_scoped3A_81 : memref<!tpu.dma_semaphore, #tpu.memory_space<semaphore_mem>>)
      %dma_wait3A = arith.constant 0 : i32
      %dma_wait3A_86 = tpu.memref_slice %arg13[%mul3A_2, %dma_wait3A] : memref<10240x128xf32, #tpu.memory_space<vmem_shared>> -> memref<640x128xf32, #tpu.memory_space<vmem_shared>>
      %dma_wait3A_87 = arith.constant 0 : i32
      %dma_wait3A_88 = tpu.memref_slice %arg5[%mul3A_2, %dma_wait3A_87] : memref<10240x128xf32, #tpu.memory_space<hbm>> -> memref<640x128xf32, #tpu.memory_space<hbm>>
      tpu.wait_dma2 semaphore(%run_scoped3A_81 : memref<!tpu.dma_semaphore, #tpu.memory_space<semaphore_mem>>) src(%dma_wait3A_88 : memref<640x128xf32, #tpu.memory_space<hbm>>) dst(%dma_wait3A_86 : memref<640x128xf32, #tpu.memory_space<vmem_shared>>)
      tpu.yield
    }) : () -> ()
    "tpu.region"() ({
      %run_scoped3A_81 = tpu.sem_alloc : memref<!tpu.dma_semaphore, #tpu.memory_space<semaphore_mem>>
      %dma_start3A_82 = tpu.memref_slice %arg14[%mul3A_2] : memref<10240xf32, #tpu.memory_space<vmem_shared>> -> memref<640xf32, #tpu.memory_space<vmem_shared>>
      %dma_start3A_83 = tpu.memref_slice %arg6[%mul3A_2] : memref<10240xf32, #tpu.memory_space<hbm>> -> memref<640xf32, #tpu.memory_space<hbm>>
      tpu.enqueue_dma source(%dma_start3A_83 : memref<640xf32, #tpu.memory_space<hbm>>) target(%dma_start3A_82 : memref<640xf32, #tpu.memory_space<vmem_shared>>) target_semaphore(%run_scoped3A_81 : memref<!tpu.dma_semaphore, #tpu.memory_space<semaphore_mem>>)
      %dma_wait3A = tpu.memref_slice %arg14[%mul3A_2] : memref<10240xf32, #tpu.memory_space<vmem_shared>> -> memref<640xf32, #tpu.memory_space<vmem_shared>>
      %dma_wait3A_84 = tpu.memref_slice %arg6[%mul3A_2] : memref<10240xf32, #tpu.memory_space<hbm>> -> memref<640xf32, #tpu.memory_space<hbm>>
      tpu.wait_dma2 semaphore(%run_scoped3A_81 : memref<!tpu.dma_semaphore, #tpu.memory_space<semaphore_mem>>) src(%dma_wait3A_84 : memref<640xf32, #tpu.memory_space<hbm>>) dst(%dma_wait3A : memref<640xf32, #tpu.memory_space<vmem_shared>>)
      tpu.yield
    }) : () -> ()
    %broadcast_in_dim3A = arith.constant 1.000000e+00 : f32
    %broadcast_in_dim3A_3 = vector.broadcast %broadcast_in_dim3A : f32 to vector<16xf32>
    %swap3A = arith.constant 0 : index
    %swap3A_4 = tpu.vector_load %arg12[%swap3A] {strides = array<i32>} : memref<128xf32, #tpu.memory_space<vmem>>, vector<16xf32>,
    %swap3A_5 = vector.shape_cast %swap3A_4 : vector<16xf32> to vector<16xf32>
    %swap3A_6 = vector.shape_cast %broadcast_in_dim3A_3 : vector<16xf32> to vector<16xf32>
    tpu.vector_store %arg12[%swap3A], %swap3A_6 {strides = array<i32>} : memref<128xf32, #tpu.memory_space<vmem>>, vector<16xf32>,
    %broadcast_in_dim3A_7 = arith.constant 1.000000e+00 : f32
    %broadcast_in_dim3A_8 = vector.broadcast %broadcast_in_dim3A_7 : f32 to vector<16xf32>
    %swap3A_9 = arith.constant 16 : index
    %swap3A_10 = tpu.vector_load %arg12[%swap3A_9] {strides = array<i32>} : memref<128xf32, #tpu.memory_space<vmem>>, vector<16xf32>,
    %swap3A_11 = vector.shape_cast %swap3A_10 : vector<16xf32> to vector<16xf32>
    %swap3A_12 = vector.shape_cast %broadcast_in_dim3A_8 : vector<16xf32> to vector<16xf32>
    tpu.vector_store %arg12[%swap3A_9], %swap3A_12 {strides = array<i32>} : memref<128xf32, #tpu.memory_space<vmem>>, vector<16xf32>,
    %broadcast_in_dim3A_13 = arith.constant 1.000000e+00 : f32
    %broadcast_in_dim3A_14 = vector.broadcast %broadcast_in_dim3A_13 : f32 to vector<16xf32>
    %swap3A_15 = arith.constant 32 : index
    %swap3A_16 = tpu.vector_load %arg12[%swap3A_15] {strides = array<i32>} : memref<128xf32, #tpu.memory_space<vmem>>, vector<16xf32>,
    %swap3A_17 = vector.shape_cast %swap3A_16 : vector<16xf32> to vector<16xf32>
    %swap3A_18 = vector.shape_cast %broadcast_in_dim3A_14 : vector<16xf32> to vector<16xf32>
    tpu.vector_store %arg12[%swap3A_15], %swap3A_18 {strides = array<i32>} : memref<128xf32, #tpu.memory_space<vmem>>, vector<16xf32>,
    %broadcast_in_dim3A_19 = arith.constant 1.000000e+00 : f32
    %broadcast_in_dim3A_20 = vector.broadcast %broadcast_in_dim3A_19 : f32 to vector<16xf32>
    %swap3A_21 = arith.constant 48 : index
    %swap3A_22 = tpu.vector_load %arg12[%swap3A_21] {strides = array<i32>} : memref<128xf32, #tpu.memory_space<vmem>>, vector<16xf32>,
    %swap3A_23 = vector.shape_cast %swap3A_22 : vector<16xf32> to vector<16xf32>
    %swap3A_24 = vector.shape_cast %broadcast_in_dim3A_20 : vector<16xf32> to vector<16xf32>
    tpu.vector_store %arg12[%swap3A_21], %swap3A_24 {strides = array<i32>} : memref<128xf32, #tpu.memory_space<vmem>>, vector<16xf32>,
    %broadcast_in_dim3A_25 = arith.constant 1.000000e+00 : f32
    %broadcast_in_dim3A_26 = vector.broadcast %broadcast_in_dim3A_25 : f32 to vector<16xf32>
    %swap3A_27 = arith.constant 64 : index
    %swap3A_28 = tpu.vector_load %arg12[%swap3A_27] {strides = array<i32>} : memref<128xf32, #tpu.memory_space<vmem>>, vector<16xf32>,
    %swap3A_29 = vector.shape_cast %swap3A_28 : vector<16xf32> to vector<16xf32>
    %swap3A_30 = vector.shape_cast %broadcast_in_dim3A_26 : vector<16xf32> to vector<16xf32>
    tpu.vector_store %arg12[%swap3A_27], %swap3A_30 {strides = array<i32>} : memref<128xf32, #tpu.memory_space<vmem>>, vector<16xf32>,
    %broadcast_in_dim3A_31 = arith.constant 1.000000e+00 : f32
    %broadcast_in_dim3A_32 = vector.broadcast %broadcast_in_dim3A_31 : f32 to vector<16xf32>
    %swap3A_33 = arith.constant 80 : index
    %swap3A_34 = tpu.vector_load %arg12[%swap3A_33] {strides = array<i32>} : memref<128xf32, #tpu.memory_space<vmem>>, vector<16xf32>,
    %swap3A_35 = vector.shape_cast %swap3A_34 : vector<16xf32> to vector<16xf32>
    %swap3A_36 = vector.shape_cast %broadcast_in_dim3A_32 : vector<16xf32> to vector<16xf32>
    tpu.vector_store %arg12[%swap3A_33], %swap3A_36 {strides = array<i32>} : memref<128xf32, #tpu.memory_space<vmem>>, vector<16xf32>,
    %broadcast_in_dim3A_37 = arith.constant 1.000000e+00 : f32
    %broadcast_in_dim3A_38 = vector.broadcast %broadcast_in_dim3A_37 : f32 to vector<16xf32>
    %swap3A_39 = arith.constant 96 : index
    %swap3A_40 = tpu.vector_load %arg12[%swap3A_39] {strides = array<i32>} : memref<128xf32, #tpu.memory_space<vmem>>, vector<16xf32>,
    %swap3A_41 = vector.shape_cast %swap3A_40 : vector<16xf32> to vector<16xf32>
    %swap3A_42 = vector.shape_cast %broadcast_in_dim3A_38 : vector<16xf32> to vector<16xf32>
    tpu.vector_store %arg12[%swap3A_39], %swap3A_42 {strides = array<i32>} : memref<128xf32, #tpu.memory_space<vmem>>, vector<16xf32>,
    %broadcast_in_dim3A_43 = arith.constant 1.000000e+00 : f32
    %broadcast_in_dim3A_44 = vector.broadcast %broadcast_in_dim3A_43 : f32 to vector<16xf32>
    %swap3A_45 = arith.constant 112 : index
    %swap3A_46 = tpu.vector_load %arg12[%swap3A_45] {strides = array<i32>} : memref<128xf32, #tpu.memory_space<vmem>>, vector<16xf32>,
    %swap3A_47 = vector.shape_cast %swap3A_46 : vector<16xf32> to vector<16xf32>
    %swap3A_48 = vector.shape_cast %broadcast_in_dim3A_44 : vector<16xf32> to vector<16xf32>
    tpu.vector_store %arg12[%swap3A_45], %swap3A_48 {strides = array<i32>} : memref<128xf32, #tpu.memory_space<vmem>>, vector<16xf32>,
    %run_scoped3A = arith.constant 0 : i32
    "tpu.region"() ({
      %run_scoped3A_81 = tpu.sem_alloc : memref<!tpu.dma_semaphore, #tpu.memory_space<semaphore_mem>>
      %dma_start3A_82 = arith.constant 0 : i32
      %dma_start3A_83 = arith.constant 0 : i32
      %dma_start3A_84 = tpu.memref_slice %arg9[%run_scoped3A, %dma_start3A_82, %dma_start3A_83] : memref<2x16x128xi32, #tpu.memory_space<vmem>> -> memref<1x16x128xi32, #tpu.memory_space<vmem>>
      %dma_start3A_85 = tpu.memref_squeeze %dma_start3A_84 : memref<1x16x128xi32, #tpu.memory_space<vmem>> -> memref<16x128xi32, #tpu.memory_space<vmem>>
      %dma_start3A_86 = arith.constant 0 : i32
      %dma_start3A_87 = arith.constant 0 : i32
      %dma_start3A_88 = tpu.memref_slice %arg3[%add3A, %dma_start3A_86, %dma_start3A_87] : memref<32x80x128xi32, #tpu.memory_space<hbm>> -> memref<1x16x128xi32, #tpu.memory_space<hbm>>
      %dma_start3A_89 = tpu.memref_squeeze %dma_start3A_88 : memref<1x16x128xi32, #tpu.memory_space<hbm>> -> memref<16x128xi32, #tpu.memory_space<hbm>>
      %dma_start3A_90 = arith.constant 0 : i32
      %dma_start3A_91 = arith.constant 0 : i32
      %dma_start3A_92 = tpu.memref_slice %arg9[%run_scoped3A, %dma_start3A_90, %dma_start3A_91] : memref<2x16x128xi32, #tpu.memory_space<vmem>> -> memref<1x16x128xi32, #tpu.memory_space<vmem>>
      %dma_start3A_93 = tpu.memref_squeeze %dma_start3A_92 : memref<1x16x128xi32, #tpu.memory_space<vmem>> -> memref<16x128xi32, #tpu.memory_space<vmem>>
      %dma_start3A_94 = arith.constant 0 : i32
      %dma_start3A_95 = arith.constant 0 : i32
      %dma_start3A_96 = tpu.memref_slice %arg3[%add3A, %dma_start3A_94, %dma_start3A_95] : memref<32x80x128xi32, #tpu.memory_space<hbm>> -> memref<1x16x128xi32, #tpu.memory_space<hbm>>
      %dma_start3A_97 = tpu.memref_squeeze %dma_start3A_96 : memref<1x16x128xi32, #tpu.memory_space<hbm>> -> memref<16x128xi32, #tpu.memory_space<hbm>>
      tpu.enqueue_dma source(%dma_start3A_97 : memref<16x128xi32, #tpu.memory_space<hbm>>) target(%dma_start3A_93 : memref<16x128xi32, #tpu.memory_space<vmem>>) target_semaphore(%run_scoped3A_81 : memref<!tpu.dma_semaphore, #tpu.memory_space<semaphore_mem>>)
      %dma_wait3A = arith.constant 0 : i32
      %dma_wait3A_98 = arith.constant 0 : i32
      %dma_wait3A_99 = tpu.memref_slice %arg9[%run_scoped3A, %dma_wait3A, %dma_wait3A_98] : memref<2x16x128xi32, #tpu.memory_space<vmem>> -> memref<1x16x128xi32, #tpu.memory_space<vmem>>
      %dma_wait3A_100 = tpu.memref_squeeze %dma_wait3A_99 : memref<1x16x128xi32, #tpu.memory_space<vmem>> -> memref<16x128xi32, #tpu.memory_space<vmem>>
      %dma_wait3A_101 = arith.constant 0 : i32
      %dma_wait3A_102 = arith.constant 0 : i32
      %dma_wait3A_103 = tpu.memref_slice %arg3[%add3A, %dma_wait3A_101, %dma_wait3A_102] : memref<32x80x128xi32, #tpu.memory_space<hbm>> -> memref<1x16x128xi32, #tpu.memory_space<hbm>>
      %dma_wait3A_104 = tpu.memref_squeeze %dma_wait3A_103 : memref<1x16x128xi32, #tpu.memory_space<hbm>> -> memref<16x128xi32, #tpu.memory_space<hbm>>
      %dma_wait3A_105 = arith.constant 0 : i32
      %dma_wait3A_106 = arith.constant 0 : i32
      %dma_wait3A_107 = tpu.memref_slice %arg9[%run_scoped3A, %dma_wait3A_105, %dma_wait3A_106] : memref<2x16x128xi32, #tpu.memory_space<vmem>> -> memref<1x16x128xi32, #tpu.memory_space<vmem>>
      %dma_wait3A_108 = tpu.memref_squeeze %dma_wait3A_107 : memref<1x16x128xi32, #tpu.memory_space<vmem>> -> memref<16x128xi32, #tpu.memory_space<vmem>>
      %dma_wait3A_109 = arith.constant 0 : i32
      %dma_wait3A_110 = arith.constant 0 : i32
      %dma_wait3A_111 = tpu.memref_slice %arg3[%add3A, %dma_wait3A_109, %dma_wait3A_110] : memref<32x80x128xi32, #tpu.memory_space<hbm>> -> memref<1x16x128xi32, #tpu.memory_space<hbm>>
      %dma_wait3A_112 = tpu.memref_squeeze %dma_wait3A_111 : memref<1x16x128xi32, #tpu.memory_space<hbm>> -> memref<16x128xi32, #tpu.memory_space<hbm>>
      tpu.wait_dma2 semaphore(%run_scoped3A_81 : memref<!tpu.dma_semaphore, #tpu.memory_space<semaphore_mem>>) src(%dma_wait3A_112 : memref<16x128xi32, #tpu.memory_space<hbm>>) dst(%dma_wait3A_108 : memref<16x128xi32, #tpu.memory_space<vmem>>)
      tpu.yield
    }) : () -> ()
    %run_scoped3A_49 = arith.constant 0 : i32
    "tpu.region"() ({
      %run_scoped3A_81 = tpu.sem_alloc : memref<!tpu.dma_semaphore, #tpu.memory_space<semaphore_mem>>
      %dma_start3A_82 = arith.constant 0 : i32
      %dma_start3A_83 = arith.constant 0 : i32
      %dma_start3A_84 = tpu.memref_slice %arg10[%run_scoped3A_49, %dma_start3A_82, %dma_start3A_83] : memref<2x16x128xi32, #tpu.memory_space<vmem>> -> memref<1x16x128xi32, #tpu.memory_space<vmem>>
      %dma_start3A_85 = tpu.memref_squeeze %dma_start3A_84 : memref<1x16x128xi32, #tpu.memory_space<vmem>> -> memref<16x128xi32, #tpu.memory_space<vmem>>
      %dma_start3A_86 = arith.constant 0 : i32
      %dma_start3A_87 = arith.constant 0 : i32
      %dma_start3A_88 = tpu.memref_slice %arg4[%add3A, %dma_start3A_86, %dma_start3A_87] : memref<32x80x128xi32, #tpu.memory_space<hbm>> -> memref<1x16x128xi32, #tpu.memory_space<hbm>>
      %dma_start3A_89 = tpu.memref_squeeze %dma_start3A_88 : memref<1x16x128xi32, #tpu.memory_space<hbm>> -> memref<16x128xi32, #tpu.memory_space<hbm>>
      %dma_start3A_90 = arith.constant 0 : i32
      %dma_start3A_91 = arith.constant 0 : i32
      %dma_start3A_92 = tpu.memref_slice %arg10[%run_scoped3A_49, %dma_start3A_90, %dma_start3A_91] : memref<2x16x128xi32, #tpu.memory_space<vmem>> -> memref<1x16x128xi32, #tpu.memory_space<vmem>>
      %dma_start3A_93 = tpu.memref_squeeze %dma_start3A_92 : memref<1x16x128xi32, #tpu.memory_space<vmem>> -> memref<16x128xi32, #tpu.memory_space<vmem>>
      %dma_start3A_94 = arith.constant 0 : i32
      %dma_start3A_95 = arith.constant 0 : i32
      %dma_start3A_96 = tpu.memref_slice %arg4[%add3A, %dma_start3A_94, %dma_start3A_95] : memref<32x80x128xi32, #tpu.memory_space<hbm>> -> memref<1x16x128xi32, #tpu.memory_space<hbm>>
      %dma_start3A_97 = tpu.memref_squeeze %dma_start3A_96 : memref<1x16x128xi32, #tpu.memory_space<hbm>> -> memref<16x128xi32, #tpu.memory_space<hbm>>
      tpu.enqueue_dma source(%dma_start3A_97 : memref<16x128xi32, #tpu.memory_space<hbm>>) target(%dma_start3A_93 : memref<16x128xi32, #tpu.memory_space<vmem>>) target_semaphore(%run_scoped3A_81 : memref<!tpu.dma_semaphore, #tpu.memory_space<semaphore_mem>>)
      %dma_wait3A = arith.constant 0 : i32
      %dma_wait3A_98 = arith.constant 0 : i32
      %dma_wait3A_99 = tpu.memref_slice %arg10[%run_scoped3A_49, %dma_wait3A, %dma_wait3A_98] : memref<2x16x128xi32, #tpu.memory_space<vmem>> -> memref<1x16x128xi32, #tpu.memory_space<vmem>>
      %dma_wait3A_100 = tpu.memref_squeeze %dma_wait3A_99 : memref<1x16x128xi32, #tpu.memory_space<vmem>> -> memref<16x128xi32, #tpu.memory_space<vmem>>
      %dma_wait3A_101 = arith.constant 0 : i32
      %dma_wait3A_102 = arith.constant 0 : i32
      %dma_wait3A_103 = tpu.memref_slice %arg4[%add3A, %dma_wait3A_101, %dma_wait3A_102] : memref<32x80x128xi32, #tpu.memory_space<hbm>> -> memref<1x16x128xi32, #tpu.memory_space<hbm>>
      %dma_wait3A_104 = tpu.memref_squeeze %dma_wait3A_103 : memref<1x16x128xi32, #tpu.memory_space<hbm>> -> memref<16x128xi32, #tpu.memory_space<hbm>>
      %dma_wait3A_105 = arith.constant 0 : i32
      %dma_wait3A_106 = arith.constant 0 : i32
      %dma_wait3A_107 = tpu.memref_slice %arg10[%run_scoped3A_49, %dma_wait3A_105, %dma_wait3A_106] : memref<2x16x128xi32, #tpu.memory_space<vmem>> -> memref<1x16x128xi32, #tpu.memory_space<vmem>>
      %dma_wait3A_108 = tpu.memref_squeeze %dma_wait3A_107 : memref<1x16x128xi32, #tpu.memory_space<vmem>> -> memref<16x128xi32, #tpu.memory_space<vmem>>
      %dma_wait3A_109 = arith.constant 0 : i32
      %dma_wait3A_110 = arith.constant 0 : i32
      %dma_wait3A_111 = tpu.memref_slice %arg4[%add3A, %dma_wait3A_109, %dma_wait3A_110] : memref<32x80x128xi32, #tpu.memory_space<hbm>> -> memref<1x16x128xi32, #tpu.memory_space<hbm>>
      %dma_wait3A_112 = tpu.memref_squeeze %dma_wait3A_111 : memref<1x16x128xi32, #tpu.memory_space<hbm>> -> memref<16x128xi32, #tpu.memory_space<hbm>>
      tpu.wait_dma2 semaphore(%run_scoped3A_81 : memref<!tpu.dma_semaphore, #tpu.memory_space<semaphore_mem>>) src(%dma_wait3A_112 : memref<16x128xi32, #tpu.memory_space<hbm>>) dst(%dma_wait3A_108 : memref<16x128xi32, #tpu.memory_space<vmem>>)
      tpu.yield
    }) : () -> ()
    %barrier3A = arith.constant 0 : index
    tpu.barrier barrier_id(%barrier3A)
    %dma_start3A = arith.constant 0 : i32
    %dma_start3A_50 = arith.constant 0 : i32
    %dma_start3A_51 = arith.constant 0 : i32
    %dma_start3A_52 = arith.constant 0 : i32
    %dma_start3A_53 = arith.constant 0 : i32
    %dma_start3A_54 = tpu.memref_slice %arg11[%dma_start3A_51, %dma_start3A_52, %dma_start3A_53] : memref<2x128x128xf32, #tpu.memory_space<vmem>> -> memref<1x128x128xf32, #tpu.memory_space<vmem>>
    %dma_start3A_55 = tpu.memref_squeeze %dma_start3A_54 : memref<1x128x128xf32, #tpu.memory_space<vmem>> -> memref<128x128xf32, #tpu.memory_space<vmem>>
    %dma_start3A_56 = arith.constant 0 : i32
    %dma_start3A_57 = tpu.memref_slice %arg9[%dma_start3A, %dma_start3A_50, %dma_start3A_56] : memref<2x16x128xi32, #tpu.memory_space<vmem>> -> memref<1x1x128xi32, #tpu.memory_space<vmem>>
    %dma_start3A_58 = tpu.memref_squeeze %dma_start3A_57 : memref<1x1x128xi32, #tpu.memory_space<vmem>> -> memref<128xi32, #tpu.memory_space<vmem>>
    %dma_start3A_59 = arith.constant 0 : i32
    %dma_start3A_60 = arith.constant 0 : i32
    %dma_start3A_61 = tpu.memref_slice %arg2[%dma_start3A_59, %dma_start3A_60] : memref<100000x128xf32, #tpu.memory_space<hbm>> -> memref<100000x128xf32, #tpu.memory_space<hbm>>
    tpu.enqueue_indirect_dma source(%dma_start3A_61 : memref<100000x128xf32, #tpu.memory_space<hbm>>) target(%dma_start3A_55 : memref<128x128xf32, #tpu.memory_space<vmem>>) offsets(%dma_start3A_58 : memref<128xi32, #tpu.memory_space<vmem>>) semaphore(%arg15 : memref<!tpu.dma_semaphore, #tpu.memory_space<semaphore_mem>>)
    %dma_start3A_62 = arith.constant 0 : i32
    %dma_start3A_63 = arith.constant 1 : i32
    %dma_start3A_64 = arith.constant 1 : i32
    %dma_start3A_65 = arith.constant 0 : i32
    %dma_start3A_66 = arith.constant 0 : i32
    %dma_start3A_67 = tpu.memref_slice %arg11[%dma_start3A_64, %dma_start3A_65, %dma_start3A_66] : memref<2x128x128xf32, #tpu.memory_space<vmem>> -> memref<1x128x128xf32, #tpu.memory_space<vmem>>
    %dma_start3A_68 = tpu.memref_squeeze %dma_start3A_67 : memref<1x128x128xf32, #tpu.memory_space<vmem>> -> memref<128x128xf32, #tpu.memory_space<vmem>>
    %dma_start3A_69 = arith.constant 0 : i32
    %dma_start3A_70 = tpu.memref_slice %arg9[%dma_start3A_62, %dma_start3A_63, %dma_start3A_69] : memref<2x16x128xi32, #tpu.memory_space<vmem>> -> memref<1x1x128xi32, #tpu.memory_space<vmem>>
    %dma_start3A_71 = tpu.memref_squeeze %dma_start3A_70 : memref<1x1x128xi32, #tpu.memory_space<vmem>> -> memref<128xi32, #tpu.memory_space<vmem>>
    %dma_start3A_72 = arith.constant 0 : i32
    %dma_start3A_73 = arith.constant 0 : i32
    %dma_start3A_74 = tpu.memref_slice %arg2[%dma_start3A_72, %dma_start3A_73] : memref<100000x128xf32, #tpu.memory_space<hbm>> -> memref<100000x128xf32, #tpu.memory_space<hbm>>
    tpu.enqueue_indirect_dma source(%dma_start3A_74 : memref<100000x128xf32, #tpu.memory_space<hbm>>) target(%dma_start3A_68 : memref<128x128xf32, #tpu.memory_space<vmem>>) offsets(%dma_start3A_71 : memref<128xi32, #tpu.memory_space<vmem>>) semaphore(%arg16 : memref<!tpu.dma_semaphore, #tpu.memory_space<semaphore_mem>>)
    %scan3A = arith.constant 0 : i32
    %scan3A_75 = arith.constant 0 : i32
    %scan3A_76 = arith.constant 5 : i32
    %scan3A_77 = arith.addi %scan3A_75, %scan3A_76 : i32
    %scan3A_78 = arith.constant 1 : i32
    scf.for %scan3A_81 = %scan3A_75 to %scan3A_77 step %scan3A_78  : i32 {
      %rem3A = arith.constant 2 : i32
      %rem3A_82 = arith.remsi %scan3A_81, %rem3A : i32
      %sub3A = arith.constant 1 : i32
      %sub3A_83 = arith.subi %sub3A, %rem3A_82 : i32
      %add3A_84 = arith.constant 1 : i32
      %add3A_85 = arith.addi %scan3A_81, %add3A_84 : i32
      %lt3A = arith.constant 5 : i32
      %lt3A_86 = arith.cmpi slt, %add3A_85, %lt3A : i32
      %convert_element_type3A = arith.extui %lt3A_86 : i1 to i32
      %cond3A = arith.constant 0 : i32
      %cond3A_87 = arith.cmpi ne, %convert_element_type3A, %cond3A : i32
      scf.if %cond3A_87 {
        %add3A_516 = arith.constant 1 : i32
        %add3A_517 = arith.addi %scan3A_81, %add3A_516 : i32
        %mul3A_518 = arith.constant 16 : i32
        %mul3A_519 = arith.muli %add3A_517, %mul3A_518 : i32
        %dma_start3A_520 = arith.constant 0 : i32
        %dma_start3A_521 = arith.constant 0 : i32
        %dma_start3A_522 = tpu.memref_slice %arg9[%sub3A_83, %dma_start3A_520, %dma_start3A_521] : memref<2x16x128xi32, #tpu.memory_space<vmem>> -> memref<1x16x128xi32, #tpu.memory_space<vmem>>
        %dma_start3A_523 = tpu.memref_squeeze %dma_start3A_522 : memref<1x16x128xi32, #tpu.memory_space<vmem>> -> memref<16x128xi32, #tpu.memory_space<vmem>>
        %dma_start3A_524 = arith.constant 0 : i32
        %dma_start3A_525 = tpu.memref_slice %arg3[%add3A, %mul3A_519, %dma_start3A_524] : memref<32x80x128xi32, #tpu.memory_space<hbm>> -> memref<1x16x128xi32, #tpu.memory_space<hbm>>
        %dma_start3A_526 = tpu.memref_squeeze %dma_start3A_525 : memref<1x16x128xi32, #tpu.memory_space<hbm>> -> memref<16x128xi32, #tpu.memory_space<hbm>>
        %dma_start3A_527 = arith.constant 0 : i32
        %dma_start3A_528 = arith.constant 0 : i32
        %dma_start3A_529 = tpu.memref_slice %arg9[%sub3A_83, %dma_start3A_527, %dma_start3A_528] : memref<2x16x128xi32, #tpu.memory_space<vmem>> -> memref<1x16x128xi32, #tpu.memory_space<vmem>>
        %dma_start3A_530 = tpu.memref_squeeze %dma_start3A_529 : memref<1x16x128xi32, #tpu.memory_space<vmem>> -> memref<16x128xi32, #tpu.memory_space<vmem>>
        %dma_start3A_531 = arith.constant 0 : i32
        %dma_start3A_532 = tpu.memref_slice %arg3[%add3A, %mul3A_519, %dma_start3A_531] : memref<32x80x128xi32, #tpu.memory_space<hbm>> -> memref<1x16x128xi32, #tpu.memory_space<hbm>>
        %dma_start3A_533 = tpu.memref_squeeze %dma_start3A_532 : memref<1x16x128xi32, #tpu.memory_space<hbm>> -> memref<16x128xi32, #tpu.memory_space<hbm>>
        tpu.enqueue_dma source(%dma_start3A_533 : memref<16x128xi32, #tpu.memory_space<hbm>>) target(%dma_start3A_530 : memref<16x128xi32, #tpu.memory_space<vmem>>) target_semaphore(%arg17 : memref<!tpu.dma_semaphore, #tpu.memory_space<semaphore_mem>>)
        %dma_start3A_534 = arith.constant 0 : i32
        %dma_start3A_535 = arith.constant 0 : i32
        %dma_start3A_536 = tpu.memref_slice %arg10[%sub3A_83, %dma_start3A_534, %dma_start3A_535] : memref<2x16x128xi32, #tpu.memory_space<vmem>> -> memref<1x16x128xi32, #tpu.memory_space<vmem>>
        %dma_start3A_537 = tpu.memref_squeeze %dma_start3A_536 : memref<1x16x128xi32, #tpu.memory_space<vmem>> -> memref<16x128xi32, #tpu.memory_space<vmem>>
        %dma_start3A_538 = arith.constant 0 : i32
        %dma_start3A_539 = tpu.memref_slice %arg4[%add3A, %mul3A_519, %dma_start3A_538] : memref<32x80x128xi32, #tpu.memory_space<hbm>> -> memref<1x16x128xi32, #tpu.memory_space<hbm>>
        %dma_start3A_540 = tpu.memref_squeeze %dma_start3A_539 : memref<1x16x128xi32, #tpu.memory_space<hbm>> -> memref<16x128xi32, #tpu.memory_space<hbm>>
        %dma_start3A_541 = arith.constant 0 : i32
        %dma_start3A_542 = arith.constant 0 : i32
        %dma_start3A_543 = tpu.memref_slice %arg10[%sub3A_83, %dma_start3A_541, %dma_start3A_542] : memref<2x16x128xi32, #tpu.memory_space<vmem>> -> memref<1x16x128xi32, #tpu.memory_space<vmem>>
        %dma_start3A_544 = tpu.memref_squeeze %dma_start3A_543 : memref<1x16x128xi32, #tpu.memory_space<vmem>> -> memref<16x128xi32, #tpu.memory_space<vmem>>
        %dma_start3A_545 = arith.constant 0 : i32
        %dma_start3A_546 = tpu.memref_slice %arg4[%add3A, %mul3A_519, %dma_start3A_545] : memref<32x80x128xi32, #tpu.memory_space<hbm>> -> memref<1x16x128xi32, #tpu.memory_space<hbm>>
        %dma_start3A_547 = tpu.memref_squeeze %dma_start3A_546 : memref<1x16x128xi32, #tpu.memory_space<hbm>> -> memref<16x128xi32, #tpu.memory_space<hbm>>
        tpu.enqueue_dma source(%dma_start3A_547 : memref<16x128xi32, #tpu.memory_space<hbm>>) target(%dma_start3A_544 : memref<16x128xi32, #tpu.memory_space<vmem>>) target_semaphore(%arg18 : memref<!tpu.dma_semaphore, #tpu.memory_space<semaphore_mem>>)
      } else {
      }
      %dma_wait3A = arith.constant 0 : i32
      %dma_wait3A_88 = arith.constant 0 : i32
      %dma_wait3A_89 = arith.constant 0 : i32
      %dma_wait3A_90 = arith.constant 0 : i32
      %dma_wait3A_91 = tpu.memref_slice %arg11[%dma_wait3A_88, %dma_wait3A_89, %dma_wait3A_90] : memref<2x128x128xf32, #tpu.memory_space<vmem>> -> memref<1x128x128xf32, #tpu.memory_space<vmem>>
      %dma_wait3A_92 = tpu.memref_squeeze %dma_wait3A_91 : memref<1x128x128xf32, #tpu.memory_space<vmem>> -> memref<128x128xf32, #tpu.memory_space<vmem>>
      %dma_wait3A_93 = arith.constant 0 : i32
      %dma_wait3A_94 = tpu.memref_slice %arg9[%rem3A_82, %dma_wait3A, %dma_wait3A_93] : memref<2x16x128xi32, #tpu.memory_space<vmem>> -> memref<1x1x128xi32, #tpu.memory_space<vmem>>
      %dma_wait3A_95 = tpu.memref_squeeze %dma_wait3A_94 : memref<1x1x128xi32, #tpu.memory_space<vmem>> -> memref<128xi32, #tpu.memory_space<vmem>>
      %dma_wait3A_96 = arith.constant 0 : i32
      %dma_wait3A_97 = arith.constant 0 : i32
      %dma_wait3A_98 = tpu.memref_slice %arg2[%dma_wait3A_96, %dma_wait3A_97] : memref<100000x128xf32, #tpu.memory_space<hbm>> -> memref<100000x128xf32, #tpu.memory_space<hbm>>
      tpu.wait_indirect_dma semaphore(%arg15 : memref<!tpu.dma_semaphore, #tpu.memory_space<semaphore_mem>>) src(%dma_wait3A_98 : memref<100000x128xf32, #tpu.memory_space<hbm>>) dst(%dma_wait3A_92 : memref<128x128xf32, #tpu.memory_space<vmem>>)
      %run_scoped3A_99 = arith.constant 0 : i32
      %run_scoped3A_100 = arith.constant 0 : i32
      "tpu.region"() ({
        %run_scoped3A_516 = tpu.sem_alloc : memref<!tpu.dma_semaphore, #tpu.memory_space<semaphore_mem>>
        %dma_start3A_517 = arith.constant 0 : i32
        %dma_start3A_518 = arith.constant 0 : i32
        %dma_start3A_519 = tpu.memref_slice %arg11[%run_scoped3A_99, %dma_start3A_517, %dma_start3A_518] : memref<2x128x128xf32, #tpu.memory_space<vmem>> -> memref<1x128x128xf32, #tpu.memory_space<vmem>>
        %dma_start3A_520 = tpu.memref_squeeze %dma_start3A_519 : memref<1x128x128xf32, #tpu.memory_space<vmem>> -> memref<128x128xf32, #tpu.memory_space<vmem>>
        %dma_start3A_521 = arith.constant 0 : i32
        %dma_start3A_522 = tpu.memref_slice %arg10[%rem3A_82, %run_scoped3A_100, %dma_start3A_521] : memref<2x16x128xi32, #tpu.memory_space<vmem>> -> memref<1x1x128xi32, #tpu.memory_space<vmem>>
        %dma_start3A_523 = tpu.memref_squeeze %dma_start3A_522 : memref<1x1x128xi32, #tpu.memory_space<vmem>> -> memref<128xi32, #tpu.memory_space<vmem>>
        %dma_start3A_524 = arith.constant 0 : i32
        %dma_start3A_525 = arith.constant 0 : i32
        %dma_start3A_526 = tpu.memref_slice %arg13[%dma_start3A_524, %dma_start3A_525] : memref<10240x128xf32, #tpu.memory_space<vmem_shared>> -> memref<10240x128xf32, #tpu.memory_space<vmem_shared>>
        tpu.enqueue_indirect_dma source(%dma_start3A_520 : memref<128x128xf32, #tpu.memory_space<vmem>>) target(%dma_start3A_526 : memref<10240x128xf32, #tpu.memory_space<vmem_shared>>) offsets(%dma_start3A_523 : memref<128xi32, #tpu.memory_space<vmem>>) semaphore(%run_scoped3A_516 : memref<!tpu.dma_semaphore, #tpu.memory_space<semaphore_mem>>) {add = true}
        %dma_wait3A_527 = arith.constant 0 : i32
        %dma_wait3A_528 = arith.constant 0 : i32
        %dma_wait3A_529 = tpu.memref_slice %arg11[%run_scoped3A_99, %dma_wait3A_527, %dma_wait3A_528] : memref<2x128x128xf32, #tpu.memory_space<vmem>> -> memref<1x128x128xf32, #tpu.memory_space<vmem>>
        %dma_wait3A_530 = tpu.memref_squeeze %dma_wait3A_529 : memref<1x128x128xf32, #tpu.memory_space<vmem>> -> memref<128x128xf32, #tpu.memory_space<vmem>>
        %dma_wait3A_531 = arith.constant 0 : i32
        %dma_wait3A_532 = tpu.memref_slice %arg10[%rem3A_82, %run_scoped3A_100, %dma_wait3A_531] : memref<2x16x128xi32, #tpu.memory_space<vmem>> -> memref<1x1x128xi32, #tpu.memory_space<vmem>>
        %dma_wait3A_533 = tpu.memref_squeeze %dma_wait3A_532 : memref<1x1x128xi32, #tpu.memory_space<vmem>> -> memref<128xi32, #tpu.memory_space<vmem>>
        %dma_wait3A_534 = arith.constant 0 : i32
        %dma_wait3A_535 = arith.constant 0 : i32
        %dma_wait3A_536 = tpu.memref_slice %arg13[%dma_wait3A_534, %dma_wait3A_535] : memref<10240x128xf32, #tpu.memory_space<vmem_shared>> -> memref<10240x128xf32, #tpu.memory_space<vmem_shared>>
        tpu.wait_indirect_dma semaphore(%run_scoped3A_516 : memref<!tpu.dma_semaphore, #tpu.memory_space<semaphore_mem>>) src(%dma_wait3A_530 : memref<128x128xf32, #tpu.memory_space<vmem>>) dst(%dma_wait3A_536 : memref<10240x128xf32, #tpu.memory_space<vmem_shared>>)
        tpu.yield
      }) : () -> ()
      %dma_start3A_101 = arith.constant 2 : i32
      %dma_start3A_102 = arith.constant 0 : i32
      %dma_start3A_103 = arith.constant 0 : i32
      %dma_start3A_104 = arith.constant 0 : i32
      %dma_start3A_105 = tpu.memref_slice %arg11[%dma_start3A_102, %dma_start3A_103, %dma_start3A_104] : memref<2x128x128xf32, #tpu.memory_space<vmem>> -> memref<1x128x128xf32, #tpu.memory_space<vmem>>
      %dma_start3A_106 = tpu.memref_squeeze %dma_start3A_105 : memref<1x128x128xf32, #tpu.memory_space<vmem>> -> memref<128x128xf32, #tpu.memory_space<vmem>>
      %dma_start3A_107 = arith.constant 0 : i32
      %dma_start3A_108 = tpu.memref_slice %arg9[%rem3A_82, %dma_start3A_101, %dma_start3A_107] : memref<2x16x128xi32, #tpu.memory_space<vmem>> -> memref<1x1x128xi32, #tpu.memory_space<vmem>>
      %dma_start3A_109 = tpu.memref_squeeze %dma_start3A_108 : memref<1x1x128xi32, #tpu.memory_space<vmem>> -> memref<128xi32, #tpu.memory_space<vmem>>
      %dma_start3A_110 = arith.constant 0 : i32
      %dma_start3A_111 = arith.constant 0 : i32
      %dma_start3A_112 = tpu.memref_slice %arg2[%dma_start3A_110, %dma_start3A_111] : memref<100000x128xf32, #tpu.memory_space<hbm>> -> memref<100000x128xf32, #tpu.memory_space<hbm>>
      tpu.enqueue_indirect_dma source(%dma_start3A_112 : memref<100000x128xf32, #tpu.memory_space<hbm>>) target(%dma_start3A_106 : memref<128x128xf32, #tpu.memory_space<vmem>>) offsets(%dma_start3A_109 : memref<128xi32, #tpu.memory_space<vmem>>) semaphore(%arg15 : memref<!tpu.dma_semaphore, #tpu.memory_space<semaphore_mem>>)
      %run_scoped3A_113 = arith.constant 0 : i32
      "tpu.region"() ({
        %run_scoped3A_516 = tpu.sem_alloc : memref<!tpu.dma_semaphore, #tpu.memory_space<semaphore_mem>>
        %dma_start3A_517 = arith.constant 0 : i32
        %dma_start3A_518 = tpu.memref_slice %arg10[%rem3A_82, %run_scoped3A_113, %dma_start3A_517] : memref<2x16x128xi32, #tpu.memory_space<vmem>> -> memref<1x1x128xi32, #tpu.memory_space<vmem>>
        %dma_start3A_519 = tpu.memref_squeeze %dma_start3A_518 : memref<1x1x128xi32, #tpu.memory_space<vmem>> -> memref<128xi32, #tpu.memory_space<vmem>>
        %dma_start3A_520 = arith.constant 0 : i32
        %dma_start3A_521 = tpu.memref_slice %arg14[%dma_start3A_520] : memref<10240xf32, #tpu.memory_space<vmem_shared>> -> memref<10240xf32, #tpu.memory_space<vmem_shared>>
        tpu.enqueue_indirect_dma source(%arg12 : memref<128xf32, #tpu.memory_space<vmem>>) target(%dma_start3A_521 : memref<10240xf32, #tpu.memory_space<vmem_shared>>) offsets(%dma_start3A_519 : memref<128xi32, #tpu.memory_space<vmem>>) semaphore(%run_scoped3A_516 : memref<!tpu.dma_semaphore, #tpu.memory_space<semaphore_mem>>) {add = true}
        %dma_wait3A_522 = arith.constant 0 : i32
        %dma_wait3A_523 = tpu.memref_slice %arg10[%rem3A_82, %run_scoped3A_113, %dma_wait3A_522] : memref<2x16x128xi32, #tpu.memory_space<vmem>> -> memref<1x1x128xi32, #tpu.memory_space<vmem>>
        %dma_wait3A_524 = tpu.memref_squeeze %dma_wait3A_523 : memref<1x1x128xi32, #tpu.memory_space<vmem>> -> memref<128xi32, #tpu.memory_space<vmem>>
        %dma_wait3A_525 = arith.constant 0 : i32
        %dma_wait3A_526 = tpu.memref_slice %arg14[%dma_wait3A_525] : memref<10240xf32, #tpu.memory_space<vmem_shared>> -> memref<10240xf32, #tpu.memory_space<vmem_shared>>
        tpu.wait_indirect_dma semaphore(%run_scoped3A_516 : memref<!tpu.dma_semaphore, #tpu.memory_space<semaphore_mem>>) src(%arg12 : memref<128xf32, #tpu.memory_space<vmem>>) dst(%dma_wait3A_526 : memref<10240xf32, #tpu.memory_space<vmem_shared>>)
        tpu.yield
      }) : () -> ()
      %dma_wait3A_114 = arith.constant 1 : i32
      %dma_wait3A_115 = arith.constant 1 : i32
      %dma_wait3A_116 = arith.constant 0 : i32
      %dma_wait3A_117 = arith.constant 0 : i32
      %dma_wait3A_118 = tpu.memref_slice %arg11[%dma_wait3A_115, %dma_wait3A_116, %dma_wait3A_117] : memref<2x128x128xf32, #tpu.memory_space<vmem>> -> memref<1x128x128xf32, #tpu.memory_space<vmem>>
      %dma_wait3A_119 = tpu.memref_squeeze %dma_wait3A_118 : memref<1x128x128xf32, #tpu.memory_space<vmem>> -> memref<128x128xf32, #tpu.memory_space<vmem>>
      %dma_wait3A_120 = arith.constant 0 : i32
      %dma_wait3A_121 = tpu.memref_slice %arg9[%rem3A_82, %dma_wait3A_114, %dma_wait3A_120] : memref<2x16x128xi32, #tpu.memory_space<vmem>> -> memref<1x1x128xi32, #tpu.memory_space<vmem>>
      %dma_wait3A_122 = tpu.memref_squeeze %dma_wait3A_121 : memref<1x1x128xi32, #tpu.memory_space<vmem>> -> memref<128xi32, #tpu.memory_space<vmem>>
      %dma_wait3A_123 = arith.constant 0 : i32
      %dma_wait3A_124 = arith.constant 0 : i32
      %dma_wait3A_125 = tpu.memref_slice %arg2[%dma_wait3A_123, %dma_wait3A_124] : memref<100000x128xf32, #tpu.memory_space<hbm>> -> memref<100000x128xf32, #tpu.memory_space<hbm>>
      tpu.wait_indirect_dma semaphore(%arg16 : memref<!tpu.dma_semaphore, #tpu.memory_space<semaphore_mem>>) src(%dma_wait3A_125 : memref<100000x128xf32, #tpu.memory_space<hbm>>) dst(%dma_wait3A_119 : memref<128x128xf32, #tpu.memory_space<vmem>>)
      %run_scoped3A_126 = arith.constant 1 : i32
      %run_scoped3A_127 = arith.constant 1 : i32
      "tpu.region"() ({
        %run_scoped3A_516 = tpu.sem_alloc : memref<!tpu.dma_semaphore, #tpu.memory_space<semaphore_mem>>
        %dma_start3A_517 = arith.constant 0 : i32
        %dma_start3A_518 = arith.constant 0 : i32
        %dma_start3A_519 = tpu.memref_slice %arg11[%run_scoped3A_126, %dma_start3A_517, %dma_start3A_518] : memref<2x128x128xf32, #tpu.memory_space<vmem>> -> memref<1x128x128xf32, #tpu.memory_space<vmem>>
        %dma_start3A_520 = tpu.memref_squeeze %dma_start3A_519 : memref<1x128x128xf32, #tpu.memory_space<vmem>> -> memref<128x128xf32, #tpu.memory_space<vmem>>
        %dma_start3A_521 = arith.constant 0 : i32
        %dma_start3A_522 = tpu.memref_slice %arg10[%rem3A_82, %run_scoped3A_127, %dma_start3A_521] : memref<2x16x128xi32, #tpu.memory_space<vmem>> -> memref<1x1x128xi32, #tpu.memory_space<vmem>>
        %dma_start3A_523 = tpu.memref_squeeze %dma_start3A_522 : memref<1x1x128xi32, #tpu.memory_space<vmem>> -> memref<128xi32, #tpu.memory_space<vmem>>
        %dma_start3A_524 = arith.constant 0 : i32
        %dma_start3A_525 = arith.constant 0 : i32
        %dma_start3A_526 = tpu.memref_slice %arg13[%dma_start3A_524, %dma_start3A_525] : memref<10240x128xf32, #tpu.memory_space<vmem_shared>> -> memref<10240x128xf32, #tpu.memory_space<vmem_shared>>
        tpu.enqueue_indirect_dma source(%dma_start3A_520 : memref<128x128xf32, #tpu.memory_space<vmem>>) target(%dma_start3A_526 : memref<10240x128xf32, #tpu.memory_space<vmem_shared>>) offsets(%dma_start3A_523 : memref<128xi32, #tpu.memory_space<vmem>>) semaphore(%run_scoped3A_516 : memref<!tpu.dma_semaphore, #tpu.memory_space<semaphore_mem>>) {add = true}
        %dma_wait3A_527 = arith.constant 0 : i32
        %dma_wait3A_528 = arith.constant 0 : i32
        %dma_wait3A_529 = tpu.memref_slice %arg11[%run_scoped3A_126, %dma_wait3A_527, %dma_wait3A_528] : memref<2x128x128xf32, #tpu.memory_space<vmem>> -> memref<1x128x128xf32, #tpu.memory_space<vmem>>
        %dma_wait3A_530 = tpu.memref_squeeze %dma_wait3A_529 : memref<1x128x128xf32, #tpu.memory_space<vmem>> -> memref<128x128xf32, #tpu.memory_space<vmem>>
        %dma_wait3A_531 = arith.constant 0 : i32
        %dma_wait3A_532 = tpu.memref_slice %arg10[%rem3A_82, %run_scoped3A_127, %dma_wait3A_531] : memref<2x16x128xi32, #tpu.memory_space<vmem>> -> memref<1x1x128xi32, #tpu.memory_space<vmem>>
        %dma_wait3A_533 = tpu.memref_squeeze %dma_wait3A_532 : memref<1x1x128xi32, #tpu.memory_space<vmem>> -> memref<128xi32, #tpu.memory_space<vmem>>
        %dma_wait3A_534 = arith.constant 0 : i32
        %dma_wait3A_535 = arith.constant 0 : i32
        %dma_wait3A_536 = tpu.memref_slice %arg13[%dma_wait3A_534, %dma_wait3A_535] : memref<10240x128xf32, #tpu.memory_space<vmem_shared>> -> memref<10240x128xf32, #tpu.memory_space<vmem_shared>>
        tpu.wait_indirect_dma semaphore(%run_scoped3A_516 : memref<!tpu.dma_semaphore, #tpu.memory_space<semaphore_mem>>) src(%dma_wait3A_530 : memref<128x128xf32, #tpu.memory_space<vmem>>) dst(%dma_wait3A_536 : memref<10240x128xf32, #tpu.memory_space<vmem_shared>>)
        tpu.yield
      }) : () -> ()
      %dma_start3A_128 = arith.constant 3 : i32
      %dma_start3A_129 = arith.constant 1 : i32
      %dma_start3A_130 = arith.constant 0 : i32
      %dma_start3A_131 = arith.constant 0 : i32
      %dma_start3A_132 = tpu.memref_slice %arg11[%dma_start3A_129, %dma_start3A_130, %dma_start3A_131] : memref<2x128x128xf32, #tpu.memory_space<vmem>> -> memref<1x128x128xf32, #tpu.memory_space<vmem>>
      %dma_start3A_133 = tpu.memref_squeeze %dma_start3A_132 : memref<1x128x128xf32, #tpu.memory_space<vmem>> -> memref<128x128xf32, #tpu.memory_space<vmem>>
      %dma_start3A_134 = arith.constant 0 : i32
      %dma_start3A_135 = tpu.memref_slice %arg9[%rem3A_82, %dma_start3A_128, %dma_start3A_134] : memref<2x16x128xi32, #tpu.memory_space<vmem>> -> memref<1x1x128xi32, #tpu.memory_space<vmem>>
      %dma_start3A_136 = tpu.memref_squeeze %dma_start3A_135 : memref<1x1x128xi32, #tpu.memory_space<vmem>> -> memref<128xi32, #tpu.memory_space<vmem>>
      %dma_start3A_137 = arith.constant 0 : i32
      %dma_start3A_138 = arith.constant 0 : i32
      %dma_start3A_139 = tpu.memref_slice %arg2[%dma_start3A_137, %dma_start3A_138] : memref<100000x128xf32, #tpu.memory_space<hbm>> -> memref<100000x128xf32, #tpu.memory_space<hbm>>
      tpu.enqueue_indirect_dma source(%dma_start3A_139 : memref<100000x128xf32, #tpu.memory_space<hbm>>) target(%dma_start3A_133 : memref<128x128xf32, #tpu.memory_space<vmem>>) offsets(%dma_start3A_136 : memref<128xi32, #tpu.memory_space<vmem>>) semaphore(%arg16 : memref<!tpu.dma_semaphore, #tpu.memory_space<semaphore_mem>>)
      %run_scoped3A_140 = arith.constant 1 : i32
      "tpu.region"() ({
        %run_scoped3A_516 = tpu.sem_alloc : memref<!tpu.dma_semaphore, #tpu.memory_space<semaphore_mem>>
        %dma_start3A_517 = arith.constant 0 : i32
        %dma_start3A_518 = tpu.memref_slice %arg10[%rem3A_82, %run_scoped3A_140, %dma_start3A_517] : memref<2x16x128xi32, #tpu.memory_space<vmem>> -> memref<1x1x128xi32, #tpu.memory_space<vmem>>
        %dma_start3A_519 = tpu.memref_squeeze %dma_start3A_518 : memref<1x1x128xi32, #tpu.memory_space<vmem>> -> memref<128xi32, #tpu.memory_space<vmem>>
        %dma_start3A_520 = arith.constant 0 : i32
        %dma_start3A_521 = tpu.memref_slice %arg14[%dma_start3A_520] : memref<10240xf32, #tpu.memory_space<vmem_shared>> -> memref<10240xf32, #tpu.memory_space<vmem_shared>>
        tpu.enqueue_indirect_dma source(%arg12 : memref<128xf32, #tpu.memory_space<vmem>>) target(%dma_start3A_521 : memref<10240xf32, #tpu.memory_space<vmem_shared>>) offsets(%dma_start3A_519 : memref<128xi32, #tpu.memory_space<vmem>>) semaphore(%run_scoped3A_516 : memref<!tpu.dma_semaphore, #tpu.memory_space<semaphore_mem>>) {add = true}
        %dma_wait3A_522 = arith.constant 0 : i32
        %dma_wait3A_523 = tpu.memref_slice %arg10[%rem3A_82, %run_scoped3A_140, %dma_wait3A_522] : memref<2x16x128xi32, #tpu.memory_space<vmem>> -> memref<1x1x128xi32, #tpu.memory_space<vmem>>
        %dma_wait3A_524 = tpu.memref_squeeze %dma_wait3A_523 : memref<1x1x128xi32, #tpu.memory_space<vmem>> -> memref<128xi32, #tpu.memory_space<vmem>>
        %dma_wait3A_525 = arith.constant 0 : i32
        %dma_wait3A_526 = tpu.memref_slice %arg14[%dma_wait3A_525] : memref<10240xf32, #tpu.memory_space<vmem_shared>> -> memref<10240xf32, #tpu.memory_space<vmem_shared>>
        tpu.wait_indirect_dma semaphore(%run_scoped3A_516 : memref<!tpu.dma_semaphore, #tpu.memory_space<semaphore_mem>>) src(%arg12 : memref<128xf32, #tpu.memory_space<vmem>>) dst(%dma_wait3A_526 : memref<10240xf32, #tpu.memory_space<vmem_shared>>)
        tpu.yield
      }) : () -> ()
      %dma_wait3A_141 = arith.constant 2 : i32
      %dma_wait3A_142 = arith.constant 0 : i32
      %dma_wait3A_143 = arith.constant 0 : i32
      %dma_wait3A_144 = arith.constant 0 : i32
      %dma_wait3A_145 = tpu.memref_slice %arg11[%dma_wait3A_142, %dma_wait3A_143, %dma_wait3A_144] : memref<2x128x128xf32, #tpu.memory_space<vmem>> -> memref<1x128x128xf32, #tpu.memory_space<vmem>>
      %dma_wait3A_146 = tpu.memref_squeeze %dma_wait3A_145 : memref<1x128x128xf32, #tpu.memory_space<vmem>> -> memref<128x128xf32, #tpu.memory_space<vmem>>
      %dma_wait3A_147 = arith.constant 0 : i32
      %dma_wait3A_148 = tpu.memref_slice %arg9[%rem3A_82, %dma_wait3A_141, %dma_wait3A_147] : memref<2x16x128xi32, #tpu.memory_space<vmem>> -> memref<1x1x128xi32, #tpu.memory_space<vmem>>
      %dma_wait3A_149 = tpu.memref_squeeze %dma_wait3A_148 : memref<1x1x128xi32, #tpu.memory_space<vmem>> -> memref<128xi32, #tpu.memory_space<vmem>>
      %dma_wait3A_150 = arith.constant 0 : i32
      %dma_wait3A_151 = arith.constant 0 : i32
      %dma_wait3A_152 = tpu.memref_slice %arg2[%dma_wait3A_150, %dma_wait3A_151] : memref<100000x128xf32, #tpu.memory_space<hbm>> -> memref<100000x128xf32, #tpu.memory_space<hbm>>
      tpu.wait_indirect_dma semaphore(%arg15 : memref<!tpu.dma_semaphore, #tpu.memory_space<semaphore_mem>>) src(%dma_wait3A_152 : memref<100000x128xf32, #tpu.memory_space<hbm>>) dst(%dma_wait3A_146 : memref<128x128xf32, #tpu.memory_space<vmem>>)
      %run_scoped3A_153 = arith.constant 0 : i32
      %run_scoped3A_154 = arith.constant 2 : i32
      "tpu.region"() ({
        %run_scoped3A_516 = tpu.sem_alloc : memref<!tpu.dma_semaphore, #tpu.memory_space<semaphore_mem>>
        %dma_start3A_517 = arith.constant 0 : i32
        %dma_start3A_518 = arith.constant 0 : i32
        %dma_start3A_519 = tpu.memref_slice %arg11[%run_scoped3A_153, %dma_start3A_517, %dma_start3A_518] : memref<2x128x128xf32, #tpu.memory_space<vmem>> -> memref<1x128x128xf32, #tpu.memory_space<vmem>>
        %dma_start3A_520 = tpu.memref_squeeze %dma_start3A_519 : memref<1x128x128xf32, #tpu.memory_space<vmem>> -> memref<128x128xf32, #tpu.memory_space<vmem>>
        %dma_start3A_521 = arith.constant 0 : i32
        %dma_start3A_522 = tpu.memref_slice %arg10[%rem3A_82, %run_scoped3A_154, %dma_start3A_521] : memref<2x16x128xi32, #tpu.memory_space<vmem>> -> memref<1x1x128xi32, #tpu.memory_space<vmem>>
        %dma_start3A_523 = tpu.memref_squeeze %dma_start3A_522 : memref<1x1x128xi32, #tpu.memory_space<vmem>> -> memref<128xi32, #tpu.memory_space<vmem>>
        %dma_start3A_524 = arith.constant 0 : i32
        %dma_start3A_525 = arith.constant 0 : i32
        %dma_start3A_526 = tpu.memref_slice %arg13[%dma_start3A_524, %dma_start3A_525] : memref<10240x128xf32, #tpu.memory_space<vmem_shared>> -> memref<10240x128xf32, #tpu.memory_space<vmem_shared>>
        tpu.enqueue_indirect_dma source(%dma_start3A_520 : memref<128x128xf32, #tpu.memory_space<vmem>>) target(%dma_start3A_526 : memref<10240x128xf32, #tpu.memory_space<vmem_shared>>) offsets(%dma_start3A_523 : memref<128xi32, #tpu.memory_space<vmem>>) semaphore(%run_scoped3A_516 : memref<!tpu.dma_semaphore, #tpu.memory_space<semaphore_mem>>) {add = true}
        %dma_wait3A_527 = arith.constant 0 : i32
        %dma_wait3A_528 = arith.constant 0 : i32
        %dma_wait3A_529 = tpu.memref_slice %arg11[%run_scoped3A_153, %dma_wait3A_527, %dma_wait3A_528] : memref<2x128x128xf32, #tpu.memory_space<vmem>> -> memref<1x128x128xf32, #tpu.memory_space<vmem>>
        %dma_wait3A_530 = tpu.memref_squeeze %dma_wait3A_529 : memref<1x128x128xf32, #tpu.memory_space<vmem>> -> memref<128x128xf32, #tpu.memory_space<vmem>>
        %dma_wait3A_531 = arith.constant 0 : i32
        %dma_wait3A_532 = tpu.memref_slice %arg10[%rem3A_82, %run_scoped3A_154, %dma_wait3A_531] : memref<2x16x128xi32, #tpu.memory_space<vmem>> -> memref<1x1x128xi32, #tpu.memory_space<vmem>>
        %dma_wait3A_533 = tpu.memref_squeeze %dma_wait3A_532 : memref<1x1x128xi32, #tpu.memory_space<vmem>> -> memref<128xi32, #tpu.memory_space<vmem>>
        %dma_wait3A_534 = arith.constant 0 : i32
        %dma_wait3A_535 = arith.constant 0 : i32
        %dma_wait3A_536 = tpu.memref_slice %arg13[%dma_wait3A_534, %dma_wait3A_535] : memref<10240x128xf32, #tpu.memory_space<vmem_shared>> -> memref<10240x128xf32, #tpu.memory_space<vmem_shared>>
        tpu.wait_indirect_dma semaphore(%run_scoped3A_516 : memref<!tpu.dma_semaphore, #tpu.memory_space<semaphore_mem>>) src(%dma_wait3A_530 : memref<128x128xf32, #tpu.memory_space<vmem>>) dst(%dma_wait3A_536 : memref<10240x128xf32, #tpu.memory_space<vmem_shared>>)
        tpu.yield
      }) : () -> ()
      %dma_start3A_155 = arith.constant 4 : i32
      %dma_start3A_156 = arith.constant 0 : i32
      %dma_start3A_157 = arith.constant 0 : i32
      %dma_start3A_158 = arith.constant 0 : i32
      %dma_start3A_159 = tpu.memref_slice %arg11[%dma_start3A_156, %dma_start3A_157, %dma_start3A_158] : memref<2x128x128xf32, #tpu.memory_space<vmem>> -> memref<1x128x128xf32, #tpu.memory_space<vmem>>
      %dma_start3A_160 = tpu.memref_squeeze %dma_start3A_159 : memref<1x128x128xf32, #tpu.memory_space<vmem>> -> memref<128x128xf32, #tpu.memory_space<vmem>>
      %dma_start3A_161 = arith.constant 0 : i32
      %dma_start3A_162 = tpu.memref_slice %arg9[%rem3A_82, %dma_start3A_155, %dma_start3A_161] : memref<2x16x128xi32, #tpu.memory_space<vmem>> -> memref<1x1x128xi32, #tpu.memory_space<vmem>>
      %dma_start3A_163 = tpu.memref_squeeze %dma_start3A_162 : memref<1x1x128xi32, #tpu.memory_space<vmem>> -> memref<128xi32, #tpu.memory_space<vmem>>
      %dma_start3A_164 = arith.constant 0 : i32
      %dma_start3A_165 = arith.constant 0 : i32
      %dma_start3A_166 = tpu.memref_slice %arg2[%dma_start3A_164, %dma_start3A_165] : memref<100000x128xf32, #tpu.memory_space<hbm>> -> memref<100000x128xf32, #tpu.memory_space<hbm>>
      tpu.enqueue_indirect_dma source(%dma_start3A_166 : memref<100000x128xf32, #tpu.memory_space<hbm>>) target(%dma_start3A_160 : memref<128x128xf32, #tpu.memory_space<vmem>>) offsets(%dma_start3A_163 : memref<128xi32, #tpu.memory_space<vmem>>) semaphore(%arg15 : memref<!tpu.dma_semaphore, #tpu.memory_space<semaphore_mem>>)
      %run_scoped3A_167 = arith.constant 2 : i32
      "tpu.region"() ({
        %run_scoped3A_516 = tpu.sem_alloc : memref<!tpu.dma_semaphore, #tpu.memory_space<semaphore_mem>>
        %dma_start3A_517 = arith.constant 0 : i32
        %dma_start3A_518 = tpu.memref_slice %arg10[%rem3A_82, %run_scoped3A_167, %dma_start3A_517] : memref<2x16x128xi32, #tpu.memory_space<vmem>> -> memref<1x1x128xi32, #tpu.memory_space<vmem>>
        %dma_start3A_519 = tpu.memref_squeeze %dma_start3A_518 : memref<1x1x128xi32, #tpu.memory_space<vmem>> -> memref<128xi32, #tpu.memory_space<vmem>>
        %dma_start3A_520 = arith.constant 0 : i32
        %dma_start3A_521 = tpu.memref_slice %arg14[%dma_start3A_520] : memref<10240xf32, #tpu.memory_space<vmem_shared>> -> memref<10240xf32, #tpu.memory_space<vmem_shared>>
        tpu.enqueue_indirect_dma source(%arg12 : memref<128xf32, #tpu.memory_space<vmem>>) target(%dma_start3A_521 : memref<10240xf32, #tpu.memory_space<vmem_shared>>) offsets(%dma_start3A_519 : memref<128xi32, #tpu.memory_space<vmem>>) semaphore(%run_scoped3A_516 : memref<!tpu.dma_semaphore, #tpu.memory_space<semaphore_mem>>) {add = true}
        %dma_wait3A_522 = arith.constant 0 : i32
        %dma_wait3A_523 = tpu.memref_slice %arg10[%rem3A_82, %run_scoped3A_167, %dma_wait3A_522] : memref<2x16x128xi32, #tpu.memory_space<vmem>> -> memref<1x1x128xi32, #tpu.memory_space<vmem>>
        %dma_wait3A_524 = tpu.memref_squeeze %dma_wait3A_523 : memref<1x1x128xi32, #tpu.memory_space<vmem>> -> memref<128xi32, #tpu.memory_space<vmem>>
        %dma_wait3A_525 = arith.constant 0 : i32
        %dma_wait3A_526 = tpu.memref_slice %arg14[%dma_wait3A_525] : memref<10240xf32, #tpu.memory_space<vmem_shared>> -> memref<10240xf32, #tpu.memory_space<vmem_shared>>
        tpu.wait_indirect_dma semaphore(%run_scoped3A_516 : memref<!tpu.dma_semaphore, #tpu.memory_space<semaphore_mem>>) src(%arg12 : memref<128xf32, #tpu.memory_space<vmem>>) dst(%dma_wait3A_526 : memref<10240xf32, #tpu.memory_space<vmem_shared>>)
        tpu.yield
      }) : () -> ()
      %dma_wait3A_168 = arith.constant 3 : i32
      %dma_wait3A_169 = arith.constant 1 : i32
      %dma_wait3A_170 = arith.constant 0 : i32
      %dma_wait3A_171 = arith.constant 0 : i32
      %dma_wait3A_172 = tpu.memref_slice %arg11[%dma_wait3A_169, %dma_wait3A_170, %dma_wait3A_171] : memref<2x128x128xf32, #tpu.memory_space<vmem>> -> memref<1x128x128xf32, #tpu.memory_space<vmem>>
      %dma_wait3A_173 = tpu.memref_squeeze %dma_wait3A_172 : memref<1x128x128xf32, #tpu.memory_space<vmem>> -> memref<128x128xf32, #tpu.memory_space<vmem>>
      %dma_wait3A_174 = arith.constant 0 : i32
      %dma_wait3A_175 = tpu.memref_slice %arg9[%rem3A_82, %dma_wait3A_168, %dma_wait3A_174] : memref<2x16x128xi32, #tpu.memory_space<vmem>> -> memref<1x1x128xi32, #tpu.memory_space<vmem>>
      %dma_wait3A_176 = tpu.memref_squeeze %dma_wait3A_175 : memref<1x1x128xi32, #tpu.memory_space<vmem>> -> memref<128xi32, #tpu.memory_space<vmem>>
      %dma_wait3A_177 = arith.constant 0 : i32
      %dma_wait3A_178 = arith.constant 0 : i32
      %dma_wait3A_179 = tpu.memref_slice %arg2[%dma_wait3A_177, %dma_wait3A_178] : memref<100000x128xf32, #tpu.memory_space<hbm>> -> memref<100000x128xf32, #tpu.memory_space<hbm>>
      tpu.wait_indirect_dma semaphore(%arg16 : memref<!tpu.dma_semaphore, #tpu.memory_space<semaphore_mem>>) src(%dma_wait3A_179 : memref<100000x128xf32, #tpu.memory_space<hbm>>) dst(%dma_wait3A_173 : memref<128x128xf32, #tpu.memory_space<vmem>>)
      %run_scoped3A_180 = arith.constant 1 : i32
      %run_scoped3A_181 = arith.constant 3 : i32
      "tpu.region"() ({
        %run_scoped3A_516 = tpu.sem_alloc : memref<!tpu.dma_semaphore, #tpu.memory_space<semaphore_mem>>
        %dma_start3A_517 = arith.constant 0 : i32
        %dma_start3A_518 = arith.constant 0 : i32
        %dma_start3A_519 = tpu.memref_slice %arg11[%run_scoped3A_180, %dma_start3A_517, %dma_start3A_518] : memref<2x128x128xf32, #tpu.memory_space<vmem>> -> memref<1x128x128xf32, #tpu.memory_space<vmem>>
        %dma_start3A_520 = tpu.memref_squeeze %dma_start3A_519 : memref<1x128x128xf32, #tpu.memory_space<vmem>> -> memref<128x128xf32, #tpu.memory_space<vmem>>
        %dma_start3A_521 = arith.constant 0 : i32
        %dma_start3A_522 = tpu.memref_slice %arg10[%rem3A_82, %run_scoped3A_181, %dma_start3A_521] : memref<2x16x128xi32, #tpu.memory_space<vmem>> -> memref<1x1x128xi32, #tpu.memory_space<vmem>>
        %dma_start3A_523 = tpu.memref_squeeze %dma_start3A_522 : memref<1x1x128xi32, #tpu.memory_space<vmem>> -> memref<128xi32, #tpu.memory_space<vmem>>
        %dma_start3A_524 = arith.constant 0 : i32
        %dma_start3A_525 = arith.constant 0 : i32
        %dma_start3A_526 = tpu.memref_slice %arg13[%dma_start3A_524, %dma_start3A_525] : memref<10240x128xf32, #tpu.memory_space<vmem_shared>> -> memref<10240x128xf32, #tpu.memory_space<vmem_shared>>
        tpu.enqueue_indirect_dma source(%dma_start3A_520 : memref<128x128xf32, #tpu.memory_space<vmem>>) target(%dma_start3A_526 : memref<10240x128xf32, #tpu.memory_space<vmem_shared>>) offsets(%dma_start3A_523 : memref<128xi32, #tpu.memory_space<vmem>>) semaphore(%run_scoped3A_516 : memref<!tpu.dma_semaphore, #tpu.memory_space<semaphore_mem>>) {add = true}
        %dma_wait3A_527 = arith.constant 0 : i32
        %dma_wait3A_528 = arith.constant 0 : i32
        %dma_wait3A_529 = tpu.memref_slice %arg11[%run_scoped3A_180, %dma_wait3A_527, %dma_wait3A_528] : memref<2x128x128xf32, #tpu.memory_space<vmem>> -> memref<1x128x128xf32, #tpu.memory_space<vmem>>
        %dma_wait3A_530 = tpu.memref_squeeze %dma_wait3A_529 : memref<1x128x128xf32, #tpu.memory_space<vmem>> -> memref<128x128xf32, #tpu.memory_space<vmem>>
        %dma_wait3A_531 = arith.constant 0 : i32
        %dma_wait3A_532 = tpu.memref_slice %arg10[%rem3A_82, %run_scoped3A_181, %dma_wait3A_531] : memref<2x16x128xi32, #tpu.memory_space<vmem>> -> memref<1x1x128xi32, #tpu.memory_space<vmem>>
        %dma_wait3A_533 = tpu.memref_squeeze %dma_wait3A_532 : memref<1x1x128xi32, #tpu.memory_space<vmem>> -> memref<128xi32, #tpu.memory_space<vmem>>
        %dma_wait3A_534 = arith.constant 0 : i32
        %dma_wait3A_535 = arith.constant 0 : i32
        %dma_wait3A_536 = tpu.memref_slice %arg13[%dma_wait3A_534, %dma_wait3A_535] : memref<10240x128xf32, #tpu.memory_space<vmem_shared>> -> memref<10240x128xf32, #tpu.memory_space<vmem_shared>>
        tpu.wait_indirect_dma semaphore(%run_scoped3A_516 : memref<!tpu.dma_semaphore, #tpu.memory_space<semaphore_mem>>) src(%dma_wait3A_530 : memref<128x128xf32, #tpu.memory_space<vmem>>) dst(%dma_wait3A_536 : memref<10240x128xf32, #tpu.memory_space<vmem_shared>>)
        tpu.yield
      }) : () -> ()
      %dma_start3A_182 = arith.constant 5 : i32
      %dma_start3A_183 = arith.constant 1 : i32
      %dma_start3A_184 = arith.constant 0 : i32
      %dma_start3A_185 = arith.constant 0 : i32
      %dma_start3A_186 = tpu.memref_slice %arg11[%dma_start3A_183, %dma_start3A_184, %dma_start3A_185] : memref<2x128x128xf32, #tpu.memory_space<vmem>> -> memref<1x128x128xf32, #tpu.memory_space<vmem>>
      %dma_start3A_187 = tpu.memref_squeeze %dma_start3A_186 : memref<1x128x128xf32, #tpu.memory_space<vmem>> -> memref<128x128xf32, #tpu.memory_space<vmem>>
      %dma_start3A_188 = arith.constant 0 : i32
      %dma_start3A_189 = tpu.memref_slice %arg9[%rem3A_82, %dma_start3A_182, %dma_start3A_188] : memref<2x16x128xi32, #tpu.memory_space<vmem>> -> memref<1x1x128xi32, #tpu.memory_space<vmem>>
      %dma_start3A_190 = tpu.memref_squeeze %dma_start3A_189 : memref<1x1x128xi32, #tpu.memory_space<vmem>> -> memref<128xi32, #tpu.memory_space<vmem>>
      %dma_start3A_191 = arith.constant 0 : i32
      %dma_start3A_192 = arith.constant 0 : i32
      %dma_start3A_193 = tpu.memref_slice %arg2[%dma_start3A_191, %dma_start3A_192] : memref<100000x128xf32, #tpu.memory_space<hbm>> -> memref<100000x128xf32, #tpu.memory_space<hbm>>
      tpu.enqueue_indirect_dma source(%dma_start3A_193 : memref<100000x128xf32, #tpu.memory_space<hbm>>) target(%dma_start3A_187 : memref<128x128xf32, #tpu.memory_space<vmem>>) offsets(%dma_start3A_190 : memref<128xi32, #tpu.memory_space<vmem>>) semaphore(%arg16 : memref<!tpu.dma_semaphore, #tpu.memory_space<semaphore_mem>>)
      %run_scoped3A_194 = arith.constant 3 : i32
      "tpu.region"() ({
        %run_scoped3A_516 = tpu.sem_alloc : memref<!tpu.dma_semaphore, #tpu.memory_space<semaphore_mem>>
        %dma_start3A_517 = arith.constant 0 : i32
        %dma_start3A_518 = tpu.memref_slice %arg10[%rem3A_82, %run_scoped3A_194, %dma_start3A_517] : memref<2x16x128xi32, #tpu.memory_space<vmem>> -> memref<1x1x128xi32, #tpu.memory_space<vmem>>
        %dma_start3A_519 = tpu.memref_squeeze %dma_start3A_518 : memref<1x1x128xi32, #tpu.memory_space<vmem>> -> memref<128xi32, #tpu.memory_space<vmem>>
        %dma_start3A_520 = arith.constant 0 : i32
        %dma_start3A_521 = tpu.memref_slice %arg14[%dma_start3A_520] : memref<10240xf32, #tpu.memory_space<vmem_shared>> -> memref<10240xf32, #tpu.memory_space<vmem_shared>>
        tpu.enqueue_indirect_dma source(%arg12 : memref<128xf32, #tpu.memory_space<vmem>>) target(%dma_start3A_521 : memref<10240xf32, #tpu.memory_space<vmem_shared>>) offsets(%dma_start3A_519 : memref<128xi32, #tpu.memory_space<vmem>>) semaphore(%run_scoped3A_516 : memref<!tpu.dma_semaphore, #tpu.memory_space<semaphore_mem>>) {add = true}
        %dma_wait3A_522 = arith.constant 0 : i32
        %dma_wait3A_523 = tpu.memref_slice %arg10[%rem3A_82, %run_scoped3A_194, %dma_wait3A_522] : memref<2x16x128xi32, #tpu.memory_space<vmem>> -> memref<1x1x128xi32, #tpu.memory_space<vmem>>
        %dma_wait3A_524 = tpu.memref_squeeze %dma_wait3A_523 : memref<1x1x128xi32, #tpu.memory_space<vmem>> -> memref<128xi32, #tpu.memory_space<vmem>>
        %dma_wait3A_525 = arith.constant 0 : i32
        %dma_wait3A_526 = tpu.memref_slice %arg14[%dma_wait3A_525] : memref<10240xf32, #tpu.memory_space<vmem_shared>> -> memref<10240xf32, #tpu.memory_space<vmem_shared>>
        tpu.wait_indirect_dma semaphore(%run_scoped3A_516 : memref<!tpu.dma_semaphore, #tpu.memory_space<semaphore_mem>>) src(%arg12 : memref<128xf32, #tpu.memory_space<vmem>>) dst(%dma_wait3A_526 : memref<10240xf32, #tpu.memory_space<vmem_shared>>)
        tpu.yield
      }) : () -> ()
      %dma_wait3A_195 = arith.constant 4 : i32
      %dma_wait3A_196 = arith.constant 0 : i32
      %dma_wait3A_197 = arith.constant 0 : i32
      %dma_wait3A_198 = arith.constant 0 : i32
      %dma_wait3A_199 = tpu.memref_slice %arg11[%dma_wait3A_196, %dma_wait3A_197, %dma_wait3A_198] : memref<2x128x128xf32, #tpu.memory_space<vmem>> -> memref<1x128x128xf32, #tpu.memory_space<vmem>>
      %dma_wait3A_200 = tpu.memref_squeeze %dma_wait3A_199 : memref<1x128x128xf32, #tpu.memory_space<vmem>> -> memref<128x128xf32, #tpu.memory_space<vmem>>
      %dma_wait3A_201 = arith.constant 0 : i32
      %dma_wait3A_202 = tpu.memref_slice %arg9[%rem3A_82, %dma_wait3A_195, %dma_wait3A_201] : memref<2x16x128xi32, #tpu.memory_space<vmem>> -> memref<1x1x128xi32, #tpu.memory_space<vmem>>
      %dma_wait3A_203 = tpu.memref_squeeze %dma_wait3A_202 : memref<1x1x128xi32, #tpu.memory_space<vmem>> -> memref<128xi32, #tpu.memory_space<vmem>>
      %dma_wait3A_204 = arith.constant 0 : i32
      %dma_wait3A_205 = arith.constant 0 : i32
      %dma_wait3A_206 = tpu.memref_slice %arg2[%dma_wait3A_204, %dma_wait3A_205] : memref<100000x128xf32, #tpu.memory_space<hbm>> -> memref<100000x128xf32, #tpu.memory_space<hbm>>
      tpu.wait_indirect_dma semaphore(%arg15 : memref<!tpu.dma_semaphore, #tpu.memory_space<semaphore_mem>>) src(%dma_wait3A_206 : memref<100000x128xf32, #tpu.memory_space<hbm>>) dst(%dma_wait3A_200 : memref<128x128xf32, #tpu.memory_space<vmem>>)
      %run_scoped3A_207 = arith.constant 0 : i32
      %run_scoped3A_208 = arith.constant 4 : i32
      "tpu.region"() ({
        %run_scoped3A_516 = tpu.sem_alloc : memref<!tpu.dma_semaphore, #tpu.memory_space<semaphore_mem>>
        %dma_start3A_517 = arith.constant 0 : i32
        %dma_start3A_518 = arith.constant 0 : i32
        %dma_start3A_519 = tpu.memref_slice %arg11[%run_scoped3A_207, %dma_start3A_517, %dma_start3A_518] : memref<2x128x128xf32, #tpu.memory_space<vmem>> -> memref<1x128x128xf32, #tpu.memory_space<vmem>>
        %dma_start3A_520 = tpu.memref_squeeze %dma_start3A_519 : memref<1x128x128xf32, #tpu.memory_space<vmem>> -> memref<128x128xf32, #tpu.memory_space<vmem>>
        %dma_start3A_521 = arith.constant 0 : i32
        %dma_start3A_522 = tpu.memref_slice %arg10[%rem3A_82, %run_scoped3A_208, %dma_start3A_521] : memref<2x16x128xi32, #tpu.memory_space<vmem>> -> memref<1x1x128xi32, #tpu.memory_space<vmem>>
        %dma_start3A_523 = tpu.memref_squeeze %dma_start3A_522 : memref<1x1x128xi32, #tpu.memory_space<vmem>> -> memref<128xi32, #tpu.memory_space<vmem>>
        %dma_start3A_524 = arith.constant 0 : i32
        %dma_start3A_525 = arith.constant 0 : i32
        %dma_start3A_526 = tpu.memref_slice %arg13[%dma_start3A_524, %dma_start3A_525] : memref<10240x128xf32, #tpu.memory_space<vmem_shared>> -> memref<10240x128xf32, #tpu.memory_space<vmem_shared>>
        tpu.enqueue_indirect_dma source(%dma_start3A_520 : memref<128x128xf32, #tpu.memory_space<vmem>>) target(%dma_start3A_526 : memref<10240x128xf32, #tpu.memory_space<vmem_shared>>) offsets(%dma_start3A_523 : memref<128xi32, #tpu.memory_space<vmem>>) semaphore(%run_scoped3A_516 : memref<!tpu.dma_semaphore, #tpu.memory_space<semaphore_mem>>) {add = true}
        %dma_wait3A_527 = arith.constant 0 : i32
        %dma_wait3A_528 = arith.constant 0 : i32
        %dma_wait3A_529 = tpu.memref_slice %arg11[%run_scoped3A_207, %dma_wait3A_527, %dma_wait3A_528] : memref<2x128x128xf32, #tpu.memory_space<vmem>> -> memref<1x128x128xf32, #tpu.memory_space<vmem>>
        %dma_wait3A_530 = tpu.memref_squeeze %dma_wait3A_529 : memref<1x128x128xf32, #tpu.memory_space<vmem>> -> memref<128x128xf32, #tpu.memory_space<vmem>>
        %dma_wait3A_531 = arith.constant 0 : i32
        %dma_wait3A_532 = tpu.memref_slice %arg10[%rem3A_82, %run_scoped3A_208, %dma_wait3A_531] : memref<2x16x128xi32, #tpu.memory_space<vmem>> -> memref<1x1x128xi32, #tpu.memory_space<vmem>>
        %dma_wait3A_533 = tpu.memref_squeeze %dma_wait3A_532 : memref<1x1x128xi32, #tpu.memory_space<vmem>> -> memref<128xi32, #tpu.memory_space<vmem>>
        %dma_wait3A_534 = arith.constant 0 : i32
        %dma_wait3A_535 = arith.constant 0 : i32
        %dma_wait3A_536 = tpu.memref_slice %arg13[%dma_wait3A_534, %dma_wait3A_535] : memref<10240x128xf32, #tpu.memory_space<vmem_shared>> -> memref<10240x128xf32, #tpu.memory_space<vmem_shared>>
        tpu.wait_indirect_dma semaphore(%run_scoped3A_516 : memref<!tpu.dma_semaphore, #tpu.memory_space<semaphore_mem>>) src(%dma_wait3A_530 : memref<128x128xf32, #tpu.memory_space<vmem>>) dst(%dma_wait3A_536 : memref<10240x128xf32, #tpu.memory_space<vmem_shared>>)
        tpu.yield
      }) : () -> ()
      %dma_start3A_209 = arith.constant 6 : i32
      %dma_start3A_210 = arith.constant 0 : i32
      %dma_start3A_211 = arith.constant 0 : i32
      %dma_start3A_212 = arith.constant 0 : i32
      %dma_start3A_213 = tpu.memref_slice %arg11[%dma_start3A_210, %dma_start3A_211, %dma_start3A_212] : memref<2x128x128xf32, #tpu.memory_space<vmem>> -> memref<1x128x128xf32, #tpu.memory_space<vmem>>
      %dma_start3A_214 = tpu.memref_squeeze %dma_start3A_213 : memref<1x128x128xf32, #tpu.memory_space<vmem>> -> memref<128x128xf32, #tpu.memory_space<vmem>>
      %dma_start3A_215 = arith.constant 0 : i32
      %dma_start3A_216 = tpu.memref_slice %arg9[%rem3A_82, %dma_start3A_209, %dma_start3A_215] : memref<2x16x128xi32, #tpu.memory_space<vmem>> -> memref<1x1x128xi32, #tpu.memory_space<vmem>>
      %dma_start3A_217 = tpu.memref_squeeze %dma_start3A_216 : memref<1x1x128xi32, #tpu.memory_space<vmem>> -> memref<128xi32, #tpu.memory_space<vmem>>
      %dma_start3A_218 = arith.constant 0 : i32
      %dma_start3A_219 = arith.constant 0 : i32
      %dma_start3A_220 = tpu.memref_slice %arg2[%dma_start3A_218, %dma_start3A_219] : memref<100000x128xf32, #tpu.memory_space<hbm>> -> memref<100000x128xf32, #tpu.memory_space<hbm>>
      tpu.enqueue_indirect_dma source(%dma_start3A_220 : memref<100000x128xf32, #tpu.memory_space<hbm>>) target(%dma_start3A_214 : memref<128x128xf32, #tpu.memory_space<vmem>>) offsets(%dma_start3A_217 : memref<128xi32, #tpu.memory_space<vmem>>) semaphore(%arg15 : memref<!tpu.dma_semaphore, #tpu.memory_space<semaphore_mem>>)
      %run_scoped3A_221 = arith.constant 4 : i32
      "tpu.region"() ({
        %run_scoped3A_516 = tpu.sem_alloc : memref<!tpu.dma_semaphore, #tpu.memory_space<semaphore_mem>>
        %dma_start3A_517 = arith.constant 0 : i32
        %dma_start3A_518 = tpu.memref_slice %arg10[%rem3A_82, %run_scoped3A_221, %dma_start3A_517] : memref<2x16x128xi32, #tpu.memory_space<vmem>> -> memref<1x1x128xi32, #tpu.memory_space<vmem>>
        %dma_start3A_519 = tpu.memref_squeeze %dma_start3A_518 : memref<1x1x128xi32, #tpu.memory_space<vmem>> -> memref<128xi32, #tpu.memory_space<vmem>>
        %dma_start3A_520 = arith.constant 0 : i32
        %dma_start3A_521 = tpu.memref_slice %arg14[%dma_start3A_520] : memref<10240xf32, #tpu.memory_space<vmem_shared>> -> memref<10240xf32, #tpu.memory_space<vmem_shared>>
        tpu.enqueue_indirect_dma source(%arg12 : memref<128xf32, #tpu.memory_space<vmem>>) target(%dma_start3A_521 : memref<10240xf32, #tpu.memory_space<vmem_shared>>) offsets(%dma_start3A_519 : memref<128xi32, #tpu.memory_space<vmem>>) semaphore(%run_scoped3A_516 : memref<!tpu.dma_semaphore, #tpu.memory_space<semaphore_mem>>) {add = true}
        %dma_wait3A_522 = arith.constant 0 : i32
        %dma_wait3A_523 = tpu.memref_slice %arg10[%rem3A_82, %run_scoped3A_221, %dma_wait3A_522] : memref<2x16x128xi32, #tpu.memory_space<vmem>> -> memref<1x1x128xi32, #tpu.memory_space<vmem>>
        %dma_wait3A_524 = tpu.memref_squeeze %dma_wait3A_523 : memref<1x1x128xi32, #tpu.memory_space<vmem>> -> memref<128xi32, #tpu.memory_space<vmem>>
        %dma_wait3A_525 = arith.constant 0 : i32
        %dma_wait3A_526 = tpu.memref_slice %arg14[%dma_wait3A_525] : memref<10240xf32, #tpu.memory_space<vmem_shared>> -> memref<10240xf32, #tpu.memory_space<vmem_shared>>
        tpu.wait_indirect_dma semaphore(%run_scoped3A_516 : memref<!tpu.dma_semaphore, #tpu.memory_space<semaphore_mem>>) src(%arg12 : memref<128xf32, #tpu.memory_space<vmem>>) dst(%dma_wait3A_526 : memref<10240xf32, #tpu.memory_space<vmem_shared>>)
        tpu.yield
      }) : () -> ()
      %dma_wait3A_222 = arith.constant 5 : i32
      %dma_wait3A_223 = arith.constant 1 : i32
      %dma_wait3A_224 = arith.constant 0 : i32
      %dma_wait3A_225 = arith.constant 0 : i32
      %dma_wait3A_226 = tpu.memref_slice %arg11[%dma_wait3A_223, %dma_wait3A_224, %dma_wait3A_225] : memref<2x128x128xf32, #tpu.memory_space<vmem>> -> memref<1x128x128xf32, #tpu.memory_space<vmem>>
      %dma_wait3A_227 = tpu.memref_squeeze %dma_wait3A_226 : memref<1x128x128xf32, #tpu.memory_space<vmem>> -> memref<128x128xf32, #tpu.memory_space<vmem>>
      %dma_wait3A_228 = arith.constant 0 : i32
      %dma_wait3A_229 = tpu.memref_slice %arg9[%rem3A_82, %dma_wait3A_222, %dma_wait3A_228] : memref<2x16x128xi32, #tpu.memory_space<vmem>> -> memref<1x1x128xi32, #tpu.memory_space<vmem>>
      %dma_wait3A_230 = tpu.memref_squeeze %dma_wait3A_229 : memref<1x1x128xi32, #tpu.memory_space<vmem>> -> memref<128xi32, #tpu.memory_space<vmem>>
      %dma_wait3A_231 = arith.constant 0 : i32
      %dma_wait3A_232 = arith.constant 0 : i32
      %dma_wait3A_233 = tpu.memref_slice %arg2[%dma_wait3A_231, %dma_wait3A_232] : memref<100000x128xf32, #tpu.memory_space<hbm>> -> memref<100000x128xf32, #tpu.memory_space<hbm>>
      tpu.wait_indirect_dma semaphore(%arg16 : memref<!tpu.dma_semaphore, #tpu.memory_space<semaphore_mem>>) src(%dma_wait3A_233 : memref<100000x128xf32, #tpu.memory_space<hbm>>) dst(%dma_wait3A_227 : memref<128x128xf32, #tpu.memory_space<vmem>>)
      %run_scoped3A_234 = arith.constant 1 : i32
      %run_scoped3A_235 = arith.constant 5 : i32
      "tpu.region"() ({
        %run_scoped3A_516 = tpu.sem_alloc : memref<!tpu.dma_semaphore, #tpu.memory_space<semaphore_mem>>
        %dma_start3A_517 = arith.constant 0 : i32
        %dma_start3A_518 = arith.constant 0 : i32
        %dma_start3A_519 = tpu.memref_slice %arg11[%run_scoped3A_234, %dma_start3A_517, %dma_start3A_518] : memref<2x128x128xf32, #tpu.memory_space<vmem>> -> memref<1x128x128xf32, #tpu.memory_space<vmem>>
        %dma_start3A_520 = tpu.memref_squeeze %dma_start3A_519 : memref<1x128x128xf32, #tpu.memory_space<vmem>> -> memref<128x128xf32, #tpu.memory_space<vmem>>
        %dma_start3A_521 = arith.constant 0 : i32
        %dma_start3A_522 = tpu.memref_slice %arg10[%rem3A_82, %run_scoped3A_235, %dma_start3A_521] : memref<2x16x128xi32, #tpu.memory_space<vmem>> -> memref<1x1x128xi32, #tpu.memory_space<vmem>>
        %dma_start3A_523 = tpu.memref_squeeze %dma_start3A_522 : memref<1x1x128xi32, #tpu.memory_space<vmem>> -> memref<128xi32, #tpu.memory_space<vmem>>
        %dma_start3A_524 = arith.constant 0 : i32
        %dma_start3A_525 = arith.constant 0 : i32
        %dma_start3A_526 = tpu.memref_slice %arg13[%dma_start3A_524, %dma_start3A_525] : memref<10240x128xf32, #tpu.memory_space<vmem_shared>> -> memref<10240x128xf32, #tpu.memory_space<vmem_shared>>
        tpu.enqueue_indirect_dma source(%dma_start3A_520 : memref<128x128xf32, #tpu.memory_space<vmem>>) target(%dma_start3A_526 : memref<10240x128xf32, #tpu.memory_space<vmem_shared>>) offsets(%dma_start3A_523 : memref<128xi32, #tpu.memory_space<vmem>>) semaphore(%run_scoped3A_516 : memref<!tpu.dma_semaphore, #tpu.memory_space<semaphore_mem>>) {add = true}
        %dma_wait3A_527 = arith.constant 0 : i32
        %dma_wait3A_528 = arith.constant 0 : i32
        %dma_wait3A_529 = tpu.memref_slice %arg11[%run_scoped3A_234, %dma_wait3A_527, %dma_wait3A_528] : memref<2x128x128xf32, #tpu.memory_space<vmem>> -> memref<1x128x128xf32, #tpu.memory_space<vmem>>
        %dma_wait3A_530 = tpu.memref_squeeze %dma_wait3A_529 : memref<1x128x128xf32, #tpu.memory_space<vmem>> -> memref<128x128xf32, #tpu.memory_space<vmem>>
        %dma_wait3A_531 = arith.constant 0 : i32
        %dma_wait3A_532 = tpu.memref_slice %arg10[%rem3A_82, %run_scoped3A_235, %dma_wait3A_531] : memref<2x16x128xi32, #tpu.memory_space<vmem>> -> memref<1x1x128xi32, #tpu.memory_space<vmem>>
        %dma_wait3A_533 = tpu.memref_squeeze %dma_wait3A_532 : memref<1x1x128xi32, #tpu.memory_space<vmem>> -> memref<128xi32, #tpu.memory_space<vmem>>
        %dma_wait3A_534 = arith.constant 0 : i32
        %dma_wait3A_535 = arith.constant 0 : i32
        %dma_wait3A_536 = tpu.memref_slice %arg13[%dma_wait3A_534, %dma_wait3A_535] : memref<10240x128xf32, #tpu.memory_space<vmem_shared>> -> memref<10240x128xf32, #tpu.memory_space<vmem_shared>>
        tpu.wait_indirect_dma semaphore(%run_scoped3A_516 : memref<!tpu.dma_semaphore, #tpu.memory_space<semaphore_mem>>) src(%dma_wait3A_530 : memref<128x128xf32, #tpu.memory_space<vmem>>) dst(%dma_wait3A_536 : memref<10240x128xf32, #tpu.memory_space<vmem_shared>>)
        tpu.yield
      }) : () -> ()
      %dma_start3A_236 = arith.constant 7 : i32
      %dma_start3A_237 = arith.constant 1 : i32
      %dma_start3A_238 = arith.constant 0 : i32
      %dma_start3A_239 = arith.constant 0 : i32
      %dma_start3A_240 = tpu.memref_slice %arg11[%dma_start3A_237, %dma_start3A_238, %dma_start3A_239] : memref<2x128x128xf32, #tpu.memory_space<vmem>> -> memref<1x128x128xf32, #tpu.memory_space<vmem>>
      %dma_start3A_241 = tpu.memref_squeeze %dma_start3A_240 : memref<1x128x128xf32, #tpu.memory_space<vmem>> -> memref<128x128xf32, #tpu.memory_space<vmem>>
      %dma_start3A_242 = arith.constant 0 : i32
      %dma_start3A_243 = tpu.memref_slice %arg9[%rem3A_82, %dma_start3A_236, %dma_start3A_242] : memref<2x16x128xi32, #tpu.memory_space<vmem>> -> memref<1x1x128xi32, #tpu.memory_space<vmem>>
      %dma_start3A_244 = tpu.memref_squeeze %dma_start3A_243 : memref<1x1x128xi32, #tpu.memory_space<vmem>> -> memref<128xi32, #tpu.memory_space<vmem>>
      %dma_start3A_245 = arith.constant 0 : i32
      %dma_start3A_246 = arith.constant 0 : i32
      %dma_start3A_247 = tpu.memref_slice %arg2[%dma_start3A_245, %dma_start3A_246] : memref<100000x128xf32, #tpu.memory_space<hbm>> -> memref<100000x128xf32, #tpu.memory_space<hbm>>
      tpu.enqueue_indirect_dma source(%dma_start3A_247 : memref<100000x128xf32, #tpu.memory_space<hbm>>) target(%dma_start3A_241 : memref<128x128xf32, #tpu.memory_space<vmem>>) offsets(%dma_start3A_244 : memref<128xi32, #tpu.memory_space<vmem>>) semaphore(%arg16 : memref<!tpu.dma_semaphore, #tpu.memory_space<semaphore_mem>>)
      %run_scoped3A_248 = arith.constant 5 : i32
      "tpu.region"() ({
        %run_scoped3A_516 = tpu.sem_alloc : memref<!tpu.dma_semaphore, #tpu.memory_space<semaphore_mem>>
        %dma_start3A_517 = arith.constant 0 : i32
        %dma_start3A_518 = tpu.memref_slice %arg10[%rem3A_82, %run_scoped3A_248, %dma_start3A_517] : memref<2x16x128xi32, #tpu.memory_space<vmem>> -> memref<1x1x128xi32, #tpu.memory_space<vmem>>
        %dma_start3A_519 = tpu.memref_squeeze %dma_start3A_518 : memref<1x1x128xi32, #tpu.memory_space<vmem>> -> memref<128xi32, #tpu.memory_space<vmem>>
        %dma_start3A_520 = arith.constant 0 : i32
        %dma_start3A_521 = tpu.memref_slice %arg14[%dma_start3A_520] : memref<10240xf32, #tpu.memory_space<vmem_shared>> -> memref<10240xf32, #tpu.memory_space<vmem_shared>>
        tpu.enqueue_indirect_dma source(%arg12 : memref<128xf32, #tpu.memory_space<vmem>>) target(%dma_start3A_521 : memref<10240xf32, #tpu.memory_space<vmem_shared>>) offsets(%dma_start3A_519 : memref<128xi32, #tpu.memory_space<vmem>>) semaphore(%run_scoped3A_516 : memref<!tpu.dma_semaphore, #tpu.memory_space<semaphore_mem>>) {add = true}
        %dma_wait3A_522 = arith.constant 0 : i32
        %dma_wait3A_523 = tpu.memref_slice %arg10[%rem3A_82, %run_scoped3A_248, %dma_wait3A_522] : memref<2x16x128xi32, #tpu.memory_space<vmem>> -> memref<1x1x128xi32, #tpu.memory_space<vmem>>
        %dma_wait3A_524 = tpu.memref_squeeze %dma_wait3A_523 : memref<1x1x128xi32, #tpu.memory_space<vmem>> -> memref<128xi32, #tpu.memory_space<vmem>>
        %dma_wait3A_525 = arith.constant 0 : i32
        %dma_wait3A_526 = tpu.memref_slice %arg14[%dma_wait3A_525] : memref<10240xf32, #tpu.memory_space<vmem_shared>> -> memref<10240xf32, #tpu.memory_space<vmem_shared>>
        tpu.wait_indirect_dma semaphore(%run_scoped3A_516 : memref<!tpu.dma_semaphore, #tpu.memory_space<semaphore_mem>>) src(%arg12 : memref<128xf32, #tpu.memory_space<vmem>>) dst(%dma_wait3A_526 : memref<10240xf32, #tpu.memory_space<vmem_shared>>)
        tpu.yield
      }) : () -> ()
      %dma_wait3A_249 = arith.constant 6 : i32
      %dma_wait3A_250 = arith.constant 0 : i32
      %dma_wait3A_251 = arith.constant 0 : i32
      %dma_wait3A_252 = arith.constant 0 : i32
      %dma_wait3A_253 = tpu.memref_slice %arg11[%dma_wait3A_250, %dma_wait3A_251, %dma_wait3A_252] : memref<2x128x128xf32, #tpu.memory_space<vmem>> -> memref<1x128x128xf32, #tpu.memory_space<vmem>>
      %dma_wait3A_254 = tpu.memref_squeeze %dma_wait3A_253 : memref<1x128x128xf32, #tpu.memory_space<vmem>> -> memref<128x128xf32, #tpu.memory_space<vmem>>
      %dma_wait3A_255 = arith.constant 0 : i32
      %dma_wait3A_256 = tpu.memref_slice %arg9[%rem3A_82, %dma_wait3A_249, %dma_wait3A_255] : memref<2x16x128xi32, #tpu.memory_space<vmem>> -> memref<1x1x128xi32, #tpu.memory_space<vmem>>
      %dma_wait3A_257 = tpu.memref_squeeze %dma_wait3A_256 : memref<1x1x128xi32, #tpu.memory_space<vmem>> -> memref<128xi32, #tpu.memory_space<vmem>>
      %dma_wait3A_258 = arith.constant 0 : i32
      %dma_wait3A_259 = arith.constant 0 : i32
      %dma_wait3A_260 = tpu.memref_slice %arg2[%dma_wait3A_258, %dma_wait3A_259] : memref<100000x128xf32, #tpu.memory_space<hbm>> -> memref<100000x128xf32, #tpu.memory_space<hbm>>
      tpu.wait_indirect_dma semaphore(%arg15 : memref<!tpu.dma_semaphore, #tpu.memory_space<semaphore_mem>>) src(%dma_wait3A_260 : memref<100000x128xf32, #tpu.memory_space<hbm>>) dst(%dma_wait3A_254 : memref<128x128xf32, #tpu.memory_space<vmem>>)
      %run_scoped3A_261 = arith.constant 0 : i32
      %run_scoped3A_262 = arith.constant 6 : i32
      "tpu.region"() ({
        %run_scoped3A_516 = tpu.sem_alloc : memref<!tpu.dma_semaphore, #tpu.memory_space<semaphore_mem>>
        %dma_start3A_517 = arith.constant 0 : i32
        %dma_start3A_518 = arith.constant 0 : i32
        %dma_start3A_519 = tpu.memref_slice %arg11[%run_scoped3A_261, %dma_start3A_517, %dma_start3A_518] : memref<2x128x128xf32, #tpu.memory_space<vmem>> -> memref<1x128x128xf32, #tpu.memory_space<vmem>>
        %dma_start3A_520 = tpu.memref_squeeze %dma_start3A_519 : memref<1x128x128xf32, #tpu.memory_space<vmem>> -> memref<128x128xf32, #tpu.memory_space<vmem>>
        %dma_start3A_521 = arith.constant 0 : i32
        %dma_start3A_522 = tpu.memref_slice %arg10[%rem3A_82, %run_scoped3A_262, %dma_start3A_521] : memref<2x16x128xi32, #tpu.memory_space<vmem>> -> memref<1x1x128xi32, #tpu.memory_space<vmem>>
        %dma_start3A_523 = tpu.memref_squeeze %dma_start3A_522 : memref<1x1x128xi32, #tpu.memory_space<vmem>> -> memref<128xi32, #tpu.memory_space<vmem>>
        %dma_start3A_524 = arith.constant 0 : i32
        %dma_start3A_525 = arith.constant 0 : i32
        %dma_start3A_526 = tpu.memref_slice %arg13[%dma_start3A_524, %dma_start3A_525] : memref<10240x128xf32, #tpu.memory_space<vmem_shared>> -> memref<10240x128xf32, #tpu.memory_space<vmem_shared>>
        tpu.enqueue_indirect_dma source(%dma_start3A_520 : memref<128x128xf32, #tpu.memory_space<vmem>>) target(%dma_start3A_526 : memref<10240x128xf32, #tpu.memory_space<vmem_shared>>) offsets(%dma_start3A_523 : memref<128xi32, #tpu.memory_space<vmem>>) semaphore(%run_scoped3A_516 : memref<!tpu.dma_semaphore, #tpu.memory_space<semaphore_mem>>) {add = true}
        %dma_wait3A_527 = arith.constant 0 : i32
        %dma_wait3A_528 = arith.constant 0 : i32
        %dma_wait3A_529 = tpu.memref_slice %arg11[%run_scoped3A_261, %dma_wait3A_527, %dma_wait3A_528] : memref<2x128x128xf32, #tpu.memory_space<vmem>> -> memref<1x128x128xf32, #tpu.memory_space<vmem>>
        %dma_wait3A_530 = tpu.memref_squeeze %dma_wait3A_529 : memref<1x128x128xf32, #tpu.memory_space<vmem>> -> memref<128x128xf32, #tpu.memory_space<vmem>>
        %dma_wait3A_531 = arith.constant 0 : i32
        %dma_wait3A_532 = tpu.memref_slice %arg10[%rem3A_82, %run_scoped3A_262, %dma_wait3A_531] : memref<2x16x128xi32, #tpu.memory_space<vmem>> -> memref<1x1x128xi32, #tpu.memory_space<vmem>>
        %dma_wait3A_533 = tpu.memref_squeeze %dma_wait3A_532 : memref<1x1x128xi32, #tpu.memory_space<vmem>> -> memref<128xi32, #tpu.memory_space<vmem>>
        %dma_wait3A_534 = arith.constant 0 : i32
        %dma_wait3A_535 = arith.constant 0 : i32
        %dma_wait3A_536 = tpu.memref_slice %arg13[%dma_wait3A_534, %dma_wait3A_535] : memref<10240x128xf32, #tpu.memory_space<vmem_shared>> -> memref<10240x128xf32, #tpu.memory_space<vmem_shared>>
        tpu.wait_indirect_dma semaphore(%run_scoped3A_516 : memref<!tpu.dma_semaphore, #tpu.memory_space<semaphore_mem>>) src(%dma_wait3A_530 : memref<128x128xf32, #tpu.memory_space<vmem>>) dst(%dma_wait3A_536 : memref<10240x128xf32, #tpu.memory_space<vmem_shared>>)
        tpu.yield
      }) : () -> ()
      %dma_start3A_263 = arith.constant 8 : i32
      %dma_start3A_264 = arith.constant 0 : i32
      %dma_start3A_265 = arith.constant 0 : i32
      %dma_start3A_266 = arith.constant 0 : i32
      %dma_start3A_267 = tpu.memref_slice %arg11[%dma_start3A_264, %dma_start3A_265, %dma_start3A_266] : memref<2x128x128xf32, #tpu.memory_space<vmem>> -> memref<1x128x128xf32, #tpu.memory_space<vmem>>
      %dma_start3A_268 = tpu.memref_squeeze %dma_start3A_267 : memref<1x128x128xf32, #tpu.memory_space<vmem>> -> memref<128x128xf32, #tpu.memory_space<vmem>>
      %dma_start3A_269 = arith.constant 0 : i32
      %dma_start3A_270 = tpu.memref_slice %arg9[%rem3A_82, %dma_start3A_263, %dma_start3A_269] : memref<2x16x128xi32, #tpu.memory_space<vmem>> -> memref<1x1x128xi32, #tpu.memory_space<vmem>>
      %dma_start3A_271 = tpu.memref_squeeze %dma_start3A_270 : memref<1x1x128xi32, #tpu.memory_space<vmem>> -> memref<128xi32, #tpu.memory_space<vmem>>
      %dma_start3A_272 = arith.constant 0 : i32
      %dma_start3A_273 = arith.constant 0 : i32
      %dma_start3A_274 = tpu.memref_slice %arg2[%dma_start3A_272, %dma_start3A_273] : memref<100000x128xf32, #tpu.memory_space<hbm>> -> memref<100000x128xf32, #tpu.memory_space<hbm>>
      tpu.enqueue_indirect_dma source(%dma_start3A_274 : memref<100000x128xf32, #tpu.memory_space<hbm>>) target(%dma_start3A_268 : memref<128x128xf32, #tpu.memory_space<vmem>>) offsets(%dma_start3A_271 : memref<128xi32, #tpu.memory_space<vmem>>) semaphore(%arg15 : memref<!tpu.dma_semaphore, #tpu.memory_space<semaphore_mem>>)
      %run_scoped3A_275 = arith.constant 6 : i32
      "tpu.region"() ({
        %run_scoped3A_516 = tpu.sem_alloc : memref<!tpu.dma_semaphore, #tpu.memory_space<semaphore_mem>>
        %dma_start3A_517 = arith.constant 0 : i32
        %dma_start3A_518 = tpu.memref_slice %arg10[%rem3A_82, %run_scoped3A_275, %dma_start3A_517] : memref<2x16x128xi32, #tpu.memory_space<vmem>> -> memref<1x1x128xi32, #tpu.memory_space<vmem>>
        %dma_start3A_519 = tpu.memref_squeeze %dma_start3A_518 : memref<1x1x128xi32, #tpu.memory_space<vmem>> -> memref<128xi32, #tpu.memory_space<vmem>>
        %dma_start3A_520 = arith.constant 0 : i32
        %dma_start3A_521 = tpu.memref_slice %arg14[%dma_start3A_520] : memref<10240xf32, #tpu.memory_space<vmem_shared>> -> memref<10240xf32, #tpu.memory_space<vmem_shared>>
        tpu.enqueue_indirect_dma source(%arg12 : memref<128xf32, #tpu.memory_space<vmem>>) target(%dma_start3A_521 : memref<10240xf32, #tpu.memory_space<vmem_shared>>) offsets(%dma_start3A_519 : memref<128xi32, #tpu.memory_space<vmem>>) semaphore(%run_scoped3A_516 : memref<!tpu.dma_semaphore, #tpu.memory_space<semaphore_mem>>) {add = true}
        %dma_wait3A_522 = arith.constant 0 : i32
        %dma_wait3A_523 = tpu.memref_slice %arg10[%rem3A_82, %run_scoped3A_275, %dma_wait3A_522] : memref<2x16x128xi32, #tpu.memory_space<vmem>> -> memref<1x1x128xi32, #tpu.memory_space<vmem>>
        %dma_wait3A_524 = tpu.memref_squeeze %dma_wait3A_523 : memref<1x1x128xi32, #tpu.memory_space<vmem>> -> memref<128xi32, #tpu.memory_space<vmem>>
        %dma_wait3A_525 = arith.constant 0 : i32
        %dma_wait3A_526 = tpu.memref_slice %arg14[%dma_wait3A_525] : memref<10240xf32, #tpu.memory_space<vmem_shared>> -> memref<10240xf32, #tpu.memory_space<vmem_shared>>
        tpu.wait_indirect_dma semaphore(%run_scoped3A_516 : memref<!tpu.dma_semaphore, #tpu.memory_space<semaphore_mem>>) src(%arg12 : memref<128xf32, #tpu.memory_space<vmem>>) dst(%dma_wait3A_526 : memref<10240xf32, #tpu.memory_space<vmem_shared>>)
        tpu.yield
      }) : () -> ()
      %dma_wait3A_276 = arith.constant 7 : i32
      %dma_wait3A_277 = arith.constant 1 : i32
      %dma_wait3A_278 = arith.constant 0 : i32
      %dma_wait3A_279 = arith.constant 0 : i32
      %dma_wait3A_280 = tpu.memref_slice %arg11[%dma_wait3A_277, %dma_wait3A_278, %dma_wait3A_279] : memref<2x128x128xf32, #tpu.memory_space<vmem>> -> memref<1x128x128xf32, #tpu.memory_space<vmem>>
      %dma_wait3A_281 = tpu.memref_squeeze %dma_wait3A_280 : memref<1x128x128xf32, #tpu.memory_space<vmem>> -> memref<128x128xf32, #tpu.memory_space<vmem>>
      %dma_wait3A_282 = arith.constant 0 : i32
      %dma_wait3A_283 = tpu.memref_slice %arg9[%rem3A_82, %dma_wait3A_276, %dma_wait3A_282] : memref<2x16x128xi32, #tpu.memory_space<vmem>> -> memref<1x1x128xi32, #tpu.memory_space<vmem>>
      %dma_wait3A_284 = tpu.memref_squeeze %dma_wait3A_283 : memref<1x1x128xi32, #tpu.memory_space<vmem>> -> memref<128xi32, #tpu.memory_space<vmem>>
      %dma_wait3A_285 = arith.constant 0 : i32
      %dma_wait3A_286 = arith.constant 0 : i32
      %dma_wait3A_287 = tpu.memref_slice %arg2[%dma_wait3A_285, %dma_wait3A_286] : memref<100000x128xf32, #tpu.memory_space<hbm>> -> memref<100000x128xf32, #tpu.memory_space<hbm>>
      tpu.wait_indirect_dma semaphore(%arg16 : memref<!tpu.dma_semaphore, #tpu.memory_space<semaphore_mem>>) src(%dma_wait3A_287 : memref<100000x128xf32, #tpu.memory_space<hbm>>) dst(%dma_wait3A_281 : memref<128x128xf32, #tpu.memory_space<vmem>>)
      %run_scoped3A_288 = arith.constant 1 : i32
      %run_scoped3A_289 = arith.constant 7 : i32
      "tpu.region"() ({
        %run_scoped3A_516 = tpu.sem_alloc : memref<!tpu.dma_semaphore, #tpu.memory_space<semaphore_mem>>
        %dma_start3A_517 = arith.constant 0 : i32
        %dma_start3A_518 = arith.constant 0 : i32
        %dma_start3A_519 = tpu.memref_slice %arg11[%run_scoped3A_288, %dma_start3A_517, %dma_start3A_518] : memref<2x128x128xf32, #tpu.memory_space<vmem>> -> memref<1x128x128xf32, #tpu.memory_space<vmem>>
        %dma_start3A_520 = tpu.memref_squeeze %dma_start3A_519 : memref<1x128x128xf32, #tpu.memory_space<vmem>> -> memref<128x128xf32, #tpu.memory_space<vmem>>
        %dma_start3A_521 = arith.constant 0 : i32
        %dma_start3A_522 = tpu.memref_slice %arg10[%rem3A_82, %run_scoped3A_289, %dma_start3A_521] : memref<2x16x128xi32, #tpu.memory_space<vmem>> -> memref<1x1x128xi32, #tpu.memory_space<vmem>>
        %dma_start3A_523 = tpu.memref_squeeze %dma_start3A_522 : memref<1x1x128xi32, #tpu.memory_space<vmem>> -> memref<128xi32, #tpu.memory_space<vmem>>
        %dma_start3A_524 = arith.constant 0 : i32
        %dma_start3A_525 = arith.constant 0 : i32
        %dma_start3A_526 = tpu.memref_slice %arg13[%dma_start3A_524, %dma_start3A_525] : memref<10240x128xf32, #tpu.memory_space<vmem_shared>> -> memref<10240x128xf32, #tpu.memory_space<vmem_shared>>
        tpu.enqueue_indirect_dma source(%dma_start3A_520 : memref<128x128xf32, #tpu.memory_space<vmem>>) target(%dma_start3A_526 : memref<10240x128xf32, #tpu.memory_space<vmem_shared>>) offsets(%dma_start3A_523 : memref<128xi32, #tpu.memory_space<vmem>>) semaphore(%run_scoped3A_516 : memref<!tpu.dma_semaphore, #tpu.memory_space<semaphore_mem>>) {add = true}
        %dma_wait3A_527 = arith.constant 0 : i32
        %dma_wait3A_528 = arith.constant 0 : i32
        %dma_wait3A_529 = tpu.memref_slice %arg11[%run_scoped3A_288, %dma_wait3A_527, %dma_wait3A_528] : memref<2x128x128xf32, #tpu.memory_space<vmem>> -> memref<1x128x128xf32, #tpu.memory_space<vmem>>
        %dma_wait3A_530 = tpu.memref_squeeze %dma_wait3A_529 : memref<1x128x128xf32, #tpu.memory_space<vmem>> -> memref<128x128xf32, #tpu.memory_space<vmem>>
        %dma_wait3A_531 = arith.constant 0 : i32
        %dma_wait3A_532 = tpu.memref_slice %arg10[%rem3A_82, %run_scoped3A_289, %dma_wait3A_531] : memref<2x16x128xi32, #tpu.memory_space<vmem>> -> memref<1x1x128xi32, #tpu.memory_space<vmem>>
        %dma_wait3A_533 = tpu.memref_squeeze %dma_wait3A_532 : memref<1x1x128xi32, #tpu.memory_space<vmem>> -> memref<128xi32, #tpu.memory_space<vmem>>
        %dma_wait3A_534 = arith.constant 0 : i32
        %dma_wait3A_535 = arith.constant 0 : i32
        %dma_wait3A_536 = tpu.memref_slice %arg13[%dma_wait3A_534, %dma_wait3A_535] : memref<10240x128xf32, #tpu.memory_space<vmem_shared>> -> memref<10240x128xf32, #tpu.memory_space<vmem_shared>>
        tpu.wait_indirect_dma semaphore(%run_scoped3A_516 : memref<!tpu.dma_semaphore, #tpu.memory_space<semaphore_mem>>) src(%dma_wait3A_530 : memref<128x128xf32, #tpu.memory_space<vmem>>) dst(%dma_wait3A_536 : memref<10240x128xf32, #tpu.memory_space<vmem_shared>>)
        tpu.yield
      }) : () -> ()
      %dma_start3A_290 = arith.constant 9 : i32
      %dma_start3A_291 = arith.constant 1 : i32
      %dma_start3A_292 = arith.constant 0 : i32
      %dma_start3A_293 = arith.constant 0 : i32
      %dma_start3A_294 = tpu.memref_slice %arg11[%dma_start3A_291, %dma_start3A_292, %dma_start3A_293] : memref<2x128x128xf32, #tpu.memory_space<vmem>> -> memref<1x128x128xf32, #tpu.memory_space<vmem>>
      %dma_start3A_295 = tpu.memref_squeeze %dma_start3A_294 : memref<1x128x128xf32, #tpu.memory_space<vmem>> -> memref<128x128xf32, #tpu.memory_space<vmem>>
      %dma_start3A_296 = arith.constant 0 : i32
      %dma_start3A_297 = tpu.memref_slice %arg9[%rem3A_82, %dma_start3A_290, %dma_start3A_296] : memref<2x16x128xi32, #tpu.memory_space<vmem>> -> memref<1x1x128xi32, #tpu.memory_space<vmem>>
      %dma_start3A_298 = tpu.memref_squeeze %dma_start3A_297 : memref<1x1x128xi32, #tpu.memory_space<vmem>> -> memref<128xi32, #tpu.memory_space<vmem>>
      %dma_start3A_299 = arith.constant 0 : i32
      %dma_start3A_300 = arith.constant 0 : i32
      %dma_start3A_301 = tpu.memref_slice %arg2[%dma_start3A_299, %dma_start3A_300] : memref<100000x128xf32, #tpu.memory_space<hbm>> -> memref<100000x128xf32, #tpu.memory_space<hbm>>
      tpu.enqueue_indirect_dma source(%dma_start3A_301 : memref<100000x128xf32, #tpu.memory_space<hbm>>) target(%dma_start3A_295 : memref<128x128xf32, #tpu.memory_space<vmem>>) offsets(%dma_start3A_298 : memref<128xi32, #tpu.memory_space<vmem>>) semaphore(%arg16 : memref<!tpu.dma_semaphore, #tpu.memory_space<semaphore_mem>>)
      %run_scoped3A_302 = arith.constant 7 : i32
      "tpu.region"() ({
        %run_scoped3A_516 = tpu.sem_alloc : memref<!tpu.dma_semaphore, #tpu.memory_space<semaphore_mem>>
        %dma_start3A_517 = arith.constant 0 : i32
        %dma_start3A_518 = tpu.memref_slice %arg10[%rem3A_82, %run_scoped3A_302, %dma_start3A_517] : memref<2x16x128xi32, #tpu.memory_space<vmem>> -> memref<1x1x128xi32, #tpu.memory_space<vmem>>
        %dma_start3A_519 = tpu.memref_squeeze %dma_start3A_518 : memref<1x1x128xi32, #tpu.memory_space<vmem>> -> memref<128xi32, #tpu.memory_space<vmem>>
        %dma_start3A_520 = arith.constant 0 : i32
        %dma_start3A_521 = tpu.memref_slice %arg14[%dma_start3A_520] : memref<10240xf32, #tpu.memory_space<vmem_shared>> -> memref<10240xf32, #tpu.memory_space<vmem_shared>>
        tpu.enqueue_indirect_dma source(%arg12 : memref<128xf32, #tpu.memory_space<vmem>>) target(%dma_start3A_521 : memref<10240xf32, #tpu.memory_space<vmem_shared>>) offsets(%dma_start3A_519 : memref<128xi32, #tpu.memory_space<vmem>>) semaphore(%run_scoped3A_516 : memref<!tpu.dma_semaphore, #tpu.memory_space<semaphore_mem>>) {add = true}
        %dma_wait3A_522 = arith.constant 0 : i32
        %dma_wait3A_523 = tpu.memref_slice %arg10[%rem3A_82, %run_scoped3A_302, %dma_wait3A_522] : memref<2x16x128xi32, #tpu.memory_space<vmem>> -> memref<1x1x128xi32, #tpu.memory_space<vmem>>
        %dma_wait3A_524 = tpu.memref_squeeze %dma_wait3A_523 : memref<1x1x128xi32, #tpu.memory_space<vmem>> -> memref<128xi32, #tpu.memory_space<vmem>>
        %dma_wait3A_525 = arith.constant 0 : i32
        %dma_wait3A_526 = tpu.memref_slice %arg14[%dma_wait3A_525] : memref<10240xf32, #tpu.memory_space<vmem_shared>> -> memref<10240xf32, #tpu.memory_space<vmem_shared>>
        tpu.wait_indirect_dma semaphore(%run_scoped3A_516 : memref<!tpu.dma_semaphore, #tpu.memory_space<semaphore_mem>>) src(%arg12 : memref<128xf32, #tpu.memory_space<vmem>>) dst(%dma_wait3A_526 : memref<10240xf32, #tpu.memory_space<vmem_shared>>)
        tpu.yield
      }) : () -> ()
      %dma_wait3A_303 = arith.constant 8 : i32
      %dma_wait3A_304 = arith.constant 0 : i32
      %dma_wait3A_305 = arith.constant 0 : i32
      %dma_wait3A_306 = arith.constant 0 : i32
      %dma_wait3A_307 = tpu.memref_slice %arg11[%dma_wait3A_304, %dma_wait3A_305, %dma_wait3A_306] : memref<2x128x128xf32, #tpu.memory_space<vmem>> -> memref<1x128x128xf32, #tpu.memory_space<vmem>>
      %dma_wait3A_308 = tpu.memref_squeeze %dma_wait3A_307 : memref<1x128x128xf32, #tpu.memory_space<vmem>> -> memref<128x128xf32, #tpu.memory_space<vmem>>
      %dma_wait3A_309 = arith.constant 0 : i32
      %dma_wait3A_310 = tpu.memref_slice %arg9[%rem3A_82, %dma_wait3A_303, %dma_wait3A_309] : memref<2x16x128xi32, #tpu.memory_space<vmem>> -> memref<1x1x128xi32, #tpu.memory_space<vmem>>
      %dma_wait3A_311 = tpu.memref_squeeze %dma_wait3A_310 : memref<1x1x128xi32, #tpu.memory_space<vmem>> -> memref<128xi32, #tpu.memory_space<vmem>>
      %dma_wait3A_312 = arith.constant 0 : i32
      %dma_wait3A_313 = arith.constant 0 : i32
      %dma_wait3A_314 = tpu.memref_slice %arg2[%dma_wait3A_312, %dma_wait3A_313] : memref<100000x128xf32, #tpu.memory_space<hbm>> -> memref<100000x128xf32, #tpu.memory_space<hbm>>
      tpu.wait_indirect_dma semaphore(%arg15 : memref<!tpu.dma_semaphore, #tpu.memory_space<semaphore_mem>>) src(%dma_wait3A_314 : memref<100000x128xf32, #tpu.memory_space<hbm>>) dst(%dma_wait3A_308 : memref<128x128xf32, #tpu.memory_space<vmem>>)
      %run_scoped3A_315 = arith.constant 0 : i32
      %run_scoped3A_316 = arith.constant 8 : i32
      "tpu.region"() ({
        %run_scoped3A_516 = tpu.sem_alloc : memref<!tpu.dma_semaphore, #tpu.memory_space<semaphore_mem>>
        %dma_start3A_517 = arith.constant 0 : i32
        %dma_start3A_518 = arith.constant 0 : i32
        %dma_start3A_519 = tpu.memref_slice %arg11[%run_scoped3A_315, %dma_start3A_517, %dma_start3A_518] : memref<2x128x128xf32, #tpu.memory_space<vmem>> -> memref<1x128x128xf32, #tpu.memory_space<vmem>>
        %dma_start3A_520 = tpu.memref_squeeze %dma_start3A_519 : memref<1x128x128xf32, #tpu.memory_space<vmem>> -> memref<128x128xf32, #tpu.memory_space<vmem>>
        %dma_start3A_521 = arith.constant 0 : i32
        %dma_start3A_522 = tpu.memref_slice %arg10[%rem3A_82, %run_scoped3A_316, %dma_start3A_521] : memref<2x16x128xi32, #tpu.memory_space<vmem>> -> memref<1x1x128xi32, #tpu.memory_space<vmem>>
        %dma_start3A_523 = tpu.memref_squeeze %dma_start3A_522 : memref<1x1x128xi32, #tpu.memory_space<vmem>> -> memref<128xi32, #tpu.memory_space<vmem>>
        %dma_start3A_524 = arith.constant 0 : i32
        %dma_start3A_525 = arith.constant 0 : i32
        %dma_start3A_526 = tpu.memref_slice %arg13[%dma_start3A_524, %dma_start3A_525] : memref<10240x128xf32, #tpu.memory_space<vmem_shared>> -> memref<10240x128xf32, #tpu.memory_space<vmem_shared>>
        tpu.enqueue_indirect_dma source(%dma_start3A_520 : memref<128x128xf32, #tpu.memory_space<vmem>>) target(%dma_start3A_526 : memref<10240x128xf32, #tpu.memory_space<vmem_shared>>) offsets(%dma_start3A_523 : memref<128xi32, #tpu.memory_space<vmem>>) semaphore(%run_scoped3A_516 : memref<!tpu.dma_semaphore, #tpu.memory_space<semaphore_mem>>) {add = true}
        %dma_wait3A_527 = arith.constant 0 : i32
        %dma_wait3A_528 = arith.constant 0 : i32
        %dma_wait3A_529 = tpu.memref_slice %arg11[%run_scoped3A_315, %dma_wait3A_527, %dma_wait3A_528] : memref<2x128x128xf32, #tpu.memory_space<vmem>> -> memref<1x128x128xf32, #tpu.memory_space<vmem>>
        %dma_wait3A_530 = tpu.memref_squeeze %dma_wait3A_529 : memref<1x128x128xf32, #tpu.memory_space<vmem>> -> memref<128x128xf32, #tpu.memory_space<vmem>>
        %dma_wait3A_531 = arith.constant 0 : i32
        %dma_wait3A_532 = tpu.memref_slice %arg10[%rem3A_82, %run_scoped3A_316, %dma_wait3A_531] : memref<2x16x128xi32, #tpu.memory_space<vmem>> -> memref<1x1x128xi32, #tpu.memory_space<vmem>>
        %dma_wait3A_533 = tpu.memref_squeeze %dma_wait3A_532 : memref<1x1x128xi32, #tpu.memory_space<vmem>> -> memref<128xi32, #tpu.memory_space<vmem>>
        %dma_wait3A_534 = arith.constant 0 : i32
        %dma_wait3A_535 = arith.constant 0 : i32
        %dma_wait3A_536 = tpu.memref_slice %arg13[%dma_wait3A_534, %dma_wait3A_535] : memref<10240x128xf32, #tpu.memory_space<vmem_shared>> -> memref<10240x128xf32, #tpu.memory_space<vmem_shared>>
        tpu.wait_indirect_dma semaphore(%run_scoped3A_516 : memref<!tpu.dma_semaphore, #tpu.memory_space<semaphore_mem>>) src(%dma_wait3A_530 : memref<128x128xf32, #tpu.memory_space<vmem>>) dst(%dma_wait3A_536 : memref<10240x128xf32, #tpu.memory_space<vmem_shared>>)
        tpu.yield
      }) : () -> ()
      %dma_start3A_317 = arith.constant 10 : i32
      %dma_start3A_318 = arith.constant 0 : i32
      %dma_start3A_319 = arith.constant 0 : i32
      %dma_start3A_320 = arith.constant 0 : i32
      %dma_start3A_321 = tpu.memref_slice %arg11[%dma_start3A_318, %dma_start3A_319, %dma_start3A_320] : memref<2x128x128xf32, #tpu.memory_space<vmem>> -> memref<1x128x128xf32, #tpu.memory_space<vmem>>
      %dma_start3A_322 = tpu.memref_squeeze %dma_start3A_321 : memref<1x128x128xf32, #tpu.memory_space<vmem>> -> memref<128x128xf32, #tpu.memory_space<vmem>>
      %dma_start3A_323 = arith.constant 0 : i32
      %dma_start3A_324 = tpu.memref_slice %arg9[%rem3A_82, %dma_start3A_317, %dma_start3A_323] : memref<2x16x128xi32, #tpu.memory_space<vmem>> -> memref<1x1x128xi32, #tpu.memory_space<vmem>>
      %dma_start3A_325 = tpu.memref_squeeze %dma_start3A_324 : memref<1x1x128xi32, #tpu.memory_space<vmem>> -> memref<128xi32, #tpu.memory_space<vmem>>
      %dma_start3A_326 = arith.constant 0 : i32
      %dma_start3A_327 = arith.constant 0 : i32
      %dma_start3A_328 = tpu.memref_slice %arg2[%dma_start3A_326, %dma_start3A_327] : memref<100000x128xf32, #tpu.memory_space<hbm>> -> memref<100000x128xf32, #tpu.memory_space<hbm>>
      tpu.enqueue_indirect_dma source(%dma_start3A_328 : memref<100000x128xf32, #tpu.memory_space<hbm>>) target(%dma_start3A_322 : memref<128x128xf32, #tpu.memory_space<vmem>>) offsets(%dma_start3A_325 : memref<128xi32, #tpu.memory_space<vmem>>) semaphore(%arg15 : memref<!tpu.dma_semaphore, #tpu.memory_space<semaphore_mem>>)
      %run_scoped3A_329 = arith.constant 8 : i32
      "tpu.region"() ({
        %run_scoped3A_516 = tpu.sem_alloc : memref<!tpu.dma_semaphore, #tpu.memory_space<semaphore_mem>>
        %dma_start3A_517 = arith.constant 0 : i32
        %dma_start3A_518 = tpu.memref_slice %arg10[%rem3A_82, %run_scoped3A_329, %dma_start3A_517] : memref<2x16x128xi32, #tpu.memory_space<vmem>> -> memref<1x1x128xi32, #tpu.memory_space<vmem>>
        %dma_start3A_519 = tpu.memref_squeeze %dma_start3A_518 : memref<1x1x128xi32, #tpu.memory_space<vmem>> -> memref<128xi32, #tpu.memory_space<vmem>>
        %dma_start3A_520 = arith.constant 0 : i32
        %dma_start3A_521 = tpu.memref_slice %arg14[%dma_start3A_520] : memref<10240xf32, #tpu.memory_space<vmem_shared>> -> memref<10240xf32, #tpu.memory_space<vmem_shared>>
        tpu.enqueue_indirect_dma source(%arg12 : memref<128xf32, #tpu.memory_space<vmem>>) target(%dma_start3A_521 : memref<10240xf32, #tpu.memory_space<vmem_shared>>) offsets(%dma_start3A_519 : memref<128xi32, #tpu.memory_space<vmem>>) semaphore(%run_scoped3A_516 : memref<!tpu.dma_semaphore, #tpu.memory_space<semaphore_mem>>) {add = true}
        %dma_wait3A_522 = arith.constant 0 : i32
        %dma_wait3A_523 = tpu.memref_slice %arg10[%rem3A_82, %run_scoped3A_329, %dma_wait3A_522] : memref<2x16x128xi32, #tpu.memory_space<vmem>> -> memref<1x1x128xi32, #tpu.memory_space<vmem>>
        %dma_wait3A_524 = tpu.memref_squeeze %dma_wait3A_523 : memref<1x1x128xi32, #tpu.memory_space<vmem>> -> memref<128xi32, #tpu.memory_space<vmem>>
        %dma_wait3A_525 = arith.constant 0 : i32
        %dma_wait3A_526 = tpu.memref_slice %arg14[%dma_wait3A_525] : memref<10240xf32, #tpu.memory_space<vmem_shared>> -> memref<10240xf32, #tpu.memory_space<vmem_shared>>
        tpu.wait_indirect_dma semaphore(%run_scoped3A_516 : memref<!tpu.dma_semaphore, #tpu.memory_space<semaphore_mem>>) src(%arg12 : memref<128xf32, #tpu.memory_space<vmem>>) dst(%dma_wait3A_526 : memref<10240xf32, #tpu.memory_space<vmem_shared>>)
        tpu.yield
      }) : () -> ()
      %dma_wait3A_330 = arith.constant 9 : i32
      %dma_wait3A_331 = arith.constant 1 : i32
      %dma_wait3A_332 = arith.constant 0 : i32
      %dma_wait3A_333 = arith.constant 0 : i32
      %dma_wait3A_334 = tpu.memref_slice %arg11[%dma_wait3A_331, %dma_wait3A_332, %dma_wait3A_333] : memref<2x128x128xf32, #tpu.memory_space<vmem>> -> memref<1x128x128xf32, #tpu.memory_space<vmem>>
      %dma_wait3A_335 = tpu.memref_squeeze %dma_wait3A_334 : memref<1x128x128xf32, #tpu.memory_space<vmem>> -> memref<128x128xf32, #tpu.memory_space<vmem>>
      %dma_wait3A_336 = arith.constant 0 : i32
      %dma_wait3A_337 = tpu.memref_slice %arg9[%rem3A_82, %dma_wait3A_330, %dma_wait3A_336] : memref<2x16x128xi32, #tpu.memory_space<vmem>> -> memref<1x1x128xi32, #tpu.memory_space<vmem>>
      %dma_wait3A_338 = tpu.memref_squeeze %dma_wait3A_337 : memref<1x1x128xi32, #tpu.memory_space<vmem>> -> memref<128xi32, #tpu.memory_space<vmem>>
      %dma_wait3A_339 = arith.constant 0 : i32
      %dma_wait3A_340 = arith.constant 0 : i32
      %dma_wait3A_341 = tpu.memref_slice %arg2[%dma_wait3A_339, %dma_wait3A_340] : memref<100000x128xf32, #tpu.memory_space<hbm>> -> memref<100000x128xf32, #tpu.memory_space<hbm>>
      tpu.wait_indirect_dma semaphore(%arg16 : memref<!tpu.dma_semaphore, #tpu.memory_space<semaphore_mem>>) src(%dma_wait3A_341 : memref<100000x128xf32, #tpu.memory_space<hbm>>) dst(%dma_wait3A_335 : memref<128x128xf32, #tpu.memory_space<vmem>>)
      %run_scoped3A_342 = arith.constant 1 : i32
      %run_scoped3A_343 = arith.constant 9 : i32
      "tpu.region"() ({
        %run_scoped3A_516 = tpu.sem_alloc : memref<!tpu.dma_semaphore, #tpu.memory_space<semaphore_mem>>
        %dma_start3A_517 = arith.constant 0 : i32
        %dma_start3A_518 = arith.constant 0 : i32
        %dma_start3A_519 = tpu.memref_slice %arg11[%run_scoped3A_342, %dma_start3A_517, %dma_start3A_518] : memref<2x128x128xf32, #tpu.memory_space<vmem>> -> memref<1x128x128xf32, #tpu.memory_space<vmem>>
        %dma_start3A_520 = tpu.memref_squeeze %dma_start3A_519 : memref<1x128x128xf32, #tpu.memory_space<vmem>> -> memref<128x128xf32, #tpu.memory_space<vmem>>
        %dma_start3A_521 = arith.constant 0 : i32
        %dma_start3A_522 = tpu.memref_slice %arg10[%rem3A_82, %run_scoped3A_343, %dma_start3A_521] : memref<2x16x128xi32, #tpu.memory_space<vmem>> -> memref<1x1x128xi32, #tpu.memory_space<vmem>>
        %dma_start3A_523 = tpu.memref_squeeze %dma_start3A_522 : memref<1x1x128xi32, #tpu.memory_space<vmem>> -> memref<128xi32, #tpu.memory_space<vmem>>
        %dma_start3A_524 = arith.constant 0 : i32
        %dma_start3A_525 = arith.constant 0 : i32
        %dma_start3A_526 = tpu.memref_slice %arg13[%dma_start3A_524, %dma_start3A_525] : memref<10240x128xf32, #tpu.memory_space<vmem_shared>> -> memref<10240x128xf32, #tpu.memory_space<vmem_shared>>
        tpu.enqueue_indirect_dma source(%dma_start3A_520 : memref<128x128xf32, #tpu.memory_space<vmem>>) target(%dma_start3A_526 : memref<10240x128xf32, #tpu.memory_space<vmem_shared>>) offsets(%dma_start3A_523 : memref<128xi32, #tpu.memory_space<vmem>>) semaphore(%run_scoped3A_516 : memref<!tpu.dma_semaphore, #tpu.memory_space<semaphore_mem>>) {add = true}
        %dma_wait3A_527 = arith.constant 0 : i32
        %dma_wait3A_528 = arith.constant 0 : i32
        %dma_wait3A_529 = tpu.memref_slice %arg11[%run_scoped3A_342, %dma_wait3A_527, %dma_wait3A_528] : memref<2x128x128xf32, #tpu.memory_space<vmem>> -> memref<1x128x128xf32, #tpu.memory_space<vmem>>
        %dma_wait3A_530 = tpu.memref_squeeze %dma_wait3A_529 : memref<1x128x128xf32, #tpu.memory_space<vmem>> -> memref<128x128xf32, #tpu.memory_space<vmem>>
        %dma_wait3A_531 = arith.constant 0 : i32
        %dma_wait3A_532 = tpu.memref_slice %arg10[%rem3A_82, %run_scoped3A_343, %dma_wait3A_531] : memref<2x16x128xi32, #tpu.memory_space<vmem>> -> memref<1x1x128xi32, #tpu.memory_space<vmem>>
        %dma_wait3A_533 = tpu.memref_squeeze %dma_wait3A_532 : memref<1x1x128xi32, #tpu.memory_space<vmem>> -> memref<128xi32, #tpu.memory_space<vmem>>
        %dma_wait3A_534 = arith.constant 0 : i32
        %dma_wait3A_535 = arith.constant 0 : i32
        %dma_wait3A_536 = tpu.memref_slice %arg13[%dma_wait3A_534, %dma_wait3A_535] : memref<10240x128xf32, #tpu.memory_space<vmem_shared>> -> memref<10240x128xf32, #tpu.memory_space<vmem_shared>>
        tpu.wait_indirect_dma semaphore(%run_scoped3A_516 : memref<!tpu.dma_semaphore, #tpu.memory_space<semaphore_mem>>) src(%dma_wait3A_530 : memref<128x128xf32, #tpu.memory_space<vmem>>) dst(%dma_wait3A_536 : memref<10240x128xf32, #tpu.memory_space<vmem_shared>>)
        tpu.yield
      }) : () -> ()
      %dma_start3A_344 = arith.constant 11 : i32
      %dma_start3A_345 = arith.constant 1 : i32
      %dma_start3A_346 = arith.constant 0 : i32
      %dma_start3A_347 = arith.constant 0 : i32
      %dma_start3A_348 = tpu.memref_slice %arg11[%dma_start3A_345, %dma_start3A_346, %dma_start3A_347] : memref<2x128x128xf32, #tpu.memory_space<vmem>> -> memref<1x128x128xf32, #tpu.memory_space<vmem>>
      %dma_start3A_349 = tpu.memref_squeeze %dma_start3A_348 : memref<1x128x128xf32, #tpu.memory_space<vmem>> -> memref<128x128xf32, #tpu.memory_space<vmem>>
      %dma_start3A_350 = arith.constant 0 : i32
      %dma_start3A_351 = tpu.memref_slice %arg9[%rem3A_82, %dma_start3A_344, %dma_start3A_350] : memref<2x16x128xi32, #tpu.memory_space<vmem>> -> memref<1x1x128xi32, #tpu.memory_space<vmem>>
      %dma_start3A_352 = tpu.memref_squeeze %dma_start3A_351 : memref<1x1x128xi32, #tpu.memory_space<vmem>> -> memref<128xi32, #tpu.memory_space<vmem>>
      %dma_start3A_353 = arith.constant 0 : i32
      %dma_start3A_354 = arith.constant 0 : i32
      %dma_start3A_355 = tpu.memref_slice %arg2[%dma_start3A_353, %dma_start3A_354] : memref<100000x128xf32, #tpu.memory_space<hbm>> -> memref<100000x128xf32, #tpu.memory_space<hbm>>
      tpu.enqueue_indirect_dma source(%dma_start3A_355 : memref<100000x128xf32, #tpu.memory_space<hbm>>) target(%dma_start3A_349 : memref<128x128xf32, #tpu.memory_space<vmem>>) offsets(%dma_start3A_352 : memref<128xi32, #tpu.memory_space<vmem>>) semaphore(%arg16 : memref<!tpu.dma_semaphore, #tpu.memory_space<semaphore_mem>>)
      %run_scoped3A_356 = arith.constant 9 : i32
      "tpu.region"() ({
        %run_scoped3A_516 = tpu.sem_alloc : memref<!tpu.dma_semaphore, #tpu.memory_space<semaphore_mem>>
        %dma_start3A_517 = arith.constant 0 : i32
        %dma_start3A_518 = tpu.memref_slice %arg10[%rem3A_82, %run_scoped3A_356, %dma_start3A_517] : memref<2x16x128xi32, #tpu.memory_space<vmem>> -> memref<1x1x128xi32, #tpu.memory_space<vmem>>
        %dma_start3A_519 = tpu.memref_squeeze %dma_start3A_518 : memref<1x1x128xi32, #tpu.memory_space<vmem>> -> memref<128xi32, #tpu.memory_space<vmem>>
        %dma_start3A_520 = arith.constant 0 : i32
        %dma_start3A_521 = tpu.memref_slice %arg14[%dma_start3A_520] : memref<10240xf32, #tpu.memory_space<vmem_shared>> -> memref<10240xf32, #tpu.memory_space<vmem_shared>>
        tpu.enqueue_indirect_dma source(%arg12 : memref<128xf32, #tpu.memory_space<vmem>>) target(%dma_start3A_521 : memref<10240xf32, #tpu.memory_space<vmem_shared>>) offsets(%dma_start3A_519 : memref<128xi32, #tpu.memory_space<vmem>>) semaphore(%run_scoped3A_516 : memref<!tpu.dma_semaphore, #tpu.memory_space<semaphore_mem>>) {add = true}
        %dma_wait3A_522 = arith.constant 0 : i32
        %dma_wait3A_523 = tpu.memref_slice %arg10[%rem3A_82, %run_scoped3A_356, %dma_wait3A_522] : memref<2x16x128xi32, #tpu.memory_space<vmem>> -> memref<1x1x128xi32, #tpu.memory_space<vmem>>
        %dma_wait3A_524 = tpu.memref_squeeze %dma_wait3A_523 : memref<1x1x128xi32, #tpu.memory_space<vmem>> -> memref<128xi32, #tpu.memory_space<vmem>>
        %dma_wait3A_525 = arith.constant 0 : i32
        %dma_wait3A_526 = tpu.memref_slice %arg14[%dma_wait3A_525] : memref<10240xf32, #tpu.memory_space<vmem_shared>> -> memref<10240xf32, #tpu.memory_space<vmem_shared>>
        tpu.wait_indirect_dma semaphore(%run_scoped3A_516 : memref<!tpu.dma_semaphore, #tpu.memory_space<semaphore_mem>>) src(%arg12 : memref<128xf32, #tpu.memory_space<vmem>>) dst(%dma_wait3A_526 : memref<10240xf32, #tpu.memory_space<vmem_shared>>)
        tpu.yield
      }) : () -> ()
      %dma_wait3A_357 = arith.constant 10 : i32
      %dma_wait3A_358 = arith.constant 0 : i32
      %dma_wait3A_359 = arith.constant 0 : i32
      %dma_wait3A_360 = arith.constant 0 : i32
      %dma_wait3A_361 = tpu.memref_slice %arg11[%dma_wait3A_358, %dma_wait3A_359, %dma_wait3A_360] : memref<2x128x128xf32, #tpu.memory_space<vmem>> -> memref<1x128x128xf32, #tpu.memory_space<vmem>>
      %dma_wait3A_362 = tpu.memref_squeeze %dma_wait3A_361 : memref<1x128x128xf32, #tpu.memory_space<vmem>> -> memref<128x128xf32, #tpu.memory_space<vmem>>
      %dma_wait3A_363 = arith.constant 0 : i32
      %dma_wait3A_364 = tpu.memref_slice %arg9[%rem3A_82, %dma_wait3A_357, %dma_wait3A_363] : memref<2x16x128xi32, #tpu.memory_space<vmem>> -> memref<1x1x128xi32, #tpu.memory_space<vmem>>
      %dma_wait3A_365 = tpu.memref_squeeze %dma_wait3A_364 : memref<1x1x128xi32, #tpu.memory_space<vmem>> -> memref<128xi32, #tpu.memory_space<vmem>>
      %dma_wait3A_366 = arith.constant 0 : i32
      %dma_wait3A_367 = arith.constant 0 : i32
      %dma_wait3A_368 = tpu.memref_slice %arg2[%dma_wait3A_366, %dma_wait3A_367] : memref<100000x128xf32, #tpu.memory_space<hbm>> -> memref<100000x128xf32, #tpu.memory_space<hbm>>
      tpu.wait_indirect_dma semaphore(%arg15 : memref<!tpu.dma_semaphore, #tpu.memory_space<semaphore_mem>>) src(%dma_wait3A_368 : memref<100000x128xf32, #tpu.memory_space<hbm>>) dst(%dma_wait3A_362 : memref<128x128xf32, #tpu.memory_space<vmem>>)
      %run_scoped3A_369 = arith.constant 0 : i32
      %run_scoped3A_370 = arith.constant 10 : i32
      "tpu.region"() ({
        %run_scoped3A_516 = tpu.sem_alloc : memref<!tpu.dma_semaphore, #tpu.memory_space<semaphore_mem>>
        %dma_start3A_517 = arith.constant 0 : i32
        %dma_start3A_518 = arith.constant 0 : i32
        %dma_start3A_519 = tpu.memref_slice %arg11[%run_scoped3A_369, %dma_start3A_517, %dma_start3A_518] : memref<2x128x128xf32, #tpu.memory_space<vmem>> -> memref<1x128x128xf32, #tpu.memory_space<vmem>>
        %dma_start3A_520 = tpu.memref_squeeze %dma_start3A_519 : memref<1x128x128xf32, #tpu.memory_space<vmem>> -> memref<128x128xf32, #tpu.memory_space<vmem>>
        %dma_start3A_521 = arith.constant 0 : i32
        %dma_start3A_522 = tpu.memref_slice %arg10[%rem3A_82, %run_scoped3A_370, %dma_start3A_521] : memref<2x16x128xi32, #tpu.memory_space<vmem>> -> memref<1x1x128xi32, #tpu.memory_space<vmem>>
        %dma_start3A_523 = tpu.memref_squeeze %dma_start3A_522 : memref<1x1x128xi32, #tpu.memory_space<vmem>> -> memref<128xi32, #tpu.memory_space<vmem>>
        %dma_start3A_524 = arith.constant 0 : i32
        %dma_start3A_525 = arith.constant 0 : i32
        %dma_start3A_526 = tpu.memref_slice %arg13[%dma_start3A_524, %dma_start3A_525] : memref<10240x128xf32, #tpu.memory_space<vmem_shared>> -> memref<10240x128xf32, #tpu.memory_space<vmem_shared>>
        tpu.enqueue_indirect_dma source(%dma_start3A_520 : memref<128x128xf32, #tpu.memory_space<vmem>>) target(%dma_start3A_526 : memref<10240x128xf32, #tpu.memory_space<vmem_shared>>) offsets(%dma_start3A_523 : memref<128xi32, #tpu.memory_space<vmem>>) semaphore(%run_scoped3A_516 : memref<!tpu.dma_semaphore, #tpu.memory_space<semaphore_mem>>) {add = true}
        %dma_wait3A_527 = arith.constant 0 : i32
        %dma_wait3A_528 = arith.constant 0 : i32
        %dma_wait3A_529 = tpu.memref_slice %arg11[%run_scoped3A_369, %dma_wait3A_527, %dma_wait3A_528] : memref<2x128x128xf32, #tpu.memory_space<vmem>> -> memref<1x128x128xf32, #tpu.memory_space<vmem>>
        %dma_wait3A_530 = tpu.memref_squeeze %dma_wait3A_529 : memref<1x128x128xf32, #tpu.memory_space<vmem>> -> memref<128x128xf32, #tpu.memory_space<vmem>>
        %dma_wait3A_531 = arith.constant 0 : i32
        %dma_wait3A_532 = tpu.memref_slice %arg10[%rem3A_82, %run_scoped3A_370, %dma_wait3A_531] : memref<2x16x128xi32, #tpu.memory_space<vmem>> -> memref<1x1x128xi32, #tpu.memory_space<vmem>>
        %dma_wait3A_533 = tpu.memref_squeeze %dma_wait3A_532 : memref<1x1x128xi32, #tpu.memory_space<vmem>> -> memref<128xi32, #tpu.memory_space<vmem>>
        %dma_wait3A_534 = arith.constant 0 : i32
        %dma_wait3A_535 = arith.constant 0 : i32
        %dma_wait3A_536 = tpu.memref_slice %arg13[%dma_wait3A_534, %dma_wait3A_535] : memref<10240x128xf32, #tpu.memory_space<vmem_shared>> -> memref<10240x128xf32, #tpu.memory_space<vmem_shared>>
        tpu.wait_indirect_dma semaphore(%run_scoped3A_516 : memref<!tpu.dma_semaphore, #tpu.memory_space<semaphore_mem>>) src(%dma_wait3A_530 : memref<128x128xf32, #tpu.memory_space<vmem>>) dst(%dma_wait3A_536 : memref<10240x128xf32, #tpu.memory_space<vmem_shared>>)
        tpu.yield
      }) : () -> ()
      %dma_start3A_371 = arith.constant 12 : i32
      %dma_start3A_372 = arith.constant 0 : i32
      %dma_start3A_373 = arith.constant 0 : i32
      %dma_start3A_374 = arith.constant 0 : i32
      %dma_start3A_375 = tpu.memref_slice %arg11[%dma_start3A_372, %dma_start3A_373, %dma_start3A_374] : memref<2x128x128xf32, #tpu.memory_space<vmem>> -> memref<1x128x128xf32, #tpu.memory_space<vmem>>
      %dma_start3A_376 = tpu.memref_squeeze %dma_start3A_375 : memref<1x128x128xf32, #tpu.memory_space<vmem>> -> memref<128x128xf32, #tpu.memory_space<vmem>>
      %dma_start3A_377 = arith.constant 0 : i32
      %dma_start3A_378 = tpu.memref_slice %arg9[%rem3A_82, %dma_start3A_371, %dma_start3A_377] : memref<2x16x128xi32, #tpu.memory_space<vmem>> -> memref<1x1x128xi32, #tpu.memory_space<vmem>>
      %dma_start3A_379 = tpu.memref_squeeze %dma_start3A_378 : memref<1x1x128xi32, #tpu.memory_space<vmem>> -> memref<128xi32, #tpu.memory_space<vmem>>
      %dma_start3A_380 = arith.constant 0 : i32
      %dma_start3A_381 = arith.constant 0 : i32
      %dma_start3A_382 = tpu.memref_slice %arg2[%dma_start3A_380, %dma_start3A_381] : memref<100000x128xf32, #tpu.memory_space<hbm>> -> memref<100000x128xf32, #tpu.memory_space<hbm>>
      tpu.enqueue_indirect_dma source(%dma_start3A_382 : memref<100000x128xf32, #tpu.memory_space<hbm>>) target(%dma_start3A_376 : memref<128x128xf32, #tpu.memory_space<vmem>>) offsets(%dma_start3A_379 : memref<128xi32, #tpu.memory_space<vmem>>) semaphore(%arg15 : memref<!tpu.dma_semaphore, #tpu.memory_space<semaphore_mem>>)
      %run_scoped3A_383 = arith.constant 10 : i32
      "tpu.region"() ({
        %run_scoped3A_516 = tpu.sem_alloc : memref<!tpu.dma_semaphore, #tpu.memory_space<semaphore_mem>>
        %dma_start3A_517 = arith.constant 0 : i32
        %dma_start3A_518 = tpu.memref_slice %arg10[%rem3A_82, %run_scoped3A_383, %dma_start3A_517] : memref<2x16x128xi32, #tpu.memory_space<vmem>> -> memref<1x1x128xi32, #tpu.memory_space<vmem>>
        %dma_start3A_519 = tpu.memref_squeeze %dma_start3A_518 : memref<1x1x128xi32, #tpu.memory_space<vmem>> -> memref<128xi32, #tpu.memory_space<vmem>>
        %dma_start3A_520 = arith.constant 0 : i32
        %dma_start3A_521 = tpu.memref_slice %arg14[%dma_start3A_520] : memref<10240xf32, #tpu.memory_space<vmem_shared>> -> memref<10240xf32, #tpu.memory_space<vmem_shared>>
        tpu.enqueue_indirect_dma source(%arg12 : memref<128xf32, #tpu.memory_space<vmem>>) target(%dma_start3A_521 : memref<10240xf32, #tpu.memory_space<vmem_shared>>) offsets(%dma_start3A_519 : memref<128xi32, #tpu.memory_space<vmem>>) semaphore(%run_scoped3A_516 : memref<!tpu.dma_semaphore, #tpu.memory_space<semaphore_mem>>) {add = true}
        %dma_wait3A_522 = arith.constant 0 : i32
        %dma_wait3A_523 = tpu.memref_slice %arg10[%rem3A_82, %run_scoped3A_383, %dma_wait3A_522] : memref<2x16x128xi32, #tpu.memory_space<vmem>> -> memref<1x1x128xi32, #tpu.memory_space<vmem>>
        %dma_wait3A_524 = tpu.memref_squeeze %dma_wait3A_523 : memref<1x1x128xi32, #tpu.memory_space<vmem>> -> memref<128xi32, #tpu.memory_space<vmem>>
        %dma_wait3A_525 = arith.constant 0 : i32
        %dma_wait3A_526 = tpu.memref_slice %arg14[%dma_wait3A_525] : memref<10240xf32, #tpu.memory_space<vmem_shared>> -> memref<10240xf32, #tpu.memory_space<vmem_shared>>
        tpu.wait_indirect_dma semaphore(%run_scoped3A_516 : memref<!tpu.dma_semaphore, #tpu.memory_space<semaphore_mem>>) src(%arg12 : memref<128xf32, #tpu.memory_space<vmem>>) dst(%dma_wait3A_526 : memref<10240xf32, #tpu.memory_space<vmem_shared>>)
        tpu.yield
      }) : () -> ()
      %dma_wait3A_384 = arith.constant 11 : i32
      %dma_wait3A_385 = arith.constant 1 : i32
      %dma_wait3A_386 = arith.constant 0 : i32
      %dma_wait3A_387 = arith.constant 0 : i32
      %dma_wait3A_388 = tpu.memref_slice %arg11[%dma_wait3A_385, %dma_wait3A_386, %dma_wait3A_387] : memref<2x128x128xf32, #tpu.memory_space<vmem>> -> memref<1x128x128xf32, #tpu.memory_space<vmem>>
      %dma_wait3A_389 = tpu.memref_squeeze %dma_wait3A_388 : memref<1x128x128xf32, #tpu.memory_space<vmem>> -> memref<128x128xf32, #tpu.memory_space<vmem>>
      %dma_wait3A_390 = arith.constant 0 : i32
      %dma_wait3A_391 = tpu.memref_slice %arg9[%rem3A_82, %dma_wait3A_384, %dma_wait3A_390] : memref<2x16x128xi32, #tpu.memory_space<vmem>> -> memref<1x1x128xi32, #tpu.memory_space<vmem>>
      %dma_wait3A_392 = tpu.memref_squeeze %dma_wait3A_391 : memref<1x1x128xi32, #tpu.memory_space<vmem>> -> memref<128xi32, #tpu.memory_space<vmem>>
      %dma_wait3A_393 = arith.constant 0 : i32
      %dma_wait3A_394 = arith.constant 0 : i32
      %dma_wait3A_395 = tpu.memref_slice %arg2[%dma_wait3A_393, %dma_wait3A_394] : memref<100000x128xf32, #tpu.memory_space<hbm>> -> memref<100000x128xf32, #tpu.memory_space<hbm>>
      tpu.wait_indirect_dma semaphore(%arg16 : memref<!tpu.dma_semaphore, #tpu.memory_space<semaphore_mem>>) src(%dma_wait3A_395 : memref<100000x128xf32, #tpu.memory_space<hbm>>) dst(%dma_wait3A_389 : memref<128x128xf32, #tpu.memory_space<vmem>>)
      %run_scoped3A_396 = arith.constant 1 : i32
      %run_scoped3A_397 = arith.constant 11 : i32
      "tpu.region"() ({
        %run_scoped3A_516 = tpu.sem_alloc : memref<!tpu.dma_semaphore, #tpu.memory_space<semaphore_mem>>
        %dma_start3A_517 = arith.constant 0 : i32
        %dma_start3A_518 = arith.constant 0 : i32
        %dma_start3A_519 = tpu.memref_slice %arg11[%run_scoped3A_396, %dma_start3A_517, %dma_start3A_518] : memref<2x128x128xf32, #tpu.memory_space<vmem>> -> memref<1x128x128xf32, #tpu.memory_space<vmem>>
        %dma_start3A_520 = tpu.memref_squeeze %dma_start3A_519 : memref<1x128x128xf32, #tpu.memory_space<vmem>> -> memref<128x128xf32, #tpu.memory_space<vmem>>
        %dma_start3A_521 = arith.constant 0 : i32
        %dma_start3A_522 = tpu.memref_slice %arg10[%rem3A_82, %run_scoped3A_397, %dma_start3A_521] : memref<2x16x128xi32, #tpu.memory_space<vmem>> -> memref<1x1x128xi32, #tpu.memory_space<vmem>>
        %dma_start3A_523 = tpu.memref_squeeze %dma_start3A_522 : memref<1x1x128xi32, #tpu.memory_space<vmem>> -> memref<128xi32, #tpu.memory_space<vmem>>
        %dma_start3A_524 = arith.constant 0 : i32
        %dma_start3A_525 = arith.constant 0 : i32
        %dma_start3A_526 = tpu.memref_slice %arg13[%dma_start3A_524, %dma_start3A_525] : memref<10240x128xf32, #tpu.memory_space<vmem_shared>> -> memref<10240x128xf32, #tpu.memory_space<vmem_shared>>
        tpu.enqueue_indirect_dma source(%dma_start3A_520 : memref<128x128xf32, #tpu.memory_space<vmem>>) target(%dma_start3A_526 : memref<10240x128xf32, #tpu.memory_space<vmem_shared>>) offsets(%dma_start3A_523 : memref<128xi32, #tpu.memory_space<vmem>>) semaphore(%run_scoped3A_516 : memref<!tpu.dma_semaphore, #tpu.memory_space<semaphore_mem>>) {add = true}
        %dma_wait3A_527 = arith.constant 0 : i32
        %dma_wait3A_528 = arith.constant 0 : i32
        %dma_wait3A_529 = tpu.memref_slice %arg11[%run_scoped3A_396, %dma_wait3A_527, %dma_wait3A_528] : memref<2x128x128xf32, #tpu.memory_space<vmem>> -> memref<1x128x128xf32, #tpu.memory_space<vmem>>
        %dma_wait3A_530 = tpu.memref_squeeze %dma_wait3A_529 : memref<1x128x128xf32, #tpu.memory_space<vmem>> -> memref<128x128xf32, #tpu.memory_space<vmem>>
        %dma_wait3A_531 = arith.constant 0 : i32
        %dma_wait3A_532 = tpu.memref_slice %arg10[%rem3A_82, %run_scoped3A_397, %dma_wait3A_531] : memref<2x16x128xi32, #tpu.memory_space<vmem>> -> memref<1x1x128xi32, #tpu.memory_space<vmem>>
        %dma_wait3A_533 = tpu.memref_squeeze %dma_wait3A_532 : memref<1x1x128xi32, #tpu.memory_space<vmem>> -> memref<128xi32, #tpu.memory_space<vmem>>
        %dma_wait3A_534 = arith.constant 0 : i32
        %dma_wait3A_535 = arith.constant 0 : i32
        %dma_wait3A_536 = tpu.memref_slice %arg13[%dma_wait3A_534, %dma_wait3A_535] : memref<10240x128xf32, #tpu.memory_space<vmem_shared>> -> memref<10240x128xf32, #tpu.memory_space<vmem_shared>>
        tpu.wait_indirect_dma semaphore(%run_scoped3A_516 : memref<!tpu.dma_semaphore, #tpu.memory_space<semaphore_mem>>) src(%dma_wait3A_530 : memref<128x128xf32, #tpu.memory_space<vmem>>) dst(%dma_wait3A_536 : memref<10240x128xf32, #tpu.memory_space<vmem_shared>>)
        tpu.yield
      }) : () -> ()
      %dma_start3A_398 = arith.constant 13 : i32
      %dma_start3A_399 = arith.constant 1 : i32
      %dma_start3A_400 = arith.constant 0 : i32
      %dma_start3A_401 = arith.constant 0 : i32
      %dma_start3A_402 = tpu.memref_slice %arg11[%dma_start3A_399, %dma_start3A_400, %dma_start3A_401] : memref<2x128x128xf32, #tpu.memory_space<vmem>> -> memref<1x128x128xf32, #tpu.memory_space<vmem>>
      %dma_start3A_403 = tpu.memref_squeeze %dma_start3A_402 : memref<1x128x128xf32, #tpu.memory_space<vmem>> -> memref<128x128xf32, #tpu.memory_space<vmem>>
      %dma_start3A_404 = arith.constant 0 : i32
      %dma_start3A_405 = tpu.memref_slice %arg9[%rem3A_82, %dma_start3A_398, %dma_start3A_404] : memref<2x16x128xi32, #tpu.memory_space<vmem>> -> memref<1x1x128xi32, #tpu.memory_space<vmem>>
      %dma_start3A_406 = tpu.memref_squeeze %dma_start3A_405 : memref<1x1x128xi32, #tpu.memory_space<vmem>> -> memref<128xi32, #tpu.memory_space<vmem>>
      %dma_start3A_407 = arith.constant 0 : i32
      %dma_start3A_408 = arith.constant 0 : i32
      %dma_start3A_409 = tpu.memref_slice %arg2[%dma_start3A_407, %dma_start3A_408] : memref<100000x128xf32, #tpu.memory_space<hbm>> -> memref<100000x128xf32, #tpu.memory_space<hbm>>
      tpu.enqueue_indirect_dma source(%dma_start3A_409 : memref<100000x128xf32, #tpu.memory_space<hbm>>) target(%dma_start3A_403 : memref<128x128xf32, #tpu.memory_space<vmem>>) offsets(%dma_start3A_406 : memref<128xi32, #tpu.memory_space<vmem>>) semaphore(%arg16 : memref<!tpu.dma_semaphore, #tpu.memory_space<semaphore_mem>>)
      %run_scoped3A_410 = arith.constant 11 : i32
      "tpu.region"() ({
        %run_scoped3A_516 = tpu.sem_alloc : memref<!tpu.dma_semaphore, #tpu.memory_space<semaphore_mem>>
        %dma_start3A_517 = arith.constant 0 : i32
        %dma_start3A_518 = tpu.memref_slice %arg10[%rem3A_82, %run_scoped3A_410, %dma_start3A_517] : memref<2x16x128xi32, #tpu.memory_space<vmem>> -> memref<1x1x128xi32, #tpu.memory_space<vmem>>
        %dma_start3A_519 = tpu.memref_squeeze %dma_start3A_518 : memref<1x1x128xi32, #tpu.memory_space<vmem>> -> memref<128xi32, #tpu.memory_space<vmem>>
        %dma_start3A_520 = arith.constant 0 : i32
        %dma_start3A_521 = tpu.memref_slice %arg14[%dma_start3A_520] : memref<10240xf32, #tpu.memory_space<vmem_shared>> -> memref<10240xf32, #tpu.memory_space<vmem_shared>>
        tpu.enqueue_indirect_dma source(%arg12 : memref<128xf32, #tpu.memory_space<vmem>>) target(%dma_start3A_521 : memref<10240xf32, #tpu.memory_space<vmem_shared>>) offsets(%dma_start3A_519 : memref<128xi32, #tpu.memory_space<vmem>>) semaphore(%run_scoped3A_516 : memref<!tpu.dma_semaphore, #tpu.memory_space<semaphore_mem>>) {add = true}
        %dma_wait3A_522 = arith.constant 0 : i32
        %dma_wait3A_523 = tpu.memref_slice %arg10[%rem3A_82, %run_scoped3A_410, %dma_wait3A_522] : memref<2x16x128xi32, #tpu.memory_space<vmem>> -> memref<1x1x128xi32, #tpu.memory_space<vmem>>
        %dma_wait3A_524 = tpu.memref_squeeze %dma_wait3A_523 : memref<1x1x128xi32, #tpu.memory_space<vmem>> -> memref<128xi32, #tpu.memory_space<vmem>>
        %dma_wait3A_525 = arith.constant 0 : i32
        %dma_wait3A_526 = tpu.memref_slice %arg14[%dma_wait3A_525] : memref<10240xf32, #tpu.memory_space<vmem_shared>> -> memref<10240xf32, #tpu.memory_space<vmem_shared>>
        tpu.wait_indirect_dma semaphore(%run_scoped3A_516 : memref<!tpu.dma_semaphore, #tpu.memory_space<semaphore_mem>>) src(%arg12 : memref<128xf32, #tpu.memory_space<vmem>>) dst(%dma_wait3A_526 : memref<10240xf32, #tpu.memory_space<vmem_shared>>)
        tpu.yield
      }) : () -> ()
      %dma_wait3A_411 = arith.constant 12 : i32
      %dma_wait3A_412 = arith.constant 0 : i32
      %dma_wait3A_413 = arith.constant 0 : i32
      %dma_wait3A_414 = arith.constant 0 : i32
      %dma_wait3A_415 = tpu.memref_slice %arg11[%dma_wait3A_412, %dma_wait3A_413, %dma_wait3A_414] : memref<2x128x128xf32, #tpu.memory_space<vmem>> -> memref<1x128x128xf32, #tpu.memory_space<vmem>>
      %dma_wait3A_416 = tpu.memref_squeeze %dma_wait3A_415 : memref<1x128x128xf32, #tpu.memory_space<vmem>> -> memref<128x128xf32, #tpu.memory_space<vmem>>
      %dma_wait3A_417 = arith.constant 0 : i32
      %dma_wait3A_418 = tpu.memref_slice %arg9[%rem3A_82, %dma_wait3A_411, %dma_wait3A_417] : memref<2x16x128xi32, #tpu.memory_space<vmem>> -> memref<1x1x128xi32, #tpu.memory_space<vmem>>
      %dma_wait3A_419 = tpu.memref_squeeze %dma_wait3A_418 : memref<1x1x128xi32, #tpu.memory_space<vmem>> -> memref<128xi32, #tpu.memory_space<vmem>>
      %dma_wait3A_420 = arith.constant 0 : i32
      %dma_wait3A_421 = arith.constant 0 : i32
      %dma_wait3A_422 = tpu.memref_slice %arg2[%dma_wait3A_420, %dma_wait3A_421] : memref<100000x128xf32, #tpu.memory_space<hbm>> -> memref<100000x128xf32, #tpu.memory_space<hbm>>
      tpu.wait_indirect_dma semaphore(%arg15 : memref<!tpu.dma_semaphore, #tpu.memory_space<semaphore_mem>>) src(%dma_wait3A_422 : memref<100000x128xf32, #tpu.memory_space<hbm>>) dst(%dma_wait3A_416 : memref<128x128xf32, #tpu.memory_space<vmem>>)
      %run_scoped3A_423 = arith.constant 0 : i32
      %run_scoped3A_424 = arith.constant 12 : i32
      "tpu.region"() ({
        %run_scoped3A_516 = tpu.sem_alloc : memref<!tpu.dma_semaphore, #tpu.memory_space<semaphore_mem>>
        %dma_start3A_517 = arith.constant 0 : i32
        %dma_start3A_518 = arith.constant 0 : i32
        %dma_start3A_519 = tpu.memref_slice %arg11[%run_scoped3A_423, %dma_start3A_517, %dma_start3A_518] : memref<2x128x128xf32, #tpu.memory_space<vmem>> -> memref<1x128x128xf32, #tpu.memory_space<vmem>>
        %dma_start3A_520 = tpu.memref_squeeze %dma_start3A_519 : memref<1x128x128xf32, #tpu.memory_space<vmem>> -> memref<128x128xf32, #tpu.memory_space<vmem>>
        %dma_start3A_521 = arith.constant 0 : i32
        %dma_start3A_522 = tpu.memref_slice %arg10[%rem3A_82, %run_scoped3A_424, %dma_start3A_521] : memref<2x16x128xi32, #tpu.memory_space<vmem>> -> memref<1x1x128xi32, #tpu.memory_space<vmem>>
        %dma_start3A_523 = tpu.memref_squeeze %dma_start3A_522 : memref<1x1x128xi32, #tpu.memory_space<vmem>> -> memref<128xi32, #tpu.memory_space<vmem>>
        %dma_start3A_524 = arith.constant 0 : i32
        %dma_start3A_525 = arith.constant 0 : i32
        %dma_start3A_526 = tpu.memref_slice %arg13[%dma_start3A_524, %dma_start3A_525] : memref<10240x128xf32, #tpu.memory_space<vmem_shared>> -> memref<10240x128xf32, #tpu.memory_space<vmem_shared>>
        tpu.enqueue_indirect_dma source(%dma_start3A_520 : memref<128x128xf32, #tpu.memory_space<vmem>>) target(%dma_start3A_526 : memref<10240x128xf32, #tpu.memory_space<vmem_shared>>) offsets(%dma_start3A_523 : memref<128xi32, #tpu.memory_space<vmem>>) semaphore(%run_scoped3A_516 : memref<!tpu.dma_semaphore, #tpu.memory_space<semaphore_mem>>) {add = true}
        %dma_wait3A_527 = arith.constant 0 : i32
        %dma_wait3A_528 = arith.constant 0 : i32
        %dma_wait3A_529 = tpu.memref_slice %arg11[%run_scoped3A_423, %dma_wait3A_527, %dma_wait3A_528] : memref<2x128x128xf32, #tpu.memory_space<vmem>> -> memref<1x128x128xf32, #tpu.memory_space<vmem>>
        %dma_wait3A_530 = tpu.memref_squeeze %dma_wait3A_529 : memref<1x128x128xf32, #tpu.memory_space<vmem>> -> memref<128x128xf32, #tpu.memory_space<vmem>>
        %dma_wait3A_531 = arith.constant 0 : i32
        %dma_wait3A_532 = tpu.memref_slice %arg10[%rem3A_82, %run_scoped3A_424, %dma_wait3A_531] : memref<2x16x128xi32, #tpu.memory_space<vmem>> -> memref<1x1x128xi32, #tpu.memory_space<vmem>>
        %dma_wait3A_533 = tpu.memref_squeeze %dma_wait3A_532 : memref<1x1x128xi32, #tpu.memory_space<vmem>> -> memref<128xi32, #tpu.memory_space<vmem>>
        %dma_wait3A_534 = arith.constant 0 : i32
        %dma_wait3A_535 = arith.constant 0 : i32
        %dma_wait3A_536 = tpu.memref_slice %arg13[%dma_wait3A_534, %dma_wait3A_535] : memref<10240x128xf32, #tpu.memory_space<vmem_shared>> -> memref<10240x128xf32, #tpu.memory_space<vmem_shared>>
        tpu.wait_indirect_dma semaphore(%run_scoped3A_516 : memref<!tpu.dma_semaphore, #tpu.memory_space<semaphore_mem>>) src(%dma_wait3A_530 : memref<128x128xf32, #tpu.memory_space<vmem>>) dst(%dma_wait3A_536 : memref<10240x128xf32, #tpu.memory_space<vmem_shared>>)
        tpu.yield
      }) : () -> ()
      %dma_start3A_425 = arith.constant 14 : i32
      %dma_start3A_426 = arith.constant 0 : i32
      %dma_start3A_427 = arith.constant 0 : i32
      %dma_start3A_428 = arith.constant 0 : i32
      %dma_start3A_429 = tpu.memref_slice %arg11[%dma_start3A_426, %dma_start3A_427, %dma_start3A_428] : memref<2x128x128xf32, #tpu.memory_space<vmem>> -> memref<1x128x128xf32, #tpu.memory_space<vmem>>
      %dma_start3A_430 = tpu.memref_squeeze %dma_start3A_429 : memref<1x128x128xf32, #tpu.memory_space<vmem>> -> memref<128x128xf32, #tpu.memory_space<vmem>>
      %dma_start3A_431 = arith.constant 0 : i32
      %dma_start3A_432 = tpu.memref_slice %arg9[%rem3A_82, %dma_start3A_425, %dma_start3A_431] : memref<2x16x128xi32, #tpu.memory_space<vmem>> -> memref<1x1x128xi32, #tpu.memory_space<vmem>>
      %dma_start3A_433 = tpu.memref_squeeze %dma_start3A_432 : memref<1x1x128xi32, #tpu.memory_space<vmem>> -> memref<128xi32, #tpu.memory_space<vmem>>
      %dma_start3A_434 = arith.constant 0 : i32
      %dma_start3A_435 = arith.constant 0 : i32
      %dma_start3A_436 = tpu.memref_slice %arg2[%dma_start3A_434, %dma_start3A_435] : memref<100000x128xf32, #tpu.memory_space<hbm>> -> memref<100000x128xf32, #tpu.memory_space<hbm>>
      tpu.enqueue_indirect_dma source(%dma_start3A_436 : memref<100000x128xf32, #tpu.memory_space<hbm>>) target(%dma_start3A_430 : memref<128x128xf32, #tpu.memory_space<vmem>>) offsets(%dma_start3A_433 : memref<128xi32, #tpu.memory_space<vmem>>) semaphore(%arg15 : memref<!tpu.dma_semaphore, #tpu.memory_space<semaphore_mem>>)
      %run_scoped3A_437 = arith.constant 12 : i32
      "tpu.region"() ({
        %run_scoped3A_516 = tpu.sem_alloc : memref<!tpu.dma_semaphore, #tpu.memory_space<semaphore_mem>>
        %dma_start3A_517 = arith.constant 0 : i32
        %dma_start3A_518 = tpu.memref_slice %arg10[%rem3A_82, %run_scoped3A_437, %dma_start3A_517] : memref<2x16x128xi32, #tpu.memory_space<vmem>> -> memref<1x1x128xi32, #tpu.memory_space<vmem>>
        %dma_start3A_519 = tpu.memref_squeeze %dma_start3A_518 : memref<1x1x128xi32, #tpu.memory_space<vmem>> -> memref<128xi32, #tpu.memory_space<vmem>>
        %dma_start3A_520 = arith.constant 0 : i32
        %dma_start3A_521 = tpu.memref_slice %arg14[%dma_start3A_520] : memref<10240xf32, #tpu.memory_space<vmem_shared>> -> memref<10240xf32, #tpu.memory_space<vmem_shared>>
        tpu.enqueue_indirect_dma source(%arg12 : memref<128xf32, #tpu.memory_space<vmem>>) target(%dma_start3A_521 : memref<10240xf32, #tpu.memory_space<vmem_shared>>) offsets(%dma_start3A_519 : memref<128xi32, #tpu.memory_space<vmem>>) semaphore(%run_scoped3A_516 : memref<!tpu.dma_semaphore, #tpu.memory_space<semaphore_mem>>) {add = true}
        %dma_wait3A_522 = arith.constant 0 : i32
        %dma_wait3A_523 = tpu.memref_slice %arg10[%rem3A_82, %run_scoped3A_437, %dma_wait3A_522] : memref<2x16x128xi32, #tpu.memory_space<vmem>> -> memref<1x1x128xi32, #tpu.memory_space<vmem>>
        %dma_wait3A_524 = tpu.memref_squeeze %dma_wait3A_523 : memref<1x1x128xi32, #tpu.memory_space<vmem>> -> memref<128xi32, #tpu.memory_space<vmem>>
        %dma_wait3A_525 = arith.constant 0 : i32
        %dma_wait3A_526 = tpu.memref_slice %arg14[%dma_wait3A_525] : memref<10240xf32, #tpu.memory_space<vmem_shared>> -> memref<10240xf32, #tpu.memory_space<vmem_shared>>
        tpu.wait_indirect_dma semaphore(%run_scoped3A_516 : memref<!tpu.dma_semaphore, #tpu.memory_space<semaphore_mem>>) src(%arg12 : memref<128xf32, #tpu.memory_space<vmem>>) dst(%dma_wait3A_526 : memref<10240xf32, #tpu.memory_space<vmem_shared>>)
        tpu.yield
      }) : () -> ()
      %dma_wait3A_438 = arith.constant 13 : i32
      %dma_wait3A_439 = arith.constant 1 : i32
      %dma_wait3A_440 = arith.constant 0 : i32
      %dma_wait3A_441 = arith.constant 0 : i32
      %dma_wait3A_442 = tpu.memref_slice %arg11[%dma_wait3A_439, %dma_wait3A_440, %dma_wait3A_441] : memref<2x128x128xf32, #tpu.memory_space<vmem>> -> memref<1x128x128xf32, #tpu.memory_space<vmem>>
      %dma_wait3A_443 = tpu.memref_squeeze %dma_wait3A_442 : memref<1x128x128xf32, #tpu.memory_space<vmem>> -> memref<128x128xf32, #tpu.memory_space<vmem>>
      %dma_wait3A_444 = arith.constant 0 : i32
      %dma_wait3A_445 = tpu.memref_slice %arg9[%rem3A_82, %dma_wait3A_438, %dma_wait3A_444] : memref<2x16x128xi32, #tpu.memory_space<vmem>> -> memref<1x1x128xi32, #tpu.memory_space<vmem>>
      %dma_wait3A_446 = tpu.memref_squeeze %dma_wait3A_445 : memref<1x1x128xi32, #tpu.memory_space<vmem>> -> memref<128xi32, #tpu.memory_space<vmem>>
      %dma_wait3A_447 = arith.constant 0 : i32
      %dma_wait3A_448 = arith.constant 0 : i32
      %dma_wait3A_449 = tpu.memref_slice %arg2[%dma_wait3A_447, %dma_wait3A_448] : memref<100000x128xf32, #tpu.memory_space<hbm>> -> memref<100000x128xf32, #tpu.memory_space<hbm>>
      tpu.wait_indirect_dma semaphore(%arg16 : memref<!tpu.dma_semaphore, #tpu.memory_space<semaphore_mem>>) src(%dma_wait3A_449 : memref<100000x128xf32, #tpu.memory_space<hbm>>) dst(%dma_wait3A_443 : memref<128x128xf32, #tpu.memory_space<vmem>>)
      %run_scoped3A_450 = arith.constant 1 : i32
      %run_scoped3A_451 = arith.constant 13 : i32
      "tpu.region"() ({
        %run_scoped3A_516 = tpu.sem_alloc : memref<!tpu.dma_semaphore, #tpu.memory_space<semaphore_mem>>
        %dma_start3A_517 = arith.constant 0 : i32
        %dma_start3A_518 = arith.constant 0 : i32
        %dma_start3A_519 = tpu.memref_slice %arg11[%run_scoped3A_450, %dma_start3A_517, %dma_start3A_518] : memref<2x128x128xf32, #tpu.memory_space<vmem>> -> memref<1x128x128xf32, #tpu.memory_space<vmem>>
        %dma_start3A_520 = tpu.memref_squeeze %dma_start3A_519 : memref<1x128x128xf32, #tpu.memory_space<vmem>> -> memref<128x128xf32, #tpu.memory_space<vmem>>
        %dma_start3A_521 = arith.constant 0 : i32
        %dma_start3A_522 = tpu.memref_slice %arg10[%rem3A_82, %run_scoped3A_451, %dma_start3A_521] : memref<2x16x128xi32, #tpu.memory_space<vmem>> -> memref<1x1x128xi32, #tpu.memory_space<vmem>>
        %dma_start3A_523 = tpu.memref_squeeze %dma_start3A_522 : memref<1x1x128xi32, #tpu.memory_space<vmem>> -> memref<128xi32, #tpu.memory_space<vmem>>
        %dma_start3A_524 = arith.constant 0 : i32
        %dma_start3A_525 = arith.constant 0 : i32
        %dma_start3A_526 = tpu.memref_slice %arg13[%dma_start3A_524, %dma_start3A_525] : memref<10240x128xf32, #tpu.memory_space<vmem_shared>> -> memref<10240x128xf32, #tpu.memory_space<vmem_shared>>
        tpu.enqueue_indirect_dma source(%dma_start3A_520 : memref<128x128xf32, #tpu.memory_space<vmem>>) target(%dma_start3A_526 : memref<10240x128xf32, #tpu.memory_space<vmem_shared>>) offsets(%dma_start3A_523 : memref<128xi32, #tpu.memory_space<vmem>>) semaphore(%run_scoped3A_516 : memref<!tpu.dma_semaphore, #tpu.memory_space<semaphore_mem>>) {add = true}
        %dma_wait3A_527 = arith.constant 0 : i32
        %dma_wait3A_528 = arith.constant 0 : i32
        %dma_wait3A_529 = tpu.memref_slice %arg11[%run_scoped3A_450, %dma_wait3A_527, %dma_wait3A_528] : memref<2x128x128xf32, #tpu.memory_space<vmem>> -> memref<1x128x128xf32, #tpu.memory_space<vmem>>
        %dma_wait3A_530 = tpu.memref_squeeze %dma_wait3A_529 : memref<1x128x128xf32, #tpu.memory_space<vmem>> -> memref<128x128xf32, #tpu.memory_space<vmem>>
        %dma_wait3A_531 = arith.constant 0 : i32
        %dma_wait3A_532 = tpu.memref_slice %arg10[%rem3A_82, %run_scoped3A_451, %dma_wait3A_531] : memref<2x16x128xi32, #tpu.memory_space<vmem>> -> memref<1x1x128xi32, #tpu.memory_space<vmem>>
        %dma_wait3A_533 = tpu.memref_squeeze %dma_wait3A_532 : memref<1x1x128xi32, #tpu.memory_space<vmem>> -> memref<128xi32, #tpu.memory_space<vmem>>
        %dma_wait3A_534 = arith.constant 0 : i32
        %dma_wait3A_535 = arith.constant 0 : i32
        %dma_wait3A_536 = tpu.memref_slice %arg13[%dma_wait3A_534, %dma_wait3A_535] : memref<10240x128xf32, #tpu.memory_space<vmem_shared>> -> memref<10240x128xf32, #tpu.memory_space<vmem_shared>>
        tpu.wait_indirect_dma semaphore(%run_scoped3A_516 : memref<!tpu.dma_semaphore, #tpu.memory_space<semaphore_mem>>) src(%dma_wait3A_530 : memref<128x128xf32, #tpu.memory_space<vmem>>) dst(%dma_wait3A_536 : memref<10240x128xf32, #tpu.memory_space<vmem_shared>>)
        tpu.yield
      }) : () -> ()
      %dma_start3A_452 = arith.constant 15 : i32
      %dma_start3A_453 = arith.constant 1 : i32
      %dma_start3A_454 = arith.constant 0 : i32
      %dma_start3A_455 = arith.constant 0 : i32
      %dma_start3A_456 = tpu.memref_slice %arg11[%dma_start3A_453, %dma_start3A_454, %dma_start3A_455] : memref<2x128x128xf32, #tpu.memory_space<vmem>> -> memref<1x128x128xf32, #tpu.memory_space<vmem>>
      %dma_start3A_457 = tpu.memref_squeeze %dma_start3A_456 : memref<1x128x128xf32, #tpu.memory_space<vmem>> -> memref<128x128xf32, #tpu.memory_space<vmem>>
      %dma_start3A_458 = arith.constant 0 : i32
      %dma_start3A_459 = tpu.memref_slice %arg9[%rem3A_82, %dma_start3A_452, %dma_start3A_458] : memref<2x16x128xi32, #tpu.memory_space<vmem>> -> memref<1x1x128xi32, #tpu.memory_space<vmem>>
      %dma_start3A_460 = tpu.memref_squeeze %dma_start3A_459 : memref<1x1x128xi32, #tpu.memory_space<vmem>> -> memref<128xi32, #tpu.memory_space<vmem>>
      %dma_start3A_461 = arith.constant 0 : i32
      %dma_start3A_462 = arith.constant 0 : i32
      %dma_start3A_463 = tpu.memref_slice %arg2[%dma_start3A_461, %dma_start3A_462] : memref<100000x128xf32, #tpu.memory_space<hbm>> -> memref<100000x128xf32, #tpu.memory_space<hbm>>
      tpu.enqueue_indirect_dma source(%dma_start3A_463 : memref<100000x128xf32, #tpu.memory_space<hbm>>) target(%dma_start3A_457 : memref<128x128xf32, #tpu.memory_space<vmem>>) offsets(%dma_start3A_460 : memref<128xi32, #tpu.memory_space<vmem>>) semaphore(%arg16 : memref<!tpu.dma_semaphore, #tpu.memory_space<semaphore_mem>>)
      %run_scoped3A_464 = arith.constant 13 : i32
      "tpu.region"() ({
        %run_scoped3A_516 = tpu.sem_alloc : memref<!tpu.dma_semaphore, #tpu.memory_space<semaphore_mem>>
        %dma_start3A_517 = arith.constant 0 : i32
        %dma_start3A_518 = tpu.memref_slice %arg10[%rem3A_82, %run_scoped3A_464, %dma_start3A_517] : memref<2x16x128xi32, #tpu.memory_space<vmem>> -> memref<1x1x128xi32, #tpu.memory_space<vmem>>
        %dma_start3A_519 = tpu.memref_squeeze %dma_start3A_518 : memref<1x1x128xi32, #tpu.memory_space<vmem>> -> memref<128xi32, #tpu.memory_space<vmem>>
        %dma_start3A_520 = arith.constant 0 : i32
        %dma_start3A_521 = tpu.memref_slice %arg14[%dma_start3A_520] : memref<10240xf32, #tpu.memory_space<vmem_shared>> -> memref<10240xf32, #tpu.memory_space<vmem_shared>>
        tpu.enqueue_indirect_dma source(%arg12 : memref<128xf32, #tpu.memory_space<vmem>>) target(%dma_start3A_521 : memref<10240xf32, #tpu.memory_space<vmem_shared>>) offsets(%dma_start3A_519 : memref<128xi32, #tpu.memory_space<vmem>>) semaphore(%run_scoped3A_516 : memref<!tpu.dma_semaphore, #tpu.memory_space<semaphore_mem>>) {add = true}
        %dma_wait3A_522 = arith.constant 0 : i32
        %dma_wait3A_523 = tpu.memref_slice %arg10[%rem3A_82, %run_scoped3A_464, %dma_wait3A_522] : memref<2x16x128xi32, #tpu.memory_space<vmem>> -> memref<1x1x128xi32, #tpu.memory_space<vmem>>
        %dma_wait3A_524 = tpu.memref_squeeze %dma_wait3A_523 : memref<1x1x128xi32, #tpu.memory_space<vmem>> -> memref<128xi32, #tpu.memory_space<vmem>>
        %dma_wait3A_525 = arith.constant 0 : i32
        %dma_wait3A_526 = tpu.memref_slice %arg14[%dma_wait3A_525] : memref<10240xf32, #tpu.memory_space<vmem_shared>> -> memref<10240xf32, #tpu.memory_space<vmem_shared>>
        tpu.wait_indirect_dma semaphore(%run_scoped3A_516 : memref<!tpu.dma_semaphore, #tpu.memory_space<semaphore_mem>>) src(%arg12 : memref<128xf32, #tpu.memory_space<vmem>>) dst(%dma_wait3A_526 : memref<10240xf32, #tpu.memory_space<vmem_shared>>)
        tpu.yield
      }) : () -> ()
      %add3A_465 = arith.constant 1 : i32
      %add3A_466 = arith.addi %scan3A_81, %add3A_465 : i32
      %lt3A_467 = arith.constant 5 : i32
      %lt3A_468 = arith.cmpi slt, %add3A_466, %lt3A_467 : i32
      %convert_element_type3A_469 = arith.extui %lt3A_468 : i1 to i32
      %cond3A_470 = arith.constant 0 : i32
      %cond3A_471 = arith.cmpi ne, %convert_element_type3A_469, %cond3A_470 : i32
      scf.if %cond3A_471 {
        %dma_wait3A_516 = arith.constant 0 : i32
        %dma_wait3A_517 = arith.constant 0 : i32
        %dma_wait3A_518 = tpu.memref_slice %arg9[%sub3A_83, %dma_wait3A_516, %dma_wait3A_517] : memref<2x16x128xi32, #tpu.memory_space<vmem>> -> memref<1x16x128xi32, #tpu.memory_space<vmem>>
        %dma_wait3A_519 = tpu.memref_squeeze %dma_wait3A_518 : memref<1x16x128xi32, #tpu.memory_space<vmem>> -> memref<16x128xi32, #tpu.memory_space<vmem>>
        %dma_wait3A_520 = arith.constant 0 : i32
        %dma_wait3A_521 = arith.constant 0 : i32
        %dma_wait3A_522 = tpu.memref_slice %arg3[%add3A, %dma_wait3A_520, %dma_wait3A_521] : memref<32x80x128xi32, #tpu.memory_space<hbm>> -> memref<1x16x128xi32, #tpu.memory_space<hbm>>
        %dma_wait3A_523 = tpu.memref_squeeze %dma_wait3A_522 : memref<1x16x128xi32, #tpu.memory_space<hbm>> -> memref<16x128xi32, #tpu.memory_space<hbm>>
        %dma_wait3A_524 = arith.constant 0 : i32
        %dma_wait3A_525 = arith.constant 0 : i32
        %dma_wait3A_526 = tpu.memref_slice %arg9[%sub3A_83, %dma_wait3A_524, %dma_wait3A_525] : memref<2x16x128xi32, #tpu.memory_space<vmem>> -> memref<1x16x128xi32, #tpu.memory_space<vmem>>
        %dma_wait3A_527 = tpu.memref_squeeze %dma_wait3A_526 : memref<1x16x128xi32, #tpu.memory_space<vmem>> -> memref<16x128xi32, #tpu.memory_space<vmem>>
        %dma_wait3A_528 = arith.constant 0 : i32
        %dma_wait3A_529 = arith.constant 0 : i32
        %dma_wait3A_530 = tpu.memref_slice %arg3[%add3A, %dma_wait3A_528, %dma_wait3A_529] : memref<32x80x128xi32, #tpu.memory_space<hbm>> -> memref<1x16x128xi32, #tpu.memory_space<hbm>>
        %dma_wait3A_531 = tpu.memref_squeeze %dma_wait3A_530 : memref<1x16x128xi32, #tpu.memory_space<hbm>> -> memref<16x128xi32, #tpu.memory_space<hbm>>
        tpu.wait_dma2 semaphore(%arg17 : memref<!tpu.dma_semaphore, #tpu.memory_space<semaphore_mem>>) src(%dma_wait3A_531 : memref<16x128xi32, #tpu.memory_space<hbm>>) dst(%dma_wait3A_527 : memref<16x128xi32, #tpu.memory_space<vmem>>)
        %dma_wait3A_532 = arith.constant 0 : i32
        %dma_wait3A_533 = arith.constant 0 : i32
        %dma_wait3A_534 = tpu.memref_slice %arg10[%sub3A_83, %dma_wait3A_532, %dma_wait3A_533] : memref<2x16x128xi32, #tpu.memory_space<vmem>> -> memref<1x16x128xi32, #tpu.memory_space<vmem>>
        %dma_wait3A_535 = tpu.memref_squeeze %dma_wait3A_534 : memref<1x16x128xi32, #tpu.memory_space<vmem>> -> memref<16x128xi32, #tpu.memory_space<vmem>>
        %dma_wait3A_536 = arith.constant 0 : i32
        %dma_wait3A_537 = arith.constant 0 : i32
        %dma_wait3A_538 = tpu.memref_slice %arg4[%add3A, %dma_wait3A_536, %dma_wait3A_537] : memref<32x80x128xi32, #tpu.memory_space<hbm>> -> memref<1x16x128xi32, #tpu.memory_space<hbm>>
        %dma_wait3A_539 = tpu.memref_squeeze %dma_wait3A_538 : memref<1x16x128xi32, #tpu.memory_space<hbm>> -> memref<16x128xi32, #tpu.memory_space<hbm>>
        %dma_wait3A_540 = arith.constant 0 : i32
        %dma_wait3A_541 = arith.constant 0 : i32
        %dma_wait3A_542 = tpu.memref_slice %arg10[%sub3A_83, %dma_wait3A_540, %dma_wait3A_541] : memref<2x16x128xi32, #tpu.memory_space<vmem>> -> memref<1x16x128xi32, #tpu.memory_space<vmem>>
        %dma_wait3A_543 = tpu.memref_squeeze %dma_wait3A_542 : memref<1x16x128xi32, #tpu.memory_space<vmem>> -> memref<16x128xi32, #tpu.memory_space<vmem>>
        %dma_wait3A_544 = arith.constant 0 : i32
        %dma_wait3A_545 = arith.constant 0 : i32
        %dma_wait3A_546 = tpu.memref_slice %arg4[%add3A, %dma_wait3A_544, %dma_wait3A_545] : memref<32x80x128xi32, #tpu.memory_space<hbm>> -> memref<1x16x128xi32, #tpu.memory_space<hbm>>
        %dma_wait3A_547 = tpu.memref_squeeze %dma_wait3A_546 : memref<1x16x128xi32, #tpu.memory_space<hbm>> -> memref<16x128xi32, #tpu.memory_space<hbm>>
        tpu.wait_dma2 semaphore(%arg18 : memref<!tpu.dma_semaphore, #tpu.memory_space<semaphore_mem>>) src(%dma_wait3A_547 : memref<16x128xi32, #tpu.memory_space<hbm>>) dst(%dma_wait3A_543 : memref<16x128xi32, #tpu.memory_space<vmem>>)
      } else {
      }
      %dma_wait3A_472 = arith.constant 14 : i32
      %dma_wait3A_473 = arith.constant 0 : i32
      %dma_wait3A_474 = arith.constant 0 : i32
      %dma_wait3A_475 = arith.constant 0 : i32
      %dma_wait3A_476 = tpu.memref_slice %arg11[%dma_wait3A_473, %dma_wait3A_474, %dma_wait3A_475] : memref<2x128x128xf32, #tpu.memory_space<vmem>> -> memref<1x128x128xf32, #tpu.memory_space<vmem>>
      %dma_wait3A_477 = tpu.memref_squeeze %dma_wait3A_476 : memref<1x128x128xf32, #tpu.memory_space<vmem>> -> memref<128x128xf32, #tpu.memory_space<vmem>>
      %dma_wait3A_478 = arith.constant 0 : i32
      %dma_wait3A_479 = tpu.memref_slice %arg9[%rem3A_82, %dma_wait3A_472, %dma_wait3A_478] : memref<2x16x128xi32, #tpu.memory_space<vmem>> -> memref<1x1x128xi32, #tpu.memory_space<vmem>>
      %dma_wait3A_480 = tpu.memref_squeeze %dma_wait3A_479 : memref<1x1x128xi32, #tpu.memory_space<vmem>> -> memref<128xi32, #tpu.memory_space<vmem>>
      %dma_wait3A_481 = arith.constant 0 : i32
      %dma_wait3A_482 = arith.constant 0 : i32
      %dma_wait3A_483 = tpu.memref_slice %arg2[%dma_wait3A_481, %dma_wait3A_482] : memref<100000x128xf32, #tpu.memory_space<hbm>> -> memref<100000x128xf32, #tpu.memory_space<hbm>>
      tpu.wait_indirect_dma semaphore(%arg15 : memref<!tpu.dma_semaphore, #tpu.memory_space<semaphore_mem>>) src(%dma_wait3A_483 : memref<100000x128xf32, #tpu.memory_space<hbm>>) dst(%dma_wait3A_477 : memref<128x128xf32, #tpu.memory_space<vmem>>)
      %run_scoped3A_484 = arith.constant 0 : i32
      %run_scoped3A_485 = arith.constant 14 : i32
      "tpu.region"() ({
        %run_scoped3A_516 = tpu.sem_alloc : memref<!tpu.dma_semaphore, #tpu.memory_space<semaphore_mem>>
        %dma_start3A_517 = arith.constant 0 : i32
        %dma_start3A_518 = arith.constant 0 : i32
        %dma_start3A_519 = tpu.memref_slice %arg11[%run_scoped3A_484, %dma_start3A_517, %dma_start3A_518] : memref<2x128x128xf32, #tpu.memory_space<vmem>> -> memref<1x128x128xf32, #tpu.memory_space<vmem>>
        %dma_start3A_520 = tpu.memref_squeeze %dma_start3A_519 : memref<1x128x128xf32, #tpu.memory_space<vmem>> -> memref<128x128xf32, #tpu.memory_space<vmem>>
        %dma_start3A_521 = arith.constant 0 : i32
        %dma_start3A_522 = tpu.memref_slice %arg10[%rem3A_82, %run_scoped3A_485, %dma_start3A_521] : memref<2x16x128xi32, #tpu.memory_space<vmem>> -> memref<1x1x128xi32, #tpu.memory_space<vmem>>
        %dma_start3A_523 = tpu.memref_squeeze %dma_start3A_522 : memref<1x1x128xi32, #tpu.memory_space<vmem>> -> memref<128xi32, #tpu.memory_space<vmem>>
        %dma_start3A_524 = arith.constant 0 : i32
        %dma_start3A_525 = arith.constant 0 : i32
        %dma_start3A_526 = tpu.memref_slice %arg13[%dma_start3A_524, %dma_start3A_525] : memref<10240x128xf32, #tpu.memory_space<vmem_shared>> -> memref<10240x128xf32, #tpu.memory_space<vmem_shared>>
        tpu.enqueue_indirect_dma source(%dma_start3A_520 : memref<128x128xf32, #tpu.memory_space<vmem>>) target(%dma_start3A_526 : memref<10240x128xf32, #tpu.memory_space<vmem_shared>>) offsets(%dma_start3A_523 : memref<128xi32, #tpu.memory_space<vmem>>) semaphore(%run_scoped3A_516 : memref<!tpu.dma_semaphore, #tpu.memory_space<semaphore_mem>>) {add = true}
        %dma_wait3A_527 = arith.constant 0 : i32
        %dma_wait3A_528 = arith.constant 0 : i32
        %dma_wait3A_529 = tpu.memref_slice %arg11[%run_scoped3A_484, %dma_wait3A_527, %dma_wait3A_528] : memref<2x128x128xf32, #tpu.memory_space<vmem>> -> memref<1x128x128xf32, #tpu.memory_space<vmem>>
        %dma_wait3A_530 = tpu.memref_squeeze %dma_wait3A_529 : memref<1x128x128xf32, #tpu.memory_space<vmem>> -> memref<128x128xf32, #tpu.memory_space<vmem>>
        %dma_wait3A_531 = arith.constant 0 : i32
        %dma_wait3A_532 = tpu.memref_slice %arg10[%rem3A_82, %run_scoped3A_485, %dma_wait3A_531] : memref<2x16x128xi32, #tpu.memory_space<vmem>> -> memref<1x1x128xi32, #tpu.memory_space<vmem>>
        %dma_wait3A_533 = tpu.memref_squeeze %dma_wait3A_532 : memref<1x1x128xi32, #tpu.memory_space<vmem>> -> memref<128xi32, #tpu.memory_space<vmem>>
        %dma_wait3A_534 = arith.constant 0 : i32
        %dma_wait3A_535 = arith.constant 0 : i32
        %dma_wait3A_536 = tpu.memref_slice %arg13[%dma_wait3A_534, %dma_wait3A_535] : memref<10240x128xf32, #tpu.memory_space<vmem_shared>> -> memref<10240x128xf32, #tpu.memory_space<vmem_shared>>
        tpu.wait_indirect_dma semaphore(%run_scoped3A_516 : memref<!tpu.dma_semaphore, #tpu.memory_space<semaphore_mem>>) src(%dma_wait3A_530 : memref<128x128xf32, #tpu.memory_space<vmem>>) dst(%dma_wait3A_536 : memref<10240x128xf32, #tpu.memory_space<vmem_shared>>)
        tpu.yield
      }) : () -> ()
      %add3A_486 = arith.constant 1 : i32
      %add3A_487 = arith.addi %scan3A_81, %add3A_486 : i32
      %lt3A_488 = arith.constant 5 : i32
      %lt3A_489 = arith.cmpi slt, %add3A_487, %lt3A_488 : i32
      %convert_element_type3A_490 = arith.extui %lt3A_489 : i1 to i32
      %cond3A_491 = arith.constant 0 : i32
      %cond3A_492 = arith.cmpi ne, %convert_element_type3A_490, %cond3A_491 : i32
      scf.if %cond3A_492 {
        %dma_start3A_516 = arith.constant 0 : i32
        %dma_start3A_517 = arith.constant 0 : i32
        %dma_start3A_518 = arith.constant 0 : i32
        %dma_start3A_519 = arith.constant 0 : i32
        %dma_start3A_520 = tpu.memref_slice %arg11[%dma_start3A_517, %dma_start3A_518, %dma_start3A_519] : memref<2x128x128xf32, #tpu.memory_space<vmem>> -> memref<1x128x128xf32, #tpu.memory_space<vmem>>
        %dma_start3A_521 = tpu.memref_squeeze %dma_start3A_520 : memref<1x128x128xf32, #tpu.memory_space<vmem>> -> memref<128x128xf32, #tpu.memory_space<vmem>>
        %dma_start3A_522 = arith.constant 0 : i32
        %dma_start3A_523 = tpu.memref_slice %arg9[%sub3A_83, %dma_start3A_516, %dma_start3A_522] : memref<2x16x128xi32, #tpu.memory_space<vmem>> -> memref<1x1x128xi32, #tpu.memory_space<vmem>>
        %dma_start3A_524 = tpu.memref_squeeze %dma_start3A_523 : memref<1x1x128xi32, #tpu.memory_space<vmem>> -> memref<128xi32, #tpu.memory_space<vmem>>
        %dma_start3A_525 = arith.constant 0 : i32
        %dma_start3A_526 = arith.constant 0 : i32
        %dma_start3A_527 = tpu.memref_slice %arg2[%dma_start3A_525, %dma_start3A_526] : memref<100000x128xf32, #tpu.memory_space<hbm>> -> memref<100000x128xf32, #tpu.memory_space<hbm>>
        tpu.enqueue_indirect_dma source(%dma_start3A_527 : memref<100000x128xf32, #tpu.memory_space<hbm>>) target(%dma_start3A_521 : memref<128x128xf32, #tpu.memory_space<vmem>>) offsets(%dma_start3A_524 : memref<128xi32, #tpu.memory_space<vmem>>) semaphore(%arg15 : memref<!tpu.dma_semaphore, #tpu.memory_space<semaphore_mem>>)
      } else {
      }
      %run_scoped3A_493 = arith.constant 14 : i32
      "tpu.region"() ({
        %run_scoped3A_516 = tpu.sem_alloc : memref<!tpu.dma_semaphore, #tpu.memory_space<semaphore_mem>>
        %dma_start3A_517 = arith.constant 0 : i32
        %dma_start3A_518 = tpu.memref_slice %arg10[%rem3A_82, %run_scoped3A_493, %dma_start3A_517] : memref<2x16x128xi32, #tpu.memory_space<vmem>> -> memref<1x1x128xi32, #tpu.memory_space<vmem>>
        %dma_start3A_519 = tpu.memref_squeeze %dma_start3A_518 : memref<1x1x128xi32, #tpu.memory_space<vmem>> -> memref<128xi32, #tpu.memory_space<vmem>>
        %dma_start3A_520 = arith.constant 0 : i32
        %dma_start3A_521 = tpu.memref_slice %arg14[%dma_start3A_520] : memref<10240xf32, #tpu.memory_space<vmem_shared>> -> memref<10240xf32, #tpu.memory_space<vmem_shared>>
        tpu.enqueue_indirect_dma source(%arg12 : memref<128xf32, #tpu.memory_space<vmem>>) target(%dma_start3A_521 : memref<10240xf32, #tpu.memory_space<vmem_shared>>) offsets(%dma_start3A_519 : memref<128xi32, #tpu.memory_space<vmem>>) semaphore(%run_scoped3A_516 : memref<!tpu.dma_semaphore, #tpu.memory_space<semaphore_mem>>) {add = true}
        %dma_wait3A_522 = arith.constant 0 : i32
        %dma_wait3A_523 = tpu.memref_slice %arg10[%rem3A_82, %run_scoped3A_493, %dma_wait3A_522] : memref<2x16x128xi32, #tpu.memory_space<vmem>> -> memref<1x1x128xi32, #tpu.memory_space<vmem>>
        %dma_wait3A_524 = tpu.memref_squeeze %dma_wait3A_523 : memref<1x1x128xi32, #tpu.memory_space<vmem>> -> memref<128xi32, #tpu.memory_space<vmem>>
        %dma_wait3A_525 = arith.constant 0 : i32
        %dma_wait3A_526 = tpu.memref_slice %arg14[%dma_wait3A_525] : memref<10240xf32, #tpu.memory_space<vmem_shared>> -> memref<10240xf32, #tpu.memory_space<vmem_shared>>
        tpu.wait_indirect_dma semaphore(%run_scoped3A_516 : memref<!tpu.dma_semaphore, #tpu.memory_space<semaphore_mem>>) src(%arg12 : memref<128xf32, #tpu.memory_space<vmem>>) dst(%dma_wait3A_526 : memref<10240xf32, #tpu.memory_space<vmem_shared>>)
        tpu.yield
      }) : () -> ()
      %dma_wait3A_494 = arith.constant 15 : i32
      %dma_wait3A_495 = arith.constant 1 : i32
      %dma_wait3A_496 = arith.constant 0 : i32
      %dma_wait3A_497 = arith.constant 0 : i32
      %dma_wait3A_498 = tpu.memref_slice %arg11[%dma_wait3A_495, %dma_wait3A_496, %dma_wait3A_497] : memref<2x128x128xf32, #tpu.memory_space<vmem>> -> memref<1x128x128xf32, #tpu.memory_space<vmem>>
      %dma_wait3A_499 = tpu.memref_squeeze %dma_wait3A_498 : memref<1x128x128xf32, #tpu.memory_space<vmem>> -> memref<128x128xf32, #tpu.memory_space<vmem>>
      %dma_wait3A_500 = arith.constant 0 : i32
      %dma_wait3A_501 = tpu.memref_slice %arg9[%rem3A_82, %dma_wait3A_494, %dma_wait3A_500] : memref<2x16x128xi32, #tpu.memory_space<vmem>> -> memref<1x1x128xi32, #tpu.memory_space<vmem>>
      %dma_wait3A_502 = tpu.memref_squeeze %dma_wait3A_501 : memref<1x1x128xi32, #tpu.memory_space<vmem>> -> memref<128xi32, #tpu.memory_space<vmem>>
      %dma_wait3A_503 = arith.constant 0 : i32
      %dma_wait3A_504 = arith.constant 0 : i32
      %dma_wait3A_505 = tpu.memref_slice %arg2[%dma_wait3A_503, %dma_wait3A_504] : memref<100000x128xf32, #tpu.memory_space<hbm>> -> memref<100000x128xf32, #tpu.memory_space<hbm>>
      tpu.wait_indirect_dma semaphore(%arg16 : memref<!tpu.dma_semaphore, #tpu.memory_space<semaphore_mem>>) src(%dma_wait3A_505 : memref<100000x128xf32, #tpu.memory_space<hbm>>) dst(%dma_wait3A_499 : memref<128x128xf32, #tpu.memory_space<vmem>>)
      %run_scoped3A_506 = arith.constant 1 : i32
      %run_scoped3A_507 = arith.constant 15 : i32
      "tpu.region"() ({
        %run_scoped3A_516 = tpu.sem_alloc : memref<!tpu.dma_semaphore, #tpu.memory_space<semaphore_mem>>
        %dma_start3A_517 = arith.constant 0 : i32
        %dma_start3A_518 = arith.constant 0 : i32
        %dma_start3A_519 = tpu.memref_slice %arg11[%run_scoped3A_506, %dma_start3A_517, %dma_start3A_518] : memref<2x128x128xf32, #tpu.memory_space<vmem>> -> memref<1x128x128xf32, #tpu.memory_space<vmem>>
        %dma_start3A_520 = tpu.memref_squeeze %dma_start3A_519 : memref<1x128x128xf32, #tpu.memory_space<vmem>> -> memref<128x128xf32, #tpu.memory_space<vmem>>
        %dma_start3A_521 = arith.constant 0 : i32
        %dma_start3A_522 = tpu.memref_slice %arg10[%rem3A_82, %run_scoped3A_507, %dma_start3A_521] : memref<2x16x128xi32, #tpu.memory_space<vmem>> -> memref<1x1x128xi32, #tpu.memory_space<vmem>>
        %dma_start3A_523 = tpu.memref_squeeze %dma_start3A_522 : memref<1x1x128xi32, #tpu.memory_space<vmem>> -> memref<128xi32, #tpu.memory_space<vmem>>
        %dma_start3A_524 = arith.constant 0 : i32
        %dma_start3A_525 = arith.constant 0 : i32
        %dma_start3A_526 = tpu.memref_slice %arg13[%dma_start3A_524, %dma_start3A_525] : memref<10240x128xf32, #tpu.memory_space<vmem_shared>> -> memref<10240x128xf32, #tpu.memory_space<vmem_shared>>
        tpu.enqueue_indirect_dma source(%dma_start3A_520 : memref<128x128xf32, #tpu.memory_space<vmem>>) target(%dma_start3A_526 : memref<10240x128xf32, #tpu.memory_space<vmem_shared>>) offsets(%dma_start3A_523 : memref<128xi32, #tpu.memory_space<vmem>>) semaphore(%run_scoped3A_516 : memref<!tpu.dma_semaphore, #tpu.memory_space<semaphore_mem>>) {add = true}
        %dma_wait3A_527 = arith.constant 0 : i32
        %dma_wait3A_528 = arith.constant 0 : i32
        %dma_wait3A_529 = tpu.memref_slice %arg11[%run_scoped3A_506, %dma_wait3A_527, %dma_wait3A_528] : memref<2x128x128xf32, #tpu.memory_space<vmem>> -> memref<1x128x128xf32, #tpu.memory_space<vmem>>
        %dma_wait3A_530 = tpu.memref_squeeze %dma_wait3A_529 : memref<1x128x128xf32, #tpu.memory_space<vmem>> -> memref<128x128xf32, #tpu.memory_space<vmem>>
        %dma_wait3A_531 = arith.constant 0 : i32
        %dma_wait3A_532 = tpu.memref_slice %arg10[%rem3A_82, %run_scoped3A_507, %dma_wait3A_531] : memref<2x16x128xi32, #tpu.memory_space<vmem>> -> memref<1x1x128xi32, #tpu.memory_space<vmem>>
        %dma_wait3A_533 = tpu.memref_squeeze %dma_wait3A_532 : memref<1x1x128xi32, #tpu.memory_space<vmem>> -> memref<128xi32, #tpu.memory_space<vmem>>
        %dma_wait3A_534 = arith.constant 0 : i32
        %dma_wait3A_535 = arith.constant 0 : i32
        %dma_wait3A_536 = tpu.memref_slice %arg13[%dma_wait3A_534, %dma_wait3A_535] : memref<10240x128xf32, #tpu.memory_space<vmem_shared>> -> memref<10240x128xf32, #tpu.memory_space<vmem_shared>>
        tpu.wait_indirect_dma semaphore(%run_scoped3A_516 : memref<!tpu.dma_semaphore, #tpu.memory_space<semaphore_mem>>) src(%dma_wait3A_530 : memref<128x128xf32, #tpu.memory_space<vmem>>) dst(%dma_wait3A_536 : memref<10240x128xf32, #tpu.memory_space<vmem_shared>>)
        tpu.yield
      }) : () -> ()
      %add3A_508 = arith.constant 1 : i32
      %add3A_509 = arith.addi %scan3A_81, %add3A_508 : i32
      %lt3A_510 = arith.constant 5 : i32
      %lt3A_511 = arith.cmpi slt, %add3A_509, %lt3A_510 : i32
      %convert_element_type3A_512 = arith.extui %lt3A_511 : i1 to i32
      %cond3A_513 = arith.constant 0 : i32
      %cond3A_514 = arith.cmpi ne, %convert_element_type3A_512, %cond3A_513 : i32
      scf.if %cond3A_514 {
        %dma_start3A_516 = arith.constant 1 : i32
        %dma_start3A_517 = arith.constant 1 : i32
        %dma_start3A_518 = arith.constant 0 : i32
        %dma_start3A_519 = arith.constant 0 : i32
        %dma_start3A_520 = tpu.memref_slice %arg11[%dma_start3A_517, %dma_start3A_518, %dma_start3A_519] : memref<2x128x128xf32, #tpu.memory_space<vmem>> -> memref<1x128x128xf32, #tpu.memory_space<vmem>>
        %dma_start3A_521 = tpu.memref_squeeze %dma_start3A_520 : memref<1x128x128xf32, #tpu.memory_space<vmem>> -> memref<128x128xf32, #tpu.memory_space<vmem>>
        %dma_start3A_522 = arith.constant 0 : i32
        %dma_start3A_523 = tpu.memref_slice %arg9[%sub3A_83, %dma_start3A_516, %dma_start3A_522] : memref<2x16x128xi32, #tpu.memory_space<vmem>> -> memref<1x1x128xi32, #tpu.memory_space<vmem>>
        %dma_start3A_524 = tpu.memref_squeeze %dma_start3A_523 : memref<1x1x128xi32, #tpu.memory_space<vmem>> -> memref<128xi32, #tpu.memory_space<vmem>>
        %dma_start3A_525 = arith.constant 0 : i32
        %dma_start3A_526 = arith.constant 0 : i32
        %dma_start3A_527 = tpu.memref_slice %arg2[%dma_start3A_525, %dma_start3A_526] : memref<100000x128xf32, #tpu.memory_space<hbm>> -> memref<100000x128xf32, #tpu.memory_space<hbm>>
        tpu.enqueue_indirect_dma source(%dma_start3A_527 : memref<100000x128xf32, #tpu.memory_space<hbm>>) target(%dma_start3A_521 : memref<128x128xf32, #tpu.memory_space<vmem>>) offsets(%dma_start3A_524 : memref<128xi32, #tpu.memory_space<vmem>>) semaphore(%arg16 : memref<!tpu.dma_semaphore, #tpu.memory_space<semaphore_mem>>)
      } else {
      }
      %run_scoped3A_515 = arith.constant 15 : i32
      "tpu.region"() ({
        %run_scoped3A_516 = tpu.sem_alloc : memref<!tpu.dma_semaphore, #tpu.memory_space<semaphore_mem>>
        %dma_start3A_517 = arith.constant 0 : i32
        %dma_start3A_518 = tpu.memref_slice %arg10[%rem3A_82, %run_scoped3A_515, %dma_start3A_517] : memref<2x16x128xi32, #tpu.memory_space<vmem>> -> memref<1x1x128xi32, #tpu.memory_space<vmem>>
        %dma_start3A_519 = tpu.memref_squeeze %dma_start3A_518 : memref<1x1x128xi32, #tpu.memory_space<vmem>> -> memref<128xi32, #tpu.memory_space<vmem>>
        %dma_start3A_520 = arith.constant 0 : i32
        %dma_start3A_521 = tpu.memref_slice %arg14[%dma_start3A_520] : memref<10240xf32, #tpu.memory_space<vmem_shared>> -> memref<10240xf32, #tpu.memory_space<vmem_shared>>
        tpu.enqueue_indirect_dma source(%arg12 : memref<128xf32, #tpu.memory_space<vmem>>) target(%dma_start3A_521 : memref<10240xf32, #tpu.memory_space<vmem_shared>>) offsets(%dma_start3A_519 : memref<128xi32, #tpu.memory_space<vmem>>) semaphore(%run_scoped3A_516 : memref<!tpu.dma_semaphore, #tpu.memory_space<semaphore_mem>>) {add = true}
        %dma_wait3A_522 = arith.constant 0 : i32
        %dma_wait3A_523 = tpu.memref_slice %arg10[%rem3A_82, %run_scoped3A_515, %dma_wait3A_522] : memref<2x16x128xi32, #tpu.memory_space<vmem>> -> memref<1x1x128xi32, #tpu.memory_space<vmem>>
        %dma_wait3A_524 = tpu.memref_squeeze %dma_wait3A_523 : memref<1x1x128xi32, #tpu.memory_space<vmem>> -> memref<128xi32, #tpu.memory_space<vmem>>
        %dma_wait3A_525 = arith.constant 0 : i32
        %dma_wait3A_526 = tpu.memref_slice %arg14[%dma_wait3A_525] : memref<10240xf32, #tpu.memory_space<vmem_shared>> -> memref<10240xf32, #tpu.memory_space<vmem_shared>>
        tpu.wait_indirect_dma semaphore(%run_scoped3A_516 : memref<!tpu.dma_semaphore, #tpu.memory_space<semaphore_mem>>) src(%arg12 : memref<128xf32, #tpu.memory_space<vmem>>) dst(%dma_wait3A_526 : memref<10240xf32, #tpu.memory_space<vmem_shared>>)
        tpu.yield
      }) : () -> ()
    }
    %scan3A_79 = arith.constant 5 : i32
    %barrier3A_80 = arith.constant 0 : index
    tpu.barrier barrier_id(%barrier3A_80)
    "tpu.region"() ({
      %run_scoped3A_81 = tpu.sem_alloc : memref<!tpu.dma_semaphore, #tpu.memory_space<semaphore_mem>>
      %dma_start3A_82 = arith.constant 0 : i32
      %dma_start3A_83 = tpu.memref_slice %arg7[%arg0, %mul3A_2, %dma_start3A_82] : memref<2x10240x128xf32, #tpu.memory_space<hbm>> -> memref<1x640x128xf32, #tpu.memory_space<hbm>>
      %dma_start3A_84 = tpu.memref_squeeze %dma_start3A_83 : memref<1x640x128xf32, #tpu.memory_space<hbm>> -> memref<640x128xf32, #tpu.memory_space<hbm>>
      %dma_start3A_85 = arith.constant 0 : i32
      %dma_start3A_86 = tpu.memref_slice %arg13[%mul3A_2, %dma_start3A_85] : memref<10240x128xf32, #tpu.memory_space<vmem_shared>> -> memref<640x128xf32, #tpu.memory_space<vmem_shared>>
      tpu.enqueue_dma source(%dma_start3A_86 : memref<640x128xf32, #tpu.memory_space<vmem_shared>>) target(%dma_start3A_84 : memref<640x128xf32, #tpu.memory_space<hbm>>) target_semaphore(%run_scoped3A_81 : memref<!tpu.dma_semaphore, #tpu.memory_space<semaphore_mem>>)
      %dma_wait3A = arith.constant 0 : i32
      %dma_wait3A_87 = tpu.memref_slice %arg7[%arg0, %mul3A_2, %dma_wait3A] : memref<2x10240x128xf32, #tpu.memory_space<hbm>> -> memref<1x640x128xf32, #tpu.memory_space<hbm>>
      %dma_wait3A_88 = tpu.memref_squeeze %dma_wait3A_87 : memref<1x640x128xf32, #tpu.memory_space<hbm>> -> memref<640x128xf32, #tpu.memory_space<hbm>>
      %dma_wait3A_89 = arith.constant 0 : i32
      %dma_wait3A_90 = tpu.memref_slice %arg13[%mul3A_2, %dma_wait3A_89] : memref<10240x128xf32, #tpu.memory_space<vmem_shared>> -> memref<640x128xf32, #tpu.memory_space<vmem_shared>>
      tpu.wait_dma2 semaphore(%run_scoped3A_81 : memref<!tpu.dma_semaphore, #tpu.memory_space<semaphore_mem>>) src(%dma_wait3A_90 : memref<640x128xf32, #tpu.memory_space<vmem_shared>>) dst(%dma_wait3A_88 : memref<640x128xf32, #tpu.memory_space<hbm>>)
      tpu.yield
    }) : () -> ()
    "tpu.region"() ({
      %run_scoped3A_81 = tpu.sem_alloc : memref<!tpu.dma_semaphore, #tpu.memory_space<semaphore_mem>>
      %dma_start3A_82 = tpu.memref_slice %arg8[%arg0, %mul3A_2] : memref<2x10240xf32, #tpu.memory_space<hbm>> -> memref<1x640xf32, #tpu.memory_space<hbm>>
      %dma_start3A_83 = tpu.memref_squeeze %dma_start3A_82 : memref<1x640xf32, #tpu.memory_space<hbm>> -> memref<640xf32, #tpu.memory_space<hbm>>
      %dma_start3A_84 = tpu.memref_slice %arg14[%mul3A_2] : memref<10240xf32, #tpu.memory_space<vmem_shared>> -> memref<640xf32, #tpu.memory_space<vmem_shared>>
      tpu.enqueue_dma source(%dma_start3A_84 : memref<640xf32, #tpu.memory_space<vmem_shared>>) target(%dma_start3A_83 : memref<640xf32, #tpu.memory_space<hbm>>) target_semaphore(%run_scoped3A_81 : memref<!tpu.dma_semaphore, #tpu.memory_space<semaphore_mem>>)
      %dma_wait3A = tpu.memref_slice %arg8[%arg0, %mul3A_2] : memref<2x10240xf32, #tpu.memory_space<hbm>> -> memref<1x640xf32, #tpu.memory_space<hbm>>
      %dma_wait3A_85 = tpu.memref_squeeze %dma_wait3A : memref<1x640xf32, #tpu.memory_space<hbm>> -> memref<640xf32, #tpu.memory_space<hbm>>
      %dma_wait3A_86 = tpu.memref_slice %arg14[%mul3A_2] : memref<10240xf32, #tpu.memory_space<vmem_shared>> -> memref<640xf32, #tpu.memory_space<vmem_shared>>
      tpu.wait_dma2 semaphore(%run_scoped3A_81 : memref<!tpu.dma_semaphore, #tpu.memory_space<semaphore_mem>>) src(%dma_wait3A_86 : memref<640xf32, #tpu.memory_space<vmem_shared>>) dst(%dma_wait3A_85 : memref<640xf32, #tpu.memory_space<hbm>>)
      tpu.yield
    }) : () -> ()
    return
  }
}

#map = affine_map<(d0, d1) -> (0, 0)>
#map1 = affine_map<(d0, d1) -> (0, 0, 0)>
#map2 = affine_map<(d0, d1) -> (0)>
module attributes {stable_mosaic.version = 14 : i64} {
  func.func @agg(%arg0: i32, %arg1: i32, %arg2: memref<10240x128xf32, #tpu.memory_space<hbm>>, %arg3: memref<32x16x128xi32, #tpu.memory_space<hbm>>, %arg4: memref<32x16x128xi32, #tpu.memory_space<hbm>>, %arg5: memref<2048x128xf32, #tpu.memory_space<hbm>>, %arg6: memref<2048xf32, #tpu.memory_space<hbm>>, %arg7: memref<2x2048x128xf32, #tpu.memory_space<hbm>>, %arg8: memref<2x2048xf32, #tpu.memory_space<hbm>>, %arg9: memref<2x16x128xi32, #tpu.memory_space<vmem>>, %arg10: memref<2x16x128xi32, #tpu.memory_space<vmem>>, %arg11: memref<2x128x128xf32, #tpu.memory_space<vmem>>, %arg12: memref<128xf32, #tpu.memory_space<vmem>>, %arg13: memref<2048x128xf32, #tpu.memory_space<vmem_shared>>, %arg14: memref<2048xf32, #tpu.memory_space<vmem_shared>>, %arg15: memref<!tpu.dma_semaphore, #tpu.memory_space<semaphore_mem>>, %arg16: memref<!tpu.dma_semaphore, #tpu.memory_space<semaphore_mem>>, %arg17: memref<!tpu.dma_semaphore, #tpu.memory_space<semaphore_mem>>, %arg18: memref<!tpu.dma_semaphore, #tpu.memory_space<semaphore_mem>>) attributes {dimension_semantics = [#tpu.dimension_semantics<core_parallel>, #tpu.dimension_semantics<subcore_parallel>], iteration_bounds = array<i64: 2, 16>, scalar_prefetch = 0 : i64, scratch_operands = 10 : i64, tpu.core_type = #tpu.core_type<sc_vector_subcore>, window_params = [{transform_indices = #map}, {transform_indices = #map1}, {transform_indices = #map1}, {transform_indices = #map}, {transform_indices = #map2}, {transform_indices = #map1}, {transform_indices = #map}]} {
    %mul3A = arith.constant 16 : i32
    %mul3A_0 = arith.muli %arg0, %mul3A : i32
    %add3A = arith.addi %mul3A_0, %arg1 : i32
    %mul3A_1 = arith.constant 128 : i32
    %mul3A_2 = arith.muli %arg1, %mul3A_1 : i32
    "tpu.region"() ({
      %run_scoped3A_512 = tpu.sem_alloc : memref<!tpu.dma_semaphore, #tpu.memory_space<semaphore_mem>>
      %dma_start3A_513 = arith.constant 0 : i32
      %dma_start3A_514 = tpu.memref_slice %arg13[%mul3A_2, %dma_start3A_513] : memref<2048x128xf32, #tpu.memory_space<vmem_shared>> -> memref<128x128xf32, #tpu.memory_space<vmem_shared>>
      %dma_start3A_515 = arith.constant 0 : i32
      %dma_start3A_516 = tpu.memref_slice %arg5[%mul3A_2, %dma_start3A_515] : memref<2048x128xf32, #tpu.memory_space<hbm>> -> memref<128x128xf32, #tpu.memory_space<hbm>>
      tpu.enqueue_dma source(%dma_start3A_516 : memref<128x128xf32, #tpu.memory_space<hbm>>) target(%dma_start3A_514 : memref<128x128xf32, #tpu.memory_space<vmem_shared>>) target_semaphore(%run_scoped3A_512 : memref<!tpu.dma_semaphore, #tpu.memory_space<semaphore_mem>>)
      %dma_wait3A_517 = arith.constant 0 : i32
      %dma_wait3A_518 = tpu.memref_slice %arg13[%mul3A_2, %dma_wait3A_517] : memref<2048x128xf32, #tpu.memory_space<vmem_shared>> -> memref<128x128xf32, #tpu.memory_space<vmem_shared>>
      %dma_wait3A_519 = arith.constant 0 : i32
      %dma_wait3A_520 = tpu.memref_slice %arg5[%mul3A_2, %dma_wait3A_519] : memref<2048x128xf32, #tpu.memory_space<hbm>> -> memref<128x128xf32, #tpu.memory_space<hbm>>
      tpu.wait_dma2 semaphore(%run_scoped3A_512 : memref<!tpu.dma_semaphore, #tpu.memory_space<semaphore_mem>>) src(%dma_wait3A_520 : memref<128x128xf32, #tpu.memory_space<hbm>>) dst(%dma_wait3A_518 : memref<128x128xf32, #tpu.memory_space<vmem_shared>>)
      tpu.yield
    }) : () -> ()
    "tpu.region"() ({
      %run_scoped3A_512 = tpu.sem_alloc : memref<!tpu.dma_semaphore, #tpu.memory_space<semaphore_mem>>
      %dma_start3A_513 = tpu.memref_slice %arg14[%mul3A_2] : memref<2048xf32, #tpu.memory_space<vmem_shared>> -> memref<128xf32, #tpu.memory_space<vmem_shared>>
      %dma_start3A_514 = tpu.memref_slice %arg6[%mul3A_2] : memref<2048xf32, #tpu.memory_space<hbm>> -> memref<128xf32, #tpu.memory_space<hbm>>
      tpu.enqueue_dma source(%dma_start3A_514 : memref<128xf32, #tpu.memory_space<hbm>>) target(%dma_start3A_513 : memref<128xf32, #tpu.memory_space<vmem_shared>>) target_semaphore(%run_scoped3A_512 : memref<!tpu.dma_semaphore, #tpu.memory_space<semaphore_mem>>)
      %dma_wait3A_515 = tpu.memref_slice %arg14[%mul3A_2] : memref<2048xf32, #tpu.memory_space<vmem_shared>> -> memref<128xf32, #tpu.memory_space<vmem_shared>>
      %dma_wait3A_516 = tpu.memref_slice %arg6[%mul3A_2] : memref<2048xf32, #tpu.memory_space<hbm>> -> memref<128xf32, #tpu.memory_space<hbm>>
      tpu.wait_dma2 semaphore(%run_scoped3A_512 : memref<!tpu.dma_semaphore, #tpu.memory_space<semaphore_mem>>) src(%dma_wait3A_516 : memref<128xf32, #tpu.memory_space<hbm>>) dst(%dma_wait3A_515 : memref<128xf32, #tpu.memory_space<vmem_shared>>)
      tpu.yield
    }) : () -> ()
    %broadcast_in_dim3A = arith.constant 1.000000e+00 : f32
    %broadcast_in_dim3A_3 = vector.broadcast %broadcast_in_dim3A : f32 to vector<16xf32>
    %swap3A = arith.constant 0 : index
    %swap3A_4 = tpu.vector_load %arg12[%swap3A] {strides = array<i32>} : memref<128xf32, #tpu.memory_space<vmem>>, vector<16xf32>,
    %swap3A_5 = vector.shape_cast %swap3A_4 : vector<16xf32> to vector<16xf32>
    %swap3A_6 = vector.shape_cast %broadcast_in_dim3A_3 : vector<16xf32> to vector<16xf32>
    tpu.vector_store %arg12[%swap3A], %swap3A_6 {strides = array<i32>} : memref<128xf32, #tpu.memory_space<vmem>>, vector<16xf32>,
    %broadcast_in_dim3A_7 = arith.constant 1.000000e+00 : f32
    %broadcast_in_dim3A_8 = vector.broadcast %broadcast_in_dim3A_7 : f32 to vector<16xf32>
    %swap3A_9 = arith.constant 16 : index
    %swap3A_10 = tpu.vector_load %arg12[%swap3A_9] {strides = array<i32>} : memref<128xf32, #tpu.memory_space<vmem>>, vector<16xf32>,
    %swap3A_11 = vector.shape_cast %swap3A_10 : vector<16xf32> to vector<16xf32>
    %swap3A_12 = vector.shape_cast %broadcast_in_dim3A_8 : vector<16xf32> to vector<16xf32>
    tpu.vector_store %arg12[%swap3A_9], %swap3A_12 {strides = array<i32>} : memref<128xf32, #tpu.memory_space<vmem>>, vector<16xf32>,
    %broadcast_in_dim3A_13 = arith.constant 1.000000e+00 : f32
    %broadcast_in_dim3A_14 = vector.broadcast %broadcast_in_dim3A_13 : f32 to vector<16xf32>
    %swap3A_15 = arith.constant 32 : index
    %swap3A_16 = tpu.vector_load %arg12[%swap3A_15] {strides = array<i32>} : memref<128xf32, #tpu.memory_space<vmem>>, vector<16xf32>,
    %swap3A_17 = vector.shape_cast %swap3A_16 : vector<16xf32> to vector<16xf32>
    %swap3A_18 = vector.shape_cast %broadcast_in_dim3A_14 : vector<16xf32> to vector<16xf32>
    tpu.vector_store %arg12[%swap3A_15], %swap3A_18 {strides = array<i32>} : memref<128xf32, #tpu.memory_space<vmem>>, vector<16xf32>,
    %broadcast_in_dim3A_19 = arith.constant 1.000000e+00 : f32
    %broadcast_in_dim3A_20 = vector.broadcast %broadcast_in_dim3A_19 : f32 to vector<16xf32>
    %swap3A_21 = arith.constant 48 : index
    %swap3A_22 = tpu.vector_load %arg12[%swap3A_21] {strides = array<i32>} : memref<128xf32, #tpu.memory_space<vmem>>, vector<16xf32>,
    %swap3A_23 = vector.shape_cast %swap3A_22 : vector<16xf32> to vector<16xf32>
    %swap3A_24 = vector.shape_cast %broadcast_in_dim3A_20 : vector<16xf32> to vector<16xf32>
    tpu.vector_store %arg12[%swap3A_21], %swap3A_24 {strides = array<i32>} : memref<128xf32, #tpu.memory_space<vmem>>, vector<16xf32>,
    %broadcast_in_dim3A_25 = arith.constant 1.000000e+00 : f32
    %broadcast_in_dim3A_26 = vector.broadcast %broadcast_in_dim3A_25 : f32 to vector<16xf32>
    %swap3A_27 = arith.constant 64 : index
    %swap3A_28 = tpu.vector_load %arg12[%swap3A_27] {strides = array<i32>} : memref<128xf32, #tpu.memory_space<vmem>>, vector<16xf32>,
    %swap3A_29 = vector.shape_cast %swap3A_28 : vector<16xf32> to vector<16xf32>
    %swap3A_30 = vector.shape_cast %broadcast_in_dim3A_26 : vector<16xf32> to vector<16xf32>
    tpu.vector_store %arg12[%swap3A_27], %swap3A_30 {strides = array<i32>} : memref<128xf32, #tpu.memory_space<vmem>>, vector<16xf32>,
    %broadcast_in_dim3A_31 = arith.constant 1.000000e+00 : f32
    %broadcast_in_dim3A_32 = vector.broadcast %broadcast_in_dim3A_31 : f32 to vector<16xf32>
    %swap3A_33 = arith.constant 80 : index
    %swap3A_34 = tpu.vector_load %arg12[%swap3A_33] {strides = array<i32>} : memref<128xf32, #tpu.memory_space<vmem>>, vector<16xf32>,
    %swap3A_35 = vector.shape_cast %swap3A_34 : vector<16xf32> to vector<16xf32>
    %swap3A_36 = vector.shape_cast %broadcast_in_dim3A_32 : vector<16xf32> to vector<16xf32>
    tpu.vector_store %arg12[%swap3A_33], %swap3A_36 {strides = array<i32>} : memref<128xf32, #tpu.memory_space<vmem>>, vector<16xf32>,
    %broadcast_in_dim3A_37 = arith.constant 1.000000e+00 : f32
    %broadcast_in_dim3A_38 = vector.broadcast %broadcast_in_dim3A_37 : f32 to vector<16xf32>
    %swap3A_39 = arith.constant 96 : index
    %swap3A_40 = tpu.vector_load %arg12[%swap3A_39] {strides = array<i32>} : memref<128xf32, #tpu.memory_space<vmem>>, vector<16xf32>,
    %swap3A_41 = vector.shape_cast %swap3A_40 : vector<16xf32> to vector<16xf32>
    %swap3A_42 = vector.shape_cast %broadcast_in_dim3A_38 : vector<16xf32> to vector<16xf32>
    tpu.vector_store %arg12[%swap3A_39], %swap3A_42 {strides = array<i32>} : memref<128xf32, #tpu.memory_space<vmem>>, vector<16xf32>,
    %broadcast_in_dim3A_43 = arith.constant 1.000000e+00 : f32
    %broadcast_in_dim3A_44 = vector.broadcast %broadcast_in_dim3A_43 : f32 to vector<16xf32>
    %swap3A_45 = arith.constant 112 : index
    %swap3A_46 = tpu.vector_load %arg12[%swap3A_45] {strides = array<i32>} : memref<128xf32, #tpu.memory_space<vmem>>, vector<16xf32>,
    %swap3A_47 = vector.shape_cast %swap3A_46 : vector<16xf32> to vector<16xf32>
    %swap3A_48 = vector.shape_cast %broadcast_in_dim3A_44 : vector<16xf32> to vector<16xf32>
    tpu.vector_store %arg12[%swap3A_45], %swap3A_48 {strides = array<i32>} : memref<128xf32, #tpu.memory_space<vmem>>, vector<16xf32>,
    %run_scoped3A = arith.constant 0 : i32
    "tpu.region"() ({
      %run_scoped3A_512 = tpu.sem_alloc : memref<!tpu.dma_semaphore, #tpu.memory_space<semaphore_mem>>
      %dma_start3A_513 = arith.constant 0 : i32
      %dma_start3A_514 = arith.constant 0 : i32
      %dma_start3A_515 = tpu.memref_slice %arg9[%run_scoped3A, %dma_start3A_513, %dma_start3A_514] : memref<2x16x128xi32, #tpu.memory_space<vmem>> -> memref<1x16x128xi32, #tpu.memory_space<vmem>>
      %dma_start3A_516 = tpu.memref_squeeze %dma_start3A_515 : memref<1x16x128xi32, #tpu.memory_space<vmem>> -> memref<16x128xi32, #tpu.memory_space<vmem>>
      %dma_start3A_517 = arith.constant 0 : i32
      %dma_start3A_518 = arith.constant 0 : i32
      %dma_start3A_519 = tpu.memref_slice %arg3[%add3A, %dma_start3A_517, %dma_start3A_518] : memref<32x16x128xi32, #tpu.memory_space<hbm>> -> memref<1x16x128xi32, #tpu.memory_space<hbm>>
      %dma_start3A_520 = tpu.memref_squeeze %dma_start3A_519 : memref<1x16x128xi32, #tpu.memory_space<hbm>> -> memref<16x128xi32, #tpu.memory_space<hbm>>
      %dma_start3A_521 = arith.constant 0 : i32
      %dma_start3A_522 = arith.constant 0 : i32
      %dma_start3A_523 = tpu.memref_slice %arg9[%run_scoped3A, %dma_start3A_521, %dma_start3A_522] : memref<2x16x128xi32, #tpu.memory_space<vmem>> -> memref<1x16x128xi32, #tpu.memory_space<vmem>>
      %dma_start3A_524 = tpu.memref_squeeze %dma_start3A_523 : memref<1x16x128xi32, #tpu.memory_space<vmem>> -> memref<16x128xi32, #tpu.memory_space<vmem>>
      %dma_start3A_525 = arith.constant 0 : i32
      %dma_start3A_526 = arith.constant 0 : i32
      %dma_start3A_527 = tpu.memref_slice %arg3[%add3A, %dma_start3A_525, %dma_start3A_526] : memref<32x16x128xi32, #tpu.memory_space<hbm>> -> memref<1x16x128xi32, #tpu.memory_space<hbm>>
      %dma_start3A_528 = tpu.memref_squeeze %dma_start3A_527 : memref<1x16x128xi32, #tpu.memory_space<hbm>> -> memref<16x128xi32, #tpu.memory_space<hbm>>
      tpu.enqueue_dma source(%dma_start3A_528 : memref<16x128xi32, #tpu.memory_space<hbm>>) target(%dma_start3A_524 : memref<16x128xi32, #tpu.memory_space<vmem>>) target_semaphore(%run_scoped3A_512 : memref<!tpu.dma_semaphore, #tpu.memory_space<semaphore_mem>>)
      %dma_wait3A_529 = arith.constant 0 : i32
      %dma_wait3A_530 = arith.constant 0 : i32
      %dma_wait3A_531 = tpu.memref_slice %arg9[%run_scoped3A, %dma_wait3A_529, %dma_wait3A_530] : memref<2x16x128xi32, #tpu.memory_space<vmem>> -> memref<1x16x128xi32, #tpu.memory_space<vmem>>
      %dma_wait3A_532 = tpu.memref_squeeze %dma_wait3A_531 : memref<1x16x128xi32, #tpu.memory_space<vmem>> -> memref<16x128xi32, #tpu.memory_space<vmem>>
      %dma_wait3A_533 = arith.constant 0 : i32
      %dma_wait3A_534 = arith.constant 0 : i32
      %dma_wait3A_535 = tpu.memref_slice %arg3[%add3A, %dma_wait3A_533, %dma_wait3A_534] : memref<32x16x128xi32, #tpu.memory_space<hbm>> -> memref<1x16x128xi32, #tpu.memory_space<hbm>>
      %dma_wait3A_536 = tpu.memref_squeeze %dma_wait3A_535 : memref<1x16x128xi32, #tpu.memory_space<hbm>> -> memref<16x128xi32, #tpu.memory_space<hbm>>
      %dma_wait3A_537 = arith.constant 0 : i32
      %dma_wait3A_538 = arith.constant 0 : i32
      %dma_wait3A_539 = tpu.memref_slice %arg9[%run_scoped3A, %dma_wait3A_537, %dma_wait3A_538] : memref<2x16x128xi32, #tpu.memory_space<vmem>> -> memref<1x16x128xi32, #tpu.memory_space<vmem>>
      %dma_wait3A_540 = tpu.memref_squeeze %dma_wait3A_539 : memref<1x16x128xi32, #tpu.memory_space<vmem>> -> memref<16x128xi32, #tpu.memory_space<vmem>>
      %dma_wait3A_541 = arith.constant 0 : i32
      %dma_wait3A_542 = arith.constant 0 : i32
      %dma_wait3A_543 = tpu.memref_slice %arg3[%add3A, %dma_wait3A_541, %dma_wait3A_542] : memref<32x16x128xi32, #tpu.memory_space<hbm>> -> memref<1x16x128xi32, #tpu.memory_space<hbm>>
      %dma_wait3A_544 = tpu.memref_squeeze %dma_wait3A_543 : memref<1x16x128xi32, #tpu.memory_space<hbm>> -> memref<16x128xi32, #tpu.memory_space<hbm>>
      tpu.wait_dma2 semaphore(%run_scoped3A_512 : memref<!tpu.dma_semaphore, #tpu.memory_space<semaphore_mem>>) src(%dma_wait3A_544 : memref<16x128xi32, #tpu.memory_space<hbm>>) dst(%dma_wait3A_540 : memref<16x128xi32, #tpu.memory_space<vmem>>)
      tpu.yield
    }) : () -> ()
    %run_scoped3A_49 = arith.constant 0 : i32
    "tpu.region"() ({
      %run_scoped3A_512 = tpu.sem_alloc : memref<!tpu.dma_semaphore, #tpu.memory_space<semaphore_mem>>
      %dma_start3A_513 = arith.constant 0 : i32
      %dma_start3A_514 = arith.constant 0 : i32
      %dma_start3A_515 = tpu.memref_slice %arg10[%run_scoped3A_49, %dma_start3A_513, %dma_start3A_514] : memref<2x16x128xi32, #tpu.memory_space<vmem>> -> memref<1x16x128xi32, #tpu.memory_space<vmem>>
      %dma_start3A_516 = tpu.memref_squeeze %dma_start3A_515 : memref<1x16x128xi32, #tpu.memory_space<vmem>> -> memref<16x128xi32, #tpu.memory_space<vmem>>
      %dma_start3A_517 = arith.constant 0 : i32
      %dma_start3A_518 = arith.constant 0 : i32
      %dma_start3A_519 = tpu.memref_slice %arg4[%add3A, %dma_start3A_517, %dma_start3A_518] : memref<32x16x128xi32, #tpu.memory_space<hbm>> -> memref<1x16x128xi32, #tpu.memory_space<hbm>>
      %dma_start3A_520 = tpu.memref_squeeze %dma_start3A_519 : memref<1x16x128xi32, #tpu.memory_space<hbm>> -> memref<16x128xi32, #tpu.memory_space<hbm>>
      %dma_start3A_521 = arith.constant 0 : i32
      %dma_start3A_522 = arith.constant 0 : i32
      %dma_start3A_523 = tpu.memref_slice %arg10[%run_scoped3A_49, %dma_start3A_521, %dma_start3A_522] : memref<2x16x128xi32, #tpu.memory_space<vmem>> -> memref<1x16x128xi32, #tpu.memory_space<vmem>>
      %dma_start3A_524 = tpu.memref_squeeze %dma_start3A_523 : memref<1x16x128xi32, #tpu.memory_space<vmem>> -> memref<16x128xi32, #tpu.memory_space<vmem>>
      %dma_start3A_525 = arith.constant 0 : i32
      %dma_start3A_526 = arith.constant 0 : i32
      %dma_start3A_527 = tpu.memref_slice %arg4[%add3A, %dma_start3A_525, %dma_start3A_526] : memref<32x16x128xi32, #tpu.memory_space<hbm>> -> memref<1x16x128xi32, #tpu.memory_space<hbm>>
      %dma_start3A_528 = tpu.memref_squeeze %dma_start3A_527 : memref<1x16x128xi32, #tpu.memory_space<hbm>> -> memref<16x128xi32, #tpu.memory_space<hbm>>
      tpu.enqueue_dma source(%dma_start3A_528 : memref<16x128xi32, #tpu.memory_space<hbm>>) target(%dma_start3A_524 : memref<16x128xi32, #tpu.memory_space<vmem>>) target_semaphore(%run_scoped3A_512 : memref<!tpu.dma_semaphore, #tpu.memory_space<semaphore_mem>>)
      %dma_wait3A_529 = arith.constant 0 : i32
      %dma_wait3A_530 = arith.constant 0 : i32
      %dma_wait3A_531 = tpu.memref_slice %arg10[%run_scoped3A_49, %dma_wait3A_529, %dma_wait3A_530] : memref<2x16x128xi32, #tpu.memory_space<vmem>> -> memref<1x16x128xi32, #tpu.memory_space<vmem>>
      %dma_wait3A_532 = tpu.memref_squeeze %dma_wait3A_531 : memref<1x16x128xi32, #tpu.memory_space<vmem>> -> memref<16x128xi32, #tpu.memory_space<vmem>>
      %dma_wait3A_533 = arith.constant 0 : i32
      %dma_wait3A_534 = arith.constant 0 : i32
      %dma_wait3A_535 = tpu.memref_slice %arg4[%add3A, %dma_wait3A_533, %dma_wait3A_534] : memref<32x16x128xi32, #tpu.memory_space<hbm>> -> memref<1x16x128xi32, #tpu.memory_space<hbm>>
      %dma_wait3A_536 = tpu.memref_squeeze %dma_wait3A_535 : memref<1x16x128xi32, #tpu.memory_space<hbm>> -> memref<16x128xi32, #tpu.memory_space<hbm>>
      %dma_wait3A_537 = arith.constant 0 : i32
      %dma_wait3A_538 = arith.constant 0 : i32
      %dma_wait3A_539 = tpu.memref_slice %arg10[%run_scoped3A_49, %dma_wait3A_537, %dma_wait3A_538] : memref<2x16x128xi32, #tpu.memory_space<vmem>> -> memref<1x16x128xi32, #tpu.memory_space<vmem>>
      %dma_wait3A_540 = tpu.memref_squeeze %dma_wait3A_539 : memref<1x16x128xi32, #tpu.memory_space<vmem>> -> memref<16x128xi32, #tpu.memory_space<vmem>>
      %dma_wait3A_541 = arith.constant 0 : i32
      %dma_wait3A_542 = arith.constant 0 : i32
      %dma_wait3A_543 = tpu.memref_slice %arg4[%add3A, %dma_wait3A_541, %dma_wait3A_542] : memref<32x16x128xi32, #tpu.memory_space<hbm>> -> memref<1x16x128xi32, #tpu.memory_space<hbm>>
      %dma_wait3A_544 = tpu.memref_squeeze %dma_wait3A_543 : memref<1x16x128xi32, #tpu.memory_space<hbm>> -> memref<16x128xi32, #tpu.memory_space<hbm>>
      tpu.wait_dma2 semaphore(%run_scoped3A_512 : memref<!tpu.dma_semaphore, #tpu.memory_space<semaphore_mem>>) src(%dma_wait3A_544 : memref<16x128xi32, #tpu.memory_space<hbm>>) dst(%dma_wait3A_540 : memref<16x128xi32, #tpu.memory_space<vmem>>)
      tpu.yield
    }) : () -> ()
    %barrier3A = arith.constant 0 : index
    tpu.barrier barrier_id(%barrier3A)
    %dma_start3A = arith.constant 0 : i32
    %dma_start3A_50 = arith.constant 0 : i32
    %dma_start3A_51 = arith.constant 0 : i32
    %dma_start3A_52 = arith.constant 0 : i32
    %dma_start3A_53 = arith.constant 0 : i32
    %dma_start3A_54 = tpu.memref_slice %arg11[%dma_start3A_51, %dma_start3A_52, %dma_start3A_53] : memref<2x128x128xf32, #tpu.memory_space<vmem>> -> memref<1x128x128xf32, #tpu.memory_space<vmem>>
    %dma_start3A_55 = tpu.memref_squeeze %dma_start3A_54 : memref<1x128x128xf32, #tpu.memory_space<vmem>> -> memref<128x128xf32, #tpu.memory_space<vmem>>
    %dma_start3A_56 = arith.constant 0 : i32
    %dma_start3A_57 = tpu.memref_slice %arg9[%dma_start3A, %dma_start3A_50, %dma_start3A_56] : memref<2x16x128xi32, #tpu.memory_space<vmem>> -> memref<1x1x128xi32, #tpu.memory_space<vmem>>
    %dma_start3A_58 = tpu.memref_squeeze %dma_start3A_57 : memref<1x1x128xi32, #tpu.memory_space<vmem>> -> memref<128xi32, #tpu.memory_space<vmem>>
    %dma_start3A_59 = arith.constant 0 : i32
    %dma_start3A_60 = arith.constant 0 : i32
    %dma_start3A_61 = tpu.memref_slice %arg2[%dma_start3A_59, %dma_start3A_60] : memref<10240x128xf32, #tpu.memory_space<hbm>> -> memref<10240x128xf32, #tpu.memory_space<hbm>>
    tpu.enqueue_indirect_dma source(%dma_start3A_61 : memref<10240x128xf32, #tpu.memory_space<hbm>>) target(%dma_start3A_55 : memref<128x128xf32, #tpu.memory_space<vmem>>) offsets(%dma_start3A_58 : memref<128xi32, #tpu.memory_space<vmem>>) semaphore(%arg15 : memref<!tpu.dma_semaphore, #tpu.memory_space<semaphore_mem>>)
    %dma_start3A_62 = arith.constant 0 : i32
    %dma_start3A_63 = arith.constant 1 : i32
    %dma_start3A_64 = arith.constant 1 : i32
    %dma_start3A_65 = arith.constant 0 : i32
    %dma_start3A_66 = arith.constant 0 : i32
    %dma_start3A_67 = tpu.memref_slice %arg11[%dma_start3A_64, %dma_start3A_65, %dma_start3A_66] : memref<2x128x128xf32, #tpu.memory_space<vmem>> -> memref<1x128x128xf32, #tpu.memory_space<vmem>>
    %dma_start3A_68 = tpu.memref_squeeze %dma_start3A_67 : memref<1x128x128xf32, #tpu.memory_space<vmem>> -> memref<128x128xf32, #tpu.memory_space<vmem>>
    %dma_start3A_69 = arith.constant 0 : i32
    %dma_start3A_70 = tpu.memref_slice %arg9[%dma_start3A_62, %dma_start3A_63, %dma_start3A_69] : memref<2x16x128xi32, #tpu.memory_space<vmem>> -> memref<1x1x128xi32, #tpu.memory_space<vmem>>
    %dma_start3A_71 = tpu.memref_squeeze %dma_start3A_70 : memref<1x1x128xi32, #tpu.memory_space<vmem>> -> memref<128xi32, #tpu.memory_space<vmem>>
    %dma_start3A_72 = arith.constant 0 : i32
    %dma_start3A_73 = arith.constant 0 : i32
    %dma_start3A_74 = tpu.memref_slice %arg2[%dma_start3A_72, %dma_start3A_73] : memref<10240x128xf32, #tpu.memory_space<hbm>> -> memref<10240x128xf32, #tpu.memory_space<hbm>>
    tpu.enqueue_indirect_dma source(%dma_start3A_74 : memref<10240x128xf32, #tpu.memory_space<hbm>>) target(%dma_start3A_68 : memref<128x128xf32, #tpu.memory_space<vmem>>) offsets(%dma_start3A_71 : memref<128xi32, #tpu.memory_space<vmem>>) semaphore(%arg16 : memref<!tpu.dma_semaphore, #tpu.memory_space<semaphore_mem>>)
    %scan3A = arith.constant 0 : i32
    %scan3A_75 = arith.constant 0 : i32
    %rem3A = arith.constant 2 : i32
    %rem3A_76 = arith.remsi %scan3A_75, %rem3A : i32
    %sub3A = arith.constant 1 : i32
    %sub3A_77 = arith.subi %sub3A, %rem3A_76 : i32
    %add3A_78 = arith.constant 1 : i32
    %add3A_79 = arith.addi %scan3A_75, %add3A_78 : i32
    %lt3A = arith.constant 1 : i32
    %lt3A_80 = arith.cmpi slt, %add3A_79, %lt3A : i32
    %convert_element_type3A = arith.extui %lt3A_80 : i1 to i32
    %cond3A = arith.constant 0 : i32
    %cond3A_81 = arith.cmpi ne, %convert_element_type3A, %cond3A : i32
    scf.if %cond3A_81 {
      %add3A_512 = arith.constant 1 : i32
      %add3A_513 = arith.addi %scan3A_75, %add3A_512 : i32
      %mul3A_514 = arith.constant 16 : i32
      %mul3A_515 = arith.muli %add3A_513, %mul3A_514 : i32
      %dma_start3A_516 = arith.constant 0 : i32
      %dma_start3A_517 = arith.constant 0 : i32
      %dma_start3A_518 = tpu.memref_slice %arg9[%sub3A_77, %dma_start3A_516, %dma_start3A_517] : memref<2x16x128xi32, #tpu.memory_space<vmem>> -> memref<1x16x128xi32, #tpu.memory_space<vmem>>
      %dma_start3A_519 = tpu.memref_squeeze %dma_start3A_518 : memref<1x16x128xi32, #tpu.memory_space<vmem>> -> memref<16x128xi32, #tpu.memory_space<vmem>>
      %dma_start3A_520 = arith.constant 0 : i32
      %dma_start3A_521 = tpu.memref_slice %arg3[%add3A, %mul3A_515, %dma_start3A_520] : memref<32x16x128xi32, #tpu.memory_space<hbm>> -> memref<1x16x128xi32, #tpu.memory_space<hbm>>
      %dma_start3A_522 = tpu.memref_squeeze %dma_start3A_521 : memref<1x16x128xi32, #tpu.memory_space<hbm>> -> memref<16x128xi32, #tpu.memory_space<hbm>>
      %dma_start3A_523 = arith.constant 0 : i32
      %dma_start3A_524 = arith.constant 0 : i32
      %dma_start3A_525 = tpu.memref_slice %arg9[%sub3A_77, %dma_start3A_523, %dma_start3A_524] : memref<2x16x128xi32, #tpu.memory_space<vmem>> -> memref<1x16x128xi32, #tpu.memory_space<vmem>>
      %dma_start3A_526 = tpu.memref_squeeze %dma_start3A_525 : memref<1x16x128xi32, #tpu.memory_space<vmem>> -> memref<16x128xi32, #tpu.memory_space<vmem>>
      %dma_start3A_527 = arith.constant 0 : i32
      %dma_start3A_528 = tpu.memref_slice %arg3[%add3A, %mul3A_515, %dma_start3A_527] : memref<32x16x128xi32, #tpu.memory_space<hbm>> -> memref<1x16x128xi32, #tpu.memory_space<hbm>>
      %dma_start3A_529 = tpu.memref_squeeze %dma_start3A_528 : memref<1x16x128xi32, #tpu.memory_space<hbm>> -> memref<16x128xi32, #tpu.memory_space<hbm>>
      tpu.enqueue_dma source(%dma_start3A_529 : memref<16x128xi32, #tpu.memory_space<hbm>>) target(%dma_start3A_526 : memref<16x128xi32, #tpu.memory_space<vmem>>) target_semaphore(%arg17 : memref<!tpu.dma_semaphore, #tpu.memory_space<semaphore_mem>>)
      %dma_start3A_530 = arith.constant 0 : i32
      %dma_start3A_531 = arith.constant 0 : i32
      %dma_start3A_532 = tpu.memref_slice %arg10[%sub3A_77, %dma_start3A_530, %dma_start3A_531] : memref<2x16x128xi32, #tpu.memory_space<vmem>> -> memref<1x16x128xi32, #tpu.memory_space<vmem>>
      %dma_start3A_533 = tpu.memref_squeeze %dma_start3A_532 : memref<1x16x128xi32, #tpu.memory_space<vmem>> -> memref<16x128xi32, #tpu.memory_space<vmem>>
      %dma_start3A_534 = arith.constant 0 : i32
      %dma_start3A_535 = tpu.memref_slice %arg4[%add3A, %mul3A_515, %dma_start3A_534] : memref<32x16x128xi32, #tpu.memory_space<hbm>> -> memref<1x16x128xi32, #tpu.memory_space<hbm>>
      %dma_start3A_536 = tpu.memref_squeeze %dma_start3A_535 : memref<1x16x128xi32, #tpu.memory_space<hbm>> -> memref<16x128xi32, #tpu.memory_space<hbm>>
      %dma_start3A_537 = arith.constant 0 : i32
      %dma_start3A_538 = arith.constant 0 : i32
      %dma_start3A_539 = tpu.memref_slice %arg10[%sub3A_77, %dma_start3A_537, %dma_start3A_538] : memref<2x16x128xi32, #tpu.memory_space<vmem>> -> memref<1x16x128xi32, #tpu.memory_space<vmem>>
      %dma_start3A_540 = tpu.memref_squeeze %dma_start3A_539 : memref<1x16x128xi32, #tpu.memory_space<vmem>> -> memref<16x128xi32, #tpu.memory_space<vmem>>
      %dma_start3A_541 = arith.constant 0 : i32
      %dma_start3A_542 = tpu.memref_slice %arg4[%add3A, %mul3A_515, %dma_start3A_541] : memref<32x16x128xi32, #tpu.memory_space<hbm>> -> memref<1x16x128xi32, #tpu.memory_space<hbm>>
      %dma_start3A_543 = tpu.memref_squeeze %dma_start3A_542 : memref<1x16x128xi32, #tpu.memory_space<hbm>> -> memref<16x128xi32, #tpu.memory_space<hbm>>
      tpu.enqueue_dma source(%dma_start3A_543 : memref<16x128xi32, #tpu.memory_space<hbm>>) target(%dma_start3A_540 : memref<16x128xi32, #tpu.memory_space<vmem>>) target_semaphore(%arg18 : memref<!tpu.dma_semaphore, #tpu.memory_space<semaphore_mem>>)
    } else {
    }
    %dma_wait3A = arith.constant 0 : i32
    %dma_wait3A_82 = arith.constant 0 : i32
    %dma_wait3A_83 = arith.constant 0 : i32
    %dma_wait3A_84 = arith.constant 0 : i32
    %dma_wait3A_85 = tpu.memref_slice %arg11[%dma_wait3A_82, %dma_wait3A_83, %dma_wait3A_84] : memref<2x128x128xf32, #tpu.memory_space<vmem>> -> memref<1x128x128xf32, #tpu.memory_space<vmem>>
    %dma_wait3A_86 = tpu.memref_squeeze %dma_wait3A_85 : memref<1x128x128xf32, #tpu.memory_space<vmem>> -> memref<128x128xf32, #tpu.memory_space<vmem>>
    %dma_wait3A_87 = arith.constant 0 : i32
    %dma_wait3A_88 = tpu.memref_slice %arg9[%rem3A_76, %dma_wait3A, %dma_wait3A_87] : memref<2x16x128xi32, #tpu.memory_space<vmem>> -> memref<1x1x128xi32, #tpu.memory_space<vmem>>
    %dma_wait3A_89 = tpu.memref_squeeze %dma_wait3A_88 : memref<1x1x128xi32, #tpu.memory_space<vmem>> -> memref<128xi32, #tpu.memory_space<vmem>>
    %dma_wait3A_90 = arith.constant 0 : i32
    %dma_wait3A_91 = arith.constant 0 : i32
    %dma_wait3A_92 = tpu.memref_slice %arg2[%dma_wait3A_90, %dma_wait3A_91] : memref<10240x128xf32, #tpu.memory_space<hbm>> -> memref<10240x128xf32, #tpu.memory_space<hbm>>
    tpu.wait_indirect_dma semaphore(%arg15 : memref<!tpu.dma_semaphore, #tpu.memory_space<semaphore_mem>>) src(%dma_wait3A_92 : memref<10240x128xf32, #tpu.memory_space<hbm>>) dst(%dma_wait3A_86 : memref<128x128xf32, #tpu.memory_space<vmem>>)
    %run_scoped3A_93 = arith.constant 0 : i32
    %run_scoped3A_94 = arith.constant 0 : i32
    "tpu.region"() ({
      %run_scoped3A_512 = tpu.sem_alloc : memref<!tpu.dma_semaphore, #tpu.memory_space<semaphore_mem>>
      %dma_start3A_513 = arith.constant 0 : i32
      %dma_start3A_514 = arith.constant 0 : i32
      %dma_start3A_515 = tpu.memref_slice %arg11[%run_scoped3A_93, %dma_start3A_513, %dma_start3A_514] : memref<2x128x128xf32, #tpu.memory_space<vmem>> -> memref<1x128x128xf32, #tpu.memory_space<vmem>>
      %dma_start3A_516 = tpu.memref_squeeze %dma_start3A_515 : memref<1x128x128xf32, #tpu.memory_space<vmem>> -> memref<128x128xf32, #tpu.memory_space<vmem>>
      %dma_start3A_517 = arith.constant 0 : i32
      %dma_start3A_518 = tpu.memref_slice %arg10[%rem3A_76, %run_scoped3A_94, %dma_start3A_517] : memref<2x16x128xi32, #tpu.memory_space<vmem>> -> memref<1x1x128xi32, #tpu.memory_space<vmem>>
      %dma_start3A_519 = tpu.memref_squeeze %dma_start3A_518 : memref<1x1x128xi32, #tpu.memory_space<vmem>> -> memref<128xi32, #tpu.memory_space<vmem>>
      %dma_start3A_520 = arith.constant 0 : i32
      %dma_start3A_521 = arith.constant 0 : i32
      %dma_start3A_522 = tpu.memref_slice %arg13[%dma_start3A_520, %dma_start3A_521] : memref<2048x128xf32, #tpu.memory_space<vmem_shared>> -> memref<2048x128xf32, #tpu.memory_space<vmem_shared>>
      tpu.enqueue_indirect_dma source(%dma_start3A_516 : memref<128x128xf32, #tpu.memory_space<vmem>>) target(%dma_start3A_522 : memref<2048x128xf32, #tpu.memory_space<vmem_shared>>) offsets(%dma_start3A_519 : memref<128xi32, #tpu.memory_space<vmem>>) semaphore(%run_scoped3A_512 : memref<!tpu.dma_semaphore, #tpu.memory_space<semaphore_mem>>) {add = true}
      %dma_wait3A_523 = arith.constant 0 : i32
      %dma_wait3A_524 = arith.constant 0 : i32
      %dma_wait3A_525 = tpu.memref_slice %arg11[%run_scoped3A_93, %dma_wait3A_523, %dma_wait3A_524] : memref<2x128x128xf32, #tpu.memory_space<vmem>> -> memref<1x128x128xf32, #tpu.memory_space<vmem>>
      %dma_wait3A_526 = tpu.memref_squeeze %dma_wait3A_525 : memref<1x128x128xf32, #tpu.memory_space<vmem>> -> memref<128x128xf32, #tpu.memory_space<vmem>>
      %dma_wait3A_527 = arith.constant 0 : i32
      %dma_wait3A_528 = tpu.memref_slice %arg10[%rem3A_76, %run_scoped3A_94, %dma_wait3A_527] : memref<2x16x128xi32, #tpu.memory_space<vmem>> -> memref<1x1x128xi32, #tpu.memory_space<vmem>>
      %dma_wait3A_529 = tpu.memref_squeeze %dma_wait3A_528 : memref<1x1x128xi32, #tpu.memory_space<vmem>> -> memref<128xi32, #tpu.memory_space<vmem>>
      %dma_wait3A_530 = arith.constant 0 : i32
      %dma_wait3A_531 = arith.constant 0 : i32
      %dma_wait3A_532 = tpu.memref_slice %arg13[%dma_wait3A_530, %dma_wait3A_531] : memref<2048x128xf32, #tpu.memory_space<vmem_shared>> -> memref<2048x128xf32, #tpu.memory_space<vmem_shared>>
      tpu.wait_indirect_dma semaphore(%run_scoped3A_512 : memref<!tpu.dma_semaphore, #tpu.memory_space<semaphore_mem>>) src(%dma_wait3A_526 : memref<128x128xf32, #tpu.memory_space<vmem>>) dst(%dma_wait3A_532 : memref<2048x128xf32, #tpu.memory_space<vmem_shared>>)
      tpu.yield
    }) : () -> ()
    %dma_start3A_95 = arith.constant 2 : i32
    %dma_start3A_96 = arith.constant 0 : i32
    %dma_start3A_97 = arith.constant 0 : i32
    %dma_start3A_98 = arith.constant 0 : i32
    %dma_start3A_99 = tpu.memref_slice %arg11[%dma_start3A_96, %dma_start3A_97, %dma_start3A_98] : memref<2x128x128xf32, #tpu.memory_space<vmem>> -> memref<1x128x128xf32, #tpu.memory_space<vmem>>
    %dma_start3A_100 = tpu.memref_squeeze %dma_start3A_99 : memref<1x128x128xf32, #tpu.memory_space<vmem>> -> memref<128x128xf32, #tpu.memory_space<vmem>>
    %dma_start3A_101 = arith.constant 0 : i32
    %dma_start3A_102 = tpu.memref_slice %arg9[%rem3A_76, %dma_start3A_95, %dma_start3A_101] : memref<2x16x128xi32, #tpu.memory_space<vmem>> -> memref<1x1x128xi32, #tpu.memory_space<vmem>>
    %dma_start3A_103 = tpu.memref_squeeze %dma_start3A_102 : memref<1x1x128xi32, #tpu.memory_space<vmem>> -> memref<128xi32, #tpu.memory_space<vmem>>
    %dma_start3A_104 = arith.constant 0 : i32
    %dma_start3A_105 = arith.constant 0 : i32
    %dma_start3A_106 = tpu.memref_slice %arg2[%dma_start3A_104, %dma_start3A_105] : memref<10240x128xf32, #tpu.memory_space<hbm>> -> memref<10240x128xf32, #tpu.memory_space<hbm>>
    tpu.enqueue_indirect_dma source(%dma_start3A_106 : memref<10240x128xf32, #tpu.memory_space<hbm>>) target(%dma_start3A_100 : memref<128x128xf32, #tpu.memory_space<vmem>>) offsets(%dma_start3A_103 : memref<128xi32, #tpu.memory_space<vmem>>) semaphore(%arg15 : memref<!tpu.dma_semaphore, #tpu.memory_space<semaphore_mem>>)
    %run_scoped3A_107 = arith.constant 0 : i32
    "tpu.region"() ({
      %run_scoped3A_512 = tpu.sem_alloc : memref<!tpu.dma_semaphore, #tpu.memory_space<semaphore_mem>>
      %dma_start3A_513 = arith.constant 0 : i32
      %dma_start3A_514 = tpu.memref_slice %arg10[%rem3A_76, %run_scoped3A_107, %dma_start3A_513] : memref<2x16x128xi32, #tpu.memory_space<vmem>> -> memref<1x1x128xi32, #tpu.memory_space<vmem>>
      %dma_start3A_515 = tpu.memref_squeeze %dma_start3A_514 : memref<1x1x128xi32, #tpu.memory_space<vmem>> -> memref<128xi32, #tpu.memory_space<vmem>>
      %dma_start3A_516 = arith.constant 0 : i32
      %dma_start3A_517 = tpu.memref_slice %arg14[%dma_start3A_516] : memref<2048xf32, #tpu.memory_space<vmem_shared>> -> memref<2048xf32, #tpu.memory_space<vmem_shared>>
      tpu.enqueue_indirect_dma source(%arg12 : memref<128xf32, #tpu.memory_space<vmem>>) target(%dma_start3A_517 : memref<2048xf32, #tpu.memory_space<vmem_shared>>) offsets(%dma_start3A_515 : memref<128xi32, #tpu.memory_space<vmem>>) semaphore(%run_scoped3A_512 : memref<!tpu.dma_semaphore, #tpu.memory_space<semaphore_mem>>) {add = true}
      %dma_wait3A_518 = arith.constant 0 : i32
      %dma_wait3A_519 = tpu.memref_slice %arg10[%rem3A_76, %run_scoped3A_107, %dma_wait3A_518] : memref<2x16x128xi32, #tpu.memory_space<vmem>> -> memref<1x1x128xi32, #tpu.memory_space<vmem>>
      %dma_wait3A_520 = tpu.memref_squeeze %dma_wait3A_519 : memref<1x1x128xi32, #tpu.memory_space<vmem>> -> memref<128xi32, #tpu.memory_space<vmem>>
      %dma_wait3A_521 = arith.constant 0 : i32
      %dma_wait3A_522 = tpu.memref_slice %arg14[%dma_wait3A_521] : memref<2048xf32, #tpu.memory_space<vmem_shared>> -> memref<2048xf32, #tpu.memory_space<vmem_shared>>
      tpu.wait_indirect_dma semaphore(%run_scoped3A_512 : memref<!tpu.dma_semaphore, #tpu.memory_space<semaphore_mem>>) src(%arg12 : memref<128xf32, #tpu.memory_space<vmem>>) dst(%dma_wait3A_522 : memref<2048xf32, #tpu.memory_space<vmem_shared>>)
      tpu.yield
    }) : () -> ()
    %dma_wait3A_108 = arith.constant 1 : i32
    %dma_wait3A_109 = arith.constant 1 : i32
    %dma_wait3A_110 = arith.constant 0 : i32
    %dma_wait3A_111 = arith.constant 0 : i32
    %dma_wait3A_112 = tpu.memref_slice %arg11[%dma_wait3A_109, %dma_wait3A_110, %dma_wait3A_111] : memref<2x128x128xf32, #tpu.memory_space<vmem>> -> memref<1x128x128xf32, #tpu.memory_space<vmem>>
    %dma_wait3A_113 = tpu.memref_squeeze %dma_wait3A_112 : memref<1x128x128xf32, #tpu.memory_space<vmem>> -> memref<128x128xf32, #tpu.memory_space<vmem>>
    %dma_wait3A_114 = arith.constant 0 : i32
    %dma_wait3A_115 = tpu.memref_slice %arg9[%rem3A_76, %dma_wait3A_108, %dma_wait3A_114] : memref<2x16x128xi32, #tpu.memory_space<vmem>> -> memref<1x1x128xi32, #tpu.memory_space<vmem>>
    %dma_wait3A_116 = tpu.memref_squeeze %dma_wait3A_115 : memref<1x1x128xi32, #tpu.memory_space<vmem>> -> memref<128xi32, #tpu.memory_space<vmem>>
    %dma_wait3A_117 = arith.constant 0 : i32
    %dma_wait3A_118 = arith.constant 0 : i32
    %dma_wait3A_119 = tpu.memref_slice %arg2[%dma_wait3A_117, %dma_wait3A_118] : memref<10240x128xf32, #tpu.memory_space<hbm>> -> memref<10240x128xf32, #tpu.memory_space<hbm>>
    tpu.wait_indirect_dma semaphore(%arg16 : memref<!tpu.dma_semaphore, #tpu.memory_space<semaphore_mem>>) src(%dma_wait3A_119 : memref<10240x128xf32, #tpu.memory_space<hbm>>) dst(%dma_wait3A_113 : memref<128x128xf32, #tpu.memory_space<vmem>>)
    %run_scoped3A_120 = arith.constant 1 : i32
    %run_scoped3A_121 = arith.constant 1 : i32
    "tpu.region"() ({
      %run_scoped3A_512 = tpu.sem_alloc : memref<!tpu.dma_semaphore, #tpu.memory_space<semaphore_mem>>
      %dma_start3A_513 = arith.constant 0 : i32
      %dma_start3A_514 = arith.constant 0 : i32
      %dma_start3A_515 = tpu.memref_slice %arg11[%run_scoped3A_120, %dma_start3A_513, %dma_start3A_514] : memref<2x128x128xf32, #tpu.memory_space<vmem>> -> memref<1x128x128xf32, #tpu.memory_space<vmem>>
      %dma_start3A_516 = tpu.memref_squeeze %dma_start3A_515 : memref<1x128x128xf32, #tpu.memory_space<vmem>> -> memref<128x128xf32, #tpu.memory_space<vmem>>
      %dma_start3A_517 = arith.constant 0 : i32
      %dma_start3A_518 = tpu.memref_slice %arg10[%rem3A_76, %run_scoped3A_121, %dma_start3A_517] : memref<2x16x128xi32, #tpu.memory_space<vmem>> -> memref<1x1x128xi32, #tpu.memory_space<vmem>>
      %dma_start3A_519 = tpu.memref_squeeze %dma_start3A_518 : memref<1x1x128xi32, #tpu.memory_space<vmem>> -> memref<128xi32, #tpu.memory_space<vmem>>
      %dma_start3A_520 = arith.constant 0 : i32
      %dma_start3A_521 = arith.constant 0 : i32
      %dma_start3A_522 = tpu.memref_slice %arg13[%dma_start3A_520, %dma_start3A_521] : memref<2048x128xf32, #tpu.memory_space<vmem_shared>> -> memref<2048x128xf32, #tpu.memory_space<vmem_shared>>
      tpu.enqueue_indirect_dma source(%dma_start3A_516 : memref<128x128xf32, #tpu.memory_space<vmem>>) target(%dma_start3A_522 : memref<2048x128xf32, #tpu.memory_space<vmem_shared>>) offsets(%dma_start3A_519 : memref<128xi32, #tpu.memory_space<vmem>>) semaphore(%run_scoped3A_512 : memref<!tpu.dma_semaphore, #tpu.memory_space<semaphore_mem>>) {add = true}
      %dma_wait3A_523 = arith.constant 0 : i32
      %dma_wait3A_524 = arith.constant 0 : i32
      %dma_wait3A_525 = tpu.memref_slice %arg11[%run_scoped3A_120, %dma_wait3A_523, %dma_wait3A_524] : memref<2x128x128xf32, #tpu.memory_space<vmem>> -> memref<1x128x128xf32, #tpu.memory_space<vmem>>
      %dma_wait3A_526 = tpu.memref_squeeze %dma_wait3A_525 : memref<1x128x128xf32, #tpu.memory_space<vmem>> -> memref<128x128xf32, #tpu.memory_space<vmem>>
      %dma_wait3A_527 = arith.constant 0 : i32
      %dma_wait3A_528 = tpu.memref_slice %arg10[%rem3A_76, %run_scoped3A_121, %dma_wait3A_527] : memref<2x16x128xi32, #tpu.memory_space<vmem>> -> memref<1x1x128xi32, #tpu.memory_space<vmem>>
      %dma_wait3A_529 = tpu.memref_squeeze %dma_wait3A_528 : memref<1x1x128xi32, #tpu.memory_space<vmem>> -> memref<128xi32, #tpu.memory_space<vmem>>
      %dma_wait3A_530 = arith.constant 0 : i32
      %dma_wait3A_531 = arith.constant 0 : i32
      %dma_wait3A_532 = tpu.memref_slice %arg13[%dma_wait3A_530, %dma_wait3A_531] : memref<2048x128xf32, #tpu.memory_space<vmem_shared>> -> memref<2048x128xf32, #tpu.memory_space<vmem_shared>>
      tpu.wait_indirect_dma semaphore(%run_scoped3A_512 : memref<!tpu.dma_semaphore, #tpu.memory_space<semaphore_mem>>) src(%dma_wait3A_526 : memref<128x128xf32, #tpu.memory_space<vmem>>) dst(%dma_wait3A_532 : memref<2048x128xf32, #tpu.memory_space<vmem_shared>>)
      tpu.yield
    }) : () -> ()
    %dma_start3A_122 = arith.constant 3 : i32
    %dma_start3A_123 = arith.constant 1 : i32
    %dma_start3A_124 = arith.constant 0 : i32
    %dma_start3A_125 = arith.constant 0 : i32
    %dma_start3A_126 = tpu.memref_slice %arg11[%dma_start3A_123, %dma_start3A_124, %dma_start3A_125] : memref<2x128x128xf32, #tpu.memory_space<vmem>> -> memref<1x128x128xf32, #tpu.memory_space<vmem>>
    %dma_start3A_127 = tpu.memref_squeeze %dma_start3A_126 : memref<1x128x128xf32, #tpu.memory_space<vmem>> -> memref<128x128xf32, #tpu.memory_space<vmem>>
    %dma_start3A_128 = arith.constant 0 : i32
    %dma_start3A_129 = tpu.memref_slice %arg9[%rem3A_76, %dma_start3A_122, %dma_start3A_128] : memref<2x16x128xi32, #tpu.memory_space<vmem>> -> memref<1x1x128xi32, #tpu.memory_space<vmem>>
    %dma_start3A_130 = tpu.memref_squeeze %dma_start3A_129 : memref<1x1x128xi32, #tpu.memory_space<vmem>> -> memref<128xi32, #tpu.memory_space<vmem>>
    %dma_start3A_131 = arith.constant 0 : i32
    %dma_start3A_132 = arith.constant 0 : i32
    %dma_start3A_133 = tpu.memref_slice %arg2[%dma_start3A_131, %dma_start3A_132] : memref<10240x128xf32, #tpu.memory_space<hbm>> -> memref<10240x128xf32, #tpu.memory_space<hbm>>
    tpu.enqueue_indirect_dma source(%dma_start3A_133 : memref<10240x128xf32, #tpu.memory_space<hbm>>) target(%dma_start3A_127 : memref<128x128xf32, #tpu.memory_space<vmem>>) offsets(%dma_start3A_130 : memref<128xi32, #tpu.memory_space<vmem>>) semaphore(%arg16 : memref<!tpu.dma_semaphore, #tpu.memory_space<semaphore_mem>>)
    %run_scoped3A_134 = arith.constant 1 : i32
    "tpu.region"() ({
      %run_scoped3A_512 = tpu.sem_alloc : memref<!tpu.dma_semaphore, #tpu.memory_space<semaphore_mem>>
      %dma_start3A_513 = arith.constant 0 : i32
      %dma_start3A_514 = tpu.memref_slice %arg10[%rem3A_76, %run_scoped3A_134, %dma_start3A_513] : memref<2x16x128xi32, #tpu.memory_space<vmem>> -> memref<1x1x128xi32, #tpu.memory_space<vmem>>
      %dma_start3A_515 = tpu.memref_squeeze %dma_start3A_514 : memref<1x1x128xi32, #tpu.memory_space<vmem>> -> memref<128xi32, #tpu.memory_space<vmem>>
      %dma_start3A_516 = arith.constant 0 : i32
      %dma_start3A_517 = tpu.memref_slice %arg14[%dma_start3A_516] : memref<2048xf32, #tpu.memory_space<vmem_shared>> -> memref<2048xf32, #tpu.memory_space<vmem_shared>>
      tpu.enqueue_indirect_dma source(%arg12 : memref<128xf32, #tpu.memory_space<vmem>>) target(%dma_start3A_517 : memref<2048xf32, #tpu.memory_space<vmem_shared>>) offsets(%dma_start3A_515 : memref<128xi32, #tpu.memory_space<vmem>>) semaphore(%run_scoped3A_512 : memref<!tpu.dma_semaphore, #tpu.memory_space<semaphore_mem>>) {add = true}
      %dma_wait3A_518 = arith.constant 0 : i32
      %dma_wait3A_519 = tpu.memref_slice %arg10[%rem3A_76, %run_scoped3A_134, %dma_wait3A_518] : memref<2x16x128xi32, #tpu.memory_space<vmem>> -> memref<1x1x128xi32, #tpu.memory_space<vmem>>
      %dma_wait3A_520 = tpu.memref_squeeze %dma_wait3A_519 : memref<1x1x128xi32, #tpu.memory_space<vmem>> -> memref<128xi32, #tpu.memory_space<vmem>>
      %dma_wait3A_521 = arith.constant 0 : i32
      %dma_wait3A_522 = tpu.memref_slice %arg14[%dma_wait3A_521] : memref<2048xf32, #tpu.memory_space<vmem_shared>> -> memref<2048xf32, #tpu.memory_space<vmem_shared>>
      tpu.wait_indirect_dma semaphore(%run_scoped3A_512 : memref<!tpu.dma_semaphore, #tpu.memory_space<semaphore_mem>>) src(%arg12 : memref<128xf32, #tpu.memory_space<vmem>>) dst(%dma_wait3A_522 : memref<2048xf32, #tpu.memory_space<vmem_shared>>)
      tpu.yield
    }) : () -> ()
    %dma_wait3A_135 = arith.constant 2 : i32
    %dma_wait3A_136 = arith.constant 0 : i32
    %dma_wait3A_137 = arith.constant 0 : i32
    %dma_wait3A_138 = arith.constant 0 : i32
    %dma_wait3A_139 = tpu.memref_slice %arg11[%dma_wait3A_136, %dma_wait3A_137, %dma_wait3A_138] : memref<2x128x128xf32, #tpu.memory_space<vmem>> -> memref<1x128x128xf32, #tpu.memory_space<vmem>>
    %dma_wait3A_140 = tpu.memref_squeeze %dma_wait3A_139 : memref<1x128x128xf32, #tpu.memory_space<vmem>> -> memref<128x128xf32, #tpu.memory_space<vmem>>
    %dma_wait3A_141 = arith.constant 0 : i32
    %dma_wait3A_142 = tpu.memref_slice %arg9[%rem3A_76, %dma_wait3A_135, %dma_wait3A_141] : memref<2x16x128xi32, #tpu.memory_space<vmem>> -> memref<1x1x128xi32, #tpu.memory_space<vmem>>
    %dma_wait3A_143 = tpu.memref_squeeze %dma_wait3A_142 : memref<1x1x128xi32, #tpu.memory_space<vmem>> -> memref<128xi32, #tpu.memory_space<vmem>>
    %dma_wait3A_144 = arith.constant 0 : i32
    %dma_wait3A_145 = arith.constant 0 : i32
    %dma_wait3A_146 = tpu.memref_slice %arg2[%dma_wait3A_144, %dma_wait3A_145] : memref<10240x128xf32, #tpu.memory_space<hbm>> -> memref<10240x128xf32, #tpu.memory_space<hbm>>
    tpu.wait_indirect_dma semaphore(%arg15 : memref<!tpu.dma_semaphore, #tpu.memory_space<semaphore_mem>>) src(%dma_wait3A_146 : memref<10240x128xf32, #tpu.memory_space<hbm>>) dst(%dma_wait3A_140 : memref<128x128xf32, #tpu.memory_space<vmem>>)
    %run_scoped3A_147 = arith.constant 0 : i32
    %run_scoped3A_148 = arith.constant 2 : i32
    "tpu.region"() ({
      %run_scoped3A_512 = tpu.sem_alloc : memref<!tpu.dma_semaphore, #tpu.memory_space<semaphore_mem>>
      %dma_start3A_513 = arith.constant 0 : i32
      %dma_start3A_514 = arith.constant 0 : i32
      %dma_start3A_515 = tpu.memref_slice %arg11[%run_scoped3A_147, %dma_start3A_513, %dma_start3A_514] : memref<2x128x128xf32, #tpu.memory_space<vmem>> -> memref<1x128x128xf32, #tpu.memory_space<vmem>>
      %dma_start3A_516 = tpu.memref_squeeze %dma_start3A_515 : memref<1x128x128xf32, #tpu.memory_space<vmem>> -> memref<128x128xf32, #tpu.memory_space<vmem>>
      %dma_start3A_517 = arith.constant 0 : i32
      %dma_start3A_518 = tpu.memref_slice %arg10[%rem3A_76, %run_scoped3A_148, %dma_start3A_517] : memref<2x16x128xi32, #tpu.memory_space<vmem>> -> memref<1x1x128xi32, #tpu.memory_space<vmem>>
      %dma_start3A_519 = tpu.memref_squeeze %dma_start3A_518 : memref<1x1x128xi32, #tpu.memory_space<vmem>> -> memref<128xi32, #tpu.memory_space<vmem>>
      %dma_start3A_520 = arith.constant 0 : i32
      %dma_start3A_521 = arith.constant 0 : i32
      %dma_start3A_522 = tpu.memref_slice %arg13[%dma_start3A_520, %dma_start3A_521] : memref<2048x128xf32, #tpu.memory_space<vmem_shared>> -> memref<2048x128xf32, #tpu.memory_space<vmem_shared>>
      tpu.enqueue_indirect_dma source(%dma_start3A_516 : memref<128x128xf32, #tpu.memory_space<vmem>>) target(%dma_start3A_522 : memref<2048x128xf32, #tpu.memory_space<vmem_shared>>) offsets(%dma_start3A_519 : memref<128xi32, #tpu.memory_space<vmem>>) semaphore(%run_scoped3A_512 : memref<!tpu.dma_semaphore, #tpu.memory_space<semaphore_mem>>) {add = true}
      %dma_wait3A_523 = arith.constant 0 : i32
      %dma_wait3A_524 = arith.constant 0 : i32
      %dma_wait3A_525 = tpu.memref_slice %arg11[%run_scoped3A_147, %dma_wait3A_523, %dma_wait3A_524] : memref<2x128x128xf32, #tpu.memory_space<vmem>> -> memref<1x128x128xf32, #tpu.memory_space<vmem>>
      %dma_wait3A_526 = tpu.memref_squeeze %dma_wait3A_525 : memref<1x128x128xf32, #tpu.memory_space<vmem>> -> memref<128x128xf32, #tpu.memory_space<vmem>>
      %dma_wait3A_527 = arith.constant 0 : i32
      %dma_wait3A_528 = tpu.memref_slice %arg10[%rem3A_76, %run_scoped3A_148, %dma_wait3A_527] : memref<2x16x128xi32, #tpu.memory_space<vmem>> -> memref<1x1x128xi32, #tpu.memory_space<vmem>>
      %dma_wait3A_529 = tpu.memref_squeeze %dma_wait3A_528 : memref<1x1x128xi32, #tpu.memory_space<vmem>> -> memref<128xi32, #tpu.memory_space<vmem>>
      %dma_wait3A_530 = arith.constant 0 : i32
      %dma_wait3A_531 = arith.constant 0 : i32
      %dma_wait3A_532 = tpu.memref_slice %arg13[%dma_wait3A_530, %dma_wait3A_531] : memref<2048x128xf32, #tpu.memory_space<vmem_shared>> -> memref<2048x128xf32, #tpu.memory_space<vmem_shared>>
      tpu.wait_indirect_dma semaphore(%run_scoped3A_512 : memref<!tpu.dma_semaphore, #tpu.memory_space<semaphore_mem>>) src(%dma_wait3A_526 : memref<128x128xf32, #tpu.memory_space<vmem>>) dst(%dma_wait3A_532 : memref<2048x128xf32, #tpu.memory_space<vmem_shared>>)
      tpu.yield
    }) : () -> ()
    %dma_start3A_149 = arith.constant 4 : i32
    %dma_start3A_150 = arith.constant 0 : i32
    %dma_start3A_151 = arith.constant 0 : i32
    %dma_start3A_152 = arith.constant 0 : i32
    %dma_start3A_153 = tpu.memref_slice %arg11[%dma_start3A_150, %dma_start3A_151, %dma_start3A_152] : memref<2x128x128xf32, #tpu.memory_space<vmem>> -> memref<1x128x128xf32, #tpu.memory_space<vmem>>
    %dma_start3A_154 = tpu.memref_squeeze %dma_start3A_153 : memref<1x128x128xf32, #tpu.memory_space<vmem>> -> memref<128x128xf32, #tpu.memory_space<vmem>>
    %dma_start3A_155 = arith.constant 0 : i32
    %dma_start3A_156 = tpu.memref_slice %arg9[%rem3A_76, %dma_start3A_149, %dma_start3A_155] : memref<2x16x128xi32, #tpu.memory_space<vmem>> -> memref<1x1x128xi32, #tpu.memory_space<vmem>>
    %dma_start3A_157 = tpu.memref_squeeze %dma_start3A_156 : memref<1x1x128xi32, #tpu.memory_space<vmem>> -> memref<128xi32, #tpu.memory_space<vmem>>
    %dma_start3A_158 = arith.constant 0 : i32
    %dma_start3A_159 = arith.constant 0 : i32
    %dma_start3A_160 = tpu.memref_slice %arg2[%dma_start3A_158, %dma_start3A_159] : memref<10240x128xf32, #tpu.memory_space<hbm>> -> memref<10240x128xf32, #tpu.memory_space<hbm>>
    tpu.enqueue_indirect_dma source(%dma_start3A_160 : memref<10240x128xf32, #tpu.memory_space<hbm>>) target(%dma_start3A_154 : memref<128x128xf32, #tpu.memory_space<vmem>>) offsets(%dma_start3A_157 : memref<128xi32, #tpu.memory_space<vmem>>) semaphore(%arg15 : memref<!tpu.dma_semaphore, #tpu.memory_space<semaphore_mem>>)
    %run_scoped3A_161 = arith.constant 2 : i32
    "tpu.region"() ({
      %run_scoped3A_512 = tpu.sem_alloc : memref<!tpu.dma_semaphore, #tpu.memory_space<semaphore_mem>>
      %dma_start3A_513 = arith.constant 0 : i32
      %dma_start3A_514 = tpu.memref_slice %arg10[%rem3A_76, %run_scoped3A_161, %dma_start3A_513] : memref<2x16x128xi32, #tpu.memory_space<vmem>> -> memref<1x1x128xi32, #tpu.memory_space<vmem>>
      %dma_start3A_515 = tpu.memref_squeeze %dma_start3A_514 : memref<1x1x128xi32, #tpu.memory_space<vmem>> -> memref<128xi32, #tpu.memory_space<vmem>>
      %dma_start3A_516 = arith.constant 0 : i32
      %dma_start3A_517 = tpu.memref_slice %arg14[%dma_start3A_516] : memref<2048xf32, #tpu.memory_space<vmem_shared>> -> memref<2048xf32, #tpu.memory_space<vmem_shared>>
      tpu.enqueue_indirect_dma source(%arg12 : memref<128xf32, #tpu.memory_space<vmem>>) target(%dma_start3A_517 : memref<2048xf32, #tpu.memory_space<vmem_shared>>) offsets(%dma_start3A_515 : memref<128xi32, #tpu.memory_space<vmem>>) semaphore(%run_scoped3A_512 : memref<!tpu.dma_semaphore, #tpu.memory_space<semaphore_mem>>) {add = true}
      %dma_wait3A_518 = arith.constant 0 : i32
      %dma_wait3A_519 = tpu.memref_slice %arg10[%rem3A_76, %run_scoped3A_161, %dma_wait3A_518] : memref<2x16x128xi32, #tpu.memory_space<vmem>> -> memref<1x1x128xi32, #tpu.memory_space<vmem>>
      %dma_wait3A_520 = tpu.memref_squeeze %dma_wait3A_519 : memref<1x1x128xi32, #tpu.memory_space<vmem>> -> memref<128xi32, #tpu.memory_space<vmem>>
      %dma_wait3A_521 = arith.constant 0 : i32
      %dma_wait3A_522 = tpu.memref_slice %arg14[%dma_wait3A_521] : memref<2048xf32, #tpu.memory_space<vmem_shared>> -> memref<2048xf32, #tpu.memory_space<vmem_shared>>
      tpu.wait_indirect_dma semaphore(%run_scoped3A_512 : memref<!tpu.dma_semaphore, #tpu.memory_space<semaphore_mem>>) src(%arg12 : memref<128xf32, #tpu.memory_space<vmem>>) dst(%dma_wait3A_522 : memref<2048xf32, #tpu.memory_space<vmem_shared>>)
      tpu.yield
    }) : () -> ()
    %dma_wait3A_162 = arith.constant 3 : i32
    %dma_wait3A_163 = arith.constant 1 : i32
    %dma_wait3A_164 = arith.constant 0 : i32
    %dma_wait3A_165 = arith.constant 0 : i32
    %dma_wait3A_166 = tpu.memref_slice %arg11[%dma_wait3A_163, %dma_wait3A_164, %dma_wait3A_165] : memref<2x128x128xf32, #tpu.memory_space<vmem>> -> memref<1x128x128xf32, #tpu.memory_space<vmem>>
    %dma_wait3A_167 = tpu.memref_squeeze %dma_wait3A_166 : memref<1x128x128xf32, #tpu.memory_space<vmem>> -> memref<128x128xf32, #tpu.memory_space<vmem>>
    %dma_wait3A_168 = arith.constant 0 : i32
    %dma_wait3A_169 = tpu.memref_slice %arg9[%rem3A_76, %dma_wait3A_162, %dma_wait3A_168] : memref<2x16x128xi32, #tpu.memory_space<vmem>> -> memref<1x1x128xi32, #tpu.memory_space<vmem>>
    %dma_wait3A_170 = tpu.memref_squeeze %dma_wait3A_169 : memref<1x1x128xi32, #tpu.memory_space<vmem>> -> memref<128xi32, #tpu.memory_space<vmem>>
    %dma_wait3A_171 = arith.constant 0 : i32
    %dma_wait3A_172 = arith.constant 0 : i32
    %dma_wait3A_173 = tpu.memref_slice %arg2[%dma_wait3A_171, %dma_wait3A_172] : memref<10240x128xf32, #tpu.memory_space<hbm>> -> memref<10240x128xf32, #tpu.memory_space<hbm>>
    tpu.wait_indirect_dma semaphore(%arg16 : memref<!tpu.dma_semaphore, #tpu.memory_space<semaphore_mem>>) src(%dma_wait3A_173 : memref<10240x128xf32, #tpu.memory_space<hbm>>) dst(%dma_wait3A_167 : memref<128x128xf32, #tpu.memory_space<vmem>>)
    %run_scoped3A_174 = arith.constant 1 : i32
    %run_scoped3A_175 = arith.constant 3 : i32
    "tpu.region"() ({
      %run_scoped3A_512 = tpu.sem_alloc : memref<!tpu.dma_semaphore, #tpu.memory_space<semaphore_mem>>
      %dma_start3A_513 = arith.constant 0 : i32
      %dma_start3A_514 = arith.constant 0 : i32
      %dma_start3A_515 = tpu.memref_slice %arg11[%run_scoped3A_174, %dma_start3A_513, %dma_start3A_514] : memref<2x128x128xf32, #tpu.memory_space<vmem>> -> memref<1x128x128xf32, #tpu.memory_space<vmem>>
      %dma_start3A_516 = tpu.memref_squeeze %dma_start3A_515 : memref<1x128x128xf32, #tpu.memory_space<vmem>> -> memref<128x128xf32, #tpu.memory_space<vmem>>
      %dma_start3A_517 = arith.constant 0 : i32
      %dma_start3A_518 = tpu.memref_slice %arg10[%rem3A_76, %run_scoped3A_175, %dma_start3A_517] : memref<2x16x128xi32, #tpu.memory_space<vmem>> -> memref<1x1x128xi32, #tpu.memory_space<vmem>>
      %dma_start3A_519 = tpu.memref_squeeze %dma_start3A_518 : memref<1x1x128xi32, #tpu.memory_space<vmem>> -> memref<128xi32, #tpu.memory_space<vmem>>
      %dma_start3A_520 = arith.constant 0 : i32
      %dma_start3A_521 = arith.constant 0 : i32
      %dma_start3A_522 = tpu.memref_slice %arg13[%dma_start3A_520, %dma_start3A_521] : memref<2048x128xf32, #tpu.memory_space<vmem_shared>> -> memref<2048x128xf32, #tpu.memory_space<vmem_shared>>
      tpu.enqueue_indirect_dma source(%dma_start3A_516 : memref<128x128xf32, #tpu.memory_space<vmem>>) target(%dma_start3A_522 : memref<2048x128xf32, #tpu.memory_space<vmem_shared>>) offsets(%dma_start3A_519 : memref<128xi32, #tpu.memory_space<vmem>>) semaphore(%run_scoped3A_512 : memref<!tpu.dma_semaphore, #tpu.memory_space<semaphore_mem>>) {add = true}
      %dma_wait3A_523 = arith.constant 0 : i32
      %dma_wait3A_524 = arith.constant 0 : i32
      %dma_wait3A_525 = tpu.memref_slice %arg11[%run_scoped3A_174, %dma_wait3A_523, %dma_wait3A_524] : memref<2x128x128xf32, #tpu.memory_space<vmem>> -> memref<1x128x128xf32, #tpu.memory_space<vmem>>
      %dma_wait3A_526 = tpu.memref_squeeze %dma_wait3A_525 : memref<1x128x128xf32, #tpu.memory_space<vmem>> -> memref<128x128xf32, #tpu.memory_space<vmem>>
      %dma_wait3A_527 = arith.constant 0 : i32
      %dma_wait3A_528 = tpu.memref_slice %arg10[%rem3A_76, %run_scoped3A_175, %dma_wait3A_527] : memref<2x16x128xi32, #tpu.memory_space<vmem>> -> memref<1x1x128xi32, #tpu.memory_space<vmem>>
      %dma_wait3A_529 = tpu.memref_squeeze %dma_wait3A_528 : memref<1x1x128xi32, #tpu.memory_space<vmem>> -> memref<128xi32, #tpu.memory_space<vmem>>
      %dma_wait3A_530 = arith.constant 0 : i32
      %dma_wait3A_531 = arith.constant 0 : i32
      %dma_wait3A_532 = tpu.memref_slice %arg13[%dma_wait3A_530, %dma_wait3A_531] : memref<2048x128xf32, #tpu.memory_space<vmem_shared>> -> memref<2048x128xf32, #tpu.memory_space<vmem_shared>>
      tpu.wait_indirect_dma semaphore(%run_scoped3A_512 : memref<!tpu.dma_semaphore, #tpu.memory_space<semaphore_mem>>) src(%dma_wait3A_526 : memref<128x128xf32, #tpu.memory_space<vmem>>) dst(%dma_wait3A_532 : memref<2048x128xf32, #tpu.memory_space<vmem_shared>>)
      tpu.yield
    }) : () -> ()
    %dma_start3A_176 = arith.constant 5 : i32
    %dma_start3A_177 = arith.constant 1 : i32
    %dma_start3A_178 = arith.constant 0 : i32
    %dma_start3A_179 = arith.constant 0 : i32
    %dma_start3A_180 = tpu.memref_slice %arg11[%dma_start3A_177, %dma_start3A_178, %dma_start3A_179] : memref<2x128x128xf32, #tpu.memory_space<vmem>> -> memref<1x128x128xf32, #tpu.memory_space<vmem>>
    %dma_start3A_181 = tpu.memref_squeeze %dma_start3A_180 : memref<1x128x128xf32, #tpu.memory_space<vmem>> -> memref<128x128xf32, #tpu.memory_space<vmem>>
    %dma_start3A_182 = arith.constant 0 : i32
    %dma_start3A_183 = tpu.memref_slice %arg9[%rem3A_76, %dma_start3A_176, %dma_start3A_182] : memref<2x16x128xi32, #tpu.memory_space<vmem>> -> memref<1x1x128xi32, #tpu.memory_space<vmem>>
    %dma_start3A_184 = tpu.memref_squeeze %dma_start3A_183 : memref<1x1x128xi32, #tpu.memory_space<vmem>> -> memref<128xi32, #tpu.memory_space<vmem>>
    %dma_start3A_185 = arith.constant 0 : i32
    %dma_start3A_186 = arith.constant 0 : i32
    %dma_start3A_187 = tpu.memref_slice %arg2[%dma_start3A_185, %dma_start3A_186] : memref<10240x128xf32, #tpu.memory_space<hbm>> -> memref<10240x128xf32, #tpu.memory_space<hbm>>
    tpu.enqueue_indirect_dma source(%dma_start3A_187 : memref<10240x128xf32, #tpu.memory_space<hbm>>) target(%dma_start3A_181 : memref<128x128xf32, #tpu.memory_space<vmem>>) offsets(%dma_start3A_184 : memref<128xi32, #tpu.memory_space<vmem>>) semaphore(%arg16 : memref<!tpu.dma_semaphore, #tpu.memory_space<semaphore_mem>>)
    %run_scoped3A_188 = arith.constant 3 : i32
    "tpu.region"() ({
      %run_scoped3A_512 = tpu.sem_alloc : memref<!tpu.dma_semaphore, #tpu.memory_space<semaphore_mem>>
      %dma_start3A_513 = arith.constant 0 : i32
      %dma_start3A_514 = tpu.memref_slice %arg10[%rem3A_76, %run_scoped3A_188, %dma_start3A_513] : memref<2x16x128xi32, #tpu.memory_space<vmem>> -> memref<1x1x128xi32, #tpu.memory_space<vmem>>
      %dma_start3A_515 = tpu.memref_squeeze %dma_start3A_514 : memref<1x1x128xi32, #tpu.memory_space<vmem>> -> memref<128xi32, #tpu.memory_space<vmem>>
      %dma_start3A_516 = arith.constant 0 : i32
      %dma_start3A_517 = tpu.memref_slice %arg14[%dma_start3A_516] : memref<2048xf32, #tpu.memory_space<vmem_shared>> -> memref<2048xf32, #tpu.memory_space<vmem_shared>>
      tpu.enqueue_indirect_dma source(%arg12 : memref<128xf32, #tpu.memory_space<vmem>>) target(%dma_start3A_517 : memref<2048xf32, #tpu.memory_space<vmem_shared>>) offsets(%dma_start3A_515 : memref<128xi32, #tpu.memory_space<vmem>>) semaphore(%run_scoped3A_512 : memref<!tpu.dma_semaphore, #tpu.memory_space<semaphore_mem>>) {add = true}
      %dma_wait3A_518 = arith.constant 0 : i32
      %dma_wait3A_519 = tpu.memref_slice %arg10[%rem3A_76, %run_scoped3A_188, %dma_wait3A_518] : memref<2x16x128xi32, #tpu.memory_space<vmem>> -> memref<1x1x128xi32, #tpu.memory_space<vmem>>
      %dma_wait3A_520 = tpu.memref_squeeze %dma_wait3A_519 : memref<1x1x128xi32, #tpu.memory_space<vmem>> -> memref<128xi32, #tpu.memory_space<vmem>>
      %dma_wait3A_521 = arith.constant 0 : i32
      %dma_wait3A_522 = tpu.memref_slice %arg14[%dma_wait3A_521] : memref<2048xf32, #tpu.memory_space<vmem_shared>> -> memref<2048xf32, #tpu.memory_space<vmem_shared>>
      tpu.wait_indirect_dma semaphore(%run_scoped3A_512 : memref<!tpu.dma_semaphore, #tpu.memory_space<semaphore_mem>>) src(%arg12 : memref<128xf32, #tpu.memory_space<vmem>>) dst(%dma_wait3A_522 : memref<2048xf32, #tpu.memory_space<vmem_shared>>)
      tpu.yield
    }) : () -> ()
    %dma_wait3A_189 = arith.constant 4 : i32
    %dma_wait3A_190 = arith.constant 0 : i32
    %dma_wait3A_191 = arith.constant 0 : i32
    %dma_wait3A_192 = arith.constant 0 : i32
    %dma_wait3A_193 = tpu.memref_slice %arg11[%dma_wait3A_190, %dma_wait3A_191, %dma_wait3A_192] : memref<2x128x128xf32, #tpu.memory_space<vmem>> -> memref<1x128x128xf32, #tpu.memory_space<vmem>>
    %dma_wait3A_194 = tpu.memref_squeeze %dma_wait3A_193 : memref<1x128x128xf32, #tpu.memory_space<vmem>> -> memref<128x128xf32, #tpu.memory_space<vmem>>
    %dma_wait3A_195 = arith.constant 0 : i32
    %dma_wait3A_196 = tpu.memref_slice %arg9[%rem3A_76, %dma_wait3A_189, %dma_wait3A_195] : memref<2x16x128xi32, #tpu.memory_space<vmem>> -> memref<1x1x128xi32, #tpu.memory_space<vmem>>
    %dma_wait3A_197 = tpu.memref_squeeze %dma_wait3A_196 : memref<1x1x128xi32, #tpu.memory_space<vmem>> -> memref<128xi32, #tpu.memory_space<vmem>>
    %dma_wait3A_198 = arith.constant 0 : i32
    %dma_wait3A_199 = arith.constant 0 : i32
    %dma_wait3A_200 = tpu.memref_slice %arg2[%dma_wait3A_198, %dma_wait3A_199] : memref<10240x128xf32, #tpu.memory_space<hbm>> -> memref<10240x128xf32, #tpu.memory_space<hbm>>
    tpu.wait_indirect_dma semaphore(%arg15 : memref<!tpu.dma_semaphore, #tpu.memory_space<semaphore_mem>>) src(%dma_wait3A_200 : memref<10240x128xf32, #tpu.memory_space<hbm>>) dst(%dma_wait3A_194 : memref<128x128xf32, #tpu.memory_space<vmem>>)
    %run_scoped3A_201 = arith.constant 0 : i32
    %run_scoped3A_202 = arith.constant 4 : i32
    "tpu.region"() ({
      %run_scoped3A_512 = tpu.sem_alloc : memref<!tpu.dma_semaphore, #tpu.memory_space<semaphore_mem>>
      %dma_start3A_513 = arith.constant 0 : i32
      %dma_start3A_514 = arith.constant 0 : i32
      %dma_start3A_515 = tpu.memref_slice %arg11[%run_scoped3A_201, %dma_start3A_513, %dma_start3A_514] : memref<2x128x128xf32, #tpu.memory_space<vmem>> -> memref<1x128x128xf32, #tpu.memory_space<vmem>>
      %dma_start3A_516 = tpu.memref_squeeze %dma_start3A_515 : memref<1x128x128xf32, #tpu.memory_space<vmem>> -> memref<128x128xf32, #tpu.memory_space<vmem>>
      %dma_start3A_517 = arith.constant 0 : i32
      %dma_start3A_518 = tpu.memref_slice %arg10[%rem3A_76, %run_scoped3A_202, %dma_start3A_517] : memref<2x16x128xi32, #tpu.memory_space<vmem>> -> memref<1x1x128xi32, #tpu.memory_space<vmem>>
      %dma_start3A_519 = tpu.memref_squeeze %dma_start3A_518 : memref<1x1x128xi32, #tpu.memory_space<vmem>> -> memref<128xi32, #tpu.memory_space<vmem>>
      %dma_start3A_520 = arith.constant 0 : i32
      %dma_start3A_521 = arith.constant 0 : i32
      %dma_start3A_522 = tpu.memref_slice %arg13[%dma_start3A_520, %dma_start3A_521] : memref<2048x128xf32, #tpu.memory_space<vmem_shared>> -> memref<2048x128xf32, #tpu.memory_space<vmem_shared>>
      tpu.enqueue_indirect_dma source(%dma_start3A_516 : memref<128x128xf32, #tpu.memory_space<vmem>>) target(%dma_start3A_522 : memref<2048x128xf32, #tpu.memory_space<vmem_shared>>) offsets(%dma_start3A_519 : memref<128xi32, #tpu.memory_space<vmem>>) semaphore(%run_scoped3A_512 : memref<!tpu.dma_semaphore, #tpu.memory_space<semaphore_mem>>) {add = true}
      %dma_wait3A_523 = arith.constant 0 : i32
      %dma_wait3A_524 = arith.constant 0 : i32
      %dma_wait3A_525 = tpu.memref_slice %arg11[%run_scoped3A_201, %dma_wait3A_523, %dma_wait3A_524] : memref<2x128x128xf32, #tpu.memory_space<vmem>> -> memref<1x128x128xf32, #tpu.memory_space<vmem>>
      %dma_wait3A_526 = tpu.memref_squeeze %dma_wait3A_525 : memref<1x128x128xf32, #tpu.memory_space<vmem>> -> memref<128x128xf32, #tpu.memory_space<vmem>>
      %dma_wait3A_527 = arith.constant 0 : i32
      %dma_wait3A_528 = tpu.memref_slice %arg10[%rem3A_76, %run_scoped3A_202, %dma_wait3A_527] : memref<2x16x128xi32, #tpu.memory_space<vmem>> -> memref<1x1x128xi32, #tpu.memory_space<vmem>>
      %dma_wait3A_529 = tpu.memref_squeeze %dma_wait3A_528 : memref<1x1x128xi32, #tpu.memory_space<vmem>> -> memref<128xi32, #tpu.memory_space<vmem>>
      %dma_wait3A_530 = arith.constant 0 : i32
      %dma_wait3A_531 = arith.constant 0 : i32
      %dma_wait3A_532 = tpu.memref_slice %arg13[%dma_wait3A_530, %dma_wait3A_531] : memref<2048x128xf32, #tpu.memory_space<vmem_shared>> -> memref<2048x128xf32, #tpu.memory_space<vmem_shared>>
      tpu.wait_indirect_dma semaphore(%run_scoped3A_512 : memref<!tpu.dma_semaphore, #tpu.memory_space<semaphore_mem>>) src(%dma_wait3A_526 : memref<128x128xf32, #tpu.memory_space<vmem>>) dst(%dma_wait3A_532 : memref<2048x128xf32, #tpu.memory_space<vmem_shared>>)
      tpu.yield
    }) : () -> ()
    %dma_start3A_203 = arith.constant 6 : i32
    %dma_start3A_204 = arith.constant 0 : i32
    %dma_start3A_205 = arith.constant 0 : i32
    %dma_start3A_206 = arith.constant 0 : i32
    %dma_start3A_207 = tpu.memref_slice %arg11[%dma_start3A_204, %dma_start3A_205, %dma_start3A_206] : memref<2x128x128xf32, #tpu.memory_space<vmem>> -> memref<1x128x128xf32, #tpu.memory_space<vmem>>
    %dma_start3A_208 = tpu.memref_squeeze %dma_start3A_207 : memref<1x128x128xf32, #tpu.memory_space<vmem>> -> memref<128x128xf32, #tpu.memory_space<vmem>>
    %dma_start3A_209 = arith.constant 0 : i32
    %dma_start3A_210 = tpu.memref_slice %arg9[%rem3A_76, %dma_start3A_203, %dma_start3A_209] : memref<2x16x128xi32, #tpu.memory_space<vmem>> -> memref<1x1x128xi32, #tpu.memory_space<vmem>>
    %dma_start3A_211 = tpu.memref_squeeze %dma_start3A_210 : memref<1x1x128xi32, #tpu.memory_space<vmem>> -> memref<128xi32, #tpu.memory_space<vmem>>
    %dma_start3A_212 = arith.constant 0 : i32
    %dma_start3A_213 = arith.constant 0 : i32
    %dma_start3A_214 = tpu.memref_slice %arg2[%dma_start3A_212, %dma_start3A_213] : memref<10240x128xf32, #tpu.memory_space<hbm>> -> memref<10240x128xf32, #tpu.memory_space<hbm>>
    tpu.enqueue_indirect_dma source(%dma_start3A_214 : memref<10240x128xf32, #tpu.memory_space<hbm>>) target(%dma_start3A_208 : memref<128x128xf32, #tpu.memory_space<vmem>>) offsets(%dma_start3A_211 : memref<128xi32, #tpu.memory_space<vmem>>) semaphore(%arg15 : memref<!tpu.dma_semaphore, #tpu.memory_space<semaphore_mem>>)
    %run_scoped3A_215 = arith.constant 4 : i32
    "tpu.region"() ({
      %run_scoped3A_512 = tpu.sem_alloc : memref<!tpu.dma_semaphore, #tpu.memory_space<semaphore_mem>>
      %dma_start3A_513 = arith.constant 0 : i32
      %dma_start3A_514 = tpu.memref_slice %arg10[%rem3A_76, %run_scoped3A_215, %dma_start3A_513] : memref<2x16x128xi32, #tpu.memory_space<vmem>> -> memref<1x1x128xi32, #tpu.memory_space<vmem>>
      %dma_start3A_515 = tpu.memref_squeeze %dma_start3A_514 : memref<1x1x128xi32, #tpu.memory_space<vmem>> -> memref<128xi32, #tpu.memory_space<vmem>>
      %dma_start3A_516 = arith.constant 0 : i32
      %dma_start3A_517 = tpu.memref_slice %arg14[%dma_start3A_516] : memref<2048xf32, #tpu.memory_space<vmem_shared>> -> memref<2048xf32, #tpu.memory_space<vmem_shared>>
      tpu.enqueue_indirect_dma source(%arg12 : memref<128xf32, #tpu.memory_space<vmem>>) target(%dma_start3A_517 : memref<2048xf32, #tpu.memory_space<vmem_shared>>) offsets(%dma_start3A_515 : memref<128xi32, #tpu.memory_space<vmem>>) semaphore(%run_scoped3A_512 : memref<!tpu.dma_semaphore, #tpu.memory_space<semaphore_mem>>) {add = true}
      %dma_wait3A_518 = arith.constant 0 : i32
      %dma_wait3A_519 = tpu.memref_slice %arg10[%rem3A_76, %run_scoped3A_215, %dma_wait3A_518] : memref<2x16x128xi32, #tpu.memory_space<vmem>> -> memref<1x1x128xi32, #tpu.memory_space<vmem>>
      %dma_wait3A_520 = tpu.memref_squeeze %dma_wait3A_519 : memref<1x1x128xi32, #tpu.memory_space<vmem>> -> memref<128xi32, #tpu.memory_space<vmem>>
      %dma_wait3A_521 = arith.constant 0 : i32
      %dma_wait3A_522 = tpu.memref_slice %arg14[%dma_wait3A_521] : memref<2048xf32, #tpu.memory_space<vmem_shared>> -> memref<2048xf32, #tpu.memory_space<vmem_shared>>
      tpu.wait_indirect_dma semaphore(%run_scoped3A_512 : memref<!tpu.dma_semaphore, #tpu.memory_space<semaphore_mem>>) src(%arg12 : memref<128xf32, #tpu.memory_space<vmem>>) dst(%dma_wait3A_522 : memref<2048xf32, #tpu.memory_space<vmem_shared>>)
      tpu.yield
    }) : () -> ()
    %dma_wait3A_216 = arith.constant 5 : i32
    %dma_wait3A_217 = arith.constant 1 : i32
    %dma_wait3A_218 = arith.constant 0 : i32
    %dma_wait3A_219 = arith.constant 0 : i32
    %dma_wait3A_220 = tpu.memref_slice %arg11[%dma_wait3A_217, %dma_wait3A_218, %dma_wait3A_219] : memref<2x128x128xf32, #tpu.memory_space<vmem>> -> memref<1x128x128xf32, #tpu.memory_space<vmem>>
    %dma_wait3A_221 = tpu.memref_squeeze %dma_wait3A_220 : memref<1x128x128xf32, #tpu.memory_space<vmem>> -> memref<128x128xf32, #tpu.memory_space<vmem>>
    %dma_wait3A_222 = arith.constant 0 : i32
    %dma_wait3A_223 = tpu.memref_slice %arg9[%rem3A_76, %dma_wait3A_216, %dma_wait3A_222] : memref<2x16x128xi32, #tpu.memory_space<vmem>> -> memref<1x1x128xi32, #tpu.memory_space<vmem>>
    %dma_wait3A_224 = tpu.memref_squeeze %dma_wait3A_223 : memref<1x1x128xi32, #tpu.memory_space<vmem>> -> memref<128xi32, #tpu.memory_space<vmem>>
    %dma_wait3A_225 = arith.constant 0 : i32
    %dma_wait3A_226 = arith.constant 0 : i32
    %dma_wait3A_227 = tpu.memref_slice %arg2[%dma_wait3A_225, %dma_wait3A_226] : memref<10240x128xf32, #tpu.memory_space<hbm>> -> memref<10240x128xf32, #tpu.memory_space<hbm>>
    tpu.wait_indirect_dma semaphore(%arg16 : memref<!tpu.dma_semaphore, #tpu.memory_space<semaphore_mem>>) src(%dma_wait3A_227 : memref<10240x128xf32, #tpu.memory_space<hbm>>) dst(%dma_wait3A_221 : memref<128x128xf32, #tpu.memory_space<vmem>>)
    %run_scoped3A_228 = arith.constant 1 : i32
    %run_scoped3A_229 = arith.constant 5 : i32
    "tpu.region"() ({
      %run_scoped3A_512 = tpu.sem_alloc : memref<!tpu.dma_semaphore, #tpu.memory_space<semaphore_mem>>
      %dma_start3A_513 = arith.constant 0 : i32
      %dma_start3A_514 = arith.constant 0 : i32
      %dma_start3A_515 = tpu.memref_slice %arg11[%run_scoped3A_228, %dma_start3A_513, %dma_start3A_514] : memref<2x128x128xf32, #tpu.memory_space<vmem>> -> memref<1x128x128xf32, #tpu.memory_space<vmem>>
      %dma_start3A_516 = tpu.memref_squeeze %dma_start3A_515 : memref<1x128x128xf32, #tpu.memory_space<vmem>> -> memref<128x128xf32, #tpu.memory_space<vmem>>
      %dma_start3A_517 = arith.constant 0 : i32
      %dma_start3A_518 = tpu.memref_slice %arg10[%rem3A_76, %run_scoped3A_229, %dma_start3A_517] : memref<2x16x128xi32, #tpu.memory_space<vmem>> -> memref<1x1x128xi32, #tpu.memory_space<vmem>>
      %dma_start3A_519 = tpu.memref_squeeze %dma_start3A_518 : memref<1x1x128xi32, #tpu.memory_space<vmem>> -> memref<128xi32, #tpu.memory_space<vmem>>
      %dma_start3A_520 = arith.constant 0 : i32
      %dma_start3A_521 = arith.constant 0 : i32
      %dma_start3A_522 = tpu.memref_slice %arg13[%dma_start3A_520, %dma_start3A_521] : memref<2048x128xf32, #tpu.memory_space<vmem_shared>> -> memref<2048x128xf32, #tpu.memory_space<vmem_shared>>
      tpu.enqueue_indirect_dma source(%dma_start3A_516 : memref<128x128xf32, #tpu.memory_space<vmem>>) target(%dma_start3A_522 : memref<2048x128xf32, #tpu.memory_space<vmem_shared>>) offsets(%dma_start3A_519 : memref<128xi32, #tpu.memory_space<vmem>>) semaphore(%run_scoped3A_512 : memref<!tpu.dma_semaphore, #tpu.memory_space<semaphore_mem>>) {add = true}
      %dma_wait3A_523 = arith.constant 0 : i32
      %dma_wait3A_524 = arith.constant 0 : i32
      %dma_wait3A_525 = tpu.memref_slice %arg11[%run_scoped3A_228, %dma_wait3A_523, %dma_wait3A_524] : memref<2x128x128xf32, #tpu.memory_space<vmem>> -> memref<1x128x128xf32, #tpu.memory_space<vmem>>
      %dma_wait3A_526 = tpu.memref_squeeze %dma_wait3A_525 : memref<1x128x128xf32, #tpu.memory_space<vmem>> -> memref<128x128xf32, #tpu.memory_space<vmem>>
      %dma_wait3A_527 = arith.constant 0 : i32
      %dma_wait3A_528 = tpu.memref_slice %arg10[%rem3A_76, %run_scoped3A_229, %dma_wait3A_527] : memref<2x16x128xi32, #tpu.memory_space<vmem>> -> memref<1x1x128xi32, #tpu.memory_space<vmem>>
      %dma_wait3A_529 = tpu.memref_squeeze %dma_wait3A_528 : memref<1x1x128xi32, #tpu.memory_space<vmem>> -> memref<128xi32, #tpu.memory_space<vmem>>
      %dma_wait3A_530 = arith.constant 0 : i32
      %dma_wait3A_531 = arith.constant 0 : i32
      %dma_wait3A_532 = tpu.memref_slice %arg13[%dma_wait3A_530, %dma_wait3A_531] : memref<2048x128xf32, #tpu.memory_space<vmem_shared>> -> memref<2048x128xf32, #tpu.memory_space<vmem_shared>>
      tpu.wait_indirect_dma semaphore(%run_scoped3A_512 : memref<!tpu.dma_semaphore, #tpu.memory_space<semaphore_mem>>) src(%dma_wait3A_526 : memref<128x128xf32, #tpu.memory_space<vmem>>) dst(%dma_wait3A_532 : memref<2048x128xf32, #tpu.memory_space<vmem_shared>>)
      tpu.yield
    }) : () -> ()
    %dma_start3A_230 = arith.constant 7 : i32
    %dma_start3A_231 = arith.constant 1 : i32
    %dma_start3A_232 = arith.constant 0 : i32
    %dma_start3A_233 = arith.constant 0 : i32
    %dma_start3A_234 = tpu.memref_slice %arg11[%dma_start3A_231, %dma_start3A_232, %dma_start3A_233] : memref<2x128x128xf32, #tpu.memory_space<vmem>> -> memref<1x128x128xf32, #tpu.memory_space<vmem>>
    %dma_start3A_235 = tpu.memref_squeeze %dma_start3A_234 : memref<1x128x128xf32, #tpu.memory_space<vmem>> -> memref<128x128xf32, #tpu.memory_space<vmem>>
    %dma_start3A_236 = arith.constant 0 : i32
    %dma_start3A_237 = tpu.memref_slice %arg9[%rem3A_76, %dma_start3A_230, %dma_start3A_236] : memref<2x16x128xi32, #tpu.memory_space<vmem>> -> memref<1x1x128xi32, #tpu.memory_space<vmem>>
    %dma_start3A_238 = tpu.memref_squeeze %dma_start3A_237 : memref<1x1x128xi32, #tpu.memory_space<vmem>> -> memref<128xi32, #tpu.memory_space<vmem>>
    %dma_start3A_239 = arith.constant 0 : i32
    %dma_start3A_240 = arith.constant 0 : i32
    %dma_start3A_241 = tpu.memref_slice %arg2[%dma_start3A_239, %dma_start3A_240] : memref<10240x128xf32, #tpu.memory_space<hbm>> -> memref<10240x128xf32, #tpu.memory_space<hbm>>
    tpu.enqueue_indirect_dma source(%dma_start3A_241 : memref<10240x128xf32, #tpu.memory_space<hbm>>) target(%dma_start3A_235 : memref<128x128xf32, #tpu.memory_space<vmem>>) offsets(%dma_start3A_238 : memref<128xi32, #tpu.memory_space<vmem>>) semaphore(%arg16 : memref<!tpu.dma_semaphore, #tpu.memory_space<semaphore_mem>>)
    %run_scoped3A_242 = arith.constant 5 : i32
    "tpu.region"() ({
      %run_scoped3A_512 = tpu.sem_alloc : memref<!tpu.dma_semaphore, #tpu.memory_space<semaphore_mem>>
      %dma_start3A_513 = arith.constant 0 : i32
      %dma_start3A_514 = tpu.memref_slice %arg10[%rem3A_76, %run_scoped3A_242, %dma_start3A_513] : memref<2x16x128xi32, #tpu.memory_space<vmem>> -> memref<1x1x128xi32, #tpu.memory_space<vmem>>
      %dma_start3A_515 = tpu.memref_squeeze %dma_start3A_514 : memref<1x1x128xi32, #tpu.memory_space<vmem>> -> memref<128xi32, #tpu.memory_space<vmem>>
      %dma_start3A_516 = arith.constant 0 : i32
      %dma_start3A_517 = tpu.memref_slice %arg14[%dma_start3A_516] : memref<2048xf32, #tpu.memory_space<vmem_shared>> -> memref<2048xf32, #tpu.memory_space<vmem_shared>>
      tpu.enqueue_indirect_dma source(%arg12 : memref<128xf32, #tpu.memory_space<vmem>>) target(%dma_start3A_517 : memref<2048xf32, #tpu.memory_space<vmem_shared>>) offsets(%dma_start3A_515 : memref<128xi32, #tpu.memory_space<vmem>>) semaphore(%run_scoped3A_512 : memref<!tpu.dma_semaphore, #tpu.memory_space<semaphore_mem>>) {add = true}
      %dma_wait3A_518 = arith.constant 0 : i32
      %dma_wait3A_519 = tpu.memref_slice %arg10[%rem3A_76, %run_scoped3A_242, %dma_wait3A_518] : memref<2x16x128xi32, #tpu.memory_space<vmem>> -> memref<1x1x128xi32, #tpu.memory_space<vmem>>
      %dma_wait3A_520 = tpu.memref_squeeze %dma_wait3A_519 : memref<1x1x128xi32, #tpu.memory_space<vmem>> -> memref<128xi32, #tpu.memory_space<vmem>>
      %dma_wait3A_521 = arith.constant 0 : i32
      %dma_wait3A_522 = tpu.memref_slice %arg14[%dma_wait3A_521] : memref<2048xf32, #tpu.memory_space<vmem_shared>> -> memref<2048xf32, #tpu.memory_space<vmem_shared>>
      tpu.wait_indirect_dma semaphore(%run_scoped3A_512 : memref<!tpu.dma_semaphore, #tpu.memory_space<semaphore_mem>>) src(%arg12 : memref<128xf32, #tpu.memory_space<vmem>>) dst(%dma_wait3A_522 : memref<2048xf32, #tpu.memory_space<vmem_shared>>)
      tpu.yield
    }) : () -> ()
    %dma_wait3A_243 = arith.constant 6 : i32
    %dma_wait3A_244 = arith.constant 0 : i32
    %dma_wait3A_245 = arith.constant 0 : i32
    %dma_wait3A_246 = arith.constant 0 : i32
    %dma_wait3A_247 = tpu.memref_slice %arg11[%dma_wait3A_244, %dma_wait3A_245, %dma_wait3A_246] : memref<2x128x128xf32, #tpu.memory_space<vmem>> -> memref<1x128x128xf32, #tpu.memory_space<vmem>>
    %dma_wait3A_248 = tpu.memref_squeeze %dma_wait3A_247 : memref<1x128x128xf32, #tpu.memory_space<vmem>> -> memref<128x128xf32, #tpu.memory_space<vmem>>
    %dma_wait3A_249 = arith.constant 0 : i32
    %dma_wait3A_250 = tpu.memref_slice %arg9[%rem3A_76, %dma_wait3A_243, %dma_wait3A_249] : memref<2x16x128xi32, #tpu.memory_space<vmem>> -> memref<1x1x128xi32, #tpu.memory_space<vmem>>
    %dma_wait3A_251 = tpu.memref_squeeze %dma_wait3A_250 : memref<1x1x128xi32, #tpu.memory_space<vmem>> -> memref<128xi32, #tpu.memory_space<vmem>>
    %dma_wait3A_252 = arith.constant 0 : i32
    %dma_wait3A_253 = arith.constant 0 : i32
    %dma_wait3A_254 = tpu.memref_slice %arg2[%dma_wait3A_252, %dma_wait3A_253] : memref<10240x128xf32, #tpu.memory_space<hbm>> -> memref<10240x128xf32, #tpu.memory_space<hbm>>
    tpu.wait_indirect_dma semaphore(%arg15 : memref<!tpu.dma_semaphore, #tpu.memory_space<semaphore_mem>>) src(%dma_wait3A_254 : memref<10240x128xf32, #tpu.memory_space<hbm>>) dst(%dma_wait3A_248 : memref<128x128xf32, #tpu.memory_space<vmem>>)
    %run_scoped3A_255 = arith.constant 0 : i32
    %run_scoped3A_256 = arith.constant 6 : i32
    "tpu.region"() ({
      %run_scoped3A_512 = tpu.sem_alloc : memref<!tpu.dma_semaphore, #tpu.memory_space<semaphore_mem>>
      %dma_start3A_513 = arith.constant 0 : i32
      %dma_start3A_514 = arith.constant 0 : i32
      %dma_start3A_515 = tpu.memref_slice %arg11[%run_scoped3A_255, %dma_start3A_513, %dma_start3A_514] : memref<2x128x128xf32, #tpu.memory_space<vmem>> -> memref<1x128x128xf32, #tpu.memory_space<vmem>>
      %dma_start3A_516 = tpu.memref_squeeze %dma_start3A_515 : memref<1x128x128xf32, #tpu.memory_space<vmem>> -> memref<128x128xf32, #tpu.memory_space<vmem>>
      %dma_start3A_517 = arith.constant 0 : i32
      %dma_start3A_518 = tpu.memref_slice %arg10[%rem3A_76, %run_scoped3A_256, %dma_start3A_517] : memref<2x16x128xi32, #tpu.memory_space<vmem>> -> memref<1x1x128xi32, #tpu.memory_space<vmem>>
      %dma_start3A_519 = tpu.memref_squeeze %dma_start3A_518 : memref<1x1x128xi32, #tpu.memory_space<vmem>> -> memref<128xi32, #tpu.memory_space<vmem>>
      %dma_start3A_520 = arith.constant 0 : i32
      %dma_start3A_521 = arith.constant 0 : i32
      %dma_start3A_522 = tpu.memref_slice %arg13[%dma_start3A_520, %dma_start3A_521] : memref<2048x128xf32, #tpu.memory_space<vmem_shared>> -> memref<2048x128xf32, #tpu.memory_space<vmem_shared>>
      tpu.enqueue_indirect_dma source(%dma_start3A_516 : memref<128x128xf32, #tpu.memory_space<vmem>>) target(%dma_start3A_522 : memref<2048x128xf32, #tpu.memory_space<vmem_shared>>) offsets(%dma_start3A_519 : memref<128xi32, #tpu.memory_space<vmem>>) semaphore(%run_scoped3A_512 : memref<!tpu.dma_semaphore, #tpu.memory_space<semaphore_mem>>) {add = true}
      %dma_wait3A_523 = arith.constant 0 : i32
      %dma_wait3A_524 = arith.constant 0 : i32
      %dma_wait3A_525 = tpu.memref_slice %arg11[%run_scoped3A_255, %dma_wait3A_523, %dma_wait3A_524] : memref<2x128x128xf32, #tpu.memory_space<vmem>> -> memref<1x128x128xf32, #tpu.memory_space<vmem>>
      %dma_wait3A_526 = tpu.memref_squeeze %dma_wait3A_525 : memref<1x128x128xf32, #tpu.memory_space<vmem>> -> memref<128x128xf32, #tpu.memory_space<vmem>>
      %dma_wait3A_527 = arith.constant 0 : i32
      %dma_wait3A_528 = tpu.memref_slice %arg10[%rem3A_76, %run_scoped3A_256, %dma_wait3A_527] : memref<2x16x128xi32, #tpu.memory_space<vmem>> -> memref<1x1x128xi32, #tpu.memory_space<vmem>>
      %dma_wait3A_529 = tpu.memref_squeeze %dma_wait3A_528 : memref<1x1x128xi32, #tpu.memory_space<vmem>> -> memref<128xi32, #tpu.memory_space<vmem>>
      %dma_wait3A_530 = arith.constant 0 : i32
      %dma_wait3A_531 = arith.constant 0 : i32
      %dma_wait3A_532 = tpu.memref_slice %arg13[%dma_wait3A_530, %dma_wait3A_531] : memref<2048x128xf32, #tpu.memory_space<vmem_shared>> -> memref<2048x128xf32, #tpu.memory_space<vmem_shared>>
      tpu.wait_indirect_dma semaphore(%run_scoped3A_512 : memref<!tpu.dma_semaphore, #tpu.memory_space<semaphore_mem>>) src(%dma_wait3A_526 : memref<128x128xf32, #tpu.memory_space<vmem>>) dst(%dma_wait3A_532 : memref<2048x128xf32, #tpu.memory_space<vmem_shared>>)
      tpu.yield
    }) : () -> ()
    %dma_start3A_257 = arith.constant 8 : i32
    %dma_start3A_258 = arith.constant 0 : i32
    %dma_start3A_259 = arith.constant 0 : i32
    %dma_start3A_260 = arith.constant 0 : i32
    %dma_start3A_261 = tpu.memref_slice %arg11[%dma_start3A_258, %dma_start3A_259, %dma_start3A_260] : memref<2x128x128xf32, #tpu.memory_space<vmem>> -> memref<1x128x128xf32, #tpu.memory_space<vmem>>
    %dma_start3A_262 = tpu.memref_squeeze %dma_start3A_261 : memref<1x128x128xf32, #tpu.memory_space<vmem>> -> memref<128x128xf32, #tpu.memory_space<vmem>>
    %dma_start3A_263 = arith.constant 0 : i32
    %dma_start3A_264 = tpu.memref_slice %arg9[%rem3A_76, %dma_start3A_257, %dma_start3A_263] : memref<2x16x128xi32, #tpu.memory_space<vmem>> -> memref<1x1x128xi32, #tpu.memory_space<vmem>>
    %dma_start3A_265 = tpu.memref_squeeze %dma_start3A_264 : memref<1x1x128xi32, #tpu.memory_space<vmem>> -> memref<128xi32, #tpu.memory_space<vmem>>
    %dma_start3A_266 = arith.constant 0 : i32
    %dma_start3A_267 = arith.constant 0 : i32
    %dma_start3A_268 = tpu.memref_slice %arg2[%dma_start3A_266, %dma_start3A_267] : memref<10240x128xf32, #tpu.memory_space<hbm>> -> memref<10240x128xf32, #tpu.memory_space<hbm>>
    tpu.enqueue_indirect_dma source(%dma_start3A_268 : memref<10240x128xf32, #tpu.memory_space<hbm>>) target(%dma_start3A_262 : memref<128x128xf32, #tpu.memory_space<vmem>>) offsets(%dma_start3A_265 : memref<128xi32, #tpu.memory_space<vmem>>) semaphore(%arg15 : memref<!tpu.dma_semaphore, #tpu.memory_space<semaphore_mem>>)
    %run_scoped3A_269 = arith.constant 6 : i32
    "tpu.region"() ({
      %run_scoped3A_512 = tpu.sem_alloc : memref<!tpu.dma_semaphore, #tpu.memory_space<semaphore_mem>>
      %dma_start3A_513 = arith.constant 0 : i32
      %dma_start3A_514 = tpu.memref_slice %arg10[%rem3A_76, %run_scoped3A_269, %dma_start3A_513] : memref<2x16x128xi32, #tpu.memory_space<vmem>> -> memref<1x1x128xi32, #tpu.memory_space<vmem>>
      %dma_start3A_515 = tpu.memref_squeeze %dma_start3A_514 : memref<1x1x128xi32, #tpu.memory_space<vmem>> -> memref<128xi32, #tpu.memory_space<vmem>>
      %dma_start3A_516 = arith.constant 0 : i32
      %dma_start3A_517 = tpu.memref_slice %arg14[%dma_start3A_516] : memref<2048xf32, #tpu.memory_space<vmem_shared>> -> memref<2048xf32, #tpu.memory_space<vmem_shared>>
      tpu.enqueue_indirect_dma source(%arg12 : memref<128xf32, #tpu.memory_space<vmem>>) target(%dma_start3A_517 : memref<2048xf32, #tpu.memory_space<vmem_shared>>) offsets(%dma_start3A_515 : memref<128xi32, #tpu.memory_space<vmem>>) semaphore(%run_scoped3A_512 : memref<!tpu.dma_semaphore, #tpu.memory_space<semaphore_mem>>) {add = true}
      %dma_wait3A_518 = arith.constant 0 : i32
      %dma_wait3A_519 = tpu.memref_slice %arg10[%rem3A_76, %run_scoped3A_269, %dma_wait3A_518] : memref<2x16x128xi32, #tpu.memory_space<vmem>> -> memref<1x1x128xi32, #tpu.memory_space<vmem>>
      %dma_wait3A_520 = tpu.memref_squeeze %dma_wait3A_519 : memref<1x1x128xi32, #tpu.memory_space<vmem>> -> memref<128xi32, #tpu.memory_space<vmem>>
      %dma_wait3A_521 = arith.constant 0 : i32
      %dma_wait3A_522 = tpu.memref_slice %arg14[%dma_wait3A_521] : memref<2048xf32, #tpu.memory_space<vmem_shared>> -> memref<2048xf32, #tpu.memory_space<vmem_shared>>
      tpu.wait_indirect_dma semaphore(%run_scoped3A_512 : memref<!tpu.dma_semaphore, #tpu.memory_space<semaphore_mem>>) src(%arg12 : memref<128xf32, #tpu.memory_space<vmem>>) dst(%dma_wait3A_522 : memref<2048xf32, #tpu.memory_space<vmem_shared>>)
      tpu.yield
    }) : () -> ()
    %dma_wait3A_270 = arith.constant 7 : i32
    %dma_wait3A_271 = arith.constant 1 : i32
    %dma_wait3A_272 = arith.constant 0 : i32
    %dma_wait3A_273 = arith.constant 0 : i32
    %dma_wait3A_274 = tpu.memref_slice %arg11[%dma_wait3A_271, %dma_wait3A_272, %dma_wait3A_273] : memref<2x128x128xf32, #tpu.memory_space<vmem>> -> memref<1x128x128xf32, #tpu.memory_space<vmem>>
    %dma_wait3A_275 = tpu.memref_squeeze %dma_wait3A_274 : memref<1x128x128xf32, #tpu.memory_space<vmem>> -> memref<128x128xf32, #tpu.memory_space<vmem>>
    %dma_wait3A_276 = arith.constant 0 : i32
    %dma_wait3A_277 = tpu.memref_slice %arg9[%rem3A_76, %dma_wait3A_270, %dma_wait3A_276] : memref<2x16x128xi32, #tpu.memory_space<vmem>> -> memref<1x1x128xi32, #tpu.memory_space<vmem>>
    %dma_wait3A_278 = tpu.memref_squeeze %dma_wait3A_277 : memref<1x1x128xi32, #tpu.memory_space<vmem>> -> memref<128xi32, #tpu.memory_space<vmem>>
    %dma_wait3A_279 = arith.constant 0 : i32
    %dma_wait3A_280 = arith.constant 0 : i32
    %dma_wait3A_281 = tpu.memref_slice %arg2[%dma_wait3A_279, %dma_wait3A_280] : memref<10240x128xf32, #tpu.memory_space<hbm>> -> memref<10240x128xf32, #tpu.memory_space<hbm>>
    tpu.wait_indirect_dma semaphore(%arg16 : memref<!tpu.dma_semaphore, #tpu.memory_space<semaphore_mem>>) src(%dma_wait3A_281 : memref<10240x128xf32, #tpu.memory_space<hbm>>) dst(%dma_wait3A_275 : memref<128x128xf32, #tpu.memory_space<vmem>>)
    %run_scoped3A_282 = arith.constant 1 : i32
    %run_scoped3A_283 = arith.constant 7 : i32
    "tpu.region"() ({
      %run_scoped3A_512 = tpu.sem_alloc : memref<!tpu.dma_semaphore, #tpu.memory_space<semaphore_mem>>
      %dma_start3A_513 = arith.constant 0 : i32
      %dma_start3A_514 = arith.constant 0 : i32
      %dma_start3A_515 = tpu.memref_slice %arg11[%run_scoped3A_282, %dma_start3A_513, %dma_start3A_514] : memref<2x128x128xf32, #tpu.memory_space<vmem>> -> memref<1x128x128xf32, #tpu.memory_space<vmem>>
      %dma_start3A_516 = tpu.memref_squeeze %dma_start3A_515 : memref<1x128x128xf32, #tpu.memory_space<vmem>> -> memref<128x128xf32, #tpu.memory_space<vmem>>
      %dma_start3A_517 = arith.constant 0 : i32
      %dma_start3A_518 = tpu.memref_slice %arg10[%rem3A_76, %run_scoped3A_283, %dma_start3A_517] : memref<2x16x128xi32, #tpu.memory_space<vmem>> -> memref<1x1x128xi32, #tpu.memory_space<vmem>>
      %dma_start3A_519 = tpu.memref_squeeze %dma_start3A_518 : memref<1x1x128xi32, #tpu.memory_space<vmem>> -> memref<128xi32, #tpu.memory_space<vmem>>
      %dma_start3A_520 = arith.constant 0 : i32
      %dma_start3A_521 = arith.constant 0 : i32
      %dma_start3A_522 = tpu.memref_slice %arg13[%dma_start3A_520, %dma_start3A_521] : memref<2048x128xf32, #tpu.memory_space<vmem_shared>> -> memref<2048x128xf32, #tpu.memory_space<vmem_shared>>
      tpu.enqueue_indirect_dma source(%dma_start3A_516 : memref<128x128xf32, #tpu.memory_space<vmem>>) target(%dma_start3A_522 : memref<2048x128xf32, #tpu.memory_space<vmem_shared>>) offsets(%dma_start3A_519 : memref<128xi32, #tpu.memory_space<vmem>>) semaphore(%run_scoped3A_512 : memref<!tpu.dma_semaphore, #tpu.memory_space<semaphore_mem>>) {add = true}
      %dma_wait3A_523 = arith.constant 0 : i32
      %dma_wait3A_524 = arith.constant 0 : i32
      %dma_wait3A_525 = tpu.memref_slice %arg11[%run_scoped3A_282, %dma_wait3A_523, %dma_wait3A_524] : memref<2x128x128xf32, #tpu.memory_space<vmem>> -> memref<1x128x128xf32, #tpu.memory_space<vmem>>
      %dma_wait3A_526 = tpu.memref_squeeze %dma_wait3A_525 : memref<1x128x128xf32, #tpu.memory_space<vmem>> -> memref<128x128xf32, #tpu.memory_space<vmem>>
      %dma_wait3A_527 = arith.constant 0 : i32
      %dma_wait3A_528 = tpu.memref_slice %arg10[%rem3A_76, %run_scoped3A_283, %dma_wait3A_527] : memref<2x16x128xi32, #tpu.memory_space<vmem>> -> memref<1x1x128xi32, #tpu.memory_space<vmem>>
      %dma_wait3A_529 = tpu.memref_squeeze %dma_wait3A_528 : memref<1x1x128xi32, #tpu.memory_space<vmem>> -> memref<128xi32, #tpu.memory_space<vmem>>
      %dma_wait3A_530 = arith.constant 0 : i32
      %dma_wait3A_531 = arith.constant 0 : i32
      %dma_wait3A_532 = tpu.memref_slice %arg13[%dma_wait3A_530, %dma_wait3A_531] : memref<2048x128xf32, #tpu.memory_space<vmem_shared>> -> memref<2048x128xf32, #tpu.memory_space<vmem_shared>>
      tpu.wait_indirect_dma semaphore(%run_scoped3A_512 : memref<!tpu.dma_semaphore, #tpu.memory_space<semaphore_mem>>) src(%dma_wait3A_526 : memref<128x128xf32, #tpu.memory_space<vmem>>) dst(%dma_wait3A_532 : memref<2048x128xf32, #tpu.memory_space<vmem_shared>>)
      tpu.yield
    }) : () -> ()
    %dma_start3A_284 = arith.constant 9 : i32
    %dma_start3A_285 = arith.constant 1 : i32
    %dma_start3A_286 = arith.constant 0 : i32
    %dma_start3A_287 = arith.constant 0 : i32
    %dma_start3A_288 = tpu.memref_slice %arg11[%dma_start3A_285, %dma_start3A_286, %dma_start3A_287] : memref<2x128x128xf32, #tpu.memory_space<vmem>> -> memref<1x128x128xf32, #tpu.memory_space<vmem>>
    %dma_start3A_289 = tpu.memref_squeeze %dma_start3A_288 : memref<1x128x128xf32, #tpu.memory_space<vmem>> -> memref<128x128xf32, #tpu.memory_space<vmem>>
    %dma_start3A_290 = arith.constant 0 : i32
    %dma_start3A_291 = tpu.memref_slice %arg9[%rem3A_76, %dma_start3A_284, %dma_start3A_290] : memref<2x16x128xi32, #tpu.memory_space<vmem>> -> memref<1x1x128xi32, #tpu.memory_space<vmem>>
    %dma_start3A_292 = tpu.memref_squeeze %dma_start3A_291 : memref<1x1x128xi32, #tpu.memory_space<vmem>> -> memref<128xi32, #tpu.memory_space<vmem>>
    %dma_start3A_293 = arith.constant 0 : i32
    %dma_start3A_294 = arith.constant 0 : i32
    %dma_start3A_295 = tpu.memref_slice %arg2[%dma_start3A_293, %dma_start3A_294] : memref<10240x128xf32, #tpu.memory_space<hbm>> -> memref<10240x128xf32, #tpu.memory_space<hbm>>
    tpu.enqueue_indirect_dma source(%dma_start3A_295 : memref<10240x128xf32, #tpu.memory_space<hbm>>) target(%dma_start3A_289 : memref<128x128xf32, #tpu.memory_space<vmem>>) offsets(%dma_start3A_292 : memref<128xi32, #tpu.memory_space<vmem>>) semaphore(%arg16 : memref<!tpu.dma_semaphore, #tpu.memory_space<semaphore_mem>>)
    %run_scoped3A_296 = arith.constant 7 : i32
    "tpu.region"() ({
      %run_scoped3A_512 = tpu.sem_alloc : memref<!tpu.dma_semaphore, #tpu.memory_space<semaphore_mem>>
      %dma_start3A_513 = arith.constant 0 : i32
      %dma_start3A_514 = tpu.memref_slice %arg10[%rem3A_76, %run_scoped3A_296, %dma_start3A_513] : memref<2x16x128xi32, #tpu.memory_space<vmem>> -> memref<1x1x128xi32, #tpu.memory_space<vmem>>
      %dma_start3A_515 = tpu.memref_squeeze %dma_start3A_514 : memref<1x1x128xi32, #tpu.memory_space<vmem>> -> memref<128xi32, #tpu.memory_space<vmem>>
      %dma_start3A_516 = arith.constant 0 : i32
      %dma_start3A_517 = tpu.memref_slice %arg14[%dma_start3A_516] : memref<2048xf32, #tpu.memory_space<vmem_shared>> -> memref<2048xf32, #tpu.memory_space<vmem_shared>>
      tpu.enqueue_indirect_dma source(%arg12 : memref<128xf32, #tpu.memory_space<vmem>>) target(%dma_start3A_517 : memref<2048xf32, #tpu.memory_space<vmem_shared>>) offsets(%dma_start3A_515 : memref<128xi32, #tpu.memory_space<vmem>>) semaphore(%run_scoped3A_512 : memref<!tpu.dma_semaphore, #tpu.memory_space<semaphore_mem>>) {add = true}
      %dma_wait3A_518 = arith.constant 0 : i32
      %dma_wait3A_519 = tpu.memref_slice %arg10[%rem3A_76, %run_scoped3A_296, %dma_wait3A_518] : memref<2x16x128xi32, #tpu.memory_space<vmem>> -> memref<1x1x128xi32, #tpu.memory_space<vmem>>
      %dma_wait3A_520 = tpu.memref_squeeze %dma_wait3A_519 : memref<1x1x128xi32, #tpu.memory_space<vmem>> -> memref<128xi32, #tpu.memory_space<vmem>>
      %dma_wait3A_521 = arith.constant 0 : i32
      %dma_wait3A_522 = tpu.memref_slice %arg14[%dma_wait3A_521] : memref<2048xf32, #tpu.memory_space<vmem_shared>> -> memref<2048xf32, #tpu.memory_space<vmem_shared>>
      tpu.wait_indirect_dma semaphore(%run_scoped3A_512 : memref<!tpu.dma_semaphore, #tpu.memory_space<semaphore_mem>>) src(%arg12 : memref<128xf32, #tpu.memory_space<vmem>>) dst(%dma_wait3A_522 : memref<2048xf32, #tpu.memory_space<vmem_shared>>)
      tpu.yield
    }) : () -> ()
    %dma_wait3A_297 = arith.constant 8 : i32
    %dma_wait3A_298 = arith.constant 0 : i32
    %dma_wait3A_299 = arith.constant 0 : i32
    %dma_wait3A_300 = arith.constant 0 : i32
    %dma_wait3A_301 = tpu.memref_slice %arg11[%dma_wait3A_298, %dma_wait3A_299, %dma_wait3A_300] : memref<2x128x128xf32, #tpu.memory_space<vmem>> -> memref<1x128x128xf32, #tpu.memory_space<vmem>>
    %dma_wait3A_302 = tpu.memref_squeeze %dma_wait3A_301 : memref<1x128x128xf32, #tpu.memory_space<vmem>> -> memref<128x128xf32, #tpu.memory_space<vmem>>
    %dma_wait3A_303 = arith.constant 0 : i32
    %dma_wait3A_304 = tpu.memref_slice %arg9[%rem3A_76, %dma_wait3A_297, %dma_wait3A_303] : memref<2x16x128xi32, #tpu.memory_space<vmem>> -> memref<1x1x128xi32, #tpu.memory_space<vmem>>
    %dma_wait3A_305 = tpu.memref_squeeze %dma_wait3A_304 : memref<1x1x128xi32, #tpu.memory_space<vmem>> -> memref<128xi32, #tpu.memory_space<vmem>>
    %dma_wait3A_306 = arith.constant 0 : i32
    %dma_wait3A_307 = arith.constant 0 : i32
    %dma_wait3A_308 = tpu.memref_slice %arg2[%dma_wait3A_306, %dma_wait3A_307] : memref<10240x128xf32, #tpu.memory_space<hbm>> -> memref<10240x128xf32, #tpu.memory_space<hbm>>
    tpu.wait_indirect_dma semaphore(%arg15 : memref<!tpu.dma_semaphore, #tpu.memory_space<semaphore_mem>>) src(%dma_wait3A_308 : memref<10240x128xf32, #tpu.memory_space<hbm>>) dst(%dma_wait3A_302 : memref<128x128xf32, #tpu.memory_space<vmem>>)
    %run_scoped3A_309 = arith.constant 0 : i32
    %run_scoped3A_310 = arith.constant 8 : i32
    "tpu.region"() ({
      %run_scoped3A_512 = tpu.sem_alloc : memref<!tpu.dma_semaphore, #tpu.memory_space<semaphore_mem>>
      %dma_start3A_513 = arith.constant 0 : i32
      %dma_start3A_514 = arith.constant 0 : i32
      %dma_start3A_515 = tpu.memref_slice %arg11[%run_scoped3A_309, %dma_start3A_513, %dma_start3A_514] : memref<2x128x128xf32, #tpu.memory_space<vmem>> -> memref<1x128x128xf32, #tpu.memory_space<vmem>>
      %dma_start3A_516 = tpu.memref_squeeze %dma_start3A_515 : memref<1x128x128xf32, #tpu.memory_space<vmem>> -> memref<128x128xf32, #tpu.memory_space<vmem>>
      %dma_start3A_517 = arith.constant 0 : i32
      %dma_start3A_518 = tpu.memref_slice %arg10[%rem3A_76, %run_scoped3A_310, %dma_start3A_517] : memref<2x16x128xi32, #tpu.memory_space<vmem>> -> memref<1x1x128xi32, #tpu.memory_space<vmem>>
      %dma_start3A_519 = tpu.memref_squeeze %dma_start3A_518 : memref<1x1x128xi32, #tpu.memory_space<vmem>> -> memref<128xi32, #tpu.memory_space<vmem>>
      %dma_start3A_520 = arith.constant 0 : i32
      %dma_start3A_521 = arith.constant 0 : i32
      %dma_start3A_522 = tpu.memref_slice %arg13[%dma_start3A_520, %dma_start3A_521] : memref<2048x128xf32, #tpu.memory_space<vmem_shared>> -> memref<2048x128xf32, #tpu.memory_space<vmem_shared>>
      tpu.enqueue_indirect_dma source(%dma_start3A_516 : memref<128x128xf32, #tpu.memory_space<vmem>>) target(%dma_start3A_522 : memref<2048x128xf32, #tpu.memory_space<vmem_shared>>) offsets(%dma_start3A_519 : memref<128xi32, #tpu.memory_space<vmem>>) semaphore(%run_scoped3A_512 : memref<!tpu.dma_semaphore, #tpu.memory_space<semaphore_mem>>) {add = true}
      %dma_wait3A_523 = arith.constant 0 : i32
      %dma_wait3A_524 = arith.constant 0 : i32
      %dma_wait3A_525 = tpu.memref_slice %arg11[%run_scoped3A_309, %dma_wait3A_523, %dma_wait3A_524] : memref<2x128x128xf32, #tpu.memory_space<vmem>> -> memref<1x128x128xf32, #tpu.memory_space<vmem>>
      %dma_wait3A_526 = tpu.memref_squeeze %dma_wait3A_525 : memref<1x128x128xf32, #tpu.memory_space<vmem>> -> memref<128x128xf32, #tpu.memory_space<vmem>>
      %dma_wait3A_527 = arith.constant 0 : i32
      %dma_wait3A_528 = tpu.memref_slice %arg10[%rem3A_76, %run_scoped3A_310, %dma_wait3A_527] : memref<2x16x128xi32, #tpu.memory_space<vmem>> -> memref<1x1x128xi32, #tpu.memory_space<vmem>>
      %dma_wait3A_529 = tpu.memref_squeeze %dma_wait3A_528 : memref<1x1x128xi32, #tpu.memory_space<vmem>> -> memref<128xi32, #tpu.memory_space<vmem>>
      %dma_wait3A_530 = arith.constant 0 : i32
      %dma_wait3A_531 = arith.constant 0 : i32
      %dma_wait3A_532 = tpu.memref_slice %arg13[%dma_wait3A_530, %dma_wait3A_531] : memref<2048x128xf32, #tpu.memory_space<vmem_shared>> -> memref<2048x128xf32, #tpu.memory_space<vmem_shared>>
      tpu.wait_indirect_dma semaphore(%run_scoped3A_512 : memref<!tpu.dma_semaphore, #tpu.memory_space<semaphore_mem>>) src(%dma_wait3A_526 : memref<128x128xf32, #tpu.memory_space<vmem>>) dst(%dma_wait3A_532 : memref<2048x128xf32, #tpu.memory_space<vmem_shared>>)
      tpu.yield
    }) : () -> ()
    %dma_start3A_311 = arith.constant 10 : i32
    %dma_start3A_312 = arith.constant 0 : i32
    %dma_start3A_313 = arith.constant 0 : i32
    %dma_start3A_314 = arith.constant 0 : i32
    %dma_start3A_315 = tpu.memref_slice %arg11[%dma_start3A_312, %dma_start3A_313, %dma_start3A_314] : memref<2x128x128xf32, #tpu.memory_space<vmem>> -> memref<1x128x128xf32, #tpu.memory_space<vmem>>
    %dma_start3A_316 = tpu.memref_squeeze %dma_start3A_315 : memref<1x128x128xf32, #tpu.memory_space<vmem>> -> memref<128x128xf32, #tpu.memory_space<vmem>>
    %dma_start3A_317 = arith.constant 0 : i32
    %dma_start3A_318 = tpu.memref_slice %arg9[%rem3A_76, %dma_start3A_311, %dma_start3A_317] : memref<2x16x128xi32, #tpu.memory_space<vmem>> -> memref<1x1x128xi32, #tpu.memory_space<vmem>>
    %dma_start3A_319 = tpu.memref_squeeze %dma_start3A_318 : memref<1x1x128xi32, #tpu.memory_space<vmem>> -> memref<128xi32, #tpu.memory_space<vmem>>
    %dma_start3A_320 = arith.constant 0 : i32
    %dma_start3A_321 = arith.constant 0 : i32
    %dma_start3A_322 = tpu.memref_slice %arg2[%dma_start3A_320, %dma_start3A_321] : memref<10240x128xf32, #tpu.memory_space<hbm>> -> memref<10240x128xf32, #tpu.memory_space<hbm>>
    tpu.enqueue_indirect_dma source(%dma_start3A_322 : memref<10240x128xf32, #tpu.memory_space<hbm>>) target(%dma_start3A_316 : memref<128x128xf32, #tpu.memory_space<vmem>>) offsets(%dma_start3A_319 : memref<128xi32, #tpu.memory_space<vmem>>) semaphore(%arg15 : memref<!tpu.dma_semaphore, #tpu.memory_space<semaphore_mem>>)
    %run_scoped3A_323 = arith.constant 8 : i32
    "tpu.region"() ({
      %run_scoped3A_512 = tpu.sem_alloc : memref<!tpu.dma_semaphore, #tpu.memory_space<semaphore_mem>>
      %dma_start3A_513 = arith.constant 0 : i32
      %dma_start3A_514 = tpu.memref_slice %arg10[%rem3A_76, %run_scoped3A_323, %dma_start3A_513] : memref<2x16x128xi32, #tpu.memory_space<vmem>> -> memref<1x1x128xi32, #tpu.memory_space<vmem>>
      %dma_start3A_515 = tpu.memref_squeeze %dma_start3A_514 : memref<1x1x128xi32, #tpu.memory_space<vmem>> -> memref<128xi32, #tpu.memory_space<vmem>>
      %dma_start3A_516 = arith.constant 0 : i32
      %dma_start3A_517 = tpu.memref_slice %arg14[%dma_start3A_516] : memref<2048xf32, #tpu.memory_space<vmem_shared>> -> memref<2048xf32, #tpu.memory_space<vmem_shared>>
      tpu.enqueue_indirect_dma source(%arg12 : memref<128xf32, #tpu.memory_space<vmem>>) target(%dma_start3A_517 : memref<2048xf32, #tpu.memory_space<vmem_shared>>) offsets(%dma_start3A_515 : memref<128xi32, #tpu.memory_space<vmem>>) semaphore(%run_scoped3A_512 : memref<!tpu.dma_semaphore, #tpu.memory_space<semaphore_mem>>) {add = true}
      %dma_wait3A_518 = arith.constant 0 : i32
      %dma_wait3A_519 = tpu.memref_slice %arg10[%rem3A_76, %run_scoped3A_323, %dma_wait3A_518] : memref<2x16x128xi32, #tpu.memory_space<vmem>> -> memref<1x1x128xi32, #tpu.memory_space<vmem>>
      %dma_wait3A_520 = tpu.memref_squeeze %dma_wait3A_519 : memref<1x1x128xi32, #tpu.memory_space<vmem>> -> memref<128xi32, #tpu.memory_space<vmem>>
      %dma_wait3A_521 = arith.constant 0 : i32
      %dma_wait3A_522 = tpu.memref_slice %arg14[%dma_wait3A_521] : memref<2048xf32, #tpu.memory_space<vmem_shared>> -> memref<2048xf32, #tpu.memory_space<vmem_shared>>
      tpu.wait_indirect_dma semaphore(%run_scoped3A_512 : memref<!tpu.dma_semaphore, #tpu.memory_space<semaphore_mem>>) src(%arg12 : memref<128xf32, #tpu.memory_space<vmem>>) dst(%dma_wait3A_522 : memref<2048xf32, #tpu.memory_space<vmem_shared>>)
      tpu.yield
    }) : () -> ()
    %dma_wait3A_324 = arith.constant 9 : i32
    %dma_wait3A_325 = arith.constant 1 : i32
    %dma_wait3A_326 = arith.constant 0 : i32
    %dma_wait3A_327 = arith.constant 0 : i32
    %dma_wait3A_328 = tpu.memref_slice %arg11[%dma_wait3A_325, %dma_wait3A_326, %dma_wait3A_327] : memref<2x128x128xf32, #tpu.memory_space<vmem>> -> memref<1x128x128xf32, #tpu.memory_space<vmem>>
    %dma_wait3A_329 = tpu.memref_squeeze %dma_wait3A_328 : memref<1x128x128xf32, #tpu.memory_space<vmem>> -> memref<128x128xf32, #tpu.memory_space<vmem>>
    %dma_wait3A_330 = arith.constant 0 : i32
    %dma_wait3A_331 = tpu.memref_slice %arg9[%rem3A_76, %dma_wait3A_324, %dma_wait3A_330] : memref<2x16x128xi32, #tpu.memory_space<vmem>> -> memref<1x1x128xi32, #tpu.memory_space<vmem>>
    %dma_wait3A_332 = tpu.memref_squeeze %dma_wait3A_331 : memref<1x1x128xi32, #tpu.memory_space<vmem>> -> memref<128xi32, #tpu.memory_space<vmem>>
    %dma_wait3A_333 = arith.constant 0 : i32
    %dma_wait3A_334 = arith.constant 0 : i32
    %dma_wait3A_335 = tpu.memref_slice %arg2[%dma_wait3A_333, %dma_wait3A_334] : memref<10240x128xf32, #tpu.memory_space<hbm>> -> memref<10240x128xf32, #tpu.memory_space<hbm>>
    tpu.wait_indirect_dma semaphore(%arg16 : memref<!tpu.dma_semaphore, #tpu.memory_space<semaphore_mem>>) src(%dma_wait3A_335 : memref<10240x128xf32, #tpu.memory_space<hbm>>) dst(%dma_wait3A_329 : memref<128x128xf32, #tpu.memory_space<vmem>>)
    %run_scoped3A_336 = arith.constant 1 : i32
    %run_scoped3A_337 = arith.constant 9 : i32
    "tpu.region"() ({
      %run_scoped3A_512 = tpu.sem_alloc : memref<!tpu.dma_semaphore, #tpu.memory_space<semaphore_mem>>
      %dma_start3A_513 = arith.constant 0 : i32
      %dma_start3A_514 = arith.constant 0 : i32
      %dma_start3A_515 = tpu.memref_slice %arg11[%run_scoped3A_336, %dma_start3A_513, %dma_start3A_514] : memref<2x128x128xf32, #tpu.memory_space<vmem>> -> memref<1x128x128xf32, #tpu.memory_space<vmem>>
      %dma_start3A_516 = tpu.memref_squeeze %dma_start3A_515 : memref<1x128x128xf32, #tpu.memory_space<vmem>> -> memref<128x128xf32, #tpu.memory_space<vmem>>
      %dma_start3A_517 = arith.constant 0 : i32
      %dma_start3A_518 = tpu.memref_slice %arg10[%rem3A_76, %run_scoped3A_337, %dma_start3A_517] : memref<2x16x128xi32, #tpu.memory_space<vmem>> -> memref<1x1x128xi32, #tpu.memory_space<vmem>>
      %dma_start3A_519 = tpu.memref_squeeze %dma_start3A_518 : memref<1x1x128xi32, #tpu.memory_space<vmem>> -> memref<128xi32, #tpu.memory_space<vmem>>
      %dma_start3A_520 = arith.constant 0 : i32
      %dma_start3A_521 = arith.constant 0 : i32
      %dma_start3A_522 = tpu.memref_slice %arg13[%dma_start3A_520, %dma_start3A_521] : memref<2048x128xf32, #tpu.memory_space<vmem_shared>> -> memref<2048x128xf32, #tpu.memory_space<vmem_shared>>
      tpu.enqueue_indirect_dma source(%dma_start3A_516 : memref<128x128xf32, #tpu.memory_space<vmem>>) target(%dma_start3A_522 : memref<2048x128xf32, #tpu.memory_space<vmem_shared>>) offsets(%dma_start3A_519 : memref<128xi32, #tpu.memory_space<vmem>>) semaphore(%run_scoped3A_512 : memref<!tpu.dma_semaphore, #tpu.memory_space<semaphore_mem>>) {add = true}
      %dma_wait3A_523 = arith.constant 0 : i32
      %dma_wait3A_524 = arith.constant 0 : i32
      %dma_wait3A_525 = tpu.memref_slice %arg11[%run_scoped3A_336, %dma_wait3A_523, %dma_wait3A_524] : memref<2x128x128xf32, #tpu.memory_space<vmem>> -> memref<1x128x128xf32, #tpu.memory_space<vmem>>
      %dma_wait3A_526 = tpu.memref_squeeze %dma_wait3A_525 : memref<1x128x128xf32, #tpu.memory_space<vmem>> -> memref<128x128xf32, #tpu.memory_space<vmem>>
      %dma_wait3A_527 = arith.constant 0 : i32
      %dma_wait3A_528 = tpu.memref_slice %arg10[%rem3A_76, %run_scoped3A_337, %dma_wait3A_527] : memref<2x16x128xi32, #tpu.memory_space<vmem>> -> memref<1x1x128xi32, #tpu.memory_space<vmem>>
      %dma_wait3A_529 = tpu.memref_squeeze %dma_wait3A_528 : memref<1x1x128xi32, #tpu.memory_space<vmem>> -> memref<128xi32, #tpu.memory_space<vmem>>
      %dma_wait3A_530 = arith.constant 0 : i32
      %dma_wait3A_531 = arith.constant 0 : i32
      %dma_wait3A_532 = tpu.memref_slice %arg13[%dma_wait3A_530, %dma_wait3A_531] : memref<2048x128xf32, #tpu.memory_space<vmem_shared>> -> memref<2048x128xf32, #tpu.memory_space<vmem_shared>>
      tpu.wait_indirect_dma semaphore(%run_scoped3A_512 : memref<!tpu.dma_semaphore, #tpu.memory_space<semaphore_mem>>) src(%dma_wait3A_526 : memref<128x128xf32, #tpu.memory_space<vmem>>) dst(%dma_wait3A_532 : memref<2048x128xf32, #tpu.memory_space<vmem_shared>>)
      tpu.yield
    }) : () -> ()
    %dma_start3A_338 = arith.constant 11 : i32
    %dma_start3A_339 = arith.constant 1 : i32
    %dma_start3A_340 = arith.constant 0 : i32
    %dma_start3A_341 = arith.constant 0 : i32
    %dma_start3A_342 = tpu.memref_slice %arg11[%dma_start3A_339, %dma_start3A_340, %dma_start3A_341] : memref<2x128x128xf32, #tpu.memory_space<vmem>> -> memref<1x128x128xf32, #tpu.memory_space<vmem>>
    %dma_start3A_343 = tpu.memref_squeeze %dma_start3A_342 : memref<1x128x128xf32, #tpu.memory_space<vmem>> -> memref<128x128xf32, #tpu.memory_space<vmem>>
    %dma_start3A_344 = arith.constant 0 : i32
    %dma_start3A_345 = tpu.memref_slice %arg9[%rem3A_76, %dma_start3A_338, %dma_start3A_344] : memref<2x16x128xi32, #tpu.memory_space<vmem>> -> memref<1x1x128xi32, #tpu.memory_space<vmem>>
    %dma_start3A_346 = tpu.memref_squeeze %dma_start3A_345 : memref<1x1x128xi32, #tpu.memory_space<vmem>> -> memref<128xi32, #tpu.memory_space<vmem>>
    %dma_start3A_347 = arith.constant 0 : i32
    %dma_start3A_348 = arith.constant 0 : i32
    %dma_start3A_349 = tpu.memref_slice %arg2[%dma_start3A_347, %dma_start3A_348] : memref<10240x128xf32, #tpu.memory_space<hbm>> -> memref<10240x128xf32, #tpu.memory_space<hbm>>
    tpu.enqueue_indirect_dma source(%dma_start3A_349 : memref<10240x128xf32, #tpu.memory_space<hbm>>) target(%dma_start3A_343 : memref<128x128xf32, #tpu.memory_space<vmem>>) offsets(%dma_start3A_346 : memref<128xi32, #tpu.memory_space<vmem>>) semaphore(%arg16 : memref<!tpu.dma_semaphore, #tpu.memory_space<semaphore_mem>>)
    %run_scoped3A_350 = arith.constant 9 : i32
    "tpu.region"() ({
      %run_scoped3A_512 = tpu.sem_alloc : memref<!tpu.dma_semaphore, #tpu.memory_space<semaphore_mem>>
      %dma_start3A_513 = arith.constant 0 : i32
      %dma_start3A_514 = tpu.memref_slice %arg10[%rem3A_76, %run_scoped3A_350, %dma_start3A_513] : memref<2x16x128xi32, #tpu.memory_space<vmem>> -> memref<1x1x128xi32, #tpu.memory_space<vmem>>
      %dma_start3A_515 = tpu.memref_squeeze %dma_start3A_514 : memref<1x1x128xi32, #tpu.memory_space<vmem>> -> memref<128xi32, #tpu.memory_space<vmem>>
      %dma_start3A_516 = arith.constant 0 : i32
      %dma_start3A_517 = tpu.memref_slice %arg14[%dma_start3A_516] : memref<2048xf32, #tpu.memory_space<vmem_shared>> -> memref<2048xf32, #tpu.memory_space<vmem_shared>>
      tpu.enqueue_indirect_dma source(%arg12 : memref<128xf32, #tpu.memory_space<vmem>>) target(%dma_start3A_517 : memref<2048xf32, #tpu.memory_space<vmem_shared>>) offsets(%dma_start3A_515 : memref<128xi32, #tpu.memory_space<vmem>>) semaphore(%run_scoped3A_512 : memref<!tpu.dma_semaphore, #tpu.memory_space<semaphore_mem>>) {add = true}
      %dma_wait3A_518 = arith.constant 0 : i32
      %dma_wait3A_519 = tpu.memref_slice %arg10[%rem3A_76, %run_scoped3A_350, %dma_wait3A_518] : memref<2x16x128xi32, #tpu.memory_space<vmem>> -> memref<1x1x128xi32, #tpu.memory_space<vmem>>
      %dma_wait3A_520 = tpu.memref_squeeze %dma_wait3A_519 : memref<1x1x128xi32, #tpu.memory_space<vmem>> -> memref<128xi32, #tpu.memory_space<vmem>>
      %dma_wait3A_521 = arith.constant 0 : i32
      %dma_wait3A_522 = tpu.memref_slice %arg14[%dma_wait3A_521] : memref<2048xf32, #tpu.memory_space<vmem_shared>> -> memref<2048xf32, #tpu.memory_space<vmem_shared>>
      tpu.wait_indirect_dma semaphore(%run_scoped3A_512 : memref<!tpu.dma_semaphore, #tpu.memory_space<semaphore_mem>>) src(%arg12 : memref<128xf32, #tpu.memory_space<vmem>>) dst(%dma_wait3A_522 : memref<2048xf32, #tpu.memory_space<vmem_shared>>)
      tpu.yield
    }) : () -> ()
    %dma_wait3A_351 = arith.constant 10 : i32
    %dma_wait3A_352 = arith.constant 0 : i32
    %dma_wait3A_353 = arith.constant 0 : i32
    %dma_wait3A_354 = arith.constant 0 : i32
    %dma_wait3A_355 = tpu.memref_slice %arg11[%dma_wait3A_352, %dma_wait3A_353, %dma_wait3A_354] : memref<2x128x128xf32, #tpu.memory_space<vmem>> -> memref<1x128x128xf32, #tpu.memory_space<vmem>>
    %dma_wait3A_356 = tpu.memref_squeeze %dma_wait3A_355 : memref<1x128x128xf32, #tpu.memory_space<vmem>> -> memref<128x128xf32, #tpu.memory_space<vmem>>
    %dma_wait3A_357 = arith.constant 0 : i32
    %dma_wait3A_358 = tpu.memref_slice %arg9[%rem3A_76, %dma_wait3A_351, %dma_wait3A_357] : memref<2x16x128xi32, #tpu.memory_space<vmem>> -> memref<1x1x128xi32, #tpu.memory_space<vmem>>
    %dma_wait3A_359 = tpu.memref_squeeze %dma_wait3A_358 : memref<1x1x128xi32, #tpu.memory_space<vmem>> -> memref<128xi32, #tpu.memory_space<vmem>>
    %dma_wait3A_360 = arith.constant 0 : i32
    %dma_wait3A_361 = arith.constant 0 : i32
    %dma_wait3A_362 = tpu.memref_slice %arg2[%dma_wait3A_360, %dma_wait3A_361] : memref<10240x128xf32, #tpu.memory_space<hbm>> -> memref<10240x128xf32, #tpu.memory_space<hbm>>
    tpu.wait_indirect_dma semaphore(%arg15 : memref<!tpu.dma_semaphore, #tpu.memory_space<semaphore_mem>>) src(%dma_wait3A_362 : memref<10240x128xf32, #tpu.memory_space<hbm>>) dst(%dma_wait3A_356 : memref<128x128xf32, #tpu.memory_space<vmem>>)
    %run_scoped3A_363 = arith.constant 0 : i32
    %run_scoped3A_364 = arith.constant 10 : i32
    "tpu.region"() ({
      %run_scoped3A_512 = tpu.sem_alloc : memref<!tpu.dma_semaphore, #tpu.memory_space<semaphore_mem>>
      %dma_start3A_513 = arith.constant 0 : i32
      %dma_start3A_514 = arith.constant 0 : i32
      %dma_start3A_515 = tpu.memref_slice %arg11[%run_scoped3A_363, %dma_start3A_513, %dma_start3A_514] : memref<2x128x128xf32, #tpu.memory_space<vmem>> -> memref<1x128x128xf32, #tpu.memory_space<vmem>>
      %dma_start3A_516 = tpu.memref_squeeze %dma_start3A_515 : memref<1x128x128xf32, #tpu.memory_space<vmem>> -> memref<128x128xf32, #tpu.memory_space<vmem>>
      %dma_start3A_517 = arith.constant 0 : i32
      %dma_start3A_518 = tpu.memref_slice %arg10[%rem3A_76, %run_scoped3A_364, %dma_start3A_517] : memref<2x16x128xi32, #tpu.memory_space<vmem>> -> memref<1x1x128xi32, #tpu.memory_space<vmem>>
      %dma_start3A_519 = tpu.memref_squeeze %dma_start3A_518 : memref<1x1x128xi32, #tpu.memory_space<vmem>> -> memref<128xi32, #tpu.memory_space<vmem>>
      %dma_start3A_520 = arith.constant 0 : i32
      %dma_start3A_521 = arith.constant 0 : i32
      %dma_start3A_522 = tpu.memref_slice %arg13[%dma_start3A_520, %dma_start3A_521] : memref<2048x128xf32, #tpu.memory_space<vmem_shared>> -> memref<2048x128xf32, #tpu.memory_space<vmem_shared>>
      tpu.enqueue_indirect_dma source(%dma_start3A_516 : memref<128x128xf32, #tpu.memory_space<vmem>>) target(%dma_start3A_522 : memref<2048x128xf32, #tpu.memory_space<vmem_shared>>) offsets(%dma_start3A_519 : memref<128xi32, #tpu.memory_space<vmem>>) semaphore(%run_scoped3A_512 : memref<!tpu.dma_semaphore, #tpu.memory_space<semaphore_mem>>) {add = true}
      %dma_wait3A_523 = arith.constant 0 : i32
      %dma_wait3A_524 = arith.constant 0 : i32
      %dma_wait3A_525 = tpu.memref_slice %arg11[%run_scoped3A_363, %dma_wait3A_523, %dma_wait3A_524] : memref<2x128x128xf32, #tpu.memory_space<vmem>> -> memref<1x128x128xf32, #tpu.memory_space<vmem>>
      %dma_wait3A_526 = tpu.memref_squeeze %dma_wait3A_525 : memref<1x128x128xf32, #tpu.memory_space<vmem>> -> memref<128x128xf32, #tpu.memory_space<vmem>>
      %dma_wait3A_527 = arith.constant 0 : i32
      %dma_wait3A_528 = tpu.memref_slice %arg10[%rem3A_76, %run_scoped3A_364, %dma_wait3A_527] : memref<2x16x128xi32, #tpu.memory_space<vmem>> -> memref<1x1x128xi32, #tpu.memory_space<vmem>>
      %dma_wait3A_529 = tpu.memref_squeeze %dma_wait3A_528 : memref<1x1x128xi32, #tpu.memory_space<vmem>> -> memref<128xi32, #tpu.memory_space<vmem>>
      %dma_wait3A_530 = arith.constant 0 : i32
      %dma_wait3A_531 = arith.constant 0 : i32
      %dma_wait3A_532 = tpu.memref_slice %arg13[%dma_wait3A_530, %dma_wait3A_531] : memref<2048x128xf32, #tpu.memory_space<vmem_shared>> -> memref<2048x128xf32, #tpu.memory_space<vmem_shared>>
      tpu.wait_indirect_dma semaphore(%run_scoped3A_512 : memref<!tpu.dma_semaphore, #tpu.memory_space<semaphore_mem>>) src(%dma_wait3A_526 : memref<128x128xf32, #tpu.memory_space<vmem>>) dst(%dma_wait3A_532 : memref<2048x128xf32, #tpu.memory_space<vmem_shared>>)
      tpu.yield
    }) : () -> ()
    %dma_start3A_365 = arith.constant 12 : i32
    %dma_start3A_366 = arith.constant 0 : i32
    %dma_start3A_367 = arith.constant 0 : i32
    %dma_start3A_368 = arith.constant 0 : i32
    %dma_start3A_369 = tpu.memref_slice %arg11[%dma_start3A_366, %dma_start3A_367, %dma_start3A_368] : memref<2x128x128xf32, #tpu.memory_space<vmem>> -> memref<1x128x128xf32, #tpu.memory_space<vmem>>
    %dma_start3A_370 = tpu.memref_squeeze %dma_start3A_369 : memref<1x128x128xf32, #tpu.memory_space<vmem>> -> memref<128x128xf32, #tpu.memory_space<vmem>>
    %dma_start3A_371 = arith.constant 0 : i32
    %dma_start3A_372 = tpu.memref_slice %arg9[%rem3A_76, %dma_start3A_365, %dma_start3A_371] : memref<2x16x128xi32, #tpu.memory_space<vmem>> -> memref<1x1x128xi32, #tpu.memory_space<vmem>>
    %dma_start3A_373 = tpu.memref_squeeze %dma_start3A_372 : memref<1x1x128xi32, #tpu.memory_space<vmem>> -> memref<128xi32, #tpu.memory_space<vmem>>
    %dma_start3A_374 = arith.constant 0 : i32
    %dma_start3A_375 = arith.constant 0 : i32
    %dma_start3A_376 = tpu.memref_slice %arg2[%dma_start3A_374, %dma_start3A_375] : memref<10240x128xf32, #tpu.memory_space<hbm>> -> memref<10240x128xf32, #tpu.memory_space<hbm>>
    tpu.enqueue_indirect_dma source(%dma_start3A_376 : memref<10240x128xf32, #tpu.memory_space<hbm>>) target(%dma_start3A_370 : memref<128x128xf32, #tpu.memory_space<vmem>>) offsets(%dma_start3A_373 : memref<128xi32, #tpu.memory_space<vmem>>) semaphore(%arg15 : memref<!tpu.dma_semaphore, #tpu.memory_space<semaphore_mem>>)
    %run_scoped3A_377 = arith.constant 10 : i32
    "tpu.region"() ({
      %run_scoped3A_512 = tpu.sem_alloc : memref<!tpu.dma_semaphore, #tpu.memory_space<semaphore_mem>>
      %dma_start3A_513 = arith.constant 0 : i32
      %dma_start3A_514 = tpu.memref_slice %arg10[%rem3A_76, %run_scoped3A_377, %dma_start3A_513] : memref<2x16x128xi32, #tpu.memory_space<vmem>> -> memref<1x1x128xi32, #tpu.memory_space<vmem>>
      %dma_start3A_515 = tpu.memref_squeeze %dma_start3A_514 : memref<1x1x128xi32, #tpu.memory_space<vmem>> -> memref<128xi32, #tpu.memory_space<vmem>>
      %dma_start3A_516 = arith.constant 0 : i32
      %dma_start3A_517 = tpu.memref_slice %arg14[%dma_start3A_516] : memref<2048xf32, #tpu.memory_space<vmem_shared>> -> memref<2048xf32, #tpu.memory_space<vmem_shared>>
      tpu.enqueue_indirect_dma source(%arg12 : memref<128xf32, #tpu.memory_space<vmem>>) target(%dma_start3A_517 : memref<2048xf32, #tpu.memory_space<vmem_shared>>) offsets(%dma_start3A_515 : memref<128xi32, #tpu.memory_space<vmem>>) semaphore(%run_scoped3A_512 : memref<!tpu.dma_semaphore, #tpu.memory_space<semaphore_mem>>) {add = true}
      %dma_wait3A_518 = arith.constant 0 : i32
      %dma_wait3A_519 = tpu.memref_slice %arg10[%rem3A_76, %run_scoped3A_377, %dma_wait3A_518] : memref<2x16x128xi32, #tpu.memory_space<vmem>> -> memref<1x1x128xi32, #tpu.memory_space<vmem>>
      %dma_wait3A_520 = tpu.memref_squeeze %dma_wait3A_519 : memref<1x1x128xi32, #tpu.memory_space<vmem>> -> memref<128xi32, #tpu.memory_space<vmem>>
      %dma_wait3A_521 = arith.constant 0 : i32
      %dma_wait3A_522 = tpu.memref_slice %arg14[%dma_wait3A_521] : memref<2048xf32, #tpu.memory_space<vmem_shared>> -> memref<2048xf32, #tpu.memory_space<vmem_shared>>
      tpu.wait_indirect_dma semaphore(%run_scoped3A_512 : memref<!tpu.dma_semaphore, #tpu.memory_space<semaphore_mem>>) src(%arg12 : memref<128xf32, #tpu.memory_space<vmem>>) dst(%dma_wait3A_522 : memref<2048xf32, #tpu.memory_space<vmem_shared>>)
      tpu.yield
    }) : () -> ()
    %dma_wait3A_378 = arith.constant 11 : i32
    %dma_wait3A_379 = arith.constant 1 : i32
    %dma_wait3A_380 = arith.constant 0 : i32
    %dma_wait3A_381 = arith.constant 0 : i32
    %dma_wait3A_382 = tpu.memref_slice %arg11[%dma_wait3A_379, %dma_wait3A_380, %dma_wait3A_381] : memref<2x128x128xf32, #tpu.memory_space<vmem>> -> memref<1x128x128xf32, #tpu.memory_space<vmem>>
    %dma_wait3A_383 = tpu.memref_squeeze %dma_wait3A_382 : memref<1x128x128xf32, #tpu.memory_space<vmem>> -> memref<128x128xf32, #tpu.memory_space<vmem>>
    %dma_wait3A_384 = arith.constant 0 : i32
    %dma_wait3A_385 = tpu.memref_slice %arg9[%rem3A_76, %dma_wait3A_378, %dma_wait3A_384] : memref<2x16x128xi32, #tpu.memory_space<vmem>> -> memref<1x1x128xi32, #tpu.memory_space<vmem>>
    %dma_wait3A_386 = tpu.memref_squeeze %dma_wait3A_385 : memref<1x1x128xi32, #tpu.memory_space<vmem>> -> memref<128xi32, #tpu.memory_space<vmem>>
    %dma_wait3A_387 = arith.constant 0 : i32
    %dma_wait3A_388 = arith.constant 0 : i32
    %dma_wait3A_389 = tpu.memref_slice %arg2[%dma_wait3A_387, %dma_wait3A_388] : memref<10240x128xf32, #tpu.memory_space<hbm>> -> memref<10240x128xf32, #tpu.memory_space<hbm>>
    tpu.wait_indirect_dma semaphore(%arg16 : memref<!tpu.dma_semaphore, #tpu.memory_space<semaphore_mem>>) src(%dma_wait3A_389 : memref<10240x128xf32, #tpu.memory_space<hbm>>) dst(%dma_wait3A_383 : memref<128x128xf32, #tpu.memory_space<vmem>>)
    %run_scoped3A_390 = arith.constant 1 : i32
    %run_scoped3A_391 = arith.constant 11 : i32
    "tpu.region"() ({
      %run_scoped3A_512 = tpu.sem_alloc : memref<!tpu.dma_semaphore, #tpu.memory_space<semaphore_mem>>
      %dma_start3A_513 = arith.constant 0 : i32
      %dma_start3A_514 = arith.constant 0 : i32
      %dma_start3A_515 = tpu.memref_slice %arg11[%run_scoped3A_390, %dma_start3A_513, %dma_start3A_514] : memref<2x128x128xf32, #tpu.memory_space<vmem>> -> memref<1x128x128xf32, #tpu.memory_space<vmem>>
      %dma_start3A_516 = tpu.memref_squeeze %dma_start3A_515 : memref<1x128x128xf32, #tpu.memory_space<vmem>> -> memref<128x128xf32, #tpu.memory_space<vmem>>
      %dma_start3A_517 = arith.constant 0 : i32
      %dma_start3A_518 = tpu.memref_slice %arg10[%rem3A_76, %run_scoped3A_391, %dma_start3A_517] : memref<2x16x128xi32, #tpu.memory_space<vmem>> -> memref<1x1x128xi32, #tpu.memory_space<vmem>>
      %dma_start3A_519 = tpu.memref_squeeze %dma_start3A_518 : memref<1x1x128xi32, #tpu.memory_space<vmem>> -> memref<128xi32, #tpu.memory_space<vmem>>
      %dma_start3A_520 = arith.constant 0 : i32
      %dma_start3A_521 = arith.constant 0 : i32
      %dma_start3A_522 = tpu.memref_slice %arg13[%dma_start3A_520, %dma_start3A_521] : memref<2048x128xf32, #tpu.memory_space<vmem_shared>> -> memref<2048x128xf32, #tpu.memory_space<vmem_shared>>
      tpu.enqueue_indirect_dma source(%dma_start3A_516 : memref<128x128xf32, #tpu.memory_space<vmem>>) target(%dma_start3A_522 : memref<2048x128xf32, #tpu.memory_space<vmem_shared>>) offsets(%dma_start3A_519 : memref<128xi32, #tpu.memory_space<vmem>>) semaphore(%run_scoped3A_512 : memref<!tpu.dma_semaphore, #tpu.memory_space<semaphore_mem>>) {add = true}
      %dma_wait3A_523 = arith.constant 0 : i32
      %dma_wait3A_524 = arith.constant 0 : i32
      %dma_wait3A_525 = tpu.memref_slice %arg11[%run_scoped3A_390, %dma_wait3A_523, %dma_wait3A_524] : memref<2x128x128xf32, #tpu.memory_space<vmem>> -> memref<1x128x128xf32, #tpu.memory_space<vmem>>
      %dma_wait3A_526 = tpu.memref_squeeze %dma_wait3A_525 : memref<1x128x128xf32, #tpu.memory_space<vmem>> -> memref<128x128xf32, #tpu.memory_space<vmem>>
      %dma_wait3A_527 = arith.constant 0 : i32
      %dma_wait3A_528 = tpu.memref_slice %arg10[%rem3A_76, %run_scoped3A_391, %dma_wait3A_527] : memref<2x16x128xi32, #tpu.memory_space<vmem>> -> memref<1x1x128xi32, #tpu.memory_space<vmem>>
      %dma_wait3A_529 = tpu.memref_squeeze %dma_wait3A_528 : memref<1x1x128xi32, #tpu.memory_space<vmem>> -> memref<128xi32, #tpu.memory_space<vmem>>
      %dma_wait3A_530 = arith.constant 0 : i32
      %dma_wait3A_531 = arith.constant 0 : i32
      %dma_wait3A_532 = tpu.memref_slice %arg13[%dma_wait3A_530, %dma_wait3A_531] : memref<2048x128xf32, #tpu.memory_space<vmem_shared>> -> memref<2048x128xf32, #tpu.memory_space<vmem_shared>>
      tpu.wait_indirect_dma semaphore(%run_scoped3A_512 : memref<!tpu.dma_semaphore, #tpu.memory_space<semaphore_mem>>) src(%dma_wait3A_526 : memref<128x128xf32, #tpu.memory_space<vmem>>) dst(%dma_wait3A_532 : memref<2048x128xf32, #tpu.memory_space<vmem_shared>>)
      tpu.yield
    }) : () -> ()
    %dma_start3A_392 = arith.constant 13 : i32
    %dma_start3A_393 = arith.constant 1 : i32
    %dma_start3A_394 = arith.constant 0 : i32
    %dma_start3A_395 = arith.constant 0 : i32
    %dma_start3A_396 = tpu.memref_slice %arg11[%dma_start3A_393, %dma_start3A_394, %dma_start3A_395] : memref<2x128x128xf32, #tpu.memory_space<vmem>> -> memref<1x128x128xf32, #tpu.memory_space<vmem>>
    %dma_start3A_397 = tpu.memref_squeeze %dma_start3A_396 : memref<1x128x128xf32, #tpu.memory_space<vmem>> -> memref<128x128xf32, #tpu.memory_space<vmem>>
    %dma_start3A_398 = arith.constant 0 : i32
    %dma_start3A_399 = tpu.memref_slice %arg9[%rem3A_76, %dma_start3A_392, %dma_start3A_398] : memref<2x16x128xi32, #tpu.memory_space<vmem>> -> memref<1x1x128xi32, #tpu.memory_space<vmem>>
    %dma_start3A_400 = tpu.memref_squeeze %dma_start3A_399 : memref<1x1x128xi32, #tpu.memory_space<vmem>> -> memref<128xi32, #tpu.memory_space<vmem>>
    %dma_start3A_401 = arith.constant 0 : i32
    %dma_start3A_402 = arith.constant 0 : i32
    %dma_start3A_403 = tpu.memref_slice %arg2[%dma_start3A_401, %dma_start3A_402] : memref<10240x128xf32, #tpu.memory_space<hbm>> -> memref<10240x128xf32, #tpu.memory_space<hbm>>
    tpu.enqueue_indirect_dma source(%dma_start3A_403 : memref<10240x128xf32, #tpu.memory_space<hbm>>) target(%dma_start3A_397 : memref<128x128xf32, #tpu.memory_space<vmem>>) offsets(%dma_start3A_400 : memref<128xi32, #tpu.memory_space<vmem>>) semaphore(%arg16 : memref<!tpu.dma_semaphore, #tpu.memory_space<semaphore_mem>>)
    %run_scoped3A_404 = arith.constant 11 : i32
    "tpu.region"() ({
      %run_scoped3A_512 = tpu.sem_alloc : memref<!tpu.dma_semaphore, #tpu.memory_space<semaphore_mem>>
      %dma_start3A_513 = arith.constant 0 : i32
      %dma_start3A_514 = tpu.memref_slice %arg10[%rem3A_76, %run_scoped3A_404, %dma_start3A_513] : memref<2x16x128xi32, #tpu.memory_space<vmem>> -> memref<1x1x128xi32, #tpu.memory_space<vmem>>
      %dma_start3A_515 = tpu.memref_squeeze %dma_start3A_514 : memref<1x1x128xi32, #tpu.memory_space<vmem>> -> memref<128xi32, #tpu.memory_space<vmem>>
      %dma_start3A_516 = arith.constant 0 : i32
      %dma_start3A_517 = tpu.memref_slice %arg14[%dma_start3A_516] : memref<2048xf32, #tpu.memory_space<vmem_shared>> -> memref<2048xf32, #tpu.memory_space<vmem_shared>>
      tpu.enqueue_indirect_dma source(%arg12 : memref<128xf32, #tpu.memory_space<vmem>>) target(%dma_start3A_517 : memref<2048xf32, #tpu.memory_space<vmem_shared>>) offsets(%dma_start3A_515 : memref<128xi32, #tpu.memory_space<vmem>>) semaphore(%run_scoped3A_512 : memref<!tpu.dma_semaphore, #tpu.memory_space<semaphore_mem>>) {add = true}
      %dma_wait3A_518 = arith.constant 0 : i32
      %dma_wait3A_519 = tpu.memref_slice %arg10[%rem3A_76, %run_scoped3A_404, %dma_wait3A_518] : memref<2x16x128xi32, #tpu.memory_space<vmem>> -> memref<1x1x128xi32, #tpu.memory_space<vmem>>
      %dma_wait3A_520 = tpu.memref_squeeze %dma_wait3A_519 : memref<1x1x128xi32, #tpu.memory_space<vmem>> -> memref<128xi32, #tpu.memory_space<vmem>>
      %dma_wait3A_521 = arith.constant 0 : i32
      %dma_wait3A_522 = tpu.memref_slice %arg14[%dma_wait3A_521] : memref<2048xf32, #tpu.memory_space<vmem_shared>> -> memref<2048xf32, #tpu.memory_space<vmem_shared>>
      tpu.wait_indirect_dma semaphore(%run_scoped3A_512 : memref<!tpu.dma_semaphore, #tpu.memory_space<semaphore_mem>>) src(%arg12 : memref<128xf32, #tpu.memory_space<vmem>>) dst(%dma_wait3A_522 : memref<2048xf32, #tpu.memory_space<vmem_shared>>)
      tpu.yield
    }) : () -> ()
    %dma_wait3A_405 = arith.constant 12 : i32
    %dma_wait3A_406 = arith.constant 0 : i32
    %dma_wait3A_407 = arith.constant 0 : i32
    %dma_wait3A_408 = arith.constant 0 : i32
    %dma_wait3A_409 = tpu.memref_slice %arg11[%dma_wait3A_406, %dma_wait3A_407, %dma_wait3A_408] : memref<2x128x128xf32, #tpu.memory_space<vmem>> -> memref<1x128x128xf32, #tpu.memory_space<vmem>>
    %dma_wait3A_410 = tpu.memref_squeeze %dma_wait3A_409 : memref<1x128x128xf32, #tpu.memory_space<vmem>> -> memref<128x128xf32, #tpu.memory_space<vmem>>
    %dma_wait3A_411 = arith.constant 0 : i32
    %dma_wait3A_412 = tpu.memref_slice %arg9[%rem3A_76, %dma_wait3A_405, %dma_wait3A_411] : memref<2x16x128xi32, #tpu.memory_space<vmem>> -> memref<1x1x128xi32, #tpu.memory_space<vmem>>
    %dma_wait3A_413 = tpu.memref_squeeze %dma_wait3A_412 : memref<1x1x128xi32, #tpu.memory_space<vmem>> -> memref<128xi32, #tpu.memory_space<vmem>>
    %dma_wait3A_414 = arith.constant 0 : i32
    %dma_wait3A_415 = arith.constant 0 : i32
    %dma_wait3A_416 = tpu.memref_slice %arg2[%dma_wait3A_414, %dma_wait3A_415] : memref<10240x128xf32, #tpu.memory_space<hbm>> -> memref<10240x128xf32, #tpu.memory_space<hbm>>
    tpu.wait_indirect_dma semaphore(%arg15 : memref<!tpu.dma_semaphore, #tpu.memory_space<semaphore_mem>>) src(%dma_wait3A_416 : memref<10240x128xf32, #tpu.memory_space<hbm>>) dst(%dma_wait3A_410 : memref<128x128xf32, #tpu.memory_space<vmem>>)
    %run_scoped3A_417 = arith.constant 0 : i32
    %run_scoped3A_418 = arith.constant 12 : i32
    "tpu.region"() ({
      %run_scoped3A_512 = tpu.sem_alloc : memref<!tpu.dma_semaphore, #tpu.memory_space<semaphore_mem>>
      %dma_start3A_513 = arith.constant 0 : i32
      %dma_start3A_514 = arith.constant 0 : i32
      %dma_start3A_515 = tpu.memref_slice %arg11[%run_scoped3A_417, %dma_start3A_513, %dma_start3A_514] : memref<2x128x128xf32, #tpu.memory_space<vmem>> -> memref<1x128x128xf32, #tpu.memory_space<vmem>>
      %dma_start3A_516 = tpu.memref_squeeze %dma_start3A_515 : memref<1x128x128xf32, #tpu.memory_space<vmem>> -> memref<128x128xf32, #tpu.memory_space<vmem>>
      %dma_start3A_517 = arith.constant 0 : i32
      %dma_start3A_518 = tpu.memref_slice %arg10[%rem3A_76, %run_scoped3A_418, %dma_start3A_517] : memref<2x16x128xi32, #tpu.memory_space<vmem>> -> memref<1x1x128xi32, #tpu.memory_space<vmem>>
      %dma_start3A_519 = tpu.memref_squeeze %dma_start3A_518 : memref<1x1x128xi32, #tpu.memory_space<vmem>> -> memref<128xi32, #tpu.memory_space<vmem>>
      %dma_start3A_520 = arith.constant 0 : i32
      %dma_start3A_521 = arith.constant 0 : i32
      %dma_start3A_522 = tpu.memref_slice %arg13[%dma_start3A_520, %dma_start3A_521] : memref<2048x128xf32, #tpu.memory_space<vmem_shared>> -> memref<2048x128xf32, #tpu.memory_space<vmem_shared>>
      tpu.enqueue_indirect_dma source(%dma_start3A_516 : memref<128x128xf32, #tpu.memory_space<vmem>>) target(%dma_start3A_522 : memref<2048x128xf32, #tpu.memory_space<vmem_shared>>) offsets(%dma_start3A_519 : memref<128xi32, #tpu.memory_space<vmem>>) semaphore(%run_scoped3A_512 : memref<!tpu.dma_semaphore, #tpu.memory_space<semaphore_mem>>) {add = true}
      %dma_wait3A_523 = arith.constant 0 : i32
      %dma_wait3A_524 = arith.constant 0 : i32
      %dma_wait3A_525 = tpu.memref_slice %arg11[%run_scoped3A_417, %dma_wait3A_523, %dma_wait3A_524] : memref<2x128x128xf32, #tpu.memory_space<vmem>> -> memref<1x128x128xf32, #tpu.memory_space<vmem>>
      %dma_wait3A_526 = tpu.memref_squeeze %dma_wait3A_525 : memref<1x128x128xf32, #tpu.memory_space<vmem>> -> memref<128x128xf32, #tpu.memory_space<vmem>>
      %dma_wait3A_527 = arith.constant 0 : i32
      %dma_wait3A_528 = tpu.memref_slice %arg10[%rem3A_76, %run_scoped3A_418, %dma_wait3A_527] : memref<2x16x128xi32, #tpu.memory_space<vmem>> -> memref<1x1x128xi32, #tpu.memory_space<vmem>>
      %dma_wait3A_529 = tpu.memref_squeeze %dma_wait3A_528 : memref<1x1x128xi32, #tpu.memory_space<vmem>> -> memref<128xi32, #tpu.memory_space<vmem>>
      %dma_wait3A_530 = arith.constant 0 : i32
      %dma_wait3A_531 = arith.constant 0 : i32
      %dma_wait3A_532 = tpu.memref_slice %arg13[%dma_wait3A_530, %dma_wait3A_531] : memref<2048x128xf32, #tpu.memory_space<vmem_shared>> -> memref<2048x128xf32, #tpu.memory_space<vmem_shared>>
      tpu.wait_indirect_dma semaphore(%run_scoped3A_512 : memref<!tpu.dma_semaphore, #tpu.memory_space<semaphore_mem>>) src(%dma_wait3A_526 : memref<128x128xf32, #tpu.memory_space<vmem>>) dst(%dma_wait3A_532 : memref<2048x128xf32, #tpu.memory_space<vmem_shared>>)
      tpu.yield
    }) : () -> ()
    %dma_start3A_419 = arith.constant 14 : i32
    %dma_start3A_420 = arith.constant 0 : i32
    %dma_start3A_421 = arith.constant 0 : i32
    %dma_start3A_422 = arith.constant 0 : i32
    %dma_start3A_423 = tpu.memref_slice %arg11[%dma_start3A_420, %dma_start3A_421, %dma_start3A_422] : memref<2x128x128xf32, #tpu.memory_space<vmem>> -> memref<1x128x128xf32, #tpu.memory_space<vmem>>
    %dma_start3A_424 = tpu.memref_squeeze %dma_start3A_423 : memref<1x128x128xf32, #tpu.memory_space<vmem>> -> memref<128x128xf32, #tpu.memory_space<vmem>>
    %dma_start3A_425 = arith.constant 0 : i32
    %dma_start3A_426 = tpu.memref_slice %arg9[%rem3A_76, %dma_start3A_419, %dma_start3A_425] : memref<2x16x128xi32, #tpu.memory_space<vmem>> -> memref<1x1x128xi32, #tpu.memory_space<vmem>>
    %dma_start3A_427 = tpu.memref_squeeze %dma_start3A_426 : memref<1x1x128xi32, #tpu.memory_space<vmem>> -> memref<128xi32, #tpu.memory_space<vmem>>
    %dma_start3A_428 = arith.constant 0 : i32
    %dma_start3A_429 = arith.constant 0 : i32
    %dma_start3A_430 = tpu.memref_slice %arg2[%dma_start3A_428, %dma_start3A_429] : memref<10240x128xf32, #tpu.memory_space<hbm>> -> memref<10240x128xf32, #tpu.memory_space<hbm>>
    tpu.enqueue_indirect_dma source(%dma_start3A_430 : memref<10240x128xf32, #tpu.memory_space<hbm>>) target(%dma_start3A_424 : memref<128x128xf32, #tpu.memory_space<vmem>>) offsets(%dma_start3A_427 : memref<128xi32, #tpu.memory_space<vmem>>) semaphore(%arg15 : memref<!tpu.dma_semaphore, #tpu.memory_space<semaphore_mem>>)
    %run_scoped3A_431 = arith.constant 12 : i32
    "tpu.region"() ({
      %run_scoped3A_512 = tpu.sem_alloc : memref<!tpu.dma_semaphore, #tpu.memory_space<semaphore_mem>>
      %dma_start3A_513 = arith.constant 0 : i32
      %dma_start3A_514 = tpu.memref_slice %arg10[%rem3A_76, %run_scoped3A_431, %dma_start3A_513] : memref<2x16x128xi32, #tpu.memory_space<vmem>> -> memref<1x1x128xi32, #tpu.memory_space<vmem>>
      %dma_start3A_515 = tpu.memref_squeeze %dma_start3A_514 : memref<1x1x128xi32, #tpu.memory_space<vmem>> -> memref<128xi32, #tpu.memory_space<vmem>>
      %dma_start3A_516 = arith.constant 0 : i32
      %dma_start3A_517 = tpu.memref_slice %arg14[%dma_start3A_516] : memref<2048xf32, #tpu.memory_space<vmem_shared>> -> memref<2048xf32, #tpu.memory_space<vmem_shared>>
      tpu.enqueue_indirect_dma source(%arg12 : memref<128xf32, #tpu.memory_space<vmem>>) target(%dma_start3A_517 : memref<2048xf32, #tpu.memory_space<vmem_shared>>) offsets(%dma_start3A_515 : memref<128xi32, #tpu.memory_space<vmem>>) semaphore(%run_scoped3A_512 : memref<!tpu.dma_semaphore, #tpu.memory_space<semaphore_mem>>) {add = true}
      %dma_wait3A_518 = arith.constant 0 : i32
      %dma_wait3A_519 = tpu.memref_slice %arg10[%rem3A_76, %run_scoped3A_431, %dma_wait3A_518] : memref<2x16x128xi32, #tpu.memory_space<vmem>> -> memref<1x1x128xi32, #tpu.memory_space<vmem>>
      %dma_wait3A_520 = tpu.memref_squeeze %dma_wait3A_519 : memref<1x1x128xi32, #tpu.memory_space<vmem>> -> memref<128xi32, #tpu.memory_space<vmem>>
      %dma_wait3A_521 = arith.constant 0 : i32
      %dma_wait3A_522 = tpu.memref_slice %arg14[%dma_wait3A_521] : memref<2048xf32, #tpu.memory_space<vmem_shared>> -> memref<2048xf32, #tpu.memory_space<vmem_shared>>
      tpu.wait_indirect_dma semaphore(%run_scoped3A_512 : memref<!tpu.dma_semaphore, #tpu.memory_space<semaphore_mem>>) src(%arg12 : memref<128xf32, #tpu.memory_space<vmem>>) dst(%dma_wait3A_522 : memref<2048xf32, #tpu.memory_space<vmem_shared>>)
      tpu.yield
    }) : () -> ()
    %dma_wait3A_432 = arith.constant 13 : i32
    %dma_wait3A_433 = arith.constant 1 : i32
    %dma_wait3A_434 = arith.constant 0 : i32
    %dma_wait3A_435 = arith.constant 0 : i32
    %dma_wait3A_436 = tpu.memref_slice %arg11[%dma_wait3A_433, %dma_wait3A_434, %dma_wait3A_435] : memref<2x128x128xf32, #tpu.memory_space<vmem>> -> memref<1x128x128xf32, #tpu.memory_space<vmem>>
    %dma_wait3A_437 = tpu.memref_squeeze %dma_wait3A_436 : memref<1x128x128xf32, #tpu.memory_space<vmem>> -> memref<128x128xf32, #tpu.memory_space<vmem>>
    %dma_wait3A_438 = arith.constant 0 : i32
    %dma_wait3A_439 = tpu.memref_slice %arg9[%rem3A_76, %dma_wait3A_432, %dma_wait3A_438] : memref<2x16x128xi32, #tpu.memory_space<vmem>> -> memref<1x1x128xi32, #tpu.memory_space<vmem>>
    %dma_wait3A_440 = tpu.memref_squeeze %dma_wait3A_439 : memref<1x1x128xi32, #tpu.memory_space<vmem>> -> memref<128xi32, #tpu.memory_space<vmem>>
    %dma_wait3A_441 = arith.constant 0 : i32
    %dma_wait3A_442 = arith.constant 0 : i32
    %dma_wait3A_443 = tpu.memref_slice %arg2[%dma_wait3A_441, %dma_wait3A_442] : memref<10240x128xf32, #tpu.memory_space<hbm>> -> memref<10240x128xf32, #tpu.memory_space<hbm>>
    tpu.wait_indirect_dma semaphore(%arg16 : memref<!tpu.dma_semaphore, #tpu.memory_space<semaphore_mem>>) src(%dma_wait3A_443 : memref<10240x128xf32, #tpu.memory_space<hbm>>) dst(%dma_wait3A_437 : memref<128x128xf32, #tpu.memory_space<vmem>>)
    %run_scoped3A_444 = arith.constant 1 : i32
    %run_scoped3A_445 = arith.constant 13 : i32
    "tpu.region"() ({
      %run_scoped3A_512 = tpu.sem_alloc : memref<!tpu.dma_semaphore, #tpu.memory_space<semaphore_mem>>
      %dma_start3A_513 = arith.constant 0 : i32
      %dma_start3A_514 = arith.constant 0 : i32
      %dma_start3A_515 = tpu.memref_slice %arg11[%run_scoped3A_444, %dma_start3A_513, %dma_start3A_514] : memref<2x128x128xf32, #tpu.memory_space<vmem>> -> memref<1x128x128xf32, #tpu.memory_space<vmem>>
      %dma_start3A_516 = tpu.memref_squeeze %dma_start3A_515 : memref<1x128x128xf32, #tpu.memory_space<vmem>> -> memref<128x128xf32, #tpu.memory_space<vmem>>
      %dma_start3A_517 = arith.constant 0 : i32
      %dma_start3A_518 = tpu.memref_slice %arg10[%rem3A_76, %run_scoped3A_445, %dma_start3A_517] : memref<2x16x128xi32, #tpu.memory_space<vmem>> -> memref<1x1x128xi32, #tpu.memory_space<vmem>>
      %dma_start3A_519 = tpu.memref_squeeze %dma_start3A_518 : memref<1x1x128xi32, #tpu.memory_space<vmem>> -> memref<128xi32, #tpu.memory_space<vmem>>
      %dma_start3A_520 = arith.constant 0 : i32
      %dma_start3A_521 = arith.constant 0 : i32
      %dma_start3A_522 = tpu.memref_slice %arg13[%dma_start3A_520, %dma_start3A_521] : memref<2048x128xf32, #tpu.memory_space<vmem_shared>> -> memref<2048x128xf32, #tpu.memory_space<vmem_shared>>
      tpu.enqueue_indirect_dma source(%dma_start3A_516 : memref<128x128xf32, #tpu.memory_space<vmem>>) target(%dma_start3A_522 : memref<2048x128xf32, #tpu.memory_space<vmem_shared>>) offsets(%dma_start3A_519 : memref<128xi32, #tpu.memory_space<vmem>>) semaphore(%run_scoped3A_512 : memref<!tpu.dma_semaphore, #tpu.memory_space<semaphore_mem>>) {add = true}
      %dma_wait3A_523 = arith.constant 0 : i32
      %dma_wait3A_524 = arith.constant 0 : i32
      %dma_wait3A_525 = tpu.memref_slice %arg11[%run_scoped3A_444, %dma_wait3A_523, %dma_wait3A_524] : memref<2x128x128xf32, #tpu.memory_space<vmem>> -> memref<1x128x128xf32, #tpu.memory_space<vmem>>
      %dma_wait3A_526 = tpu.memref_squeeze %dma_wait3A_525 : memref<1x128x128xf32, #tpu.memory_space<vmem>> -> memref<128x128xf32, #tpu.memory_space<vmem>>
      %dma_wait3A_527 = arith.constant 0 : i32
      %dma_wait3A_528 = tpu.memref_slice %arg10[%rem3A_76, %run_scoped3A_445, %dma_wait3A_527] : memref<2x16x128xi32, #tpu.memory_space<vmem>> -> memref<1x1x128xi32, #tpu.memory_space<vmem>>
      %dma_wait3A_529 = tpu.memref_squeeze %dma_wait3A_528 : memref<1x1x128xi32, #tpu.memory_space<vmem>> -> memref<128xi32, #tpu.memory_space<vmem>>
      %dma_wait3A_530 = arith.constant 0 : i32
      %dma_wait3A_531 = arith.constant 0 : i32
      %dma_wait3A_532 = tpu.memref_slice %arg13[%dma_wait3A_530, %dma_wait3A_531] : memref<2048x128xf32, #tpu.memory_space<vmem_shared>> -> memref<2048x128xf32, #tpu.memory_space<vmem_shared>>
      tpu.wait_indirect_dma semaphore(%run_scoped3A_512 : memref<!tpu.dma_semaphore, #tpu.memory_space<semaphore_mem>>) src(%dma_wait3A_526 : memref<128x128xf32, #tpu.memory_space<vmem>>) dst(%dma_wait3A_532 : memref<2048x128xf32, #tpu.memory_space<vmem_shared>>)
      tpu.yield
    }) : () -> ()
    %dma_start3A_446 = arith.constant 15 : i32
    %dma_start3A_447 = arith.constant 1 : i32
    %dma_start3A_448 = arith.constant 0 : i32
    %dma_start3A_449 = arith.constant 0 : i32
    %dma_start3A_450 = tpu.memref_slice %arg11[%dma_start3A_447, %dma_start3A_448, %dma_start3A_449] : memref<2x128x128xf32, #tpu.memory_space<vmem>> -> memref<1x128x128xf32, #tpu.memory_space<vmem>>
    %dma_start3A_451 = tpu.memref_squeeze %dma_start3A_450 : memref<1x128x128xf32, #tpu.memory_space<vmem>> -> memref<128x128xf32, #tpu.memory_space<vmem>>
    %dma_start3A_452 = arith.constant 0 : i32
    %dma_start3A_453 = tpu.memref_slice %arg9[%rem3A_76, %dma_start3A_446, %dma_start3A_452] : memref<2x16x128xi32, #tpu.memory_space<vmem>> -> memref<1x1x128xi32, #tpu.memory_space<vmem>>
    %dma_start3A_454 = tpu.memref_squeeze %dma_start3A_453 : memref<1x1x128xi32, #tpu.memory_space<vmem>> -> memref<128xi32, #tpu.memory_space<vmem>>
    %dma_start3A_455 = arith.constant 0 : i32
    %dma_start3A_456 = arith.constant 0 : i32
    %dma_start3A_457 = tpu.memref_slice %arg2[%dma_start3A_455, %dma_start3A_456] : memref<10240x128xf32, #tpu.memory_space<hbm>> -> memref<10240x128xf32, #tpu.memory_space<hbm>>
    tpu.enqueue_indirect_dma source(%dma_start3A_457 : memref<10240x128xf32, #tpu.memory_space<hbm>>) target(%dma_start3A_451 : memref<128x128xf32, #tpu.memory_space<vmem>>) offsets(%dma_start3A_454 : memref<128xi32, #tpu.memory_space<vmem>>) semaphore(%arg16 : memref<!tpu.dma_semaphore, #tpu.memory_space<semaphore_mem>>)
    %run_scoped3A_458 = arith.constant 13 : i32
    "tpu.region"() ({
      %run_scoped3A_512 = tpu.sem_alloc : memref<!tpu.dma_semaphore, #tpu.memory_space<semaphore_mem>>
      %dma_start3A_513 = arith.constant 0 : i32
      %dma_start3A_514 = tpu.memref_slice %arg10[%rem3A_76, %run_scoped3A_458, %dma_start3A_513] : memref<2x16x128xi32, #tpu.memory_space<vmem>> -> memref<1x1x128xi32, #tpu.memory_space<vmem>>
      %dma_start3A_515 = tpu.memref_squeeze %dma_start3A_514 : memref<1x1x128xi32, #tpu.memory_space<vmem>> -> memref<128xi32, #tpu.memory_space<vmem>>
      %dma_start3A_516 = arith.constant 0 : i32
      %dma_start3A_517 = tpu.memref_slice %arg14[%dma_start3A_516] : memref<2048xf32, #tpu.memory_space<vmem_shared>> -> memref<2048xf32, #tpu.memory_space<vmem_shared>>
      tpu.enqueue_indirect_dma source(%arg12 : memref<128xf32, #tpu.memory_space<vmem>>) target(%dma_start3A_517 : memref<2048xf32, #tpu.memory_space<vmem_shared>>) offsets(%dma_start3A_515 : memref<128xi32, #tpu.memory_space<vmem>>) semaphore(%run_scoped3A_512 : memref<!tpu.dma_semaphore, #tpu.memory_space<semaphore_mem>>) {add = true}
      %dma_wait3A_518 = arith.constant 0 : i32
      %dma_wait3A_519 = tpu.memref_slice %arg10[%rem3A_76, %run_scoped3A_458, %dma_wait3A_518] : memref<2x16x128xi32, #tpu.memory_space<vmem>> -> memref<1x1x128xi32, #tpu.memory_space<vmem>>
      %dma_wait3A_520 = tpu.memref_squeeze %dma_wait3A_519 : memref<1x1x128xi32, #tpu.memory_space<vmem>> -> memref<128xi32, #tpu.memory_space<vmem>>
      %dma_wait3A_521 = arith.constant 0 : i32
      %dma_wait3A_522 = tpu.memref_slice %arg14[%dma_wait3A_521] : memref<2048xf32, #tpu.memory_space<vmem_shared>> -> memref<2048xf32, #tpu.memory_space<vmem_shared>>
      tpu.wait_indirect_dma semaphore(%run_scoped3A_512 : memref<!tpu.dma_semaphore, #tpu.memory_space<semaphore_mem>>) src(%arg12 : memref<128xf32, #tpu.memory_space<vmem>>) dst(%dma_wait3A_522 : memref<2048xf32, #tpu.memory_space<vmem_shared>>)
      tpu.yield
    }) : () -> ()
    %add3A_459 = arith.constant 1 : i32
    %add3A_460 = arith.addi %scan3A_75, %add3A_459 : i32
    %lt3A_461 = arith.constant 1 : i32
    %lt3A_462 = arith.cmpi slt, %add3A_460, %lt3A_461 : i32
    %convert_element_type3A_463 = arith.extui %lt3A_462 : i1 to i32
    %cond3A_464 = arith.constant 0 : i32
    %cond3A_465 = arith.cmpi ne, %convert_element_type3A_463, %cond3A_464 : i32
    scf.if %cond3A_465 {
      %dma_wait3A_512 = arith.constant 0 : i32
      %dma_wait3A_513 = arith.constant 0 : i32
      %dma_wait3A_514 = tpu.memref_slice %arg9[%sub3A_77, %dma_wait3A_512, %dma_wait3A_513] : memref<2x16x128xi32, #tpu.memory_space<vmem>> -> memref<1x16x128xi32, #tpu.memory_space<vmem>>
      %dma_wait3A_515 = tpu.memref_squeeze %dma_wait3A_514 : memref<1x16x128xi32, #tpu.memory_space<vmem>> -> memref<16x128xi32, #tpu.memory_space<vmem>>
      %dma_wait3A_516 = arith.constant 0 : i32
      %dma_wait3A_517 = arith.constant 0 : i32
      %dma_wait3A_518 = tpu.memref_slice %arg3[%add3A, %dma_wait3A_516, %dma_wait3A_517] : memref<32x16x128xi32, #tpu.memory_space<hbm>> -> memref<1x16x128xi32, #tpu.memory_space<hbm>>
      %dma_wait3A_519 = tpu.memref_squeeze %dma_wait3A_518 : memref<1x16x128xi32, #tpu.memory_space<hbm>> -> memref<16x128xi32, #tpu.memory_space<hbm>>
      %dma_wait3A_520 = arith.constant 0 : i32
      %dma_wait3A_521 = arith.constant 0 : i32
      %dma_wait3A_522 = tpu.memref_slice %arg9[%sub3A_77, %dma_wait3A_520, %dma_wait3A_521] : memref<2x16x128xi32, #tpu.memory_space<vmem>> -> memref<1x16x128xi32, #tpu.memory_space<vmem>>
      %dma_wait3A_523 = tpu.memref_squeeze %dma_wait3A_522 : memref<1x16x128xi32, #tpu.memory_space<vmem>> -> memref<16x128xi32, #tpu.memory_space<vmem>>
      %dma_wait3A_524 = arith.constant 0 : i32
      %dma_wait3A_525 = arith.constant 0 : i32
      %dma_wait3A_526 = tpu.memref_slice %arg3[%add3A, %dma_wait3A_524, %dma_wait3A_525] : memref<32x16x128xi32, #tpu.memory_space<hbm>> -> memref<1x16x128xi32, #tpu.memory_space<hbm>>
      %dma_wait3A_527 = tpu.memref_squeeze %dma_wait3A_526 : memref<1x16x128xi32, #tpu.memory_space<hbm>> -> memref<16x128xi32, #tpu.memory_space<hbm>>
      tpu.wait_dma2 semaphore(%arg17 : memref<!tpu.dma_semaphore, #tpu.memory_space<semaphore_mem>>) src(%dma_wait3A_527 : memref<16x128xi32, #tpu.memory_space<hbm>>) dst(%dma_wait3A_523 : memref<16x128xi32, #tpu.memory_space<vmem>>)
      %dma_wait3A_528 = arith.constant 0 : i32
      %dma_wait3A_529 = arith.constant 0 : i32
      %dma_wait3A_530 = tpu.memref_slice %arg10[%sub3A_77, %dma_wait3A_528, %dma_wait3A_529] : memref<2x16x128xi32, #tpu.memory_space<vmem>> -> memref<1x16x128xi32, #tpu.memory_space<vmem>>
      %dma_wait3A_531 = tpu.memref_squeeze %dma_wait3A_530 : memref<1x16x128xi32, #tpu.memory_space<vmem>> -> memref<16x128xi32, #tpu.memory_space<vmem>>
      %dma_wait3A_532 = arith.constant 0 : i32
      %dma_wait3A_533 = arith.constant 0 : i32
      %dma_wait3A_534 = tpu.memref_slice %arg4[%add3A, %dma_wait3A_532, %dma_wait3A_533] : memref<32x16x128xi32, #tpu.memory_space<hbm>> -> memref<1x16x128xi32, #tpu.memory_space<hbm>>
      %dma_wait3A_535 = tpu.memref_squeeze %dma_wait3A_534 : memref<1x16x128xi32, #tpu.memory_space<hbm>> -> memref<16x128xi32, #tpu.memory_space<hbm>>
      %dma_wait3A_536 = arith.constant 0 : i32
      %dma_wait3A_537 = arith.constant 0 : i32
      %dma_wait3A_538 = tpu.memref_slice %arg10[%sub3A_77, %dma_wait3A_536, %dma_wait3A_537] : memref<2x16x128xi32, #tpu.memory_space<vmem>> -> memref<1x16x128xi32, #tpu.memory_space<vmem>>
      %dma_wait3A_539 = tpu.memref_squeeze %dma_wait3A_538 : memref<1x16x128xi32, #tpu.memory_space<vmem>> -> memref<16x128xi32, #tpu.memory_space<vmem>>
      %dma_wait3A_540 = arith.constant 0 : i32
      %dma_wait3A_541 = arith.constant 0 : i32
      %dma_wait3A_542 = tpu.memref_slice %arg4[%add3A, %dma_wait3A_540, %dma_wait3A_541] : memref<32x16x128xi32, #tpu.memory_space<hbm>> -> memref<1x16x128xi32, #tpu.memory_space<hbm>>
      %dma_wait3A_543 = tpu.memref_squeeze %dma_wait3A_542 : memref<1x16x128xi32, #tpu.memory_space<hbm>> -> memref<16x128xi32, #tpu.memory_space<hbm>>
      tpu.wait_dma2 semaphore(%arg18 : memref<!tpu.dma_semaphore, #tpu.memory_space<semaphore_mem>>) src(%dma_wait3A_543 : memref<16x128xi32, #tpu.memory_space<hbm>>) dst(%dma_wait3A_539 : memref<16x128xi32, #tpu.memory_space<vmem>>)
    } else {
    }
    %dma_wait3A_466 = arith.constant 14 : i32
    %dma_wait3A_467 = arith.constant 0 : i32
    %dma_wait3A_468 = arith.constant 0 : i32
    %dma_wait3A_469 = arith.constant 0 : i32
    %dma_wait3A_470 = tpu.memref_slice %arg11[%dma_wait3A_467, %dma_wait3A_468, %dma_wait3A_469] : memref<2x128x128xf32, #tpu.memory_space<vmem>> -> memref<1x128x128xf32, #tpu.memory_space<vmem>>
    %dma_wait3A_471 = tpu.memref_squeeze %dma_wait3A_470 : memref<1x128x128xf32, #tpu.memory_space<vmem>> -> memref<128x128xf32, #tpu.memory_space<vmem>>
    %dma_wait3A_472 = arith.constant 0 : i32
    %dma_wait3A_473 = tpu.memref_slice %arg9[%rem3A_76, %dma_wait3A_466, %dma_wait3A_472] : memref<2x16x128xi32, #tpu.memory_space<vmem>> -> memref<1x1x128xi32, #tpu.memory_space<vmem>>
    %dma_wait3A_474 = tpu.memref_squeeze %dma_wait3A_473 : memref<1x1x128xi32, #tpu.memory_space<vmem>> -> memref<128xi32, #tpu.memory_space<vmem>>
    %dma_wait3A_475 = arith.constant 0 : i32
    %dma_wait3A_476 = arith.constant 0 : i32
    %dma_wait3A_477 = tpu.memref_slice %arg2[%dma_wait3A_475, %dma_wait3A_476] : memref<10240x128xf32, #tpu.memory_space<hbm>> -> memref<10240x128xf32, #tpu.memory_space<hbm>>
    tpu.wait_indirect_dma semaphore(%arg15 : memref<!tpu.dma_semaphore, #tpu.memory_space<semaphore_mem>>) src(%dma_wait3A_477 : memref<10240x128xf32, #tpu.memory_space<hbm>>) dst(%dma_wait3A_471 : memref<128x128xf32, #tpu.memory_space<vmem>>)
    %run_scoped3A_478 = arith.constant 0 : i32
    %run_scoped3A_479 = arith.constant 14 : i32
    "tpu.region"() ({
      %run_scoped3A_512 = tpu.sem_alloc : memref<!tpu.dma_semaphore, #tpu.memory_space<semaphore_mem>>
      %dma_start3A_513 = arith.constant 0 : i32
      %dma_start3A_514 = arith.constant 0 : i32
      %dma_start3A_515 = tpu.memref_slice %arg11[%run_scoped3A_478, %dma_start3A_513, %dma_start3A_514] : memref<2x128x128xf32, #tpu.memory_space<vmem>> -> memref<1x128x128xf32, #tpu.memory_space<vmem>>
      %dma_start3A_516 = tpu.memref_squeeze %dma_start3A_515 : memref<1x128x128xf32, #tpu.memory_space<vmem>> -> memref<128x128xf32, #tpu.memory_space<vmem>>
      %dma_start3A_517 = arith.constant 0 : i32
      %dma_start3A_518 = tpu.memref_slice %arg10[%rem3A_76, %run_scoped3A_479, %dma_start3A_517] : memref<2x16x128xi32, #tpu.memory_space<vmem>> -> memref<1x1x128xi32, #tpu.memory_space<vmem>>
      %dma_start3A_519 = tpu.memref_squeeze %dma_start3A_518 : memref<1x1x128xi32, #tpu.memory_space<vmem>> -> memref<128xi32, #tpu.memory_space<vmem>>
      %dma_start3A_520 = arith.constant 0 : i32
      %dma_start3A_521 = arith.constant 0 : i32
      %dma_start3A_522 = tpu.memref_slice %arg13[%dma_start3A_520, %dma_start3A_521] : memref<2048x128xf32, #tpu.memory_space<vmem_shared>> -> memref<2048x128xf32, #tpu.memory_space<vmem_shared>>
      tpu.enqueue_indirect_dma source(%dma_start3A_516 : memref<128x128xf32, #tpu.memory_space<vmem>>) target(%dma_start3A_522 : memref<2048x128xf32, #tpu.memory_space<vmem_shared>>) offsets(%dma_start3A_519 : memref<128xi32, #tpu.memory_space<vmem>>) semaphore(%run_scoped3A_512 : memref<!tpu.dma_semaphore, #tpu.memory_space<semaphore_mem>>) {add = true}
      %dma_wait3A_523 = arith.constant 0 : i32
      %dma_wait3A_524 = arith.constant 0 : i32
      %dma_wait3A_525 = tpu.memref_slice %arg11[%run_scoped3A_478, %dma_wait3A_523, %dma_wait3A_524] : memref<2x128x128xf32, #tpu.memory_space<vmem>> -> memref<1x128x128xf32, #tpu.memory_space<vmem>>
      %dma_wait3A_526 = tpu.memref_squeeze %dma_wait3A_525 : memref<1x128x128xf32, #tpu.memory_space<vmem>> -> memref<128x128xf32, #tpu.memory_space<vmem>>
      %dma_wait3A_527 = arith.constant 0 : i32
      %dma_wait3A_528 = tpu.memref_slice %arg10[%rem3A_76, %run_scoped3A_479, %dma_wait3A_527] : memref<2x16x128xi32, #tpu.memory_space<vmem>> -> memref<1x1x128xi32, #tpu.memory_space<vmem>>
      %dma_wait3A_529 = tpu.memref_squeeze %dma_wait3A_528 : memref<1x1x128xi32, #tpu.memory_space<vmem>> -> memref<128xi32, #tpu.memory_space<vmem>>
      %dma_wait3A_530 = arith.constant 0 : i32
      %dma_wait3A_531 = arith.constant 0 : i32
      %dma_wait3A_532 = tpu.memref_slice %arg13[%dma_wait3A_530, %dma_wait3A_531] : memref<2048x128xf32, #tpu.memory_space<vmem_shared>> -> memref<2048x128xf32, #tpu.memory_space<vmem_shared>>
      tpu.wait_indirect_dma semaphore(%run_scoped3A_512 : memref<!tpu.dma_semaphore, #tpu.memory_space<semaphore_mem>>) src(%dma_wait3A_526 : memref<128x128xf32, #tpu.memory_space<vmem>>) dst(%dma_wait3A_532 : memref<2048x128xf32, #tpu.memory_space<vmem_shared>>)
      tpu.yield
    }) : () -> ()
    %add3A_480 = arith.constant 1 : i32
    %add3A_481 = arith.addi %scan3A_75, %add3A_480 : i32
    %lt3A_482 = arith.constant 1 : i32
    %lt3A_483 = arith.cmpi slt, %add3A_481, %lt3A_482 : i32
    %convert_element_type3A_484 = arith.extui %lt3A_483 : i1 to i32
    %cond3A_485 = arith.constant 0 : i32
    %cond3A_486 = arith.cmpi ne, %convert_element_type3A_484, %cond3A_485 : i32
    scf.if %cond3A_486 {
      %dma_start3A_512 = arith.constant 0 : i32
      %dma_start3A_513 = arith.constant 0 : i32
      %dma_start3A_514 = arith.constant 0 : i32
      %dma_start3A_515 = arith.constant 0 : i32
      %dma_start3A_516 = tpu.memref_slice %arg11[%dma_start3A_513, %dma_start3A_514, %dma_start3A_515] : memref<2x128x128xf32, #tpu.memory_space<vmem>> -> memref<1x128x128xf32, #tpu.memory_space<vmem>>
      %dma_start3A_517 = tpu.memref_squeeze %dma_start3A_516 : memref<1x128x128xf32, #tpu.memory_space<vmem>> -> memref<128x128xf32, #tpu.memory_space<vmem>>
      %dma_start3A_518 = arith.constant 0 : i32
      %dma_start3A_519 = tpu.memref_slice %arg9[%sub3A_77, %dma_start3A_512, %dma_start3A_518] : memref<2x16x128xi32, #tpu.memory_space<vmem>> -> memref<1x1x128xi32, #tpu.memory_space<vmem>>
      %dma_start3A_520 = tpu.memref_squeeze %dma_start3A_519 : memref<1x1x128xi32, #tpu.memory_space<vmem>> -> memref<128xi32, #tpu.memory_space<vmem>>
      %dma_start3A_521 = arith.constant 0 : i32
      %dma_start3A_522 = arith.constant 0 : i32
      %dma_start3A_523 = tpu.memref_slice %arg2[%dma_start3A_521, %dma_start3A_522] : memref<10240x128xf32, #tpu.memory_space<hbm>> -> memref<10240x128xf32, #tpu.memory_space<hbm>>
      tpu.enqueue_indirect_dma source(%dma_start3A_523 : memref<10240x128xf32, #tpu.memory_space<hbm>>) target(%dma_start3A_517 : memref<128x128xf32, #tpu.memory_space<vmem>>) offsets(%dma_start3A_520 : memref<128xi32, #tpu.memory_space<vmem>>) semaphore(%arg15 : memref<!tpu.dma_semaphore, #tpu.memory_space<semaphore_mem>>)
    } else {
    }
    %run_scoped3A_487 = arith.constant 14 : i32
    "tpu.region"() ({
      %run_scoped3A_512 = tpu.sem_alloc : memref<!tpu.dma_semaphore, #tpu.memory_space<semaphore_mem>>
      %dma_start3A_513 = arith.constant 0 : i32
      %dma_start3A_514 = tpu.memref_slice %arg10[%rem3A_76, %run_scoped3A_487, %dma_start3A_513] : memref<2x16x128xi32, #tpu.memory_space<vmem>> -> memref<1x1x128xi32, #tpu.memory_space<vmem>>
      %dma_start3A_515 = tpu.memref_squeeze %dma_start3A_514 : memref<1x1x128xi32, #tpu.memory_space<vmem>> -> memref<128xi32, #tpu.memory_space<vmem>>
      %dma_start3A_516 = arith.constant 0 : i32
      %dma_start3A_517 = tpu.memref_slice %arg14[%dma_start3A_516] : memref<2048xf32, #tpu.memory_space<vmem_shared>> -> memref<2048xf32, #tpu.memory_space<vmem_shared>>
      tpu.enqueue_indirect_dma source(%arg12 : memref<128xf32, #tpu.memory_space<vmem>>) target(%dma_start3A_517 : memref<2048xf32, #tpu.memory_space<vmem_shared>>) offsets(%dma_start3A_515 : memref<128xi32, #tpu.memory_space<vmem>>) semaphore(%run_scoped3A_512 : memref<!tpu.dma_semaphore, #tpu.memory_space<semaphore_mem>>) {add = true}
      %dma_wait3A_518 = arith.constant 0 : i32
      %dma_wait3A_519 = tpu.memref_slice %arg10[%rem3A_76, %run_scoped3A_487, %dma_wait3A_518] : memref<2x16x128xi32, #tpu.memory_space<vmem>> -> memref<1x1x128xi32, #tpu.memory_space<vmem>>
      %dma_wait3A_520 = tpu.memref_squeeze %dma_wait3A_519 : memref<1x1x128xi32, #tpu.memory_space<vmem>> -> memref<128xi32, #tpu.memory_space<vmem>>
      %dma_wait3A_521 = arith.constant 0 : i32
      %dma_wait3A_522 = tpu.memref_slice %arg14[%dma_wait3A_521] : memref<2048xf32, #tpu.memory_space<vmem_shared>> -> memref<2048xf32, #tpu.memory_space<vmem_shared>>
      tpu.wait_indirect_dma semaphore(%run_scoped3A_512 : memref<!tpu.dma_semaphore, #tpu.memory_space<semaphore_mem>>) src(%arg12 : memref<128xf32, #tpu.memory_space<vmem>>) dst(%dma_wait3A_522 : memref<2048xf32, #tpu.memory_space<vmem_shared>>)
      tpu.yield
    }) : () -> ()
    %dma_wait3A_488 = arith.constant 15 : i32
    %dma_wait3A_489 = arith.constant 1 : i32
    %dma_wait3A_490 = arith.constant 0 : i32
    %dma_wait3A_491 = arith.constant 0 : i32
    %dma_wait3A_492 = tpu.memref_slice %arg11[%dma_wait3A_489, %dma_wait3A_490, %dma_wait3A_491] : memref<2x128x128xf32, #tpu.memory_space<vmem>> -> memref<1x128x128xf32, #tpu.memory_space<vmem>>
    %dma_wait3A_493 = tpu.memref_squeeze %dma_wait3A_492 : memref<1x128x128xf32, #tpu.memory_space<vmem>> -> memref<128x128xf32, #tpu.memory_space<vmem>>
    %dma_wait3A_494 = arith.constant 0 : i32
    %dma_wait3A_495 = tpu.memref_slice %arg9[%rem3A_76, %dma_wait3A_488, %dma_wait3A_494] : memref<2x16x128xi32, #tpu.memory_space<vmem>> -> memref<1x1x128xi32, #tpu.memory_space<vmem>>
    %dma_wait3A_496 = tpu.memref_squeeze %dma_wait3A_495 : memref<1x1x128xi32, #tpu.memory_space<vmem>> -> memref<128xi32, #tpu.memory_space<vmem>>
    %dma_wait3A_497 = arith.constant 0 : i32
    %dma_wait3A_498 = arith.constant 0 : i32
    %dma_wait3A_499 = tpu.memref_slice %arg2[%dma_wait3A_497, %dma_wait3A_498] : memref<10240x128xf32, #tpu.memory_space<hbm>> -> memref<10240x128xf32, #tpu.memory_space<hbm>>
    tpu.wait_indirect_dma semaphore(%arg16 : memref<!tpu.dma_semaphore, #tpu.memory_space<semaphore_mem>>) src(%dma_wait3A_499 : memref<10240x128xf32, #tpu.memory_space<hbm>>) dst(%dma_wait3A_493 : memref<128x128xf32, #tpu.memory_space<vmem>>)
    %run_scoped3A_500 = arith.constant 1 : i32
    %run_scoped3A_501 = arith.constant 15 : i32
    "tpu.region"() ({
      %run_scoped3A_512 = tpu.sem_alloc : memref<!tpu.dma_semaphore, #tpu.memory_space<semaphore_mem>>
      %dma_start3A_513 = arith.constant 0 : i32
      %dma_start3A_514 = arith.constant 0 : i32
      %dma_start3A_515 = tpu.memref_slice %arg11[%run_scoped3A_500, %dma_start3A_513, %dma_start3A_514] : memref<2x128x128xf32, #tpu.memory_space<vmem>> -> memref<1x128x128xf32, #tpu.memory_space<vmem>>
      %dma_start3A_516 = tpu.memref_squeeze %dma_start3A_515 : memref<1x128x128xf32, #tpu.memory_space<vmem>> -> memref<128x128xf32, #tpu.memory_space<vmem>>
      %dma_start3A_517 = arith.constant 0 : i32
      %dma_start3A_518 = tpu.memref_slice %arg10[%rem3A_76, %run_scoped3A_501, %dma_start3A_517] : memref<2x16x128xi32, #tpu.memory_space<vmem>> -> memref<1x1x128xi32, #tpu.memory_space<vmem>>
      %dma_start3A_519 = tpu.memref_squeeze %dma_start3A_518 : memref<1x1x128xi32, #tpu.memory_space<vmem>> -> memref<128xi32, #tpu.memory_space<vmem>>
      %dma_start3A_520 = arith.constant 0 : i32
      %dma_start3A_521 = arith.constant 0 : i32
      %dma_start3A_522 = tpu.memref_slice %arg13[%dma_start3A_520, %dma_start3A_521] : memref<2048x128xf32, #tpu.memory_space<vmem_shared>> -> memref<2048x128xf32, #tpu.memory_space<vmem_shared>>
      tpu.enqueue_indirect_dma source(%dma_start3A_516 : memref<128x128xf32, #tpu.memory_space<vmem>>) target(%dma_start3A_522 : memref<2048x128xf32, #tpu.memory_space<vmem_shared>>) offsets(%dma_start3A_519 : memref<128xi32, #tpu.memory_space<vmem>>) semaphore(%run_scoped3A_512 : memref<!tpu.dma_semaphore, #tpu.memory_space<semaphore_mem>>) {add = true}
      %dma_wait3A_523 = arith.constant 0 : i32
      %dma_wait3A_524 = arith.constant 0 : i32
      %dma_wait3A_525 = tpu.memref_slice %arg11[%run_scoped3A_500, %dma_wait3A_523, %dma_wait3A_524] : memref<2x128x128xf32, #tpu.memory_space<vmem>> -> memref<1x128x128xf32, #tpu.memory_space<vmem>>
      %dma_wait3A_526 = tpu.memref_squeeze %dma_wait3A_525 : memref<1x128x128xf32, #tpu.memory_space<vmem>> -> memref<128x128xf32, #tpu.memory_space<vmem>>
      %dma_wait3A_527 = arith.constant 0 : i32
      %dma_wait3A_528 = tpu.memref_slice %arg10[%rem3A_76, %run_scoped3A_501, %dma_wait3A_527] : memref<2x16x128xi32, #tpu.memory_space<vmem>> -> memref<1x1x128xi32, #tpu.memory_space<vmem>>
      %dma_wait3A_529 = tpu.memref_squeeze %dma_wait3A_528 : memref<1x1x128xi32, #tpu.memory_space<vmem>> -> memref<128xi32, #tpu.memory_space<vmem>>
      %dma_wait3A_530 = arith.constant 0 : i32
      %dma_wait3A_531 = arith.constant 0 : i32
      %dma_wait3A_532 = tpu.memref_slice %arg13[%dma_wait3A_530, %dma_wait3A_531] : memref<2048x128xf32, #tpu.memory_space<vmem_shared>> -> memref<2048x128xf32, #tpu.memory_space<vmem_shared>>
      tpu.wait_indirect_dma semaphore(%run_scoped3A_512 : memref<!tpu.dma_semaphore, #tpu.memory_space<semaphore_mem>>) src(%dma_wait3A_526 : memref<128x128xf32, #tpu.memory_space<vmem>>) dst(%dma_wait3A_532 : memref<2048x128xf32, #tpu.memory_space<vmem_shared>>)
      tpu.yield
    }) : () -> ()
    %add3A_502 = arith.constant 1 : i32
    %add3A_503 = arith.addi %scan3A_75, %add3A_502 : i32
    %lt3A_504 = arith.constant 1 : i32
    %lt3A_505 = arith.cmpi slt, %add3A_503, %lt3A_504 : i32
    %convert_element_type3A_506 = arith.extui %lt3A_505 : i1 to i32
    %cond3A_507 = arith.constant 0 : i32
    %cond3A_508 = arith.cmpi ne, %convert_element_type3A_506, %cond3A_507 : i32
    scf.if %cond3A_508 {
      %dma_start3A_512 = arith.constant 1 : i32
      %dma_start3A_513 = arith.constant 1 : i32
      %dma_start3A_514 = arith.constant 0 : i32
      %dma_start3A_515 = arith.constant 0 : i32
      %dma_start3A_516 = tpu.memref_slice %arg11[%dma_start3A_513, %dma_start3A_514, %dma_start3A_515] : memref<2x128x128xf32, #tpu.memory_space<vmem>> -> memref<1x128x128xf32, #tpu.memory_space<vmem>>
      %dma_start3A_517 = tpu.memref_squeeze %dma_start3A_516 : memref<1x128x128xf32, #tpu.memory_space<vmem>> -> memref<128x128xf32, #tpu.memory_space<vmem>>
      %dma_start3A_518 = arith.constant 0 : i32
      %dma_start3A_519 = tpu.memref_slice %arg9[%sub3A_77, %dma_start3A_512, %dma_start3A_518] : memref<2x16x128xi32, #tpu.memory_space<vmem>> -> memref<1x1x128xi32, #tpu.memory_space<vmem>>
      %dma_start3A_520 = tpu.memref_squeeze %dma_start3A_519 : memref<1x1x128xi32, #tpu.memory_space<vmem>> -> memref<128xi32, #tpu.memory_space<vmem>>
      %dma_start3A_521 = arith.constant 0 : i32
      %dma_start3A_522 = arith.constant 0 : i32
      %dma_start3A_523 = tpu.memref_slice %arg2[%dma_start3A_521, %dma_start3A_522] : memref<10240x128xf32, #tpu.memory_space<hbm>> -> memref<10240x128xf32, #tpu.memory_space<hbm>>
      tpu.enqueue_indirect_dma source(%dma_start3A_523 : memref<10240x128xf32, #tpu.memory_space<hbm>>) target(%dma_start3A_517 : memref<128x128xf32, #tpu.memory_space<vmem>>) offsets(%dma_start3A_520 : memref<128xi32, #tpu.memory_space<vmem>>) semaphore(%arg16 : memref<!tpu.dma_semaphore, #tpu.memory_space<semaphore_mem>>)
    } else {
    }
    %run_scoped3A_509 = arith.constant 15 : i32
    "tpu.region"() ({
      %run_scoped3A_512 = tpu.sem_alloc : memref<!tpu.dma_semaphore, #tpu.memory_space<semaphore_mem>>
      %dma_start3A_513 = arith.constant 0 : i32
      %dma_start3A_514 = tpu.memref_slice %arg10[%rem3A_76, %run_scoped3A_509, %dma_start3A_513] : memref<2x16x128xi32, #tpu.memory_space<vmem>> -> memref<1x1x128xi32, #tpu.memory_space<vmem>>
      %dma_start3A_515 = tpu.memref_squeeze %dma_start3A_514 : memref<1x1x128xi32, #tpu.memory_space<vmem>> -> memref<128xi32, #tpu.memory_space<vmem>>
      %dma_start3A_516 = arith.constant 0 : i32
      %dma_start3A_517 = tpu.memref_slice %arg14[%dma_start3A_516] : memref<2048xf32, #tpu.memory_space<vmem_shared>> -> memref<2048xf32, #tpu.memory_space<vmem_shared>>
      tpu.enqueue_indirect_dma source(%arg12 : memref<128xf32, #tpu.memory_space<vmem>>) target(%dma_start3A_517 : memref<2048xf32, #tpu.memory_space<vmem_shared>>) offsets(%dma_start3A_515 : memref<128xi32, #tpu.memory_space<vmem>>) semaphore(%run_scoped3A_512 : memref<!tpu.dma_semaphore, #tpu.memory_space<semaphore_mem>>) {add = true}
      %dma_wait3A_518 = arith.constant 0 : i32
      %dma_wait3A_519 = tpu.memref_slice %arg10[%rem3A_76, %run_scoped3A_509, %dma_wait3A_518] : memref<2x16x128xi32, #tpu.memory_space<vmem>> -> memref<1x1x128xi32, #tpu.memory_space<vmem>>
      %dma_wait3A_520 = tpu.memref_squeeze %dma_wait3A_519 : memref<1x1x128xi32, #tpu.memory_space<vmem>> -> memref<128xi32, #tpu.memory_space<vmem>>
      %dma_wait3A_521 = arith.constant 0 : i32
      %dma_wait3A_522 = tpu.memref_slice %arg14[%dma_wait3A_521] : memref<2048xf32, #tpu.memory_space<vmem_shared>> -> memref<2048xf32, #tpu.memory_space<vmem_shared>>
      tpu.wait_indirect_dma semaphore(%run_scoped3A_512 : memref<!tpu.dma_semaphore, #tpu.memory_space<semaphore_mem>>) src(%arg12 : memref<128xf32, #tpu.memory_space<vmem>>) dst(%dma_wait3A_522 : memref<2048xf32, #tpu.memory_space<vmem_shared>>)
      tpu.yield
    }) : () -> ()
    %scan3A_510 = arith.constant 1 : i32
    %barrier3A_511 = arith.constant 0 : index
    tpu.barrier barrier_id(%barrier3A_511)
    "tpu.region"() ({
      %run_scoped3A_512 = tpu.sem_alloc : memref<!tpu.dma_semaphore, #tpu.memory_space<semaphore_mem>>
      %dma_start3A_513 = arith.constant 0 : i32
      %dma_start3A_514 = tpu.memref_slice %arg7[%arg0, %mul3A_2, %dma_start3A_513] : memref<2x2048x128xf32, #tpu.memory_space<hbm>> -> memref<1x128x128xf32, #tpu.memory_space<hbm>>
      %dma_start3A_515 = tpu.memref_squeeze %dma_start3A_514 : memref<1x128x128xf32, #tpu.memory_space<hbm>> -> memref<128x128xf32, #tpu.memory_space<hbm>>
      %dma_start3A_516 = arith.constant 0 : i32
      %dma_start3A_517 = tpu.memref_slice %arg13[%mul3A_2, %dma_start3A_516] : memref<2048x128xf32, #tpu.memory_space<vmem_shared>> -> memref<128x128xf32, #tpu.memory_space<vmem_shared>>
      tpu.enqueue_dma source(%dma_start3A_517 : memref<128x128xf32, #tpu.memory_space<vmem_shared>>) target(%dma_start3A_515 : memref<128x128xf32, #tpu.memory_space<hbm>>) target_semaphore(%run_scoped3A_512 : memref<!tpu.dma_semaphore, #tpu.memory_space<semaphore_mem>>)
      %dma_wait3A_518 = arith.constant 0 : i32
      %dma_wait3A_519 = tpu.memref_slice %arg7[%arg0, %mul3A_2, %dma_wait3A_518] : memref<2x2048x128xf32, #tpu.memory_space<hbm>> -> memref<1x128x128xf32, #tpu.memory_space<hbm>>
      %dma_wait3A_520 = tpu.memref_squeeze %dma_wait3A_519 : memref<1x128x128xf32, #tpu.memory_space<hbm>> -> memref<128x128xf32, #tpu.memory_space<hbm>>
      %dma_wait3A_521 = arith.constant 0 : i32
      %dma_wait3A_522 = tpu.memref_slice %arg13[%mul3A_2, %dma_wait3A_521] : memref<2048x128xf32, #tpu.memory_space<vmem_shared>> -> memref<128x128xf32, #tpu.memory_space<vmem_shared>>
      tpu.wait_dma2 semaphore(%run_scoped3A_512 : memref<!tpu.dma_semaphore, #tpu.memory_space<semaphore_mem>>) src(%dma_wait3A_522 : memref<128x128xf32, #tpu.memory_space<vmem_shared>>) dst(%dma_wait3A_520 : memref<128x128xf32, #tpu.memory_space<hbm>>)
      tpu.yield
    }) : () -> ()
    "tpu.region"() ({
      %run_scoped3A_512 = tpu.sem_alloc : memref<!tpu.dma_semaphore, #tpu.memory_space<semaphore_mem>>
      %dma_start3A_513 = tpu.memref_slice %arg8[%arg0, %mul3A_2] : memref<2x2048xf32, #tpu.memory_space<hbm>> -> memref<1x128xf32, #tpu.memory_space<hbm>>
      %dma_start3A_514 = tpu.memref_squeeze %dma_start3A_513 : memref<1x128xf32, #tpu.memory_space<hbm>> -> memref<128xf32, #tpu.memory_space<hbm>>
      %dma_start3A_515 = tpu.memref_slice %arg14[%mul3A_2] : memref<2048xf32, #tpu.memory_space<vmem_shared>> -> memref<128xf32, #tpu.memory_space<vmem_shared>>
      tpu.enqueue_dma source(%dma_start3A_515 : memref<128xf32, #tpu.memory_space<vmem_shared>>) target(%dma_start3A_514 : memref<128xf32, #tpu.memory_space<hbm>>) target_semaphore(%run_scoped3A_512 : memref<!tpu.dma_semaphore, #tpu.memory_space<semaphore_mem>>)
      %dma_wait3A_516 = tpu.memref_slice %arg8[%arg0, %mul3A_2] : memref<2x2048xf32, #tpu.memory_space<hbm>> -> memref<1x128xf32, #tpu.memory_space<hbm>>
      %dma_wait3A_517 = tpu.memref_squeeze %dma_wait3A_516 : memref<1x128xf32, #tpu.memory_space<hbm>> -> memref<128xf32, #tpu.memory_space<hbm>>
      %dma_wait3A_518 = tpu.memref_slice %arg14[%mul3A_2] : memref<2048xf32, #tpu.memory_space<vmem_shared>> -> memref<128xf32, #tpu.memory_space<vmem_shared>>
      tpu.wait_dma2 semaphore(%run_scoped3A_512 : memref<!tpu.dma_semaphore, #tpu.memory_space<semaphore_mem>>) src(%dma_wait3A_518 : memref<128xf32, #tpu.memory_space<vmem_shared>>) dst(%dma_wait3A_517 : memref<128xf32, #tpu.memory_space<hbm>>)
      tpu.yield
    }) : () -> ()
    return
  }
}

module attributes {stable_mosaic.version = 14 : i64} {
  func.func @_tc_self_body(%arg0: i32, %arg1: memref<1024x128xf32, #tpu.memory_space<vmem>>, %arg2: memref<128x128xf32, #tpu.memory_space<vmem>>, %arg3: memref<1x128xf32, #tpu.memory_space<vmem>>, %arg4: memref<1024x128xf32, #tpu.memory_space<vmem>>) attributes {dimension_semantics = [#tpu.dimension_semantics<arbitrary>], iteration_bounds = array<i64: 10>, scalar_prefetch = 0 : i64, scratch_operands = 0 : i64, tpu.core_type = #tpu.core_type<tc>, window_params = [{transform_indices = @transform_0, window_bounds = array<i64: 1024, 128>}, {pipeline_mode = #tpu.pipeline_mode<synchronous>, transform_indices = @transform_1, window_bounds = array<i64: 128, 128>}, {pipeline_mode = #tpu.pipeline_mode<synchronous>, transform_indices = @transform_2, window_bounds = array<i64: 1, 128>}, {transform_indices = @transform_3, window_bounds = array<i64: 1024, 128>}]} {
    %get3A = arith.constant 0 : index
    %get3A_0 = arith.constant 0 : index
    %get3A_1 = vector.load %arg1[%get3A, %get3A_0] : memref<1024x128xf32, #tpu.memory_space<vmem>>, vector<1024x128xf32>
    %get3A_2 = arith.constant 0 : index
    %get3A_3 = arith.constant 0 : index
    %get3A_4 = vector.load %arg2[%get3A_2, %get3A_3] : memref<128x128xf32, #tpu.memory_space<vmem>>, vector<128x128xf32>
    %dot_general3A = arith.constant dense<0.000000e+00> : vector<1024x128xf32>
    %dot_general3A_5 = tpu.matmul %get3A_1, %get3A_4, %dot_general3A {dimension_numbers = #tpu.dot_dimension_numbers<[1], [0], [0], [1], [0, 0, 1, 1], [], []>, transpose_lhs_hint = false} : vector<1024x128xf32>, vector<128x128xf32>, vector<1024x128xf32> -> vector<1024x128xf32>
    %get3A_6 = arith.constant 0 : index
    %get3A_7 = arith.constant 0 : index
    %get3A_8 = vector.load %arg3[%get3A_6, %get3A_7] : memref<1x128xf32, #tpu.memory_space<vmem>>, vector<1x128xf32>
    %add3A = vector.broadcast %get3A_8 : vector<1x128xf32> to vector<1024x128xf32>
    %add3A_9 = arith.addf %dot_general3A_5, %add3A : vector<1024x128xf32>
    %swap3A = arith.constant 0 : index
    %swap3A_10 = arith.constant 0 : index
    %swap3A_11 = vector.load %arg4[%swap3A, %swap3A_10] : memref<1024x128xf32, #tpu.memory_space<vmem>>, vector<1024x128xf32>
    tpu.vector_store %arg4[%swap3A, %swap3A_10], %add3A_9 {strides = array<i32>} : memref<1024x128xf32, #tpu.memory_space<vmem>>, vector<1024x128xf32>,
    return
  }
  func.func @transform_0(%arg0: i32) -> (i32, i32) {
    %c0_i32 = arith.constant 0 : i32
    %c0_i32_0 = arith.constant 0 : i32
    return %arg0, %c0_i32 : i32, i32
  }
  func.func @transform_1(%arg0: i32) -> (i32, i32) {
    %c0_i32 = arith.constant 0 : i32
    %c0_i32_0 = arith.constant 0 : i32
    %c0_i32_1 = arith.constant 0 : i32
    return %c0_i32, %c0_i32_0 : i32, i32
  }
  func.func @transform_2(%arg0: i32) -> (i32, i32) {
    %c0_i32 = arith.constant 0 : i32
    %c0_i32_0 = arith.constant 0 : i32
    %c0_i32_1 = arith.constant 0 : i32
    return %c0_i32, %c0_i32_0 : i32, i32
  }
  func.func @transform_3(%arg0: i32) -> (i32, i32) {
    %c0_i32 = arith.constant 0 : i32
    %c0_i32_0 = arith.constant 0 : i32
    return %arg0, %c0_i32 : i32, i32
  }
}

module attributes {stable_mosaic.version = 14 : i64} {
  func.func @_tc1_body(%arg0: i32, %arg1: memref<2x2048x128xf32, #tpu.memory_space<vmem>>, %arg2: memref<2048x2xf32, #tpu.memory_space<vmem>>, %arg3: memref<2048x128xf32, #tpu.memory_space<vmem>>, %arg4: memref<128x128xf32, #tpu.memory_space<vmem>>, %arg5: memref<2048x128xf32, #tpu.memory_space<vmem>>) attributes {dimension_semantics = [#tpu.dimension_semantics<arbitrary>], iteration_bounds = array<i64: 5>, scalar_prefetch = 0 : i64, scratch_operands = 0 : i64, tpu.core_type = #tpu.core_type<tc>, window_params = [{transform_indices = @transform_0, window_bounds = array<i64: 2, 2048, 128>}, {transform_indices = @transform_1, window_bounds = array<i64: 2048, 2>}, {transform_indices = @transform_2, window_bounds = array<i64: 2048, 128>}, {pipeline_mode = #tpu.pipeline_mode<synchronous>, transform_indices = @transform_3, window_bounds = array<i64: 128, 128>}, {transform_indices = @transform_4, window_bounds = array<i64: 2048, 128>}]} {
    %get3A = arith.constant 0 : index
    %get3A_0 = arith.constant 0 : index
    %get3A_1 = vector.load %arg2[%get3A, %get3A_0] : memref<2048x2xf32, #tpu.memory_space<vmem>>, vector<2048x1xf32>
    %get3A_2 = arith.constant 0 : index
    %get3A_3 = arith.constant 1 : index
    %get3A_4 = vector.load %arg2[%get3A_2, %get3A_3] : memref<2048x2xf32, #tpu.memory_space<vmem>>, vector<2048x1xf32>
    %add3A = arith.addf %get3A_1, %get3A_4 : vector<2048x1xf32>
    %max3A = arith.constant 1.000000e+00 : f32
    %max3A_5 = vector.broadcast %max3A : f32 to vector<2048x1xf32>
    %max3A_6 = arith.maximumf %add3A, %max3A_5 : vector<2048x1xf32>
    %div3A = arith.constant 1.000000e+00 : f32
    %div3A_7 = vector.broadcast %div3A : f32 to vector<2048x1xf32>
    %div3A_8 = arith.divf %div3A_7, %max3A_6 : vector<2048x1xf32>
    %get3A_9 = arith.constant 0 : index
    %get3A_10 = arith.constant 0 : index
    %get3A_11 = arith.constant 0 : index
    %get3A_12 = vector.load %arg1[%get3A_9, %get3A_10, %get3A_11] : memref<2x2048x128xf32, #tpu.memory_space<vmem>>, vector<1x2048x128xf32>
    %get3A_13 = vector.shape_cast %get3A_12 : vector<1x2048x128xf32> to vector<2048x128xf32>
    %get3A_14 = arith.constant 1 : index
    %get3A_15 = arith.constant 0 : index
    %get3A_16 = arith.constant 0 : index
    %get3A_17 = vector.load %arg1[%get3A_14, %get3A_15, %get3A_16] : memref<2x2048x128xf32, #tpu.memory_space<vmem>>, vector<1x2048x128xf32>
    %get3A_18 = vector.shape_cast %get3A_17 : vector<1x2048x128xf32> to vector<2048x128xf32>
    %add3A_19 = arith.addf %get3A_13, %get3A_18 : vector<2048x128xf32>
    %mul3A = vector.broadcast %div3A_8 : vector<2048x1xf32> to vector<2048x128xf32>
    %mul3A_20 = arith.mulf %add3A_19, %mul3A : vector<2048x128xf32>
    %get3A_21 = arith.constant 0 : index
    %get3A_22 = arith.constant 0 : index
    %get3A_23 = vector.load %arg4[%get3A_21, %get3A_22] : memref<128x128xf32, #tpu.memory_space<vmem>>, vector<128x128xf32>
    %dot_general3A = arith.constant dense<0.000000e+00> : vector<2048x128xf32>
    %dot_general3A_24 = tpu.matmul %mul3A_20, %get3A_23, %dot_general3A {dimension_numbers = #tpu.dot_dimension_numbers<[1], [0], [0], [1], [0, 0, 1, 1], [], []>, transpose_lhs_hint = false} : vector<2048x128xf32>, vector<128x128xf32>, vector<2048x128xf32> -> vector<2048x128xf32>
    %get3A_25 = arith.constant 0 : index
    %get3A_26 = arith.constant 0 : index
    %get3A_27 = vector.load %arg3[%get3A_25, %get3A_26] : memref<2048x128xf32, #tpu.memory_space<vmem>>, vector<2048x128xf32>
    %add3A_28 = arith.addf %dot_general3A_24, %get3A_27 : vector<2048x128xf32>
    %max3A_29 = arith.constant 0.000000e+00 : f32
    %max3A_30 = vector.broadcast %max3A_29 : f32 to vector<2048x128xf32>
    %max3A_31 = arith.maximumf %add3A_28, %max3A_30 : vector<2048x128xf32>
    %swap3A = arith.constant 0 : index
    %swap3A_32 = arith.constant 0 : index
    %swap3A_33 = vector.load %arg5[%swap3A, %swap3A_32] : memref<2048x128xf32, #tpu.memory_space<vmem>>, vector<2048x128xf32>
    tpu.vector_store %arg5[%swap3A, %swap3A_32], %max3A_31 {strides = array<i32>} : memref<2048x128xf32, #tpu.memory_space<vmem>>, vector<2048x128xf32>,
    return
  }
  func.func @transform_0(%arg0: i32) -> (i32, i32, i32) {
    %c0_i32 = arith.constant 0 : i32
    %c0_i32_0 = arith.constant 0 : i32
    %c0_i32_1 = arith.constant 0 : i32
    return %c0_i32, %arg0, %c0_i32_0 : i32, i32, i32
  }
  func.func @transform_1(%arg0: i32) -> (i32, i32) {
    %c0_i32 = arith.constant 0 : i32
    %c0_i32_0 = arith.constant 0 : i32
    return %arg0, %c0_i32 : i32, i32
  }
  func.func @transform_2(%arg0: i32) -> (i32, i32) {
    %c0_i32 = arith.constant 0 : i32
    %c0_i32_0 = arith.constant 0 : i32
    return %arg0, %c0_i32 : i32, i32
  }
  func.func @transform_3(%arg0: i32) -> (i32, i32) {
    %c0_i32 = arith.constant 0 : i32
    %c0_i32_0 = arith.constant 0 : i32
    %c0_i32_1 = arith.constant 0 : i32
    return %c0_i32, %c0_i32_0 : i32, i32
  }
  func.func @transform_4(%arg0: i32) -> (i32, i32) {
    %c0_i32 = arith.constant 0 : i32
    %c0_i32_0 = arith.constant 0 : i32
    return %arg0, %c0_i32 : i32, i32
  }
}

module attributes {stable_mosaic.version = 14 : i64} {
  func.func @_tc_self_body(%arg0: i32, %arg1: memref<2048x128xf32, #tpu.memory_space<vmem>>, %arg2: memref<128x64xf32, #tpu.memory_space<vmem>>, %arg3: memref<1x64xf32, #tpu.memory_space<vmem>>, %arg4: memref<2048x64xf32, #tpu.memory_space<vmem>>) attributes {dimension_semantics = [#tpu.dimension_semantics<arbitrary>], iteration_bounds = array<i64: 1>, scalar_prefetch = 0 : i64, scratch_operands = 0 : i64, tpu.core_type = #tpu.core_type<tc>, window_params = [{transform_indices = @transform_0, window_bounds = array<i64: 2048, 128>}, {pipeline_mode = #tpu.pipeline_mode<synchronous>, transform_indices = @transform_1, window_bounds = array<i64: 128, 64>}, {pipeline_mode = #tpu.pipeline_mode<synchronous>, transform_indices = @transform_2, window_bounds = array<i64: 1, 64>}, {transform_indices = @transform_3, window_bounds = array<i64: 2048, 64>}]} {
    %get3A = arith.constant 0 : index
    %get3A_0 = arith.constant 0 : index
    %get3A_1 = vector.load %arg1[%get3A, %get3A_0] : memref<2048x128xf32, #tpu.memory_space<vmem>>, vector<2048x128xf32>
    %get3A_2 = arith.constant 0 : index
    %get3A_3 = arith.constant 0 : index
    %get3A_4 = vector.load %arg2[%get3A_2, %get3A_3] : memref<128x64xf32, #tpu.memory_space<vmem>>, vector<128x64xf32>
    %dot_general3A = arith.constant dense<0.000000e+00> : vector<2048x64xf32>
    %dot_general3A_5 = tpu.matmul %get3A_1, %get3A_4, %dot_general3A {dimension_numbers = #tpu.dot_dimension_numbers<[1], [0], [0], [1], [0, 0, 1, 1], [], []>, transpose_lhs_hint = false} : vector<2048x128xf32>, vector<128x64xf32>, vector<2048x64xf32> -> vector<2048x64xf32>
    %get3A_6 = arith.constant 0 : index
    %get3A_7 = arith.constant 0 : index
    %get3A_8 = vector.load %arg3[%get3A_6, %get3A_7] : memref<1x64xf32, #tpu.memory_space<vmem>>, vector<1x64xf32>
    %add3A = vector.broadcast %get3A_8 : vector<1x64xf32> to vector<2048x64xf32>
    %add3A_9 = arith.addf %dot_general3A_5, %add3A : vector<2048x64xf32>
    %swap3A = arith.constant 0 : index
    %swap3A_10 = arith.constant 0 : index
    %swap3A_11 = vector.load %arg4[%swap3A, %swap3A_10] : memref<2048x64xf32, #tpu.memory_space<vmem>>, vector<2048x64xf32>
    tpu.vector_store %arg4[%swap3A, %swap3A_10], %add3A_9 {strides = array<i32>} : memref<2048x64xf32, #tpu.memory_space<vmem>>, vector<2048x64xf32>,
    return
  }
  func.func @transform_0(%arg0: i32) -> (i32, i32) {
    %c0_i32 = arith.constant 0 : i32
    %c0_i32_0 = arith.constant 0 : i32
    return %arg0, %c0_i32 : i32, i32
  }
  func.func @transform_1(%arg0: i32) -> (i32, i32) {
    %c0_i32 = arith.constant 0 : i32
    %c0_i32_0 = arith.constant 0 : i32
    %c0_i32_1 = arith.constant 0 : i32
    return %c0_i32, %c0_i32_0 : i32, i32
  }
  func.func @transform_2(%arg0: i32) -> (i32, i32) {
    %c0_i32 = arith.constant 0 : i32
    %c0_i32_0 = arith.constant 0 : i32
    %c0_i32_1 = arith.constant 0 : i32
    return %c0_i32, %c0_i32_0 : i32, i32
  }
  func.func @transform_3(%arg0: i32) -> (i32, i32) {
    %c0_i32 = arith.constant 0 : i32
    %c0_i32_0 = arith.constant 0 : i32
    return %arg0, %c0_i32 : i32, i32
  }
}

module attributes {stable_mosaic.version = 14 : i64} {
  func.func @_tc2_body(%arg0: i32, %arg1: memref<2x2048x128xf32, #tpu.memory_space<vmem>>, %arg2: memref<2048x2xf32, #tpu.memory_space<vmem>>, %arg3: memref<2048x64xf32, #tpu.memory_space<vmem>>, %arg4: memref<128x64xf32, #tpu.memory_space<vmem>>, %arg5: memref<2048x64xf32, #tpu.memory_space<vmem>>) attributes {dimension_semantics = [#tpu.dimension_semantics<arbitrary>], iteration_bounds = array<i64: 1>, scalar_prefetch = 0 : i64, scratch_operands = 0 : i64, tpu.core_type = #tpu.core_type<tc>, window_params = [{pipeline_mode = #tpu.pipeline_mode<synchronous>, transform_indices = @transform_0, window_bounds = array<i64: 2, 2048, 128>}, {pipeline_mode = #tpu.pipeline_mode<synchronous>, transform_indices = @transform_1, window_bounds = array<i64: 2048, 2>}, {pipeline_mode = #tpu.pipeline_mode<synchronous>, transform_indices = @transform_2, window_bounds = array<i64: 2048, 64>}, {pipeline_mode = #tpu.pipeline_mode<synchronous>, transform_indices = @transform_3, window_bounds = array<i64: 128, 64>}, {pipeline_mode = #tpu.pipeline_mode<synchronous>, transform_indices = @transform_4, window_bounds = array<i64: 2048, 64>}]} {
    %get3A = arith.constant 0 : index
    %get3A_0 = arith.constant 0 : index
    %get3A_1 = vector.load %arg2[%get3A, %get3A_0] : memref<2048x2xf32, #tpu.memory_space<vmem>>, vector<2048x1xf32>
    %get3A_2 = arith.constant 0 : index
    %get3A_3 = arith.constant 1 : index
    %get3A_4 = vector.load %arg2[%get3A_2, %get3A_3] : memref<2048x2xf32, #tpu.memory_space<vmem>>, vector<2048x1xf32>
    %add3A = arith.addf %get3A_1, %get3A_4 : vector<2048x1xf32>
    %max3A = arith.constant 1.000000e+00 : f32
    %max3A_5 = vector.broadcast %max3A : f32 to vector<2048x1xf32>
    %max3A_6 = arith.maximumf %add3A, %max3A_5 : vector<2048x1xf32>
    %div3A = arith.constant 1.000000e+00 : f32
    %div3A_7 = vector.broadcast %div3A : f32 to vector<2048x1xf32>
    %div3A_8 = arith.divf %div3A_7, %max3A_6 : vector<2048x1xf32>
    %get3A_9 = arith.constant 0 : index
    %get3A_10 = arith.constant 0 : index
    %get3A_11 = arith.constant 0 : index
    %get3A_12 = vector.load %arg1[%get3A_9, %get3A_10, %get3A_11] : memref<2x2048x128xf32, #tpu.memory_space<vmem>>, vector<1x2048x128xf32>
    %get3A_13 = vector.shape_cast %get3A_12 : vector<1x2048x128xf32> to vector<2048x128xf32>
    %get3A_14 = arith.constant 1 : index
    %get3A_15 = arith.constant 0 : index
    %get3A_16 = arith.constant 0 : index
    %get3A_17 = vector.load %arg1[%get3A_14, %get3A_15, %get3A_16] : memref<2x2048x128xf32, #tpu.memory_space<vmem>>, vector<1x2048x128xf32>
    %get3A_18 = vector.shape_cast %get3A_17 : vector<1x2048x128xf32> to vector<2048x128xf32>
    %add3A_19 = arith.addf %get3A_13, %get3A_18 : vector<2048x128xf32>
    %mul3A = vector.broadcast %div3A_8 : vector<2048x1xf32> to vector<2048x128xf32>
    %mul3A_20 = arith.mulf %add3A_19, %mul3A : vector<2048x128xf32>
    %get3A_21 = arith.constant 0 : index
    %get3A_22 = arith.constant 0 : index
    %get3A_23 = vector.load %arg4[%get3A_21, %get3A_22] : memref<128x64xf32, #tpu.memory_space<vmem>>, vector<128x64xf32>
    %dot_general3A = arith.constant dense<0.000000e+00> : vector<2048x64xf32>
    %dot_general3A_24 = tpu.matmul %mul3A_20, %get3A_23, %dot_general3A {dimension_numbers = #tpu.dot_dimension_numbers<[1], [0], [0], [1], [0, 0, 1, 1], [], []>, transpose_lhs_hint = false} : vector<2048x128xf32>, vector<128x64xf32>, vector<2048x64xf32> -> vector<2048x64xf32>
    %get3A_25 = arith.constant 0 : index
    %get3A_26 = arith.constant 0 : index
    %get3A_27 = vector.load %arg3[%get3A_25, %get3A_26] : memref<2048x64xf32, #tpu.memory_space<vmem>>, vector<2048x64xf32>
    %add3A_28 = arith.addf %dot_general3A_24, %get3A_27 : vector<2048x64xf32>
    %swap3A = arith.constant 0 : index
    %swap3A_29 = arith.constant 0 : index
    %swap3A_30 = vector.load %arg5[%swap3A, %swap3A_29] : memref<2048x64xf32, #tpu.memory_space<vmem>>, vector<2048x64xf32>
    tpu.vector_store %arg5[%swap3A, %swap3A_29], %add3A_28 {strides = array<i32>} : memref<2048x64xf32, #tpu.memory_space<vmem>>, vector<2048x64xf32>,
    return
  }
  func.func @transform_0(%arg0: i32) -> (i32, i32, i32) {
    %c0_i32 = arith.constant 0 : i32
    %c0_i32_0 = arith.constant 0 : i32
    %c0_i32_1 = arith.constant 0 : i32
    %c0_i32_2 = arith.constant 0 : i32
    return %c0_i32, %c0_i32_0, %c0_i32_1 : i32, i32, i32
  }
  func.func @transform_1(%arg0: i32) -> (i32, i32) {
    %c0_i32 = arith.constant 0 : i32
    %c0_i32_0 = arith.constant 0 : i32
    %c0_i32_1 = arith.constant 0 : i32
    return %c0_i32, %c0_i32_0 : i32, i32
  }
  func.func @transform_2(%arg0: i32) -> (i32, i32) {
    %c0_i32 = arith.constant 0 : i32
    %c0_i32_0 = arith.constant 0 : i32
    %c0_i32_1 = arith.constant 0 : i32
    return %c0_i32, %c0_i32_0 : i32, i32
  }
  func.func @transform_3(%arg0: i32) -> (i32, i32) {
    %c0_i32 = arith.constant 0 : i32
    %c0_i32_0 = arith.constant 0 : i32
    %c0_i32_1 = arith.constant 0 : i32
    return %c0_i32, %c0_i32_0 : i32, i32
  }
  func.func @transform_4(%arg0: i32) -> (i32, i32) {
    %c0_i32 = arith.constant 0 : i32
    %c0_i32_0 = arith.constant 0 : i32
    %c0_i32_1 = arith.constant 0 : i32
    return %c0_i32, %c0_i32_0 : i32, i32
  }
}

</mosaic_0001>

<sc_bundles>
// kernel: kernel.11.cloned.1.call-start
scs
__scs_entry_jumppad:
0x0: {  	(pc) =	sbr.rel $0x88, $3  }
0x1: {  	(tag) =	ssettag $0x0;
	lr =	simm.s32 $0x1  }
0x2: {  	[smem:$0x3F94] =	sst lr;
	_ =	strace $0xD0000000  }
0x3: {  	_ = 	snop  }
0x4: {  	_ = 	snop  }
0x5: {  	_ = 	snop  }
0x6: {  	_ = 	snop  }
0x7: {  	_ = 	snop  }
__scs_overlays_trampoline_lowered:
0x8: {  	[smem:$0x3FA3] =	sst s0  }
0x9: {  	[smem:$0x3FA4] =	sst s1  }
0xa: {  	[smem:$0x3FA5] =	sst s2  }
0xb: {  	[smem:$0x3FA6] =	sst s3  }
0xc: {  	[smem:$0x3FA7] =	sst s4  }
0xd: {  	[smem:$0x3FA8] =	sst s5  }
0xe: {  	[smem:$0x3FA9] =	sst s6  }
0xf: {  	[smem:$0x3FAA] =	sst s7  }
0x10: {  	[smem:$0x3FAB] =	sst s8  }
0x11: {  	[smem:$0x3FAC] =	sst s9;
	s0 =	simm.s32 @!p0 $0x0  }
0x12: {  	s1 =	sld [smem:$0x3F92];
	s0 =	simm.s32 @p0 $0x1  }
0x13: {  	[smem:$0x3FAD] =	sst s0;
	s0 =	simm.s32 @!p1 $0x0  }
0x14: {  	s2 =	sld [smem:$0x3F91];
	s0 =	simm.s32 @p1 $0x1  }
0x15: {  	[smem:$0x3FAE] =	sst s0;
	s0 =	simm.s32 @!p2 $0x0  }
0x16: {  	s3 =	sld [smem:$0x3FDB];
	s0 =	simm.s32 @p2 $0x1  }
0x17: {  	s4 =	simm.s32 $0x1BF5;
	[smem:$0x3FB0] =	sst s0  }
0x18: {  	s0 =	sld [smem:$0x3F93];
	_ =	swait.ge [sflag:s4], $0x0  }
0x19: {  	s7 =	sld [smem:$0x3F94]  }
0x1a: {  	s8 =	sadd.s32 $0xFFFFE003, lr  }
0x1b: {  	s9 =	sadd.s32 $0xFFFFFEF7, lr;
	s5 =	simm.s32 $0xFFFFFFFF;
	p2 =	slt.u32 s8, $0xFFFFF086  }
0x1c: {  	p1 =	slt.u32 s9, $0xF7A;
	s5 =	simm.s32 @!p2 $0x0  }
0x1d: {  	s5 =	simm.s32 @p1 $0x1;
	p0 =	seq.s32 s7, s2  }
0x1e: {  	s7 =	smul.u32 @!p0 $0xF7A, s2;
	p2 =	seq.s32 @!p0 s5, $0x0  }
0x1f: {  	s9 =	smul.u32 $0xF7A, s1;
	s8 =	simm.s32 @!p0 $0x1BF5;
	p2 =	por !p2, p0  }
0x20: {  	[sflag:s8] =	ssyncset.s32 @!p0 $0xFFFFF086;
	s6 =	sadd.s32 @!p0 s3, s7;
	s7 =	simm.s32 @!p0 $0x108  }
0x21: {  	s3 =	sadd.s32 s3, s9;
	s6 =	sadd.s32 @!p0 $0x88, s6;
	s7 =	simm.s32 @p2 $0x1082  }
0x22: {  	[simem:s7], [sflag:s8] =	dma.local @!p0 [hbm:s6], $0xF7A  }
0x23: {  	s9 =	sor.u32 $0xD0000000, s2;
	s6 =	simm.s32 $0x108;
	_ =	swait.ge @!p0 [sflag:s8], $0x0  }
0x24: {  	s3 =	sadd.s32 $0x88, s3;
	s6 =	simm.s32 @!p1 $0x1082;
	[sflag:s4] =	ssyncset.s32 $0xFFFFF086  }
0x25: {  	[simem:s6], [sflag:s4] =	dma.local [hbm:s3], $0xF7A  }
0x26: {  	[smem:$0x3F94] =	sst s1;
	(tag) =	ssettag s2;
	_ =	strace s9  }
0x27: {  	s1 =	sld [smem:$0x3FA4]  }
0x28: {  	s2 =	sld [smem:$0x3FA5]  }
0x29: {  	s4 =	sld [smem:$0x3FA7]  }
0x2a: {  	p0 =	seq.s32 s5, $0x0;
	s5 =	sld [smem:$0x3FA8]  }
0x2b: {  	s6 =	sld [smem:$0x3FA9]  }
0x2c: {  	s7 =	sld [smem:$0x3FAA]  }
0x2d: {  	s3 =	simm.s32 $0x108;
	s8 =	sld [smem:$0x3FAB]  }
0x2e: {  	s3 =	simm.s32 @!p0 $0x1082;
	s9 =	sld [smem:$0x3FAC]  }
0x2f: {  	lr =	sadd.s32 s0, s3;
	s0 =	sld [smem:$0x3FA3]  }
0x30: {  	s3 =	sld [smem:$0x3FA6]  }
0x31: {  	[smem:$0x3FAF] =	sst s10  }
0x32: {  	s10 =	sld [smem:$0x3FAD];
	_ =	sdelay $0x3  }
0x33: {  	p0 =	seq.s32 s10, $0x1;
	s10 =	sld [smem:$0x3FAF];
	_ =	sdelay $0x3  }
0x34: {  	[smem:$0x3FAF] =	sst s10  }
0x35: {  	s10 =	sld [smem:$0x3FAE];
	_ =	sdelay $0x3  }
0x36: {  	p1 =	seq.s32 s10, $0x1;
	s10 =	sld [smem:$0x3FAF];
	_ =	sdelay $0x3  }
0x37: {  	[smem:$0x3FAF] =	sst s10  }
0x38: {  	s10 =	sld [smem:$0x3FB0]  }
0x39: {  	_ = 	snop;
	(pc) =	sbr.ind lr, $3  }
0x3a: {  	_ = 	snop  }
0x3b: {  	_ = 	snop  }
0x3c: {  	p2 =	seq.s32 s10, $0x1;
	s10 =	sld [smem:$0x3FAF]  }
0x3d: {  	_ =	shalt  }
0x3e: {  	_ =	shalt  }
0x3f: {  	_ =	shalt  }
0x40: {  	_ =	shalt  }
0x41: {  	_ =	shalt  }
0x42: {  	_ =	shalt  }
0x43: {  	_ =	shalt  }
0x44: {  	_ =	shalt  }
0x45: {  	_ =	shalt  }
0x46: {  	_ =	shalt  }
0x47: {  	_ =	shalt  }
0x48: {  	_ =	shalt  }
0x49: {  	_ =	shalt  }
0x4a: {  	_ =	shalt  }
0x4b: {  	_ =	shalt  }
0x4c: {  	_ =	shalt  }
0x4d: {  	_ =	shalt  }
0x4e: {  	_ =	shalt  }
0x4f: {  	_ =	shalt  }
0x50: {  	_ =	shalt  }
0x51: {  	_ =	shalt  }
0x52: {  	_ =	shalt  }
0x53: {  	_ =	shalt  }
0x54: {  	_ =	shalt  }
0x55: {  	_ =	shalt  }
0x56: {  	_ =	shalt  }
0x57: {  	_ =	shalt  }
0x58: {  	_ =	shalt  }
0x59: {  	_ =	shalt  }
0x5a: {  	_ =	shalt  }
0x5b: {  	_ =	shalt  }
0x5c: {  	_ =	shalt  }
0x5d: {  	_ =	shalt  }
0x5e: {  	_ =	shalt  }
0x5f: {  	_ =	shalt  }
0x60: {  	_ =	shalt  }
0x61: {  	_ =	shalt  }
0x62: {  	_ =	shalt  }
0x63: {  	_ =	shalt  }
0x64: {  	_ =	shalt  }
0x65: {  	_ =	shalt  }
0x66: {  	_ =	shalt  }
0x67: {  	_ =	shalt  }
0x68: {  	_ =	shalt  }
0x69: {  	_ =	shalt  }
0x6a: {  	_ =	shalt  }
0x6b: {  	_ =	shalt  }
0x6c: {  	_ =	shalt  }
0x6d: {  	_ =	shalt  }
0x6e: {  	_ =	shalt  }
0x6f: {  	_ =	shalt  }
0x70: {  	_ =	shalt  }
0x71: {  	_ =	shalt  }
0x72: {  	_ =	shalt  }
0x73: {  	_ =	shalt  }
0x74: {  	_ =	shalt  }
0x75: {  	_ =	shalt  }
0x76: {  	_ =	shalt  }
0x77: {  	_ =	shalt  }
0x78: {  	_ =	shalt  }
0x79: {  	_ =	shalt  }
0x7a: {  	_ =	shalt  }
0x7b: {  	_ =	shalt  }
0x7c: {  	_ =	shalt  }
0x7d: {  	_ =	shalt  }
0x7e: {  	_ =	shalt  }
0x7f: {  	_ =	shalt  }
0x80: {  	_ =	shalt  }
0x81: {  	_ =	shalt  }
0x82: {  	_ =	shalt  }
0x83: {  	_ =	shalt  }
0x84: {  	_ =	shalt  }
0x85: {  	_ =	shalt  }
0x86: {  	_ =	shalt  }
0x87: {  	_ =	shalt  }
.Lfunc_end0:
.L_simem_size_0:
called_computation.1_lowered:
.L_overlay_start_0:
0x88: {  	s2 =	sld [smem:$0x3FD9]  }
0x89: {  	s3 =	sld [smem:$0x3FFE];
	_ =	sdelay $0x1  }
0x8a: {  	s1 =	srdreg.scid  }
0x8b: {  	s0 =	sand.u32 $0x1, s1  }
0x8c: {  	s17 =	sshll.u32 s0, $0xA;
	s2 =	sadd.s32 s3, s2  }
0x8d: {  	s2 =	sadd.s32 s2, s17  }
0x8e: {  	[smem:$0x3FBB] =	sst s2  }
0x8f: {  	_ = 	snop  }
0x90: {  	s2 =	sld [smem:$0x3FD0];
	(tm) =	ssettm $0x1  }
0x91: {  	s18 =	sld [smem:$0x3FFB];
	_ =	sdelay $0x3  }
0x92: {  	_ =	strace s18  }
0x93: {  	s3 =	sld [smem:$0x3FFC];
	_ =	sdelay $0x3  }
0x94: {  	_ =	strace s3  }
0x95: {  	s3 =	sld [smem:$0x3FFD];
	_ =	sdelay $0x3  }
0x96: {  	_ =	strace s3  }
0x97: {  	_ =	strace $0x8FFFFFFF  }
0x98: {  	s19 =	sld [smem:$0x3FDB];
	_ =	sdelay $0x1  }
0x99: {  	s4 =	simm.s32 $_scs_section_size  }
0x9a: {  	s5 =	simm.s32 $_size__tile_overlayer_lowered;
	s6 =	simm.s32 $_tile_overlayer_lowered  }
0x9b: {  	s22 =	simm.s32 $0x1BFF;
	s21 =	sshll.u32 s6, $0x1;
	s3 =	sadd.s32 s4, s19  }
0x9c: {  	s7 =	simm.s32 $0x0;
	s20 =	sshll.u32 s5, $0x1;
	s5 =	sadd.s32 s21, s3  }
0x9d: {  	[timem:s7], [sflag:s22] =	dma.local [hbm:s5], s20  }
0x9e: {  	_ =	swait.ge [sflag:s22], s20  }
0x9f: {  	s4 =	ssub.s32 $0x0, s20;
	[sflag:s22] =	ssyncset.done $0x0  }
0xa0: {  	[sflag:s22] =	ssyncadd.s32 s4;
	_ =	sdelay $0x1  }
0xa1: {  	s23 =	simm.s32 $0x1B8B  }
0xa2: {  	_ =	swait.ge [sflag:s23], $0x1  }
0xa3: {  	[sflag:s23] =	ssyncset.done $0x0  }
0xa4: {  	s25 =	simm.s32 $0x1B8E;
	s24 =	sld [smem:$0x3FFE];
	[sflag:s23] =	ssyncadd.s32 $0xFFFFFFFF  }
0xa5: {  	s26 =	simm.s32 $execute0_lowered;
	[smem:$0x3FD2] =	sst s25  }
0xa6: {  	s5 =	sshll.u32 s26, $0x1;
	_ =	strace $0x80000049;
	[dreg:$0x1] =	wrdreg $0xFFFFFFFF  }
0xa7: {  	s28 =	simm.s32 $_size_execute0_lowered;
	s3 =	sadd.s32 s3, s5;
	[dreg:$0x0] =	wrdreg $0x0  }
0xa8: {  	s5 =	sshll.u32 s28, $0x1;
	[dreg:$0x2] =	wrdreg s3  }
0xa9: {  	[dreg:$0x3] =	wrdreg s5  }
0xaa: {  	[dreg:$0x4] =	wrdreg $0xC0  }
0xab: {  	_ =	task [dreg:s7], $0x5FFFF  }
0xac: {  	[dreg:$0x1] =	wrdreg $0xFFFFFFFF  }
0xad: {  	[dreg:$0x0] =	wrdreg $0x60  }
0xae: {  	[dreg:$0x2] =	wrdreg s24  }
0xaf: {  	[dreg:$0x3] =	wrdreg s2  }
0xb0: {  	[dreg:$0x4] =	wrdreg $0xA0800  }
0xb1: {  	[dreg:$0x5] =	wrdreg $0xE0800  }
0xb2: {  	[dreg:$0x6] =	wrdreg $0x9  }
0xb3: {  	_ =	task.clear_ibuf [dreg:s7], $0x7FFFF;
	_ =	strace $0x90000049  }
0xb4: {  	s29 =	simm.s32 $0x9;
	_ =	strace $0x8000004B  }
0xb5: {  	_ =	swait.ge [sflag:s29], $0x1  }
0xb6: {  	[sflag:s29] =	ssyncadd.s32 $0xFFFFFFFF  }
0xb7: {  	_ =	strace $0x9000004B  }
0xb8: {  	_ =	sfence  }
0xb9: {  	s30 =	sld [smem:$0x0];
	_ =	sdelay $0x2  }
0xba: {  	s31 =	sshll.u32 s1, $0xD;
	s1 =	sshrl.u32 s1, $0x2  }
0xbb: {  	s3 =	sand.u32 $0x4000, s31;
	s1 =	sadd.s32 s1, s30  }
0xbc: {  	s0 =	sor.u32 s3, s0;
	s1 =	sshll.u32 s1, $0x11  }
0xbd: {  	s0 =	sor.u32 s1, s0  }
0xbe: {  	s0 =	sadd.s32 $0x8F2B, s0  }
0xbf: {  	[sflag:s0] =	ssyncadd.remote.s32 $0x1  }
0xc0: {  	_ =	sfence.sel $0xFFFF  }
0xc1: {  	[dreg:$0x0] =	wrdreg $0xFFFFFFFF;
	(pc) =	sbr.abs _section_cstart, $3  }
0xc2: {  	[dreg:$0x1] =	wrdreg $0xFFFFFFFF  }
0xc3: {  	_ =	task.clear_ibuf [dreg:s7], $0x2FFFF;
	_ =	strace $0x9FFFFFFF  }
0xc4: {  	(tm) =	ssettm $0x7FFFFFFF  }
0xc5: {  	_ =	shalt  }
tec
execute0_lowered:
.L_overlay_start_1:
0x0: {  	(tag) =	ssettag $0x1  }
0x1: {  	s0 =	rddreg [dreg:$0x0]  }
0x2: {  	s5 =	rddreg [dreg:$0x1]  }
0x3: {  	s2 =	rddreg [dreg:$0x2]  }
0x4: {  	s3 =	rddreg [dreg:$0x3]  }
0x5: {  	s4 =	simm.s32 $0x0;
	s1 =	srdreg.scid;
	s11 =	stileid.u32  }
0x6: {  	s24 =	simm.s32 $0x100;
	s25 =	simm.s32 $0x180;
	[smem:$0x7FF] =	sst s4  }
0x7: {  	s26 =	simm.s32 $0x200;
	_ =	strace $0x8000004A;
	[dreg:$0xb] =	wrdreg s24  }
0x8: {  	s12 =	simm.s32 $0x500;
	s13 =	simm.s32 $0x580;
	[dreg:$0xc] =	wrdreg s25  }
0x9: {  	s14 =	simm.s32 $0x600;
	s1 =	sand.u32 $0x1, s1;
	[dreg:$0xd] =	wrdreg s26  }
0xa: {  	s6 =	sshll.u32 s11, $0xB;
	s8 =	sshll.u32 s11, $0x4;
	[dreg:$0x13] =	wrdreg s12  }
0xb: {  	s7 =	sshll.u32 s1, $0xF;
	s9 =	sadd.s32 s6, s0;
	[dreg:$0x14] =	wrdreg s13  }
0xc: {  	s8 =	sadd.s32 s8, s0;
	[dreg:$0x15] =	wrdreg s14;
	s10 =	sadd.s32 $0x2AE00, s9  }
0xd: {  	s6 =	sor.u32 s6, s7;
	s8 =	sadd.s32 $0x32E00, s8;
	[dreg:$0x5] =	wrdreg s10  }
0xe: {  	s19 =	sadd.s32 s7, s9;
	s7 =	simm.s32 $0x300;
	[dreg:$0x6] =	wrdreg s8  }
0xf: {  	s16 =	sshll.u32 s1, $0x4;
	s9 =	simm.s32 $0x400;
	[dreg:$0xf] =	wrdreg s7  }
0x10: {  	s17 =	sadd.s32 s16, s0;
	s16 =	simm.s32 $0x680;
	[dreg:$0x11] =	wrdreg s9  }
0x11: {  	s21 =	sadd.s32 $0x33200, s19;
	[dreg:$0x16] =	wrdreg s16  }
0x12: {  	s8 =	simm.s32 $0x380;
	[dreg:$0x9] =	wrdreg s21  }
0x13: {  	s10 =	simm.s32 $0x480;
	[dreg:$0x10] =	wrdreg s8  }
0x14: {  	s20 =	sshll.u32 s11, $0x5;
	s6 =	sshrl.u32 s6, $0x3;
	[dreg:$0x12] =	wrdreg s10  }
0x15: {  	s22 =	sadd.s32 s20, s17;
	s20 =	simm.s32 $0x780;
	s19 =	rddreg [dreg:$0x5]  }
0x16: {  	s15 =	sshll.u32 s11, $0xE;
	s5 =	sadd.s32 s5, s6;
	[dreg:$0x18] =	wrdreg s20  }
0x17: {  	s6 =	sadd.s32 s6, s0;
	s23 =	sadd.s32 $0x33000, s22;
	[dreg:$0x7] =	wrdreg s5  }
0x18: {  	s17 =	sshll.u32 s11, $0x6;
	s18 =	sadd.s32 $0x8FE00, s6;
	[dreg:$0xa] =	wrdreg s23  }
0x19: {  	s6 =	simm.s32 $0x280;
	s5 =	sor.u32 $0x1C03, s17;
	[dreg:$0x8] =	wrdreg s18  }
0x1a: {  	[dreg:$0xe] =	wrdreg s6;
	s6 =	sadd.s32 s15, s2;
	s18 =	simm.s32 $0x700  }
0x1b: {  	[dreg:$0x17] =	wrdreg s18;
	s7 =	sshrl.u32 s6, $0x3;
	s6 =	simm.s32 $0x3  }
0x1c: {  	[spmem:s7], [sflag:s5] =	dma.local [hbm:s19], $0x800  }
0x1d: {  	s21 =	sshll.u32 s11, $0x7;
	_ =	swait.ge [sflag:s6], $0x800  }
0x1e: {  	s8 =	sadd.s32 s21, s3;
	[sflag:s6] =	ssyncset.done $0x0  }
0x1f: {  	s8 =	sshrl.u32 s8, $0x3;
	s22 =	rddreg [dreg:$0x6];
	[sflag:s6] =	ssyncadd.s32 $0xFFFFF800  }
0x20: {  	[spmem:s8], [sflag:s5] =	dma.local [hbm:s22], $0x10  }
0x21: {  	_ =	swait.ge [sflag:s6], $0x10  }
0x22: {  	[sflag:s6] =	ssyncset.done $0x0  }
0x23: {  	v0 =	vimm.f32 $1.000000000e+00;
	[sflag:s6] =	ssyncadd.s32 $0xFFFFFFF0  }
0x24: {  	[tilespmem:$0xA070] =	vst v0  }
0x25: {  	[tilespmem:$0xA060] =	vst v0  }
0x26: {  	[tilespmem:$0xA050] =	vst v0  }
0x27: {  	[tilespmem:$0xA040] =	vst v0  }
0x28: {  	[tilespmem:$0xA030] =	vst v0  }
0x29: {  	[tilespmem:$0xA020] =	vst v0  }
0x2a: {  	[tilespmem:$0xA000] =	vst v0  }
0x2b: {  	s23 =	rddreg [dreg:$0x7];
	[tilespmem:$0xA010] =	vst v0  }
0x2c: {  	[tilespmem:s4], [sflag:$0x3] =	stream.linear.gather [hbm4b:s23+s4], $0x800, $0x38;
	[tilespmem:$0xE100] =	vst v63  }
0x2d: {  	_ =	swait.ge [sflag:s6], $0x800  }
0x2e: {  	[sflag:s6] =	ssyncset.done $0x0  }
0x2f: {  	s9 =	simm.s32 $0x1000;
	s24 =	rddreg [dreg:$0x8];
	[sflag:s6] =	ssyncadd.s32 $0xFFFFF800  }
0x30: {  	[tilespmem:s9], [sflag:$0x3] =	stream.linear.gather [hbm4b:s24+s4], $0x800, $0x38;
	[tilespmem:$0xE100] =	vst v63  }
0x31: {  	_ =	swait.ge [sflag:s6], $0x800  }
0x32: {  	[sflag:s6] =	ssyncset.done $0x0  }
0x33: {  	s12 =	simm.s32 $0x2000;
	[sflag:s6] =	ssyncadd.s32 $0xFFFFF800  }
0x34: {  	s10 =	sadd.s32 $0x2E00, s0;
	s11 =	simm.s32 $0x80;
	[bflag:$0x0] =	sbarrier.arrive $0xFFFF  }
0x35: {  	[tilespmem:s12], [sflag:$0x1] =	stream.indirect.gather [hbm4b:s10+s11], $0x80, s4, s11, $0xb8;
	[tilespmem:$0xE100] =	vst v63  }
0x36: {  	s13 =	simm.s32 $0x6000;
	s14 =	simm.s32 $0x1  }
0x37: {  	[tilespmem:s13], [sflag:$0x2] =	stream.indirect.gather [hbm4b:s10+s11], $0x80, s11, s11, $0xb8;
	[tilespmem:$0xE100] =	vst v63  }
0x38: {  	_ =	swait.ge [sflag:s14], $0x4000  }
0x39: {  	[sflag:s14] =	ssyncset.done $0x0  }
0x3a: {  	[sflag:s14] =	ssyncadd.s32 $0xFFFFC000  }
0x3b: {  	[spmem:s2] =	stream.indirect.scatter.add.f32 [tilespmem:s12], [sflag:$0x3], $0x80, s9, s11, $0xb8;
	[tilespmem:$0xE100] =	vst v63  }
0x3c: {  	_ =	swait.ge [sflag:s6], $0x4000  }
0x3d: {  	[sflag:s6] =	ssyncset.done $0x0  }
0x3e: {  	s25 =	rddreg [dreg:$0xb];
	[sflag:s6] =	ssyncadd.s32 $0xFFFFC000  }
0x3f: {  	[tilespmem:s12], [sflag:$0x1] =	stream.indirect.gather [hbm4b:s10+s11], $0x80, s25, s11, $0xb8;
	[tilespmem:$0xE100] =	vst v63  }
0x40: {  	s15 =	simm.s32 $0xA000  }
0x41: {  	[spmem:s3] =	stream.indirect.scatter.add.f32 [tilespmem:s15], [sflag:$0x3], $0x1, s9, s11, $0xb8;
	[tilespmem:$0xE100] =	vst v63  }
0x42: {  	_ =	swait.ge [sflag:s6], $0x80  }
0x43: {  	[sflag:s6] =	ssyncset.done $0x0  }
0x44: {  	s16 =	simm.s32 $0x2;
	[sflag:s6] =	ssyncadd.s32 $0xFFFFFF80  }
0x45: {  	_ =	swait.ge [sflag:s16], $0x4000  }
0x46: {  	[sflag:s16] =	ssyncset.done $0x0  }
0x47: {  	s17 =	simm.s32 $0x1080;
	[sflag:s16] =	ssyncadd.s32 $0xFFFFC000  }
0x48: {  	[spmem:s2] =	stream.indirect.scatter.add.f32 [tilespmem:s13], [sflag:$0x3], $0x80, s17, s11, $0xb8;
	[tilespmem:$0xE100] =	vst v63  }
0x49: {  	_ =	swait.ge [sflag:s6], $0x4000  }
0x4a: {  	[sflag:s6] =	ssyncset.done $0x0  }
0x4b: {  	s26 =	rddreg [dreg:$0xc];
	[sflag:s6] =	ssyncadd.s32 $0xFFFFC000  }
0x4c: {  	[tilespmem:s13], [sflag:$0x2] =	stream.indirect.gather [hbm4b:s10+s11], $0x80, s26, s11, $0xb8;
	[tilespmem:$0xE100] =	vst v63  }
0x4d: {  	_ = 	snop  }
0x4e: {  	[spmem:s3] =	stream.indirect.scatter.add.f32 [tilespmem:s15], [sflag:$0x3], $0x1, s17, s11, $0xb8;
	[tilespmem:$0xE100] =	vst v63  }
0x4f: {  	_ =	swait.ge [sflag:s6], $0x80  }
0x50: {  	[sflag:s6] =	ssyncset.done $0x0  }
0x51: {  	[sflag:s6] =	ssyncadd.s32 $0xFFFFFF80  }
0x52: {  	_ =	swait.ge [sflag:s14], $0x4000  }
0x53: {  	[sflag:s14] =	ssyncset.done $0x0  }
0x54: {  	s18 =	simm.s32 $0x1100;
	[sflag:s14] =	ssyncadd.s32 $0xFFFFC000  }
0x55: {  	[spmem:s2] =	stream.indirect.scatter.add.f32 [tilespmem:s12], [sflag:$0x3], $0x80, s18, s11, $0xb8;
	[tilespmem:$0xE100] =	vst v63  }
0x56: {  	_ =	swait.ge [sflag:s6], $0x4000  }
0x57: {  	[sflag:s6] =	ssyncset.done $0x0  }
0x58: {  	s19 =	rddreg [dreg:$0xd];
	[sflag:s6] =	ssyncadd.s32 $0xFFFFC000  }
0x59: {  	[tilespmem:s12], [sflag:$0x1] =	stream.indirect.gather [hbm4b:s10+s11], $0x80, s19, s11, $0xb8;
	[tilespmem:$0xE100] =	vst v63  }
0x5a: {  	_ = 	snop  }
0x5b: {  	[spmem:s3] =	stream.indirect.scatter.add.f32 [tilespmem:s15], [sflag:$0x3], $0x1, s18, s11, $0xb8;
	[tilespmem:$0xE100] =	vst v63  }
0x5c: {  	_ =	swait.ge [sflag:s6], $0x80  }
0x5d: {  	[sflag:s6] =	ssyncset.done $0x0  }
0x5e: {  	[sflag:s6] =	ssyncadd.s32 $0xFFFFFF80  }
0x5f: {  	_ =	swait.ge [sflag:s16], $0x4000  }
0x60: {  	[sflag:s16] =	ssyncset.done $0x0  }
0x61: {  	s19 =	simm.s32 $0x1180;
	[sflag:s16] =	ssyncadd.s32 $0xFFFFC000  }
0x62: {  	[spmem:s2] =	stream.indirect.scatter.add.f32 [tilespmem:s13], [sflag:$0x3], $0x80, s19, s11, $0xb8;
	[tilespmem:$0xE100] =	vst v63  }
0x63: {  	_ =	swait.ge [sflag:s6], $0x4000  }
0x64: {  	[sflag:s6] =	ssyncset.done $0x0  }
0x65: {  	s20 =	rddreg [dreg:$0xe];
	[sflag:s6] =	ssyncadd.s32 $0xFFFFC000  }
0x66: {  	[tilespmem:s13], [sflag:$0x2] =	stream.indirect.gather [hbm4b:s10+s11], $0x80, s20, s11, $0xb8;
	[tilespmem:$0xE100] =	vst v63  }
0x67: {  	_ = 	snop  }
0x68: {  	[spmem:s3] =	stream.indirect.scatter.add.f32 [tilespmem:s15], [sflag:$0x3], $0x1, s19, s11, $0xb8;
	[tilespmem:$0xE100] =	vst v63  }
0x69: {  	_ =	swait.ge [sflag:s6], $0x80  }
0x6a: {  	[sflag:s6] =	ssyncset.done $0x0  }
0x6b: {  	[sflag:s6] =	ssyncadd.s32 $0xFFFFFF80  }
0x6c: {  	_ =	swait.ge [sflag:s14], $0x4000  }
0x6d: {  	[sflag:s14] =	ssyncset.done $0x0  }
0x6e: {  	s20 =	simm.s32 $0x1200;
	[sflag:s14] =	ssyncadd.s32 $0xFFFFC000  }
0x6f: {  	[spmem:s2] =	stream.indirect.scatter.add.f32 [tilespmem:s12], [sflag:$0x3], $0x80, s20, s11, $0xb8;
	[tilespmem:$0xE100] =	vst v63  }
0x70: {  	_ =	swait.ge [sflag:s6], $0x4000  }
0x71: {  	[sflag:s6] =	ssyncset.done $0x0  }
0x72: {  	s21 =	rddreg [dreg:$0xf];
	[sflag:s6] =	ssyncadd.s32 $0xFFFFC000  }
0x73: {  	[tilespmem:s12], [sflag:$0x1] =	stream.indirect.gather [hbm4b:s10+s11], $0x80, s21, s11, $0xb8;
	[tilespmem:$0xE100] =	vst v63  }
0x74: {  	_ = 	snop  }
0x75: {  	[spmem:s3] =	stream.indirect.scatter.add.f32 [tilespmem:s15], [sflag:$0x3], $0x1, s20, s11, $0xb8;
	[tilespmem:$0xE100] =	vst v63  }
0x76: {  	_ =	swait.ge [sflag:s6], $0x80  }
0x77: {  	[sflag:s6] =	ssyncset.done $0x0  }
0x78: {  	[sflag:s6] =	ssyncadd.s32 $0xFFFFFF80  }
0x79: {  	_ =	swait.ge [sflag:s16], $0x4000  }
0x7a: {  	[sflag:s16] =	ssyncset.done $0x0  }
0x7b: {  	s21 =	simm.s32 $0x1280;
	[sflag:s16] =	ssyncadd.s32 $0xFFFFC000  }
0x7c: {  	[spmem:s2] =	stream.indirect.scatter.add.f32 [tilespmem:s13], [sflag:$0x3], $0x80, s21, s11, $0xb8;
	[tilespmem:$0xE100] =	vst v63  }
0x7d: {  	_ =	swait.ge [sflag:s6], $0x4000  }
0x7e: {  	[sflag:s6] =	ssyncset.done $0x0  }
0x7f: {  	s22 =	rddreg [dreg:$0x10];
	[sflag:s6] =	ssyncadd.s32 $0xFFFFC000  }
0x80: {  	[tilespmem:s13], [sflag:$0x2] =	stream.indirect.gather [hbm4b:s10+s11], $0x80, s22, s11, $0xb8;
	[tilespmem:$0xE100] =	vst v63  }
0x81: {  	_ = 	snop  }
0x82: {  	[spmem:s3] =	stream.indirect.scatter.add.f32 [tilespmem:s15], [sflag:$0x3], $0x1, s21, s11, $0xb8;
	[tilespmem:$0xE100] =	vst v63  }
0x83: {  	_ =	swait.ge [sflag:s6], $0x80  }
0x84: {  	[sflag:s6] =	ssyncset.done $0x0  }
0x85: {  	[sflag:s6] =	ssyncadd.s32 $0xFFFFFF80  }
0x86: {  	_ =	swait.ge [sflag:s14], $0x4000  }
0x87: {  	[sflag:s14] =	ssyncset.done $0x0  }
0x88: {  	s22 =	simm.s32 $0x1300;
	[sflag:s14] =	ssyncadd.s32 $0xFFFFC000  }
0x89: {  	[spmem:s2] =	stream.indirect.scatter.add.f32 [tilespmem:s12], [sflag:$0x3], $0x80, s22, s11, $0xb8;
	[tilespmem:$0xE100] =	vst v63  }
0x8a: {  	_ =	swait.ge [sflag:s6], $0x4000  }
0x8b: {  	[sflag:s6] =	ssyncset.done $0x0  }
0x8c: {  	s23 =	rddreg [dreg:$0x11];
	[sflag:s6] =	ssyncadd.s32 $0xFFFFC000  }
0x8d: {  	[tilespmem:s12], [sflag:$0x1] =	stream.indirect.gather [hbm4b:s10+s11], $0x80, s23, s11, $0xb8;
	[tilespmem:$0xE100] =	vst v63  }
0x8e: {  	_ = 	snop  }
0x8f: {  	[spmem:s3] =	stream.indirect.scatter.add.f32 [tilespmem:s15], [sflag:$0x3], $0x1, s22, s11, $0xb8;
	[tilespmem:$0xE100] =	vst v63  }
0x90: {  	_ =	swait.ge [sflag:s6], $0x80  }
0x91: {  	[sflag:s6] =	ssyncset.done $0x0  }
0x92: {  	[sflag:s6] =	ssyncadd.s32 $0xFFFFFF80  }
0x93: {  	_ =	swait.ge [sflag:s16], $0x4000  }
0x94: {  	[sflag:s16] =	ssyncset.done $0x0  }
0x95: {  	s23 =	simm.s32 $0x1380;
	[sflag:s16] =	ssyncadd.s32 $0xFFFFC000  }
0x96: {  	[spmem:s2] =	stream.indirect.scatter.add.f32 [tilespmem:s13], [sflag:$0x3], $0x80, s23, s11, $0xb8;
	[tilespmem:$0xE100] =	vst v63  }
0x97: {  	_ =	swait.ge [sflag:s6], $0x4000  }
0x98: {  	[sflag:s6] =	ssyncset.done $0x0  }
0x99: {  	s24 =	rddreg [dreg:$0x12];
	[sflag:s6] =	ssyncadd.s32 $0xFFFFC000  }
0x9a: {  	[tilespmem:s13], [sflag:$0x2] =	stream.indirect.gather [hbm4b:s10+s11], $0x80, s24, s11, $0xb8;
	[tilespmem:$0xE100] =	vst v63  }
0x9b: {  	_ = 	snop  }
0x9c: {  	[spmem:s3] =	stream.indirect.scatter.add.f32 [tilespmem:s15], [sflag:$0x3], $0x1, s23, s11, $0xb8;
	[tilespmem:$0xE100] =	vst v63  }
0x9d: {  	_ =	swait.ge [sflag:s6], $0x80  }
0x9e: {  	[sflag:s6] =	ssyncset.done $0x0  }
0x9f: {  	[sflag:s6] =	ssyncadd.s32 $0xFFFFFF80  }
0xa0: {  	_ =	swait.ge [sflag:s14], $0x4000  }
0xa1: {  	[sflag:s14] =	ssyncset.done $0x0  }
0xa2: {  	s24 =	simm.s32 $0x1400;
	[sflag:s14] =	ssyncadd.s32 $0xFFFFC000  }
0xa3: {  	[spmem:s2] =	stream.indirect.scatter.add.f32 [tilespmem:s12], [sflag:$0x3], $0x80, s24, s11, $0xb8;
	[tilespmem:$0xE100] =	vst v63  }
0xa4: {  	_ =	swait.ge [sflag:s6], $0x4000  }
0xa5: {  	[sflag:s6] =	ssyncset.done $0x0  }
0xa6: {  	s25 =	rddreg [dreg:$0x13];
	[sflag:s6] =	ssyncadd.s32 $0xFFFFC000  }
0xa7: {  	[tilespmem:s12], [sflag:$0x1] =	stream.indirect.gather [hbm4b:s10+s11], $0x80, s25, s11, $0xb8;
	[tilespmem:$0xE100] =	vst v63  }
0xa8: {  	_ = 	snop  }
0xa9: {  	[spmem:s3] =	stream.indirect.scatter.add.f32 [tilespmem:s15], [sflag:$0x3], $0x1, s24, s11, $0xb8;
	[tilespmem:$0xE100] =	vst v63  }
0xaa: {  	_ =	swait.ge [sflag:s6], $0x80  }
0xab: {  	[sflag:s6] =	ssyncset.done $0x0  }
0xac: {  	[sflag:s6] =	ssyncadd.s32 $0xFFFFFF80  }
0xad: {  	_ =	swait.ge [sflag:s16], $0x4000  }
0xae: {  	[sflag:s16] =	ssyncset.done $0x0  }
0xaf: {  	s25 =	simm.s32 $0x1480;
	[sflag:s16] =	ssyncadd.s32 $0xFFFFC000  }
0xb0: {  	[spmem:s2] =	stream.indirect.scatter.add.f32 [tilespmem:s13], [sflag:$0x3], $0x80, s25, s11, $0xb8;
	[tilespmem:$0xE100] =	vst v63  }
0xb1: {  	_ =	swait.ge [sflag:s6], $0x4000  }
0xb2: {  	[sflag:s6] =	ssyncset.done $0x0  }
0xb3: {  	s26 =	rddreg [dreg:$0x14];
	[sflag:s6] =	ssyncadd.s32 $0xFFFFC000  }
0xb4: {  	[tilespmem:s13], [sflag:$0x2] =	stream.indirect.gather [hbm4b:s10+s11], $0x80, s26, s11, $0xb8;
	[tilespmem:$0xE100] =	vst v63  }
0xb5: {  	_ = 	snop  }
0xb6: {  	[spmem:s3] =	stream.indirect.scatter.add.f32 [tilespmem:s15], [sflag:$0x3], $0x1, s25, s11, $0xb8;
	[tilespmem:$0xE100] =	vst v63  }
0xb7: {  	_ =	swait.ge [sflag:s6], $0x80  }
0xb8: {  	[sflag:s6] =	ssyncset.done $0x0  }
0xb9: {  	[sflag:s6] =	ssyncadd.s32 $0xFFFFFF80  }
0xba: {  	_ =	swait.ge [sflag:s14], $0x4000  }
0xbb: {  	[sflag:s14] =	ssyncset.done $0x0  }
0xbc: {  	s26 =	simm.s32 $0x1500;
	[sflag:s14] =	ssyncadd.s32 $0xFFFFC000  }
0xbd: {  	[spmem:s2] =	stream.indirect.scatter.add.f32 [tilespmem:s12], [sflag:$0x3], $0x80, s26, s11, $0xb8;
	[tilespmem:$0xE100] =	vst v63  }
0xbe: {  	_ =	swait.ge [sflag:s6], $0x4000  }
0xbf: {  	[sflag:s6] =	ssyncset.done $0x0  }
0xc0: {  	s17 =	rddreg [dreg:$0x15];
	[sflag:s6] =	ssyncadd.s32 $0xFFFFC000  }
0xc1: {  	[tilespmem:s12], [sflag:$0x1] =	stream.indirect.gather [hbm4b:s10+s11], $0x80, s17, s11, $0xb8;
	[tilespmem:$0xE100] =	vst v63  }
0xc2: {  	_ = 	snop  }
0xc3: {  	[spmem:s3] =	stream.indirect.scatter.add.f32 [tilespmem:s15], [sflag:$0x3], $0x1, s26, s11, $0xb8;
	[tilespmem:$0xE100] =	vst v63  }
0xc4: {  	_ =	swait.ge [sflag:s6], $0x80  }
0xc5: {  	[sflag:s6] =	ssyncset.done $0x0  }
0xc6: {  	[sflag:s6] =	ssyncadd.s32 $0xFFFFFF80  }
0xc7: {  	_ =	swait.ge [sflag:s16], $0x4000  }
0xc8: {  	[sflag:s16] =	ssyncset.done $0x0  }
0xc9: {  	s28 =	simm.s32 $0x1580;
	[sflag:s16] =	ssyncadd.s32 $0xFFFFC000  }
0xca: {  	[spmem:s2] =	stream.indirect.scatter.add.f32 [tilespmem:s13], [sflag:$0x3], $0x80, s28, s11, $0xb8;
	[tilespmem:$0xE100] =	vst v63  }
0xcb: {  	_ =	swait.ge [sflag:s6], $0x4000  }
0xcc: {  	[sflag:s6] =	ssyncset.done $0x0  }
0xcd: {  	s18 =	rddreg [dreg:$0x16];
	[sflag:s6] =	ssyncadd.s32 $0xFFFFC000  }
0xce: {  	[tilespmem:s13], [sflag:$0x2] =	stream.indirect.gather [hbm4b:s10+s11], $0x80, s18, s11, $0xb8;
	[tilespmem:$0xE100] =	vst v63  }
0xcf: {  	_ = 	snop  }
0xd0: {  	[spmem:s3] =	stream.indirect.scatter.add.f32 [tilespmem:s15], [sflag:$0x3], $0x1, s28, s11, $0xb8;
	[tilespmem:$0xE100] =	vst v63  }
0xd1: {  	_ =	swait.ge [sflag:s6], $0x80  }
0xd2: {  	[sflag:s6] =	ssyncset.done $0x0  }
0xd3: {  	[sflag:s6] =	ssyncadd.s32 $0xFFFFFF80  }
0xd4: {  	_ =	swait.ge [sflag:s14], $0x4000  }
0xd5: {  	[sflag:s14] =	ssyncset.done $0x0  }
0xd6: {  	s29 =	simm.s32 $0x1600;
	[sflag:s14] =	ssyncadd.s32 $0xFFFFC000  }
0xd7: {  	[spmem:s2] =	stream.indirect.scatter.add.f32 [tilespmem:s12], [sflag:$0x3], $0x80, s29, s11, $0xb8;
	[tilespmem:$0xE100] =	vst v63  }
0xd8: {  	_ =	swait.ge [sflag:s6], $0x4000  }
0xd9: {  	[sflag:s6] =	ssyncset.done $0x0  }
0xda: {  	s17 =	rddreg [dreg:$0x17];
	[sflag:s6] =	ssyncadd.s32 $0xFFFFC000  }
0xdb: {  	[tilespmem:s12], [sflag:$0x1] =	stream.indirect.gather [hbm4b:s10+s11], $0x80, s17, s11, $0xb8;
	[tilespmem:$0xE100] =	vst v63  }
0xdc: {  	_ = 	snop  }
0xdd: {  	[spmem:s3] =	stream.indirect.scatter.add.f32 [tilespmem:s15], [sflag:$0x3], $0x1, s29, s11, $0xb8;
	[tilespmem:$0xE100] =	vst v63  }
0xde: {  	_ =	swait.ge [sflag:s6], $0x80  }
0xdf: {  	[sflag:s6] =	ssyncset.done $0x0  }
0xe0: {  	[sflag:s6] =	ssyncadd.s32 $0xFFFFFF80  }
0xe1: {  	_ =	swait.ge [sflag:s16], $0x4000  }
0xe2: {  	[sflag:s16] =	ssyncset.done $0x0  }
0xe3: {  	s30 =	simm.s32 $0x1680;
	[sflag:s16] =	ssyncadd.s32 $0xFFFFC000  }
0xe4: {  	[spmem:s2] =	stream.indirect.scatter.add.f32 [tilespmem:s13], [sflag:$0x3], $0x80, s30, s11, $0xb8;
	[tilespmem:$0xE100] =	vst v63  }
0xe5: {  	_ =	swait.ge [sflag:s6], $0x4000  }
0xe6: {  	[sflag:s6] =	ssyncset.done $0x0  }
0xe7: {  	s18 =	rddreg [dreg:$0x18];
	[sflag:s6] =	ssyncadd.s32 $0xFFFFC000  }
0xe8: {  	[tilespmem:s13], [sflag:$0x2] =	stream.indirect.gather [hbm4b:s10+s11], $0x80, s18, s11, $0xb8;
	[tilespmem:$0xE100] =	vst v63  }
0xe9: {  	_ = 	snop  }
0xea: {  	[spmem:s3] =	stream.indirect.scatter.add.f32 [tilespmem:s15], [sflag:$0x3], $0x1, s30, s11, $0xb8;
	[tilespmem:$0xE100] =	vst v63  }
0xeb: {  	_ =	swait.ge [sflag:s6], $0x80  }
0xec: {  	[sflag:s6] =	ssyncset.done $0x0  }
0xed: {  	[sflag:s6] =	ssyncadd.s32 $0xFFFFFF80  }
0xee: {  	_ =	swait.ge [sflag:s14], $0x4000  }
0xef: {  	[sflag:s14] =	ssyncset.done $0x0  }
0xf0: {  	s31 =	simm.s32 $0x1700;
	[sflag:s14] =	ssyncadd.s32 $0xFFFFC000  }
0xf1: {  	[spmem:s2] =	stream.indirect.scatter.add.f32 [tilespmem:s12], [sflag:$0x3], $0x80, s31, s11, $0xb8;
	[tilespmem:$0xE100] =	vst v63  }
0xf2: {  	_ =	swait.ge [sflag:s6], $0x4000  }
0xf3: {  	[sflag:s6] =	ssyncset.done $0x0  }
0xf4: {  	[sflag:s6] =	ssyncadd.s32 $0xFFFFC000  }
0xf5: {  	[spmem:s3] =	stream.indirect.scatter.add.f32 [tilespmem:s15], [sflag:$0x3], $0x1, s31, s11, $0xb8;
	[tilespmem:$0xE100] =	vst v63  }
0xf6: {  	_ =	swait.ge [sflag:s6], $0x80  }
0xf7: {  	[sflag:s6] =	ssyncset.done $0x0  }
0xf8: {  	[sflag:s6] =	ssyncadd.s32 $0xFFFFFF80  }
0xf9: {  	_ =	swait.ge [sflag:s16], $0x4000  }
0xfa: {  	[sflag:s16] =	ssyncset.done $0x0  }
0xfb: {  	s0 =	simm.s32 $0x1780;
	s17 =	ssub.s32 $0x2, s1;
	[sflag:s16] =	ssyncadd.s32 $0xFFFFC000  }
0xfc: {  	[spmem:s2] =	stream.indirect.scatter.add.f32 [tilespmem:s13], [sflag:$0x3], $0x80, s0, s11, $0xb8;
	[tilespmem:$0xE100] =	vst v63  }
0xfd: {  	s1 =	sshrl.u32 s17, $0x1;
	_ =	swait.ge [sflag:s6], $0x4000  }
0xfe: {  	s1 =	ssub.s32 s17, s1;
	[sflag:s6] =	ssyncset.done $0x0  }
0xff: {  	s1 =	smax.u32 s1, $0x1;
	[sflag:s6] =	ssyncadd.s32 $0xFFFFC000  }
0x100: {  	[spmem:s3] =	stream.indirect.scatter.add.f32 [tilespmem:s15], [sflag:$0x3], $0x1, s0, s11, $0xb8;
	[tilespmem:$0xE100] =	vst v63  }
0x101: {  	p0 =	sne.s32 s1, $0x1;
	_ =	swait.ge [sflag:s6], $0x80  }
.Ltmp0:
0x102: {  	[sflag:s6] =	ssyncset.done $0x0;
	(pc) =	sbr.rel @!p0 .LBB2_2-.Ltmp0, $4  }
0x103: {  	[sflag:s6] =	ssyncadd.s32 $0xFFFFFF80  }
0x104: {  	[bflag:$0x0] =	sbarrier.arrive $0xFFFF  }
0x105: {  	s1 =	sadd.s32 $0xFFFFFFFF, s1;
	s18 =	rddreg [dreg:$0x9]  }
0x106: {  	[hbm:s18], [sflag:s5] =	dma.local [spmem:s7], $0x800  }
.LBB2_1:
0x107: {  	_ =	swait.ge [sflag:s6], $0x800  }
0x108: {  	[sflag:s6] =	ssyncset.done $0x0  }
0x109: {  	s17 =	rddreg [dreg:$0xa];
	[sflag:s6] =	ssyncadd.s32 $0xFFFFF800  }
0x10a: {  	[hbm:s17], [sflag:s5] =	dma.local [spmem:s8], $0x10  }
0x10b: {  	_ =	swait.ge [sflag:s6], $0x10  }
0x10c: {  	[sflag:s6] =	ssyncset.done $0x0  }
0x10d: {  	s18 =	rddreg [dreg:$0x5];
	[sflag:s6] =	ssyncadd.s32 $0xFFFFFFF0  }
0x10e: {  	[spmem:s7], [sflag:s5] =	dma.local [hbm:s18], $0x800  }
0x10f: {  	_ =	swait.ge [sflag:s6], $0x800  }
0x110: {  	[sflag:s6] =	ssyncset.done $0x0  }
0x111: {  	s18 =	rddreg [dreg:$0x6];
	[sflag:s6] =	ssyncadd.s32 $0xFFFFF800  }
0x112: {  	[spmem:s8], [sflag:s5] =	dma.local [hbm:s18], $0x10  }
0x113: {  	_ =	swait.ge [sflag:s6], $0x10  }
0x114: {  	[sflag:s6] =	ssyncset.done $0x0  }
0x115: {  	[sflag:s6] =	ssyncadd.s32 $0xFFFFFFF0  }
0x116: {  	[tilespmem:$0xA070] =	vst v0  }
0x117: {  	[tilespmem:$0xA060] =	vst v0  }
0x118: {  	[tilespmem:$0xA050] =	vst v0  }
0x119: {  	[tilespmem:$0xA040] =	vst v0  }
0x11a: {  	[tilespmem:$0xA030] =	vst v0  }
0x11b: {  	[tilespmem:$0xA020] =	vst v0  }
0x11c: {  	[tilespmem:$0xA000] =	vst v0  }
0x11d: {  	s18 =	rddreg [dreg:$0x7];
	[tilespmem:$0xA010] =	vst v0  }
0x11e: {  	[tilespmem:s4], [sflag:$0x3] =	stream.linear.gather [hbm4b:s18+s4], $0x800, $0x38;
	[tilespmem:$0xE100] =	vst v63  }
0x11f: {  	_ =	swait.ge [sflag:s6], $0x800  }
0x120: {  	[sflag:s6] =	ssyncset.done $0x0  }
0x121: {  	s18 =	rddreg [dreg:$0x8];
	[sflag:s6] =	ssyncadd.s32 $0xFFFFF800  }
0x122: {  	[tilespmem:s9], [sflag:$0x3] =	stream.linear.gather [hbm4b:s18+s4], $0x800, $0x38;
	[tilespmem:$0xE100] =	vst v63  }
0x123: {  	_ =	swait.ge [sflag:s6], $0x800  }
0x124: {  	[sflag:s6] =	ssyncset.done $0x0  }
0x125: {  	[sflag:s6] =	ssyncadd.s32 $0xFFFFF800  }
0x126: {  	[bflag:$0x0] =	sbarrier.arrive $0xFFFF  }
0x127: {  	[tilespmem:s12], [sflag:$0x1] =	stream.indirect.gather [hbm4b:s10+s11], $0x80, s4, s11, $0xb8;
	[tilespmem:$0xE100] =	vst v63  }
0x128: {  	_ = 	snop  }
0x129: {  	[tilespmem:s13], [sflag:$0x2] =	stream.indirect.gather [hbm4b:s10+s11], $0x80, s11, s11, $0xb8;
	[tilespmem:$0xE100] =	vst v63  }
0x12a: {  	_ =	swait.ge [sflag:s14], $0x4000  }
0x12b: {  	[sflag:s14] =	ssyncset.done $0x0  }
0x12c: {  	[sflag:s14] =	ssyncadd.s32 $0xFFFFC000  }
0x12d: {  	[spmem:s2] =	stream.indirect.scatter.add.f32 [tilespmem:s12], [sflag:$0x3], $0x80, s9, s11, $0xb8;
	[tilespmem:$0xE100] =	vst v63  }
0x12e: {  	_ =	swait.ge [sflag:s6], $0x4000  }
0x12f: {  	[sflag:s6] =	ssyncset.done $0x0  }
0x130: {  	s18 =	rddreg [dreg:$0xb];
	[sflag:s6] =	ssyncadd.s32 $0xFFFFC000  }
0x131: {  	[tilespmem:s12], [sflag:$0x1] =	stream.indirect.gather [hbm4b:s10+s11], $0x80, s18, s11, $0xb8;
	[tilespmem:$0xE100] =	vst v63  }
0x132: {  	_ = 	snop  }
0x133: {  	[spmem:s3] =	stream.indirect.scatter.add.f32 [tilespmem:s15], [sflag:$0x3], $0x1, s9, s11, $0xb8;
	[tilespmem:$0xE100] =	vst v63  }
0x134: {  	_ =	swait.ge [sflag:s6], $0x80  }
0x135: {  	[sflag:s6] =	ssyncset.done $0x0  }
0x136: {  	[sflag:s6] =	ssyncadd.s32 $0xFFFFFF80  }
0x137: {  	_ =	swait.ge [sflag:s16], $0x4000  }
0x138: {  	[sflag:s16] =	ssyncset.done $0x0  }
0x139: {  	s18 =	simm.s32 $0x1080;
	[sflag:s16] =	ssyncadd.s32 $0xFFFFC000  }
0x13a: {  	[spmem:s2] =	stream.indirect.scatter.add.f32 [tilespmem:s13], [sflag:$0x3], $0x80, s18, s11, $0xb8;
	[tilespmem:$0xE100] =	vst v63  }
0x13b: {  	_ =	swait.ge [sflag:s6], $0x4000  }
0x13c: {  	[sflag:s6] =	ssyncset.done $0x0  }
0x13d: {  	s17 =	rddreg [dreg:$0xc];
	[sflag:s6] =	ssyncadd.s32 $0xFFFFC000  }
0x13e: {  	[tilespmem:s13], [sflag:$0x2] =	stream.indirect.gather [hbm4b:s10+s11], $0x80, s17, s11, $0xb8;
	[tilespmem:$0xE100] =	vst v63  }
0x13f: {  	_ = 	snop  }
0x140: {  	[spmem:s3] =	stream.indirect.scatter.add.f32 [tilespmem:s15], [sflag:$0x3], $0x1, s18, s11, $0xb8;
	[tilespmem:$0xE100] =	vst v63  }
0x141: {  	_ =	swait.ge [sflag:s6], $0x80  }
0x142: {  	[sflag:s6] =	ssyncset.done $0x0  }
0x143: {  	[sflag:s6] =	ssyncadd.s32 $0xFFFFFF80  }
0x144: {  	_ =	swait.ge [sflag:s14], $0x4000  }
0x145: {  	[sflag:s14] =	ssyncset.done $0x0  }
0x146: {  	s18 =	simm.s32 $0x1100;
	[sflag:s14] =	ssyncadd.s32 $0xFFFFC000  }
0x147: {  	[spmem:s2] =	stream.indirect.scatter.add.f32 [tilespmem:s12], [sflag:$0x3], $0x80, s18, s11, $0xb8;
	[tilespmem:$0xE100] =	vst v63  }
0x148: {  	_ =	swait.ge [sflag:s6], $0x4000  }
0x149: {  	[sflag:s6] =	ssyncset.done $0x0  }
0x14a: {  	s17 =	rddreg [dreg:$0xd];
	[sflag:s6] =	ssyncadd.s32 $0xFFFFC000  }
0x14b: {  	[tilespmem:s12], [sflag:$0x1] =	stream.indirect.gather [hbm4b:s10+s11], $0x80, s17, s11, $0xb8;
	[tilespmem:$0xE100] =	vst v63  }
0x14c: {  	_ = 	snop  }
0x14d: {  	[spmem:s3] =	stream.indirect.scatter.add.f32 [tilespmem:s15], [sflag:$0x3], $0x1, s18, s11, $0xb8;
	[tilespmem:$0xE100] =	vst v63  }
0x14e: {  	_ =	swait.ge [sflag:s6], $0x80  }
0x14f: {  	[sflag:s6] =	ssyncset.done $0x0  }
0x150: {  	[sflag:s6] =	ssyncadd.s32 $0xFFFFFF80  }
0x151: {  	_ =	swait.ge [sflag:s16], $0x4000  }
0x152: {  	[sflag:s16] =	ssyncset.done $0x0  }
0x153: {  	[sflag:s16] =	ssyncadd.s32 $0xFFFFC000  }
0x154: {  	[spmem:s2] =	stream.indirect.scatter.add.f32 [tilespmem:s13], [sflag:$0x3], $0x80, s19, s11, $0xb8;
	[tilespmem:$0xE100] =	vst v63  }
0x155: {  	_ =	swait.ge [sflag:s6], $0x4000  }
0x156: {  	[sflag:s6] =	ssyncset.done $0x0  }
0x157: {  	s18 =	rddreg [dreg:$0xe];
	[sflag:s6] =	ssyncadd.s32 $0xFFFFC000  }
0x158: {  	[tilespmem:s13], [sflag:$0x2] =	stream.indirect.gather [hbm4b:s10+s11], $0x80, s18, s11, $0xb8;
	[tilespmem:$0xE100] =	vst v63  }
0x159: {  	_ = 	snop  }
0x15a: {  	[spmem:s3] =	stream.indirect.scatter.add.f32 [tilespmem:s15], [sflag:$0x3], $0x1, s19, s11, $0xb8;
	[tilespmem:$0xE100] =	vst v63  }
0x15b: {  	_ =	swait.ge [sflag:s6], $0x80  }
0x15c: {  	[sflag:s6] =	ssyncset.done $0x0  }
0x15d: {  	[sflag:s6] =	ssyncadd.s32 $0xFFFFFF80  }
0x15e: {  	_ =	swait.ge [sflag:s14], $0x4000  }
0x15f: {  	[sflag:s14] =	ssyncset.done $0x0  }
0x160: {  	[sflag:s14] =	ssyncadd.s32 $0xFFFFC000  }
0x161: {  	[spmem:s2] =	stream.indirect.scatter.add.f32 [tilespmem:s12], [sflag:$0x3], $0x80, s20, s11, $0xb8;
	[tilespmem:$0xE100] =	vst v63  }
0x162: {  	_ =	swait.ge [sflag:s6], $0x4000  }
0x163: {  	[sflag:s6] =	ssyncset.done $0x0  }
0x164: {  	s18 =	rddreg [dreg:$0xf];
	[sflag:s6] =	ssyncadd.s32 $0xFFFFC000  }
0x165: {  	[tilespmem:s12], [sflag:$0x1] =	stream.indirect.gather [hbm4b:s10+s11], $0x80, s18, s11, $0xb8;
	[tilespmem:$0xE100] =	vst v63  }
0x166: {  	_ = 	snop  }
0x167: {  	[spmem:s3] =	stream.indirect.scatter.add.f32 [tilespmem:s15], [sflag:$0x3], $0x1, s20, s11, $0xb8;
	[tilespmem:$0xE100] =	vst v63  }
0x168: {  	_ =	swait.ge [sflag:s6], $0x80  }
0x169: {  	[sflag:s6] =	ssyncset.done $0x0  }
0x16a: {  	[sflag:s6] =	ssyncadd.s32 $0xFFFFFF80  }
0x16b: {  	_ =	swait.ge [sflag:s16], $0x4000  }
0x16c: {  	[sflag:s16] =	ssyncset.done $0x0  }
0x16d: {  	[sflag:s16] =	ssyncadd.s32 $0xFFFFC000  }
0x16e: {  	[spmem:s2] =	stream.indirect.scatter.add.f32 [tilespmem:s13], [sflag:$0x3], $0x80, s21, s11, $0xb8;
	[tilespmem:$0xE100] =	vst v63  }
0x16f: {  	_ =	swait.ge [sflag:s6], $0x4000  }
0x170: {  	[sflag:s6] =	ssyncset.done $0x0  }
0x171: {  	s18 =	rddreg [dreg:$0x10];
	[sflag:s6] =	ssyncadd.s32 $0xFFFFC000  }
0x172: {  	[tilespmem:s13], [sflag:$0x2] =	stream.indirect.gather [hbm4b:s10+s11], $0x80, s18, s11, $0xb8;
	[tilespmem:$0xE100] =	vst v63  }
0x173: {  	_ = 	snop  }
0x174: {  	[spmem:s3] =	stream.indirect.scatter.add.f32 [tilespmem:s15], [sflag:$0x3], $0x1, s21, s11, $0xb8;
	[tilespmem:$0xE100] =	vst v63  }
0x175: {  	_ =	swait.ge [sflag:s6], $0x80  }
0x176: {  	[sflag:s6] =	ssyncset.done $0x0  }
0x177: {  	[sflag:s6] =	ssyncadd.s32 $0xFFFFFF80  }
0x178: {  	_ =	swait.ge [sflag:s14], $0x4000  }
0x179: {  	[sflag:s14] =	ssyncset.done $0x0  }
0x17a: {  	[sflag:s14] =	ssyncadd.s32 $0xFFFFC000  }
0x17b: {  	[spmem:s2] =	stream.indirect.scatter.add.f32 [tilespmem:s12], [sflag:$0x3], $0x80, s22, s11, $0xb8;
	[tilespmem:$0xE100] =	vst v63  }
0x17c: {  	_ =	swait.ge [sflag:s6], $0x4000  }
0x17d: {  	[sflag:s6] =	ssyncset.done $0x0  }
0x17e: {  	s18 =	rddreg [dreg:$0x11];
	[sflag:s6] =	ssyncadd.s32 $0xFFFFC000  }
0x17f: {  	[tilespmem:s12], [sflag:$0x1] =	stream.indirect.gather [hbm4b:s10+s11], $0x80, s18, s11, $0xb8;
	[tilespmem:$0xE100] =	vst v63  }
0x180: {  	_ = 	snop  }
0x181: {  	[spmem:s3] =	stream.indirect.scatter.add.f32 [tilespmem:s15], [sflag:$0x3], $0x1, s22, s11, $0xb8;
	[tilespmem:$0xE100] =	vst v63  }
0x182: {  	_ =	swait.ge [sflag:s6], $0x80  }
0x183: {  	[sflag:s6] =	ssyncset.done $0x0  }
0x184: {  	[sflag:s6] =	ssyncadd.s32 $0xFFFFFF80  }
0x185: {  	_ =	swait.ge [sflag:s16], $0x4000  }
0x186: {  	[sflag:s16] =	ssyncset.done $0x0  }
0x187: {  	[sflag:s16] =	ssyncadd.s32 $0xFFFFC000  }
0x188: {  	[spmem:s2] =	stream.indirect.scatter.add.f32 [tilespmem:s13], [sflag:$0x3], $0x80, s23, s11, $0xb8;
	[tilespmem:$0xE100] =	vst v63  }
0x189: {  	_ =	swait.ge [sflag:s6], $0x4000  }
0x18a: {  	[sflag:s6] =	ssyncset.done $0x0  }
0x18b: {  	s18 =	rddreg [dreg:$0x12];
	[sflag:s6] =	ssyncadd.s32 $0xFFFFC000  }
0x18c: {  	[tilespmem:s13], [sflag:$0x2] =	stream.indirect.gather [hbm4b:s10+s11], $0x80, s18, s11, $0xb8;
	[tilespmem:$0xE100] =	vst v63  }
0x18d: {  	_ = 	snop  }
0x18e: {  	[spmem:s3] =	stream.indirect.scatter.add.f32 [tilespmem:s15], [sflag:$0x3], $0x1, s23, s11, $0xb8;
	[tilespmem:$0xE100] =	vst v63  }
0x18f: {  	_ =	swait.ge [sflag:s6], $0x80  }
0x190: {  	[sflag:s6] =	ssyncset.done $0x0  }
0x191: {  	[sflag:s6] =	ssyncadd.s32 $0xFFFFFF80  }
0x192: {  	_ =	swait.ge [sflag:s14], $0x4000  }
0x193: {  	[sflag:s14] =	ssyncset.done $0x0  }
0x194: {  	[sflag:s14] =	ssyncadd.s32 $0xFFFFC000  }
0x195: {  	[spmem:s2] =	stream.indirect.scatter.add.f32 [tilespmem:s12], [sflag:$0x3], $0x80, s24, s11, $0xb8;
	[tilespmem:$0xE100] =	vst v63  }
0x196: {  	_ =	swait.ge [sflag:s6], $0x4000  }
0x197: {  	[sflag:s6] =	ssyncset.done $0x0  }
0x198: {  	s18 =	rddreg [dreg:$0x13];
	[sflag:s6] =	ssyncadd.s32 $0xFFFFC000  }
0x199: {  	[tilespmem:s12], [sflag:$0x1] =	stream.indirect.gather [hbm4b:s10+s11], $0x80, s18, s11, $0xb8;
	[tilespmem:$0xE100] =	vst v63  }
0x19a: {  	_ = 	snop  }
0x19b: {  	[spmem:s3] =	stream.indirect.scatter.add.f32 [tilespmem:s15], [sflag:$0x3], $0x1, s24, s11, $0xb8;
	[tilespmem:$0xE100] =	vst v63  }
0x19c: {  	_ =	swait.ge [sflag:s6], $0x80  }
0x19d: {  	[sflag:s6] =	ssyncset.done $0x0  }
0x19e: {  	[sflag:s6] =	ssyncadd.s32 $0xFFFFFF80  }
0x19f: {  	_ =	swait.ge [sflag:s16], $0x4000  }
0x1a0: {  	[sflag:s16] =	ssyncset.done $0x0  }
0x1a1: {  	[sflag:s16] =	ssyncadd.s32 $0xFFFFC000  }
0x1a2: {  	[spmem:s2] =	stream.indirect.scatter.add.f32 [tilespmem:s13], [sflag:$0x3], $0x80, s25, s11, $0xb8;
	[tilespmem:$0xE100] =	vst v63  }
0x1a3: {  	_ =	swait.ge [sflag:s6], $0x4000  }
0x1a4: {  	[sflag:s6] =	ssyncset.done $0x0  }
0x1a5: {  	s18 =	rddreg [dreg:$0x14];
	[sflag:s6] =	ssyncadd.s32 $0xFFFFC000  }
0x1a6: {  	[tilespmem:s13], [sflag:$0x2] =	stream.indirect.gather [hbm4b:s10+s11], $0x80, s18, s11, $0xb8;
	[tilespmem:$0xE100] =	vst v63  }
0x1a7: {  	_ = 	snop  }
0x1a8: {  	[spmem:s3] =	stream.indirect.scatter.add.f32 [tilespmem:s15], [sflag:$0x3], $0x1, s25, s11, $0xb8;
	[tilespmem:$0xE100] =	vst v63  }
0x1a9: {  	_ =	swait.ge [sflag:s6], $0x80  }
0x1aa: {  	[sflag:s6] =	ssyncset.done $0x0  }
0x1ab: {  	[sflag:s6] =	ssyncadd.s32 $0xFFFFFF80  }
0x1ac: {  	_ =	swait.ge [sflag:s14], $0x4000  }
0x1ad: {  	[sflag:s14] =	ssyncset.done $0x0  }
0x1ae: {  	[sflag:s14] =	ssyncadd.s32 $0xFFFFC000  }
0x1af: {  	[spmem:s2] =	stream.indirect.scatter.add.f32 [tilespmem:s12], [sflag:$0x3], $0x80, s26, s11, $0xb8;
	[tilespmem:$0xE100] =	vst v63  }
0x1b0: {  	_ =	swait.ge [sflag:s6], $0x4000  }
0x1b1: {  	[sflag:s6] =	ssyncset.done $0x0  }
0x1b2: {  	s18 =	rddreg [dreg:$0x15];
	[sflag:s6] =	ssyncadd.s32 $0xFFFFC000  }
0x1b3: {  	[tilespmem:s12], [sflag:$0x1] =	stream.indirect.gather [hbm4b:s10+s11], $0x80, s18, s11, $0xb8;
	[tilespmem:$0xE100] =	vst v63  }
0x1b4: {  	_ = 	snop  }
0x1b5: {  	[spmem:s3] =	stream.indirect.scatter.add.f32 [tilespmem:s15], [sflag:$0x3], $0x1, s26, s11, $0xb8;
	[tilespmem:$0xE100] =	vst v63  }
0x1b6: {  	_ =	swait.ge [sflag:s6], $0x80  }
0x1b7: {  	[sflag:s6] =	ssyncset.done $0x0  }
0x1b8: {  	[sflag:s6] =	ssyncadd.s32 $0xFFFFFF80  }
0x1b9: {  	_ =	swait.ge [sflag:s16], $0x4000  }
0x1ba: {  	[sflag:s16] =	ssyncset.done $0x0  }
0x1bb: {  	[sflag:s16] =	ssyncadd.s32 $0xFFFFC000  }
0x1bc: {  	[spmem:s2] =	stream.indirect.scatter.add.f32 [tilespmem:s13], [sflag:$0x3], $0x80, s28, s11, $0xb8;
	[tilespmem:$0xE100] =	vst v63  }
0x1bd: {  	_ =	swait.ge [sflag:s6], $0x4000  }
0x1be: {  	[sflag:s6] =	ssyncset.done $0x0  }
0x1bf: {  	s18 =	rddreg [dreg:$0x16];
	[sflag:s6] =	ssyncadd.s32 $0xFFFFC000  }
0x1c0: {  	[tilespmem:s13], [sflag:$0x2] =	stream.indirect.gather [hbm4b:s10+s11], $0x80, s18, s11, $0xb8;
	[tilespmem:$0xE100] =	vst v63  }
0x1c1: {  	_ = 	snop  }
0x1c2: {  	[spmem:s3] =	stream.indirect.scatter.add.f32 [tilespmem:s15], [sflag:$0x3], $0x1, s28, s11, $0xb8;
	[tilespmem:$0xE100] =	vst v63  }
0x1c3: {  	_ =	swait.ge [sflag:s6], $0x80  }
0x1c4: {  	[sflag:s6] =	ssyncset.done $0x0  }
0x1c5: {  	[sflag:s6] =	ssyncadd.s32 $0xFFFFFF80  }
0x1c6: {  	_ =	swait.ge [sflag:s14], $0x4000  }
0x1c7: {  	[sflag:s14] =	ssyncset.done $0x0  }
0x1c8: {  	[sflag:s14] =	ssyncadd.s32 $0xFFFFC000  }
0x1c9: {  	[spmem:s2] =	stream.indirect.scatter.add.f32 [tilespmem:s12], [sflag:$0x3], $0x80, s29, s11, $0xb8;
	[tilespmem:$0xE100] =	vst v63  }
0x1ca: {  	_ =	swait.ge [sflag:s6], $0x4000  }
0x1cb: {  	[sflag:s6] =	ssyncset.done $0x0  }
0x1cc: {  	s18 =	rddreg [dreg:$0x17];
	[sflag:s6] =	ssyncadd.s32 $0xFFFFC000  }
0x1cd: {  	[tilespmem:s12], [sflag:$0x1] =	stream.indirect.gather [hbm4b:s10+s11], $0x80, s18, s11, $0xb8;
	[tilespmem:$0xE100] =	vst v63  }
0x1ce: {  	_ = 	snop  }
0x1cf: {  	[spmem:s3] =	stream.indirect.scatter.add.f32 [tilespmem:s15], [sflag:$0x3], $0x1, s29, s11, $0xb8;
	[tilespmem:$0xE100] =	vst v63  }
0x1d0: {  	_ =	swait.ge [sflag:s6], $0x80  }
0x1d1: {  	[sflag:s6] =	ssyncset.done $0x0  }
0x1d2: {  	[sflag:s6] =	ssyncadd.s32 $0xFFFFFF80  }
0x1d3: {  	_ =	swait.ge [sflag:s16], $0x4000  }
0x1d4: {  	[sflag:s16] =	ssyncset.done $0x0  }
0x1d5: {  	[sflag:s16] =	ssyncadd.s32 $0xFFFFC000  }
0x1d6: {  	[spmem:s2] =	stream.indirect.scatter.add.f32 [tilespmem:s13], [sflag:$0x3], $0x80, s30, s11, $0xb8;
	[tilespmem:$0xE100] =	vst v63  }
0x1d7: {  	_ =	swait.ge [sflag:s6], $0x4000  }
0x1d8: {  	[sflag:s6] =	ssyncset.done $0x0  }
0x1d9: {  	s18 =	rddreg [dreg:$0x18];
	[sflag:s6] =	ssyncadd.s32 $0xFFFFC000  }
0x1da: {  	[tilespmem:s13], [sflag:$0x2] =	stream.indirect.gather [hbm4b:s10+s11], $0x80, s18, s11, $0xb8;
	[tilespmem:$0xE100] =	vst v63  }
0x1db: {  	_ = 	snop  }
0x1dc: {  	[spmem:s3] =	stream.indirect.scatter.add.f32 [tilespmem:s15], [sflag:$0x3], $0x1, s30, s11, $0xb8;
	[tilespmem:$0xE100] =	vst v63  }
0x1dd: {  	_ =	swait.ge [sflag:s6], $0x80  }
0x1de: {  	[sflag:s6] =	ssyncset.done $0x0  }
0x1df: {  	[sflag:s6] =	ssyncadd.s32 $0xFFFFFF80  }
0x1e0: {  	_ =	swait.ge [sflag:s14], $0x4000  }
0x1e1: {  	[sflag:s14] =	ssyncset.done $0x0  }
0x1e2: {  	[sflag:s14] =	ssyncadd.s32 $0xFFFFC000  }
0x1e3: {  	[spmem:s2] =	stream.indirect.scatter.add.f32 [tilespmem:s12], [sflag:$0x3], $0x80, s31, s11, $0xb8;
	[tilespmem:$0xE100] =	vst v63  }
0x1e4: {  	_ =	swait.ge [sflag:s6], $0x4000  }
0x1e5: {  	[sflag:s6] =	ssyncset.done $0x0  }
0x1e6: {  	[sflag:s6] =	ssyncadd.s32 $0xFFFFC000  }
0x1e7: {  	[spmem:s3] =	stream.indirect.scatter.add.f32 [tilespmem:s15], [sflag:$0x3], $0x1, s31, s11, $0xb8;
	[tilespmem:$0xE100] =	vst v63  }
0x1e8: {  	_ =	swait.ge [sflag:s6], $0x80  }
0x1e9: {  	[sflag:s6] =	ssyncset.done $0x0  }
0x1ea: {  	[sflag:s6] =	ssyncadd.s32 $0xFFFFFF80  }
0x1eb: {  	_ =	swait.ge [sflag:s16], $0x4000  }
0x1ec: {  	[sflag:s16] =	ssyncset.done $0x0  }
0x1ed: {  	[sflag:s16] =	ssyncadd.s32 $0xFFFFC000  }
0x1ee: {  	[spmem:s2] =	stream.indirect.scatter.add.f32 [tilespmem:s13], [sflag:$0x3], $0x80, s0, s11, $0xb8;
	[tilespmem:$0xE100] =	vst v63  }
0x1ef: {  	_ =	swait.ge [sflag:s6], $0x4000  }
0x1f0: {  	[sflag:s6] =	ssyncset.done $0x0  }
0x1f1: {  	[sflag:s6] =	ssyncadd.s32 $0xFFFFC000  }
0x1f2: {  	[spmem:s3] =	stream.indirect.scatter.add.f32 [tilespmem:s15], [sflag:$0x3], $0x1, s0, s11, $0xb8;
	[tilespmem:$0xE100] =	vst v63  }
0x1f3: {  	p0 =	sne.s32 s1, $0x1;
	_ =	swait.ge [sflag:s6], $0x80  }
.Ltmp1:
0x1f4: {  	[sflag:s6] =	ssyncset.done $0x0;
	(pc) =	sbr.rel @p0 .LBB2_1-.Ltmp1, $4  }
0x1f5: {  	[sflag:s6] =	ssyncadd.s32 $0xFFFFFF80  }
0x1f6: {  	[bflag:$0x0] =	sbarrier.arrive $0xFFFF  }
0x1f7: {  	s1 =	sadd.s32 $0xFFFFFFFF, s1;
	s18 =	rddreg [dreg:$0x9]  }
0x1f8: {  	[hbm:s18], [sflag:s5] =	dma.local [spmem:s7], $0x800  }
.LBB2_2:
0x1f9: {  	_ =	swait.ge [sflag:s6], $0x800  }
0x1fa: {  	[sflag:s6] =	ssyncset.done $0x0  }
0x1fb: {  	s0 =	rddreg [dreg:$0xa];
	[sflag:s6] =	ssyncadd.s32 $0xFFFFF800  }
0x1fc: {  	[hbm:s0], [sflag:s5] =	dma.local [spmem:s8], $0x10  }
0x1fd: {  	_ =	swait.ge [sflag:s6], $0x10  }
0x1fe: {  	[sflag:s6] =	ssyncset.done $0x0  }
0x1ff: {  	[sflag:s6] =	ssyncadd.s32 $0xFFFFFFF0  }
0x200: {  	_ =	sfence.sel $0x180000  }
0x201: {  	[bflag:$0x0] =	sbarrier.arrive $0xFFFF  }
0x202: {  	_ =	strace $0x9000004A  }
0x203: {  	s31 =	stileid.u32;
	[bflag:$0x2] =	sbarrier.arrive $0xFFFF  }
0x204: {  	p0 =	sne.s32 s31, $0x0;
	s0 =	rddreg [dreg:$0x4]  }
0x205: {  	s0 =	sadd.s32 @!p0 $0x100000, s0  }
0x206: {  	[sflag:s0] =	ssyncadd.tile.s32 @!p0 $0x1;
	_ =	shalt  }
.Lfunc_end2:
_tile_overlayer_lowered:
.L_overlay_start_2:
0x207: {  	(tag) =	ssettag $0x2  }
0x208: {  	s0 =	rddreg [dreg:$0x0];
	s2 =	stileid.u32  }
0x209: {  	s1 =	rddreg [dreg:$0x1];
	p0 =	sne.s32 s2, $0x0  }
0x20a: {  	s3 =	rddreg [dreg:$0x2];
	[bflag:$0x3] =	sbarrier.arrive $0xFFFF;
	s2 =	simm.s32 @!p0 $0x1C03  }
0x20b: {  	[timem:s3], [sflag:s2] =	dma.local @!p0 [hbm:s0], s1  }
0x20c: {  	s0 =	simm.s32 @!p0 $0x3  }
0x20d: {  	_ =	swait.ge @!p0 [sflag:s0], s1  }
0x20e: {  	s1 =	ssub.s32 @!p0 $0x0, s1;
	[sflag:s0] =	ssyncset.done @!p0 $0x0  }
0x20f: {  	[sflag:s0] =	ssyncadd.s32 @!p0 s1  }
0x210: {  	[bflag:$0x3] =	sbarrier.arrive $0xFFFF  }
0x211: {  	_ =	shalt  }

// kernel: kernel.8.cloned.1.call-start
scs
__scs_entry_jumppad:
0x0: {  	(pc) =	sbr.rel $0x88, $3  }
0x1: {  	(tag) =	ssettag $0x0;
	lr =	simm.s32 $0x1  }
0x2: {  	[smem:$0x3F94] =	sst lr;
	_ =	strace $0xD0000000  }
0x3: {  	_ = 	snop  }
0x4: {  	_ = 	snop  }
0x5: {  	_ = 	snop  }
0x6: {  	_ = 	snop  }
0x7: {  	_ = 	snop  }
__scs_overlays_trampoline_lowered:
0x8: {  	[smem:$0x3FA3] =	sst s0  }
0x9: {  	[smem:$0x3FA4] =	sst s1  }
0xa: {  	[smem:$0x3FA5] =	sst s2  }
0xb: {  	[smem:$0x3FA6] =	sst s3  }
0xc: {  	[smem:$0x3FA7] =	sst s4  }
0xd: {  	[smem:$0x3FA8] =	sst s5  }
0xe: {  	[smem:$0x3FA9] =	sst s6  }
0xf: {  	[smem:$0x3FAA] =	sst s7  }
0x10: {  	[smem:$0x3FAB] =	sst s8  }
0x11: {  	[smem:$0x3FAC] =	sst s9;
	s0 =	simm.s32 @!p0 $0x0  }
0x12: {  	s1 =	sld [smem:$0x3F92];
	s0 =	simm.s32 @p0 $0x1  }
0x13: {  	[smem:$0x3FAD] =	sst s0;
	s0 =	simm.s32 @!p1 $0x0  }
0x14: {  	s2 =	sld [smem:$0x3F91];
	s0 =	simm.s32 @p1 $0x1  }
0x15: {  	[smem:$0x3FAE] =	sst s0;
	s0 =	simm.s32 @!p2 $0x0  }
0x16: {  	s3 =	sld [smem:$0x3FDB];
	s0 =	simm.s32 @p2 $0x1  }
0x17: {  	s4 =	simm.s32 $0x1BF5;
	[smem:$0x3FB0] =	sst s0  }
0x18: {  	s0 =	sld [smem:$0x3F93];
	_ =	swait.ge [sflag:s4], $0x0  }
0x19: {  	s7 =	sld [smem:$0x3F94]  }
0x1a: {  	s8 =	sadd.s32 $0xFFFFE003, lr  }
0x1b: {  	s9 =	sadd.s32 $0xFFFFFEF7, lr;
	s5 =	simm.s32 $0xFFFFFFFF;
	p2 =	slt.u32 s8, $0xFFFFF086  }
0x1c: {  	p1 =	slt.u32 s9, $0xF7A;
	s5 =	simm.s32 @!p2 $0x0  }
0x1d: {  	s5 =	simm.s32 @p1 $0x1;
	p0 =	seq.s32 s7, s2  }
0x1e: {  	s7 =	smul.u32 @!p0 $0xF7A, s2;
	p2 =	seq.s32 @!p0 s5, $0x0  }
0x1f: {  	s9 =	smul.u32 $0xF7A, s1;
	s8 =	simm.s32 @!p0 $0x1BF5;
	p2 =	por !p2, p0  }
0x20: {  	[sflag:s8] =	ssyncset.s32 @!p0 $0xFFFFF086;
	s6 =	sadd.s32 @!p0 s3, s7;
	s7 =	simm.s32 @!p0 $0x108  }
0x21: {  	s3 =	sadd.s32 s3, s9;
	s6 =	sadd.s32 @!p0 $0x88, s6;
	s7 =	simm.s32 @p2 $0x1082  }
0x22: {  	[simem:s7], [sflag:s8] =	dma.local @!p0 [hbm:s6], $0xF7A  }
0x23: {  	s9 =	sor.u32 $0xD0000000, s2;
	s6 =	simm.s32 $0x108;
	_ =	swait.ge @!p0 [sflag:s8], $0x0  }
0x24: {  	s3 =	sadd.s32 $0x88, s3;
	s6 =	simm.s32 @!p1 $0x1082;
	[sflag:s4] =	ssyncset.s32 $0xFFFFF086  }
0x25: {  	[simem:s6], [sflag:s4] =	dma.local [hbm:s3], $0xF7A  }
0x26: {  	[smem:$0x3F94] =	sst s1;
	(tag) =	ssettag s2;
	_ =	strace s9  }
0x27: {  	s1 =	sld [smem:$0x3FA4]  }
0x28: {  	s2 =	sld [smem:$0x3FA5]  }
0x29: {  	s4 =	sld [smem:$0x3FA7]  }
0x2a: {  	p0 =	seq.s32 s5, $0x0;
	s5 =	sld [smem:$0x3FA8]  }
0x2b: {  	s6 =	sld [smem:$0x3FA9]  }
0x2c: {  	s7 =	sld [smem:$0x3FAA]  }
0x2d: {  	s3 =	simm.s32 $0x108;
	s8 =	sld [smem:$0x3FAB]  }
0x2e: {  	s3 =	simm.s32 @!p0 $0x1082;
	s9 =	sld [smem:$0x3FAC]  }
0x2f: {  	lr =	sadd.s32 s0, s3;
	s0 =	sld [smem:$0x3FA3]  }
0x30: {  	s3 =	sld [smem:$0x3FA6]  }
0x31: {  	[smem:$0x3FAF] =	sst s10  }
0x32: {  	s10 =	sld [smem:$0x3FAD];
	_ =	sdelay $0x3  }
0x33: {  	p0 =	seq.s32 s10, $0x1;
	s10 =	sld [smem:$0x3FAF];
	_ =	sdelay $0x3  }
0x34: {  	[smem:$0x3FAF] =	sst s10  }
0x35: {  	s10 =	sld [smem:$0x3FAE];
	_ =	sdelay $0x3  }
0x36: {  	p1 =	seq.s32 s10, $0x1;
	s10 =	sld [smem:$0x3FAF];
	_ =	sdelay $0x3  }
0x37: {  	[smem:$0x3FAF] =	sst s10  }
0x38: {  	s10 =	sld [smem:$0x3FB0]  }
0x39: {  	_ = 	snop;
	(pc) =	sbr.ind lr, $3  }
0x3a: {  	_ = 	snop  }
0x3b: {  	_ = 	snop  }
0x3c: {  	p2 =	seq.s32 s10, $0x1;
	s10 =	sld [smem:$0x3FAF]  }
0x3d: {  	_ =	shalt  }
0x3e: {  	_ =	shalt  }
0x3f: {  	_ =	shalt  }
0x40: {  	_ =	shalt  }
0x41: {  	_ =	shalt  }
0x42: {  	_ =	shalt  }
0x43: {  	_ =	shalt  }
0x44: {  	_ =	shalt  }
0x45: {  	_ =	shalt  }
0x46: {  	_ =	shalt  }
0x47: {  	_ =	shalt  }
0x48: {  	_ =	shalt  }
0x49: {  	_ =	shalt  }
0x4a: {  	_ =	shalt  }
0x4b: {  	_ =	shalt  }
0x4c: {  	_ =	shalt  }
0x4d: {  	_ =	shalt  }
0x4e: {  	_ =	shalt  }
0x4f: {  	_ =	shalt  }
0x50: {  	_ =	shalt  }
0x51: {  	_ =	shalt  }
0x52: {  	_ =	shalt  }
0x53: {  	_ =	shalt  }
0x54: {  	_ =	shalt  }
0x55: {  	_ =	shalt  }
0x56: {  	_ =	shalt  }
0x57: {  	_ =	shalt  }
0x58: {  	_ =	shalt  }
0x59: {  	_ =	shalt  }
0x5a: {  	_ =	shalt  }
0x5b: {  	_ =	shalt  }
0x5c: {  	_ =	shalt  }
0x5d: {  	_ =	shalt  }
0x5e: {  	_ =	shalt  }
0x5f: {  	_ =	shalt  }
0x60: {  	_ =	shalt  }
0x61: {  	_ =	shalt  }
0x62: {  	_ =	shalt  }
0x63: {  	_ =	shalt  }
0x64: {  	_ =	shalt  }
0x65: {  	_ =	shalt  }
0x66: {  	_ =	shalt  }
0x67: {  	_ =	shalt  }
0x68: {  	_ =	shalt  }
0x69: {  	_ =	shalt  }
0x6a: {  	_ =	shalt  }
0x6b: {  	_ =	shalt  }
0x6c: {  	_ =	shalt  }
0x6d: {  	_ =	shalt  }
0x6e: {  	_ =	shalt  }
0x6f: {  	_ =	shalt  }
0x70: {  	_ =	shalt  }
0x71: {  	_ =	shalt  }
0x72: {  	_ =	shalt  }
0x73: {  	_ =	shalt  }
0x74: {  	_ =	shalt  }
0x75: {  	_ =	shalt  }
0x76: {  	_ =	shalt  }
0x77: {  	_ =	shalt  }
0x78: {  	_ =	shalt  }
0x79: {  	_ =	shalt  }
0x7a: {  	_ =	shalt  }
0x7b: {  	_ =	shalt  }
0x7c: {  	_ =	shalt  }
0x7d: {  	_ =	shalt  }
0x7e: {  	_ =	shalt  }
0x7f: {  	_ =	shalt  }
0x80: {  	_ =	shalt  }
0x81: {  	_ =	shalt  }
0x82: {  	_ =	shalt  }
0x83: {  	_ =	shalt  }
0x84: {  	_ =	shalt  }
0x85: {  	_ =	shalt  }
0x86: {  	_ =	shalt  }
0x87: {  	_ =	shalt  }
.Lfunc_end0:
.L_simem_size_0:
called_computation_lowered:
.L_overlay_start_0:
0x88: {  	s2 =	sld [smem:$0x3FD9]  }
0x89: {  	s3 =	sld [smem:$0x3FFE];
	_ =	sdelay $0x1  }
0x8a: {  	s1 =	srdreg.scid  }
0x8b: {  	s0 =	sand.u32 $0x1, s1  }
0x8c: {  	s17 =	sshll.u32 s0, $0xA;
	s2 =	sadd.s32 s3, s2  }
0x8d: {  	s2 =	sadd.s32 s2, s17  }
0x8e: {  	[smem:$0x3FBB] =	sst s2  }
0x8f: {  	_ = 	snop  }
0x90: {  	s2 =	sld [smem:$0x3FC9];
	(tm) =	ssettm $0x1  }
0x91: {  	s18 =	sld [smem:$0x3FFB];
	_ =	sdelay $0x3  }
0x92: {  	_ =	strace s18  }
0x93: {  	s3 =	sld [smem:$0x3FFC];
	_ =	sdelay $0x3  }
0x94: {  	_ =	strace s3  }
0x95: {  	s3 =	sld [smem:$0x3FFD];
	_ =	sdelay $0x3  }
0x96: {  	_ =	strace s3  }
0x97: {  	_ =	strace $0x8FFFFFFF  }
0x98: {  	s19 =	sld [smem:$0x3FDB];
	_ =	sdelay $0x1  }
0x99: {  	s4 =	simm.s32 $_scs_section_size  }
0x9a: {  	s5 =	simm.s32 $_size__tile_overlayer_lowered;
	s6 =	simm.s32 $_tile_overlayer_lowered  }
0x9b: {  	s22 =	simm.s32 $0x1BFF;
	s21 =	sshll.u32 s6, $0x1;
	s3 =	sadd.s32 s4, s19  }
0x9c: {  	s7 =	simm.s32 $0x0;
	s20 =	sshll.u32 s5, $0x1;
	s5 =	sadd.s32 s21, s3  }
0x9d: {  	[timem:s7], [sflag:s22] =	dma.local [hbm:s5], s20  }
0x9e: {  	_ =	swait.ge [sflag:s22], s20  }
0x9f: {  	s4 =	ssub.s32 $0x0, s20;
	[sflag:s22] =	ssyncset.done $0x0  }
0xa0: {  	[sflag:s22] =	ssyncadd.s32 s4;
	_ =	sdelay $0x1  }
0xa1: {  	s23 =	simm.s32 $0x1B8B  }
0xa2: {  	_ =	swait.ge [sflag:s23], $0x1  }
0xa3: {  	[sflag:s23] =	ssyncset.done $0x0  }
0xa4: {  	s25 =	simm.s32 $0x1B8E;
	s24 =	sld [smem:$0x3FFE];
	[sflag:s23] =	ssyncadd.s32 $0xFFFFFFFF  }
0xa5: {  	s26 =	simm.s32 $execute0_lowered;
	[smem:$0x3FD2] =	sst s25  }
0xa6: {  	s5 =	sshll.u32 s26, $0x1;
	_ =	strace $0x80000046;
	[dreg:$0x1] =	wrdreg $0xFFFFFFFF  }
0xa7: {  	s28 =	simm.s32 $_size_execute0_lowered;
	s3 =	sadd.s32 s3, s5;
	[dreg:$0x0] =	wrdreg $0x0  }
0xa8: {  	s5 =	sshll.u32 s28, $0x1;
	[dreg:$0x2] =	wrdreg s3  }
0xa9: {  	[dreg:$0x3] =	wrdreg s5  }
0xaa: {  	[dreg:$0x4] =	wrdreg $0xC0  }
0xab: {  	_ =	task [dreg:s7], $0x5FFFF  }
0xac: {  	[dreg:$0x1] =	wrdreg $0xFFFFFFFF  }
0xad: {  	[dreg:$0x0] =	wrdreg $0x60  }
0xae: {  	[dreg:$0x2] =	wrdreg s2  }
0xaf: {  	[dreg:$0x3] =	wrdreg s24  }
0xb0: {  	[dreg:$0x4] =	wrdreg $0xA0800  }
0xb1: {  	[dreg:$0x5] =	wrdreg $0x1E0800  }
0xb2: {  	[dreg:$0x6] =	wrdreg $0x9  }
0xb3: {  	_ =	task.clear_ibuf [dreg:s7], $0x7FFFF;
	_ =	strace $0x90000046  }
0xb4: {  	s29 =	simm.s32 $0x9;
	_ =	strace $0x80000048  }
0xb5: {  	_ =	swait.ge [sflag:s29], $0x1  }
0xb6: {  	[sflag:s29] =	ssyncadd.s32 $0xFFFFFFFF  }
0xb7: {  	_ =	strace $0x90000048  }
0xb8: {  	_ =	sfence  }
0xb9: {  	s30 =	sld [smem:$0x0];
	_ =	sdelay $0x2  }
0xba: {  	s31 =	sshll.u32 s1, $0xD;
	s1 =	sshrl.u32 s1, $0x2  }
0xbb: {  	s3 =	sand.u32 $0x4000, s31;
	s1 =	sadd.s32 s1, s30  }
0xbc: {  	s0 =	sor.u32 s3, s0;
	s1 =	sshll.u32 s1, $0x11  }
0xbd: {  	s0 =	sor.u32 s1, s0  }
0xbe: {  	s0 =	sadd.s32 $0x8F2B, s0  }
0xbf: {  	[sflag:s0] =	ssyncadd.remote.s32 $0x1  }
0xc0: {  	_ =	sfence.sel $0xFFFF  }
0xc1: {  	[dreg:$0x0] =	wrdreg $0xFFFFFFFF;
	(pc) =	sbr.abs _section_cstart, $3  }
0xc2: {  	[dreg:$0x1] =	wrdreg $0xFFFFFFFF  }
0xc3: {  	_ =	task.clear_ibuf [dreg:s7], $0x2FFFF;
	_ =	strace $0x9FFFFFFF  }
0xc4: {  	(tm) =	ssettm $0x7FFFFFFF  }
0xc5: {  	_ =	shalt  }
tec
execute0_lowered:
.L_overlay_start_1:
0x0: {  	(tag) =	ssettag $0x1  }
0x1: {  	s1 =	rddreg [dreg:$0x0]  }
0x2: {  	s0 =	rddreg [dreg:$0x1]  }
0x3: {  	s3 =	rddreg [dreg:$0x2];
	s18 =	stileid.u32  }
0x4: {  	s4 =	rddreg [dreg:$0x3];
	s8 =	smul.u32 $0x14000, s18  }
0x5: {  	s5 =	simm.s32 $0x0;
	s2 =	srdreg.scid;
	s11 =	smul.u32 $0x280, s18  }
0x6: {  	s30 =	simm.s32 $0x0;
	[smem:$0x7FF] =	sst s5;
	s16 =	smul.u32 $0x500, s18  }
0x7: {  	s2 =	sand.u32 $0x1, s2;
	s6 =	sadd.s32 $0xCE00, s0;
	s20 =	smul.u32 $0x50000, s18  }
0x8: {  	s7 =	sadd.s32 $0x2E00, s0;
	s24 =	sshll.u32 s18, $0x6;
	s28 =	smul.u32 $0x2800, s18  }
0x9: {  	_ =	strace $0x80000047;
	s9 =	smul.u32 $0x140000, s2;
	s13 =	sshll.u32 s2, $0x7  }
0xa: {  	s19 =	ssub.s32 $0x2, s2;
	s15 =	sshll.u32 s2, $0x4;
	s2 =	smul.u32 $0x28000, s2  }
0xb: {  	s10 =	sshrl.u32 s8, $0x3;
	s12 =	sshrl.u32 s11, $0x3;
	s17 =	sor.u32 s13, s16  }
0xc: {  	s21 =	sshrl.u32 s19, $0x1;
	s22 =	sor.u32 s18, s15;
	s23 =	sshrl.u32 s20, $0x2  }
0xd: {  	s18 =	simm.s32 $0x5;
	s10 =	sadd.s32 s10, s0;
	s8 =	sadd.s32 s8, s9  }
0xe: {  	s12 =	sadd.s32 s12, s0;
	s16 =	ssub.s32 s19, s21;
	s25 =	smul.u32 $0x2800, s22  }
0xf: {  	s9 =	sor.u32 $0x1C05, s24;
	s19 =	sadd.s32 s11, s4;
	s31 =	sadd.s32 s28, s2  }
0x10: {  	s21 =	simm.s32 $0x80;
	s22 =	simm.s32 $0x2000;
	s24 =	simm.s32 $0x1  }
0x11: {  	s8 =	sshrl.u32 s8, $0x3;
	s26 =	sadd.s32 $0x16E00, s10;
	s29 =	sadd.s32 $0x3EE00, s12  }
0x12: {  	s15 =	smax.u32 s16, $0x1;
	s16 =	sadd.s32 $0x800, s31;
	s19 =	sshrl.u32 s19, $0x3  }
0x13: {  	s14 =	sadd.s32 s8, s0;
	s8 =	sshrl.u32 s17, $0x3;
	[dreg:$0x5] =	wrdreg s26  }
0x14: {  	s17 =	sadd.s32 s23, s3;
	s13 =	sshrl.u32 s25, $0x3;
	[dreg:$0x6] =	wrdreg s29  }
0x15: {  	s23 =	simm.s32 $0x6000;
	s25 =	simm.s32 $0xA000;
	s26 =	simm.s32 $0x2  }
0x16: {  	s0 =	sadd.s32 s8, s0;
	s11 =	sadd.s32 s6, s13;
	s12 =	sadd.s32 s7, s13  }
0x17: {  	v0 =	vimm.f32 $1.000000000e+00;
	s13 =	sadd.s32 $0x3FE00, s14;
	s17 =	sshrl.u32 s17, $0x3;
	s14 =	sadd.s32 $0x3F400, s0  }
.LBB2_1:
0x18: {  	s0 =	rddreg [dreg:$0x5]  }
0x19: {  	[spmem:s17], [sflag:s9] =	dma.local [hbm:s0], $0x2800  }
0x1a: {  	_ =	swait.ge [sflag:s18], $0x2800  }
0x1b: {  	[sflag:s18] =	ssyncset.done $0x0  }
0x1c: {  	s10 =	rddreg [dreg:$0x6];
	[sflag:s18] =	ssyncadd.s32 $0xFFFFD800  }
0x1d: {  	[spmem:s19], [sflag:s9] =	dma.local [hbm:s10], $0x50  }
0x1e: {  	_ =	swait.ge [sflag:s18], $0x50  }
0x1f: {  	[sflag:s18] =	ssyncset.done $0x0  }
0x20: {  	[sflag:s18] =	ssyncadd.s32 $0xFFFFFFB0  }
0x21: {  	[tilespmem:$0xA000] =	vst v0  }
0x22: {  	[tilespmem:$0xA010] =	vst v0  }
0x23: {  	[tilespmem:$0xA020] =	vst v0  }
0x24: {  	[tilespmem:$0xA030] =	vst v0  }
0x25: {  	[tilespmem:$0xA040] =	vst v0  }
0x26: {  	[tilespmem:$0xA050] =	vst v0  }
0x27: {  	[tilespmem:$0xA060] =	vst v0  }
0x28: {  	[tilespmem:$0xA070] =	vst v0  }
0x29: {  	[tilespmem:s5], [sflag:$0x5] =	stream.linear.gather [hbm4b:s11+s5], $0x800, $0x38;
	[tilespmem:$0x1E300] =	vst v63  }
0x2a: {  	_ =	swait.ge [sflag:s18], $0x800  }
0x2b: {  	[sflag:s18] =	ssyncset.done $0x0  }
0x2c: {  	s20 =	simm.s32 $0x1000;
	[sflag:s18] =	ssyncadd.s32 $0xFFFFF800  }
0x2d: {  	[tilespmem:s20], [sflag:$0x5] =	stream.linear.gather [hbm4b:s12+s5], $0x800, $0x38;
	[tilespmem:$0x1E300] =	vst v63  }
0x2e: {  	_ =	swait.ge [sflag:s18], $0x800  }
0x2f: {  	[sflag:s18] =	ssyncset.done $0x0  }
0x30: {  	[sflag:s18] =	ssyncadd.s32 $0xFFFFF800  }
0x31: {  	s2 =	sand.u32 $0x1, s5;
	p0 =	por $0x0, $0x0;
	[bflag:$0x0] =	sbarrier.arrive $0xFFFF  }
0x32: {  	[tilespmem:s22], [sflag:$0x1] =	stream.indirect.gather [hbm4b:s1+s21], $0x80, s5, s21, $0xb8;
	[tilespmem:$0x1E300] =	vst v63  }
0x33: {  	s0 =	sxor.u32 $0x1, s2;
	s20 =	sshrl.u32 @!p0 s16, $0x3  }
0x34: {  	[tilespmem:s23], [sflag:$0x2] =	stream.indirect.gather [hbm4b:s1+s21], $0x80, s21, s21, $0xb8;
	[tilespmem:$0x1E300] =	vst v63  }
0x35: {  	s31 =	simm.s32 @!p0 $0x0;
	s0 =	sshll.u32 @!p0 s0, $0xB;
	s28 =	sadd.s32 @!p0 s6, s20  }
0x36: {  	[tilespmem:s0], [sflag:$0x3] =	stream.linear.gather @!p0 [hbm4b:s28+s31], $0x800, $0x38;
	[tilespmem:$0x1E300] =	vst v63  }
0x37: {  	s20 =	sadd.s32 @!p0 s7, s20;
	s28 =	sor.u32 @!p0 $0x1000, s0  }
0x38: {  	[tilespmem:s28], [sflag:$0x4] =	stream.linear.gather @!p0 [hbm4b:s20+s31], $0x800, $0x38;
	[tilespmem:$0x1E300] =	vst v63  }
0x39: {  	_ =	swait.ge [sflag:s24], $0x4000  }
0x3a: {  	s2 =	sshll.u32 s2, $0xB;
	[sflag:s24] =	ssyncset.done $0x0  }
0x3b: {  	s29 =	sor.u32 $0x1000, s2;
	[sflag:s24] =	ssyncadd.s32 $0xFFFFC000  }
0x3c: {  	[spmem:s3] =	stream.indirect.scatter.add.f32 [tilespmem:s22], [sflag:$0x5], $0x80, s29, s21, $0xb8;
	[tilespmem:$0x1E300] =	vst v63  }
0x3d: {  	_ =	swait.ge [sflag:s18], $0x4000  }
0x3e: {  	[sflag:s18] =	ssyncset.done $0x0  }
0x3f: {  	s28 =	sor.u32 $0x100, s2;
	[sflag:s18] =	ssyncadd.s32 $0xFFFFC000  }
0x40: {  	[tilespmem:s22], [sflag:$0x1] =	stream.indirect.gather [hbm4b:s1+s21], $0x80, s28, s21, $0xb8;
	[tilespmem:$0x1E300] =	vst v63  }
0x41: {  	_ = 	snop  }
0x42: {  	[spmem:s4] =	stream.indirect.scatter.add.f32 [tilespmem:s25], [sflag:$0x5], $0x1, s29, s21, $0xb8;
	[tilespmem:$0x1E300] =	vst v63  }
0x43: {  	_ =	swait.ge [sflag:s18], $0x80  }
0x44: {  	[sflag:s18] =	ssyncset.done $0x0  }
0x45: {  	[sflag:s18] =	ssyncadd.s32 $0xFFFFFF80  }
0x46: {  	_ =	swait.ge [sflag:s26], $0x4000  }
0x47: {  	[sflag:s26] =	ssyncset.done $0x0  }
0x48: {  	s8 =	sor.u32 $0x1080, s2;
	[sflag:s26] =	ssyncadd.s32 $0xFFFFC000  }
0x49: {  	[spmem:s3] =	stream.indirect.scatter.add.f32 [tilespmem:s23], [sflag:$0x5], $0x80, s8, s21, $0xb8;
	[tilespmem:$0x1E300] =	vst v63  }
0x4a: {  	_ =	swait.ge [sflag:s18], $0x4000  }
0x4b: {  	[sflag:s18] =	ssyncset.done $0x0  }
0x4c: {  	s28 =	sor.u32 $0x180, s2;
	[sflag:s18] =	ssyncadd.s32 $0xFFFFC000  }
0x4d: {  	[tilespmem:s23], [sflag:$0x2] =	stream.indirect.gather [hbm4b:s1+s21], $0x80, s28, s21, $0xb8;
	[tilespmem:$0x1E300] =	vst v63  }
0x4e: {  	_ = 	snop  }
0x4f: {  	[spmem:s4] =	stream.indirect.scatter.add.f32 [tilespmem:s25], [sflag:$0x5], $0x1, s8, s21, $0xb8;
	[tilespmem:$0x1E300] =	vst v63  }
0x50: {  	_ =	swait.ge [sflag:s18], $0x80  }
0x51: {  	[sflag:s18] =	ssyncset.done $0x0  }
0x52: {  	[sflag:s18] =	ssyncadd.s32 $0xFFFFFF80  }
0x53: {  	_ =	swait.ge [sflag:s24], $0x4000  }
0x54: {  	[sflag:s24] =	ssyncset.done $0x0  }
0x55: {  	s10 =	sor.u32 $0x1100, s2;
	[sflag:s24] =	ssyncadd.s32 $0xFFFFC000  }
0x56: {  	[spmem:s3] =	stream.indirect.scatter.add.f32 [tilespmem:s22], [sflag:$0x5], $0x80, s10, s21, $0xb8;
	[tilespmem:$0x1E300] =	vst v63  }
0x57: {  	_ =	swait.ge [sflag:s18], $0x4000  }
0x58: {  	[sflag:s18] =	ssyncset.done $0x0  }
0x59: {  	s28 =	sor.u32 $0x200, s2;
	[sflag:s18] =	ssyncadd.s32 $0xFFFFC000  }
0x5a: {  	[tilespmem:s22], [sflag:$0x1] =	stream.indirect.gather [hbm4b:s1+s21], $0x80, s28, s21, $0xb8;
	[tilespmem:$0x1E300] =	vst v63  }
0x5b: {  	_ = 	snop  }
0x5c: {  	[spmem:s4] =	stream.indirect.scatter.add.f32 [tilespmem:s25], [sflag:$0x5], $0x1, s10, s21, $0xb8;
	[tilespmem:$0x1E300] =	vst v63  }
0x5d: {  	_ =	swait.ge [sflag:s18], $0x80  }
0x5e: {  	[sflag:s18] =	ssyncset.done $0x0  }
0x5f: {  	[sflag:s18] =	ssyncadd.s32 $0xFFFFFF80  }
0x60: {  	_ =	swait.ge [sflag:s26], $0x4000  }
0x61: {  	[sflag:s26] =	ssyncset.done $0x0  }
0x62: {  	s29 =	sor.u32 $0x1180, s2;
	[sflag:s26] =	ssyncadd.s32 $0xFFFFC000  }
0x63: {  	[spmem:s3] =	stream.indirect.scatter.add.f32 [tilespmem:s23], [sflag:$0x5], $0x80, s29, s21, $0xb8;
	[tilespmem:$0x1E300] =	vst v63  }
0x64: {  	_ =	swait.ge [sflag:s18], $0x4000  }
0x65: {  	[sflag:s18] =	ssyncset.done $0x0  }
0x66: {  	s28 =	sor.u32 $0x280, s2;
	[sflag:s18] =	ssyncadd.s32 $0xFFFFC000  }
0x67: {  	[tilespmem:s23], [sflag:$0x2] =	stream.indirect.gather [hbm4b:s1+s21], $0x80, s28, s21, $0xb8;
	[tilespmem:$0x1E300] =	vst v63  }
0x68: {  	_ = 	snop  }
0x69: {  	[spmem:s4] =	stream.indirect.scatter.add.f32 [tilespmem:s25], [sflag:$0x5], $0x1, s29, s21, $0xb8;
	[tilespmem:$0x1E300] =	vst v63  }
0x6a: {  	_ =	swait.ge [sflag:s18], $0x80  }
0x6b: {  	[sflag:s18] =	ssyncset.done $0x0  }
0x6c: {  	[sflag:s18] =	ssyncadd.s32 $0xFFFFFF80  }
0x6d: {  	_ =	swait.ge [sflag:s24], $0x4000  }
0x6e: {  	[sflag:s24] =	ssyncset.done $0x0  }
0x6f: {  	s8 =	sor.u32 $0x1200, s2;
	[sflag:s24] =	ssyncadd.s32 $0xFFFFC000  }
0x70: {  	[spmem:s3] =	stream.indirect.scatter.add.f32 [tilespmem:s22], [sflag:$0x5], $0x80, s8, s21, $0xb8;
	[tilespmem:$0x1E300] =	vst v63  }
0x71: {  	_ =	swait.ge [sflag:s18], $0x4000  }
0x72: {  	[sflag:s18] =	ssyncset.done $0x0  }
0x73: {  	s28 =	sor.u32 $0x300, s2;
	[sflag:s18] =	ssyncadd.s32 $0xFFFFC000  }
0x74: {  	[tilespmem:s22], [sflag:$0x1] =	stream.indirect.gather [hbm4b:s1+s21], $0x80, s28, s21, $0xb8;
	[tilespmem:$0x1E300] =	vst v63  }
0x75: {  	_ = 	snop  }
0x76: {  	[spmem:s4] =	stream.indirect.scatter.add.f32 [tilespmem:s25], [sflag:$0x5], $0x1, s8, s21, $0xb8;
	[tilespmem:$0x1E300] =	vst v63  }
0x77: {  	_ =	swait.ge [sflag:s18], $0x80  }
0x78: {  	[sflag:s18] =	ssyncset.done $0x0  }
0x79: {  	[sflag:s18] =	ssyncadd.s32 $0xFFFFFF80  }
0x7a: {  	_ =	swait.ge [sflag:s26], $0x4000  }
0x7b: {  	[sflag:s26] =	ssyncset.done $0x0  }
0x7c: {  	s10 =	sor.u32 $0x1280, s2;
	[sflag:s26] =	ssyncadd.s32 $0xFFFFC000  }
0x7d: {  	[spmem:s3] =	stream.indirect.scatter.add.f32 [tilespmem:s23], [sflag:$0x5], $0x80, s10, s21, $0xb8;
	[tilespmem:$0x1E300] =	vst v63  }
0x7e: {  	_ =	swait.ge [sflag:s18], $0x4000  }
0x7f: {  	[sflag:s18] =	ssyncset.done $0x0  }
0x80: {  	s28 =	sor.u32 $0x380, s2;
	[sflag:s18] =	ssyncadd.s32 $0xFFFFC000  }
0x81: {  	[tilespmem:s23], [sflag:$0x2] =	stream.indirect.gather [hbm4b:s1+s21], $0x80, s28, s21, $0xb8;
	[tilespmem:$0x1E300] =	vst v63  }
0x82: {  	_ = 	snop  }
0x83: {  	[spmem:s4] =	stream.indirect.scatter.add.f32 [tilespmem:s25], [sflag:$0x5], $0x1, s10, s21, $0xb8;
	[tilespmem:$0x1E300] =	vst v63  }
0x84: {  	_ =	swait.ge [sflag:s18], $0x80  }
0x85: {  	[sflag:s18] =	ssyncset.done $0x0  }
0x86: {  	[sflag:s18] =	ssyncadd.s32 $0xFFFFFF80  }
0x87: {  	_ =	swait.ge [sflag:s24], $0x4000  }
0x88: {  	[sflag:s24] =	ssyncset.done $0x0  }
0x89: {  	s29 =	sor.u32 $0x1300, s2;
	[sflag:s24] =	ssyncadd.s32 $0xFFFFC000  }
0x8a: {  	[spmem:s3] =	stream.indirect.scatter.add.f32 [tilespmem:s22], [sflag:$0x5], $0x80, s29, s21, $0xb8;
	[tilespmem:$0x1E300] =	vst v63  }
0x8b: {  	_ =	swait.ge [sflag:s18], $0x4000  }
0x8c: {  	[sflag:s18] =	ssyncset.done $0x0  }
0x8d: {  	s28 =	sor.u32 $0x400, s2;
	[sflag:s18] =	ssyncadd.s32 $0xFFFFC000  }
0x8e: {  	[tilespmem:s22], [sflag:$0x1] =	stream.indirect.gather [hbm4b:s1+s21], $0x80, s28, s21, $0xb8;
	[tilespmem:$0x1E300] =	vst v63  }
0x8f: {  	_ = 	snop  }
0x90: {  	[spmem:s4] =	stream.indirect.scatter.add.f32 [tilespmem:s25], [sflag:$0x5], $0x1, s29, s21, $0xb8;
	[tilespmem:$0x1E300] =	vst v63  }
0x91: {  	_ =	swait.ge [sflag:s18], $0x80  }
0x92: {  	[sflag:s18] =	ssyncset.done $0x0  }
0x93: {  	[sflag:s18] =	ssyncadd.s32 $0xFFFFFF80  }
0x94: {  	_ =	swait.ge [sflag:s26], $0x4000  }
0x95: {  	[sflag:s26] =	ssyncset.done $0x0  }
0x96: {  	s8 =	sor.u32 $0x1380, s2;
	[sflag:s26] =	ssyncadd.s32 $0xFFFFC000  }
0x97: {  	[spmem:s3] =	stream.indirect.scatter.add.f32 [tilespmem:s23], [sflag:$0x5], $0x80, s8, s21, $0xb8;
	[tilespmem:$0x1E300] =	vst v63  }
0x98: {  	_ =	swait.ge [sflag:s18], $0x4000  }
0x99: {  	[sflag:s18] =	ssyncset.done $0x0  }
0x9a: {  	s28 =	sor.u32 $0x480, s2;
	[sflag:s18] =	ssyncadd.s32 $0xFFFFC000  }
0x9b: {  	[tilespmem:s23], [sflag:$0x2] =	stream.indirect.gather [hbm4b:s1+s21], $0x80, s28, s21, $0xb8;
	[tilespmem:$0x1E300] =	vst v63  }
0x9c: {  	_ = 	snop  }
0x9d: {  	[spmem:s4] =	stream.indirect.scatter.add.f32 [tilespmem:s25], [sflag:$0x5], $0x1, s8, s21, $0xb8;
	[tilespmem:$0x1E300] =	vst v63  }
0x9e: {  	_ =	swait.ge [sflag:s18], $0x80  }
0x9f: {  	[sflag:s18] =	ssyncset.done $0x0  }
0xa0: {  	[sflag:s18] =	ssyncadd.s32 $0xFFFFFF80  }
0xa1: {  	_ =	swait.ge [sflag:s24], $0x4000  }
0xa2: {  	[sflag:s24] =	ssyncset.done $0x0  }
0xa3: {  	s10 =	sor.u32 $0x1400, s2;
	[sflag:s24] =	ssyncadd.s32 $0xFFFFC000  }
0xa4: {  	[spmem:s3] =	stream.indirect.scatter.add.f32 [tilespmem:s22], [sflag:$0x5], $0x80, s10, s21, $0xb8;
	[tilespmem:$0x1E300] =	vst v63  }
0xa5: {  	_ =	swait.ge [sflag:s18], $0x4000  }
0xa6: {  	[sflag:s18] =	ssyncset.done $0x0  }
0xa7: {  	s28 =	sor.u32 $0x500, s2;
	[sflag:s18] =	ssyncadd.s32 $0xFFFFC000  }
0xa8: {  	[tilespmem:s22], [sflag:$0x1] =	stream.indirect.gather [hbm4b:s1+s21], $0x80, s28, s21, $0xb8;
	[tilespmem:$0x1E300] =	vst v63  }
0xa9: {  	_ = 	snop  }
0xaa: {  	[spmem:s4] =	stream.indirect.scatter.add.f32 [tilespmem:s25], [sflag:$0x5], $0x1, s10, s21, $0xb8;
	[tilespmem:$0x1E300] =	vst v63  }
0xab: {  	_ =	swait.ge [sflag:s18], $0x80  }
0xac: {  	[sflag:s18] =	ssyncset.done $0x0  }
0xad: {  	[sflag:s18] =	ssyncadd.s32 $0xFFFFFF80  }
0xae: {  	_ =	swait.ge [sflag:s26], $0x4000  }
0xaf: {  	[sflag:s26] =	ssyncset.done $0x0  }
0xb0: {  	s29 =	sor.u32 $0x1480, s2;
	[sflag:s26] =	ssyncadd.s32 $0xFFFFC000  }
0xb1: {  	[spmem:s3] =	stream.indirect.scatter.add.f32 [tilespmem:s23], [sflag:$0x5], $0x80, s29, s21, $0xb8;
	[tilespmem:$0x1E300] =	vst v63  }
0xb2: {  	_ =	swait.ge [sflag:s18], $0x4000  }
0xb3: {  	[sflag:s18] =	ssyncset.done $0x0  }
0xb4: {  	s28 =	sor.u32 $0x580, s2;
	[sflag:s18] =	ssyncadd.s32 $0xFFFFC000  }
0xb5: {  	[tilespmem:s23], [sflag:$0x2] =	stream.indirect.gather [hbm4b:s1+s21], $0x80, s28, s21, $0xb8;
	[tilespmem:$0x1E300] =	vst v63  }
0xb6: {  	_ = 	snop  }
0xb7: {  	[spmem:s4] =	stream.indirect.scatter.add.f32 [tilespmem:s25], [sflag:$0x5], $0x1, s29, s21, $0xb8;
	[tilespmem:$0x1E300] =	vst v63  }
0xb8: {  	_ =	swait.ge [sflag:s18], $0x80  }
0xb9: {  	[sflag:s18] =	ssyncset.done $0x0  }
0xba: {  	[sflag:s18] =	ssyncadd.s32 $0xFFFFFF80  }
0xbb: {  	_ =	swait.ge [sflag:s24], $0x4000  }
0xbc: {  	[sflag:s24] =	ssyncset.done $0x0  }
0xbd: {  	s8 =	sor.u32 $0x1500, s2;
	[sflag:s24] =	ssyncadd.s32 $0xFFFFC000  }
0xbe: {  	[spmem:s3] =	stream.indirect.scatter.add.f32 [tilespmem:s22], [sflag:$0x5], $0x80, s8, s21, $0xb8;
	[tilespmem:$0x1E300] =	vst v63  }
0xbf: {  	_ =	swait.ge [sflag:s18], $0x4000  }
0xc0: {  	[sflag:s18] =	ssyncset.done $0x0  }
0xc1: {  	s28 =	sor.u32 $0x600, s2;
	[sflag:s18] =	ssyncadd.s32 $0xFFFFC000  }
0xc2: {  	[tilespmem:s22], [sflag:$0x1] =	stream.indirect.gather [hbm4b:s1+s21], $0x80, s28, s21, $0xb8;
	[tilespmem:$0x1E300] =	vst v63  }
0xc3: {  	_ = 	snop  }
0xc4: {  	[spmem:s4] =	stream.indirect.scatter.add.f32 [tilespmem:s25], [sflag:$0x5], $0x1, s8, s21, $0xb8;
	[tilespmem:$0x1E300] =	vst v63  }
0xc5: {  	_ =	swait.ge [sflag:s18], $0x80  }
0xc6: {  	[sflag:s18] =	ssyncset.done $0x0  }
0xc7: {  	[sflag:s18] =	ssyncadd.s32 $0xFFFFFF80  }
0xc8: {  	_ =	swait.ge [sflag:s26], $0x4000  }
0xc9: {  	[sflag:s26] =	ssyncset.done $0x0  }
0xca: {  	s10 =	sor.u32 $0x1580, s2;
	[sflag:s26] =	ssyncadd.s32 $0xFFFFC000  }
0xcb: {  	[spmem:s3] =	stream.indirect.scatter.add.f32 [tilespmem:s23], [sflag:$0x5], $0x80, s10, s21, $0xb8;
	[tilespmem:$0x1E300] =	vst v63  }
0xcc: {  	_ =	swait.ge [sflag:s18], $0x4000  }
0xcd: {  	[sflag:s18] =	ssyncset.done $0x0  }
0xce: {  	s28 =	sor.u32 $0x680, s2;
	[sflag:s18] =	ssyncadd.s32 $0xFFFFC000  }
0xcf: {  	[tilespmem:s23], [sflag:$0x2] =	stream.indirect.gather [hbm4b:s1+s21], $0x80, s28, s21, $0xb8;
	[tilespmem:$0x1E300] =	vst v63  }
0xd0: {  	_ = 	snop  }
0xd1: {  	[spmem:s4] =	stream.indirect.scatter.add.f32 [tilespmem:s25], [sflag:$0x5], $0x1, s10, s21, $0xb8;
	[tilespmem:$0x1E300] =	vst v63  }
0xd2: {  	_ =	swait.ge [sflag:s18], $0x80  }
0xd3: {  	[sflag:s18] =	ssyncset.done $0x0  }
0xd4: {  	[sflag:s18] =	ssyncadd.s32 $0xFFFFFF80  }
0xd5: {  	_ =	swait.ge [sflag:s24], $0x4000  }
0xd6: {  	[sflag:s24] =	ssyncset.done $0x0  }
0xd7: {  	s29 =	sor.u32 $0x1600, s2;
	[sflag:s24] =	ssyncadd.s32 $0xFFFFC000  }
0xd8: {  	[spmem:s3] =	stream.indirect.scatter.add.f32 [tilespmem:s22], [sflag:$0x5], $0x80, s29, s21, $0xb8;
	[tilespmem:$0x1E300] =	vst v63  }
0xd9: {  	_ =	swait.ge [sflag:s18], $0x4000  }
0xda: {  	[sflag:s18] =	ssyncset.done $0x0  }
0xdb: {  	s28 =	sor.u32 $0x700, s2;
	[sflag:s18] =	ssyncadd.s32 $0xFFFFC000  }
0xdc: {  	[tilespmem:s22], [sflag:$0x1] =	stream.indirect.gather [hbm4b:s1+s21], $0x80, s28, s21, $0xb8;
	[tilespmem:$0x1E300] =	vst v63  }
0xdd: {  	_ = 	snop  }
0xde: {  	[spmem:s4] =	stream.indirect.scatter.add.f32 [tilespmem:s25], [sflag:$0x5], $0x1, s29, s21, $0xb8;
	[tilespmem:$0x1E300] =	vst v63  }
0xdf: {  	_ =	swait.ge [sflag:s18], $0x80  }
0xe0: {  	[sflag:s18] =	ssyncset.done $0x0  }
0xe1: {  	[sflag:s18] =	ssyncadd.s32 $0xFFFFFF80  }
0xe2: {  	_ =	swait.ge [sflag:s26], $0x4000  }
0xe3: {  	[sflag:s26] =	ssyncset.done $0x0  }
0xe4: {  	s8 =	sor.u32 $0x1680, s2;
	[sflag:s26] =	ssyncadd.s32 $0xFFFFC000  }
0xe5: {  	[spmem:s3] =	stream.indirect.scatter.add.f32 [tilespmem:s23], [sflag:$0x5], $0x80, s8, s21, $0xb8;
	[tilespmem:$0x1E300] =	vst v63  }
0xe6: {  	_ =	swait.ge [sflag:s18], $0x4000  }
0xe7: {  	[sflag:s18] =	ssyncset.done $0x0  }
0xe8: {  	s2 =	sor.u32 $0x780, s2;
	[sflag:s18] =	ssyncadd.s32 $0xFFFFC000  }
0xe9: {  	[tilespmem:s23], [sflag:$0x2] =	stream.indirect.gather [hbm4b:s1+s21], $0x80, s2, s21, $0xb8;
	[tilespmem:$0x1E300] =	vst v63  }
0xea: {  	_ = 	snop  }
0xeb: {  	[spmem:s4] =	stream.indirect.scatter.add.f32 [tilespmem:s25], [sflag:$0x5], $0x1, s8, s21, $0xb8;
	[tilespmem:$0x1E300] =	vst v63  }
0xec: {  	_ =	swait.ge [sflag:s18], $0x80  }
0xed: {  	[sflag:s18] =	ssyncset.done $0x0  }
0xee: {  	s20 =	simm.s32 @!p0 $0x3;
	[sflag:s18] =	ssyncadd.s32 $0xFFFFFF80  }
0xef: {  	_ =	swait.ge @!p0 [sflag:s20], $0x800  }
0xf0: {  	[sflag:s20] =	ssyncset.done @!p0 $0x0  }
0xf1: {  	[sflag:s20] =	ssyncadd.s32 @!p0 $0xFFFFF800;
	s20 =	simm.s32 @!p0 $0x4  }
0xf2: {  	_ =	swait.ge @!p0 [sflag:s20], $0x800  }
0xf3: {  	[sflag:s20] =	ssyncset.done @!p0 $0x0  }
0xf4: {  	[sflag:s20] =	ssyncadd.s32 @!p0 $0xFFFFF800  }
0xf5: {  	_ =	swait.ge [sflag:s24], $0x4000  }
0xf6: {  	[sflag:s24] =	ssyncset.done $0x0  }
0xf7: {  	s10 =	sor.u32 $0x1000, s28;
	[sflag:s24] =	ssyncadd.s32 $0xFFFFC000  }
0xf8: {  	[spmem:s3] =	stream.indirect.scatter.add.f32 [tilespmem:s22], [sflag:$0x5], $0x80, s10, s21, $0xb8;
	[tilespmem:$0x1E300] =	vst v63  }
0xf9: {  	_ =	swait.ge [sflag:s18], $0x4000  }
0xfa: {  	[sflag:s18] =	ssyncset.done $0x0  }
0xfb: {  	s31 =	simm.s32 @!p0 $0x2000;
	s28 =	simm.s32 @!p0 $0x80;
	[sflag:s18] =	ssyncadd.s32 $0xFFFFC000  }
0xfc: {  	[tilespmem:s31], [sflag:$0x1] =	stream.indirect.gather @!p0 [hbm4b:s1+s28], $0x80, s0, s28, $0xb8;
	[tilespmem:$0x1E300] =	vst v63  }
0xfd: {  	_ = 	snop  }
0xfe: {  	[spmem:s4] =	stream.indirect.scatter.add.f32 [tilespmem:s25], [sflag:$0x5], $0x1, s10, s21, $0xb8;
	[tilespmem:$0x1E300] =	vst v63  }
0xff: {  	_ =	swait.ge [sflag:s18], $0x80  }
0x100: {  	[sflag:s18] =	ssyncset.done $0x0  }
0x101: {  	[sflag:s18] =	ssyncadd.s32 $0xFFFFFF80  }
0x102: {  	_ =	swait.ge [sflag:s26], $0x4000  }
0x103: {  	[sflag:s26] =	ssyncset.done $0x0  }
0x104: {  	s2 =	sor.u32 $0x1000, s2;
	[sflag:s26] =	ssyncadd.s32 $0xFFFFC000  }
0x105: {  	[spmem:s3] =	stream.indirect.scatter.add.f32 [tilespmem:s23], [sflag:$0x5], $0x80, s2, s21, $0xb8;
	[tilespmem:$0x1E300] =	vst v63  }
0x106: {  	_ =	swait.ge [sflag:s18], $0x4000  }
0x107: {  	[sflag:s18] =	ssyncset.done $0x0  }
0x108: {  	s20 =	simm.s32 @!p0 $0x6000;
	s0 =	sor.u32 @!p0 $0x80, s0;
	[sflag:s18] =	ssyncadd.s32 $0xFFFFC000  }
0x109: {  	[tilespmem:s20], [sflag:$0x2] =	stream.indirect.gather @!p0 [hbm4b:s1+s28], $0x80, s0, s28, $0xb8;
	[tilespmem:$0x1E300] =	vst v63  }
0x10a: {  	s29 =	simm.s32 $0x1  }
0x10b: {  	[spmem:s4] =	stream.indirect.scatter.add.f32 [tilespmem:s25], [sflag:$0x5], $0x1, s2, s21, $0xb8;
	[tilespmem:$0x1E300] =	vst v63  }
0x10c: {  	s31 =	sadd.s32 $0x800, s16;
	s0 =	simm.s32 $0x2;
	_ =	swait.ge [sflag:s18], $0x80  }
0x10d: {  	s28 =	sand.u32 $0x1, s29;
	p0 =	por $0x0, $0x0;
	[sflag:s18] =	ssyncset.done $0x0  }
.LBB2_2:
0x10e: {  	s20 =	sxor.u32 $0x1, s28  }
0x10f: {  	s29 =	sshrl.u32 @!p0 s31, $0x3;
	[sflag:s18] =	ssyncadd.s32 $0xFFFFFF80;
	s2 =	smov.u32 s0  }
0x110: {  	s10 =	simm.s32 @!p0 $0x0;
	s20 =	sshll.u32 @!p0 s20, $0xB;
	s8 =	sadd.s32 @!p0 s6, s29  }
0x111: {  	[tilespmem:s20], [sflag:$0x3] =	stream.linear.gather @!p0 [hbm4b:s8+s10], $0x800, $0x38;
	[tilespmem:$0x1E300] =	vst v63  }
0x112: {  	s0 =	sadd.s32 $0x1, s0;
	s29 =	sadd.s32 @!p0 s7, s29;
	s8 =	sor.u32 @!p0 $0x1000, s20  }
0x113: {  	[tilespmem:s8], [sflag:$0x4] =	stream.linear.gather @!p0 [hbm4b:s29+s10], $0x800, $0x38;
	[tilespmem:$0x1E300] =	vst v63  }
0x114: {  	p1 =	sne.s32 s0, $0x5;
	_ =	swait.ge [sflag:s24], $0x4000  }
0x115: {  	s28 =	sshll.u32 s28, $0xB;
	[sflag:s24] =	ssyncset.done $0x0  }
0x116: {  	s8 =	sor.u32 $0x1000, s28;
	[sflag:s24] =	ssyncadd.s32 $0xFFFFC000  }
0x117: {  	[spmem:s3] =	stream.indirect.scatter.add.f32 [tilespmem:s22], [sflag:$0x5], $0x80, s8, s21, $0xb8;
	[tilespmem:$0x1E300] =	vst v63  }
0x118: {  	_ =	swait.ge [sflag:s18], $0x4000  }
0x119: {  	[sflag:s18] =	ssyncset.done $0x0  }
0x11a: {  	s10 =	sor.u32 $0x100, s28;
	[sflag:s18] =	ssyncadd.s32 $0xFFFFC000  }
0x11b: {  	[tilespmem:s22], [sflag:$0x1] =	stream.indirect.gather [hbm4b:s1+s21], $0x80, s10, s21, $0xb8;
	[tilespmem:$0x1E300] =	vst v63  }
0x11c: {  	_ = 	snop  }
0x11d: {  	[spmem:s4] =	stream.indirect.scatter.add.f32 [tilespmem:s25], [sflag:$0x5], $0x1, s8, s21, $0xb8;
	[tilespmem:$0x1E300] =	vst v63  }
0x11e: {  	_ =	swait.ge [sflag:s18], $0x80  }
0x11f: {  	[sflag:s18] =	ssyncset.done $0x0  }
0x120: {  	[sflag:s18] =	ssyncadd.s32 $0xFFFFFF80  }
0x121: {  	_ =	swait.ge [sflag:s26], $0x4000  }
0x122: {  	[sflag:s26] =	ssyncset.done $0x0  }
0x123: {  	s8 =	sor.u32 $0x1080, s28;
	[sflag:s26] =	ssyncadd.s32 $0xFFFFC000  }
0x124: {  	[spmem:s3] =	stream.indirect.scatter.add.f32 [tilespmem:s23], [sflag:$0x5], $0x80, s8, s21, $0xb8;
	[tilespmem:$0x1E300] =	vst v63  }
0x125: {  	_ =	swait.ge [sflag:s18], $0x4000  }
0x126: {  	[sflag:s18] =	ssyncset.done $0x0  }
0x127: {  	s10 =	sor.u32 $0x180, s28;
	[sflag:s18] =	ssyncadd.s32 $0xFFFFC000  }
0x128: {  	[tilespmem:s23], [sflag:$0x2] =	stream.indirect.gather [hbm4b:s1+s21], $0x80, s10, s21, $0xb8;
	[tilespmem:$0x1E300] =	vst v63  }
0x129: {  	_ = 	snop  }
0x12a: {  	[spmem:s4] =	stream.indirect.scatter.add.f32 [tilespmem:s25], [sflag:$0x5], $0x1, s8, s21, $0xb8;
	[tilespmem:$0x1E300] =	vst v63  }
0x12b: {  	_ =	swait.ge [sflag:s18], $0x80  }
0x12c: {  	[sflag:s18] =	ssyncset.done $0x0  }
0x12d: {  	[sflag:s18] =	ssyncadd.s32 $0xFFFFFF80  }
0x12e: {  	_ =	swait.ge [sflag:s24], $0x4000  }
0x12f: {  	[sflag:s24] =	ssyncset.done $0x0  }
0x130: {  	s8 =	sor.u32 $0x1100, s28;
	[sflag:s24] =	ssyncadd.s32 $0xFFFFC000  }
0x131: {  	[spmem:s3] =	stream.indirect.scatter.add.f32 [tilespmem:s22], [sflag:$0x5], $0x80, s8, s21, $0xb8;
	[tilespmem:$0x1E300] =	vst v63  }
0x132: {  	_ =	swait.ge [sflag:s18], $0x4000  }
0x133: {  	[sflag:s18] =	ssyncset.done $0x0  }
0x134: {  	s10 =	sor.u32 $0x200, s28;
	[sflag:s18] =	ssyncadd.s32 $0xFFFFC000  }
0x135: {  	[tilespmem:s22], [sflag:$0x1] =	stream.indirect.gather [hbm4b:s1+s21], $0x80, s10, s21, $0xb8;
	[tilespmem:$0x1E300] =	vst v63  }
0x136: {  	_ = 	snop  }
0x137: {  	[spmem:s4] =	stream.indirect.scatter.add.f32 [tilespmem:s25], [sflag:$0x5], $0x1, s8, s21, $0xb8;
	[tilespmem:$0x1E300] =	vst v63  }
0x138: {  	_ =	swait.ge [sflag:s18], $0x80  }
0x139: {  	[sflag:s18] =	ssyncset.done $0x0  }
0x13a: {  	[sflag:s18] =	ssyncadd.s32 $0xFFFFFF80  }
0x13b: {  	_ =	swait.ge [sflag:s26], $0x4000  }
0x13c: {  	[sflag:s26] =	ssyncset.done $0x0  }
0x13d: {  	s8 =	sor.u32 $0x1180, s28;
	[sflag:s26] =	ssyncadd.s32 $0xFFFFC000  }
0x13e: {  	[spmem:s3] =	stream.indirect.scatter.add.f32 [tilespmem:s23], [sflag:$0x5], $0x80, s8, s21, $0xb8;
	[tilespmem:$0x1E300] =	vst v63  }
0x13f: {  	_ =	swait.ge [sflag:s18], $0x4000  }
0x140: {  	[sflag:s18] =	ssyncset.done $0x0  }
0x141: {  	s10 =	sor.u32 $0x280, s28;
	[sflag:s18] =	ssyncadd.s32 $0xFFFFC000  }
0x142: {  	[tilespmem:s23], [sflag:$0x2] =	stream.indirect.gather [hbm4b:s1+s21], $0x80, s10, s21, $0xb8;
	[tilespmem:$0x1E300] =	vst v63  }
0x143: {  	_ = 	snop  }
0x144: {  	[spmem:s4] =	stream.indirect.scatter.add.f32 [tilespmem:s25], [sflag:$0x5], $0x1, s8, s21, $0xb8;
	[tilespmem:$0x1E300] =	vst v63  }
0x145: {  	_ =	swait.ge [sflag:s18], $0x80  }
0x146: {  	[sflag:s18] =	ssyncset.done $0x0  }
0x147: {  	[sflag:s18] =	ssyncadd.s32 $0xFFFFFF80  }
0x148: {  	_ =	swait.ge [sflag:s24], $0x4000  }
0x149: {  	[sflag:s24] =	ssyncset.done $0x0  }
0x14a: {  	s8 =	sor.u32 $0x1200, s28;
	[sflag:s24] =	ssyncadd.s32 $0xFFFFC000  }
0x14b: {  	[spmem:s3] =	stream.indirect.scatter.add.f32 [tilespmem:s22], [sflag:$0x5], $0x80, s8, s21, $0xb8;
	[tilespmem:$0x1E300] =	vst v63  }
0x14c: {  	_ =	swait.ge [sflag:s18], $0x4000  }
0x14d: {  	[sflag:s18] =	ssyncset.done $0x0  }
0x14e: {  	s10 =	sor.u32 $0x300, s28;
	[sflag:s18] =	ssyncadd.s32 $0xFFFFC000  }
0x14f: {  	[tilespmem:s22], [sflag:$0x1] =	stream.indirect.gather [hbm4b:s1+s21], $0x80, s10, s21, $0xb8;
	[tilespmem:$0x1E300] =	vst v63  }
0x150: {  	_ = 	snop  }
0x151: {  	[spmem:s4] =	stream.indirect.scatter.add.f32 [tilespmem:s25], [sflag:$0x5], $0x1, s8, s21, $0xb8;
	[tilespmem:$0x1E300] =	vst v63  }
0x152: {  	_ =	swait.ge [sflag:s18], $0x80  }
0x153: {  	[sflag:s18] =	ssyncset.done $0x0  }
0x154: {  	[sflag:s18] =	ssyncadd.s32 $0xFFFFFF80  }
0x155: {  	_ =	swait.ge [sflag:s26], $0x4000  }
0x156: {  	[sflag:s26] =	ssyncset.done $0x0  }
0x157: {  	s8 =	sor.u32 $0x1280, s28;
	[sflag:s26] =	ssyncadd.s32 $0xFFFFC000  }
0x158: {  	[spmem:s3] =	stream.indirect.scatter.add.f32 [tilespmem:s23], [sflag:$0x5], $0x80, s8, s21, $0xb8;
	[tilespmem:$0x1E300] =	vst v63  }
0x159: {  	_ =	swait.ge [sflag:s18], $0x4000  }
0x15a: {  	[sflag:s18] =	ssyncset.done $0x0  }
0x15b: {  	s10 =	sor.u32 $0x380, s28;
	[sflag:s18] =	ssyncadd.s32 $0xFFFFC000  }
0x15c: {  	[tilespmem:s23], [sflag:$0x2] =	stream.indirect.gather [hbm4b:s1+s21], $0x80, s10, s21, $0xb8;
	[tilespmem:$0x1E300] =	vst v63  }
0x15d: {  	_ = 	snop  }
0x15e: {  	[spmem:s4] =	stream.indirect.scatter.add.f32 [tilespmem:s25], [sflag:$0x5], $0x1, s8, s21, $0xb8;
	[tilespmem:$0x1E300] =	vst v63  }
0x15f: {  	_ =	swait.ge [sflag:s18], $0x80  }
0x160: {  	[sflag:s18] =	ssyncset.done $0x0  }
0x161: {  	[sflag:s18] =	ssyncadd.s32 $0xFFFFFF80  }
0x162: {  	_ =	swait.ge [sflag:s24], $0x4000  }
0x163: {  	[sflag:s24] =	ssyncset.done $0x0  }
0x164: {  	s8 =	sor.u32 $0x1300, s28;
	[sflag:s24] =	ssyncadd.s32 $0xFFFFC000  }
0x165: {  	[spmem:s3] =	stream.indirect.scatter.add.f32 [tilespmem:s22], [sflag:$0x5], $0x80, s8, s21, $0xb8;
	[tilespmem:$0x1E300] =	vst v63  }
0x166: {  	_ =	swait.ge [sflag:s18], $0x4000  }
0x167: {  	[sflag:s18] =	ssyncset.done $0x0  }
0x168: {  	s10 =	sor.u32 $0x400, s28;
	[sflag:s18] =	ssyncadd.s32 $0xFFFFC000  }
0x169: {  	[tilespmem:s22], [sflag:$0x1] =	stream.indirect.gather [hbm4b:s1+s21], $0x80, s10, s21, $0xb8;
	[tilespmem:$0x1E300] =	vst v63  }
0x16a: {  	_ = 	snop  }
0x16b: {  	[spmem:s4] =	stream.indirect.scatter.add.f32 [tilespmem:s25], [sflag:$0x5], $0x1, s8, s21, $0xb8;
	[tilespmem:$0x1E300] =	vst v63  }
0x16c: {  	_ =	swait.ge [sflag:s18], $0x80  }
0x16d: {  	[sflag:s18] =	ssyncset.done $0x0  }
0x16e: {  	[sflag:s18] =	ssyncadd.s32 $0xFFFFFF80  }
0x16f: {  	_ =	swait.ge [sflag:s26], $0x4000  }
0x170: {  	[sflag:s26] =	ssyncset.done $0x0  }
0x171: {  	s8 =	sor.u32 $0x1380, s28;
	[sflag:s26] =	ssyncadd.s32 $0xFFFFC000  }
0x172: {  	[spmem:s3] =	stream.indirect.scatter.add.f32 [tilespmem:s23], [sflag:$0x5], $0x80, s8, s21, $0xb8;
	[tilespmem:$0x1E300] =	vst v63  }
0x173: {  	_ =	swait.ge [sflag:s18], $0x4000  }
0x174: {  	[sflag:s18] =	ssyncset.done $0x0  }
0x175: {  	s10 =	sor.u32 $0x480, s28;
	[sflag:s18] =	ssyncadd.s32 $0xFFFFC000  }
0x176: {  	[tilespmem:s23], [sflag:$0x2] =	stream.indirect.gather [hbm4b:s1+s21], $0x80, s10, s21, $0xb8;
	[tilespmem:$0x1E300] =	vst v63  }
0x177: {  	_ = 	snop  }
0x178: {  	[spmem:s4] =	stream.indirect.scatter.add.f32 [tilespmem:s25], [sflag:$0x5], $0x1, s8, s21, $0xb8;
	[tilespmem:$0x1E300] =	vst v63  }
0x179: {  	_ =	swait.ge [sflag:s18], $0x80  }
0x17a: {  	[sflag:s18] =	ssyncset.done $0x0  }
0x17b: {  	[sflag:s18] =	ssyncadd.s32 $0xFFFFFF80  }
0x17c: {  	_ =	swait.ge [sflag:s24], $0x4000  }
0x17d: {  	[sflag:s24] =	ssyncset.done $0x0  }
0x17e: {  	s8 =	sor.u32 $0x1400, s28;
	[sflag:s24] =	ssyncadd.s32 $0xFFFFC000  }
0x17f: {  	[spmem:s3] =	stream.indirect.scatter.add.f32 [tilespmem:s22], [sflag:$0x5], $0x80, s8, s21, $0xb8;
	[tilespmem:$0x1E300] =	vst v63  }
0x180: {  	_ =	swait.ge [sflag:s18], $0x4000  }
0x181: {  	[sflag:s18] =	ssyncset.done $0x0  }
0x182: {  	s10 =	sor.u32 $0x500, s28;
	[sflag:s18] =	ssyncadd.s32 $0xFFFFC000  }
0x183: {  	[tilespmem:s22], [sflag:$0x1] =	stream.indirect.gather [hbm4b:s1+s21], $0x80, s10, s21, $0xb8;
	[tilespmem:$0x1E300] =	vst v63  }
0x184: {  	_ = 	snop  }
0x185: {  	[spmem:s4] =	stream.indirect.scatter.add.f32 [tilespmem:s25], [sflag:$0x5], $0x1, s8, s21, $0xb8;
	[tilespmem:$0x1E300] =	vst v63  }
0x186: {  	_ =	swait.ge [sflag:s18], $0x80  }
0x187: {  	[sflag:s18] =	ssyncset.done $0x0  }
0x188: {  	[sflag:s18] =	ssyncadd.s32 $0xFFFFFF80  }
0x189: {  	_ =	swait.ge [sflag:s26], $0x4000  }
0x18a: {  	[sflag:s26] =	ssyncset.done $0x0  }
0x18b: {  	s8 =	sor.u32 $0x1480, s28;
	[sflag:s26] =	ssyncadd.s32 $0xFFFFC000  }
0x18c: {  	[spmem:s3] =	stream.indirect.scatter.add.f32 [tilespmem:s23], [sflag:$0x5], $0x80, s8, s21, $0xb8;
	[tilespmem:$0x1E300] =	vst v63  }
0x18d: {  	_ =	swait.ge [sflag:s18], $0x4000  }
0x18e: {  	[sflag:s18] =	ssyncset.done $0x0  }
0x18f: {  	s10 =	sor.u32 $0x580, s28;
	[sflag:s18] =	ssyncadd.s32 $0xFFFFC000  }
0x190: {  	[tilespmem:s23], [sflag:$0x2] =	stream.indirect.gather [hbm4b:s1+s21], $0x80, s10, s21, $0xb8;
	[tilespmem:$0x1E300] =	vst v63  }
0x191: {  	_ = 	snop  }
0x192: {  	[spmem:s4] =	stream.indirect.scatter.add.f32 [tilespmem:s25], [sflag:$0x5], $0x1, s8, s21, $0xb8;
	[tilespmem:$0x1E300] =	vst v63  }
0x193: {  	_ =	swait.ge [sflag:s18], $0x80  }
0x194: {  	[sflag:s18] =	ssyncset.done $0x0  }
0x195: {  	[sflag:s18] =	ssyncadd.s32 $0xFFFFFF80  }
0x196: {  	_ =	swait.ge [sflag:s24], $0x4000  }
0x197: {  	[sflag:s24] =	ssyncset.done $0x0  }
0x198: {  	s8 =	sor.u32 $0x1500, s28;
	[sflag:s24] =	ssyncadd.s32 $0xFFFFC000  }
0x199: {  	[spmem:s3] =	stream.indirect.scatter.add.f32 [tilespmem:s22], [sflag:$0x5], $0x80, s8, s21, $0xb8;
	[tilespmem:$0x1E300] =	vst v63  }
0x19a: {  	_ =	swait.ge [sflag:s18], $0x4000  }
0x19b: {  	[sflag:s18] =	ssyncset.done $0x0  }
0x19c: {  	s10 =	sor.u32 $0x600, s28;
	[sflag:s18] =	ssyncadd.s32 $0xFFFFC000  }
0x19d: {  	[tilespmem:s22], [sflag:$0x1] =	stream.indirect.gather [hbm4b:s1+s21], $0x80, s10, s21, $0xb8;
	[tilespmem:$0x1E300] =	vst v63  }
0x19e: {  	_ = 	snop  }
0x19f: {  	[spmem:s4] =	stream.indirect.scatter.add.f32 [tilespmem:s25], [sflag:$0x5], $0x1, s8, s21, $0xb8;
	[tilespmem:$0x1E300] =	vst v63  }
0x1a0: {  	_ =	swait.ge [sflag:s18], $0x80  }
0x1a1: {  	[sflag:s18] =	ssyncset.done $0x0  }
0x1a2: {  	[sflag:s18] =	ssyncadd.s32 $0xFFFFFF80  }
0x1a3: {  	_ =	swait.ge [sflag:s26], $0x4000  }
0x1a4: {  	[sflag:s26] =	ssyncset.done $0x0  }
0x1a5: {  	s8 =	sor.u32 $0x1580, s28;
	[sflag:s26] =	ssyncadd.s32 $0xFFFFC000  }
0x1a6: {  	[spmem:s3] =	stream.indirect.scatter.add.f32 [tilespmem:s23], [sflag:$0x5], $0x80, s8, s21, $0xb8;
	[tilespmem:$0x1E300] =	vst v63  }
0x1a7: {  	_ =	swait.ge [sflag:s18], $0x4000  }
0x1a8: {  	[sflag:s18] =	ssyncset.done $0x0  }
0x1a9: {  	s10 =	sor.u32 $0x680, s28;
	[sflag:s18] =	ssyncadd.s32 $0xFFFFC000  }
0x1aa: {  	[tilespmem:s23], [sflag:$0x2] =	stream.indirect.gather [hbm4b:s1+s21], $0x80, s10, s21, $0xb8;
	[tilespmem:$0x1E300] =	vst v63  }
0x1ab: {  	_ = 	snop  }
0x1ac: {  	[spmem:s4] =	stream.indirect.scatter.add.f32 [tilespmem:s25], [sflag:$0x5], $0x1, s8, s21, $0xb8;
	[tilespmem:$0x1E300] =	vst v63  }
0x1ad: {  	_ =	swait.ge [sflag:s18], $0x80  }
0x1ae: {  	[sflag:s18] =	ssyncset.done $0x0  }
0x1af: {  	[sflag:s18] =	ssyncadd.s32 $0xFFFFFF80  }
0x1b0: {  	_ =	swait.ge [sflag:s24], $0x4000  }
0x1b1: {  	[sflag:s24] =	ssyncset.done $0x0  }
0x1b2: {  	s8 =	sor.u32 $0x1600, s28;
	[sflag:s24] =	ssyncadd.s32 $0xFFFFC000  }
0x1b3: {  	[spmem:s3] =	stream.indirect.scatter.add.f32 [tilespmem:s22], [sflag:$0x5], $0x80, s8, s21, $0xb8;
	[tilespmem:$0x1E300] =	vst v63  }
0x1b4: {  	_ =	swait.ge [sflag:s18], $0x4000  }
0x1b5: {  	[sflag:s18] =	ssyncset.done $0x0  }
0x1b6: {  	s10 =	sor.u32 $0x700, s28;
	[sflag:s18] =	ssyncadd.s32 $0xFFFFC000  }
0x1b7: {  	[tilespmem:s22], [sflag:$0x1] =	stream.indirect.gather [hbm4b:s1+s21], $0x80, s10, s21, $0xb8;
	[tilespmem:$0x1E300] =	vst v63  }
0x1b8: {  	_ = 	snop  }
0x1b9: {  	[spmem:s4] =	stream.indirect.scatter.add.f32 [tilespmem:s25], [sflag:$0x5], $0x1, s8, s21, $0xb8;
	[tilespmem:$0x1E300] =	vst v63  }
0x1ba: {  	_ =	swait.ge [sflag:s18], $0x80  }
0x1bb: {  	[sflag:s18] =	ssyncset.done $0x0  }
0x1bc: {  	[sflag:s18] =	ssyncadd.s32 $0xFFFFFF80  }
0x1bd: {  	_ =	swait.ge [sflag:s26], $0x4000  }
0x1be: {  	[sflag:s26] =	ssyncset.done $0x0  }
0x1bf: {  	s8 =	sor.u32 $0x1680, s28;
	[sflag:s26] =	ssyncadd.s32 $0xFFFFC000  }
0x1c0: {  	[spmem:s3] =	stream.indirect.scatter.add.f32 [tilespmem:s23], [sflag:$0x5], $0x80, s8, s21, $0xb8;
	[tilespmem:$0x1E300] =	vst v63  }
0x1c1: {  	_ =	swait.ge [sflag:s18], $0x4000  }
0x1c2: {  	[sflag:s18] =	ssyncset.done $0x0  }
0x1c3: {  	s28 =	sor.u32 $0x780, s28;
	[sflag:s18] =	ssyncadd.s32 $0xFFFFC000  }
0x1c4: {  	[tilespmem:s23], [sflag:$0x2] =	stream.indirect.gather [hbm4b:s1+s21], $0x80, s28, s21, $0xb8;
	[tilespmem:$0x1E300] =	vst v63  }
0x1c5: {  	_ = 	snop  }
0x1c6: {  	[spmem:s4] =	stream.indirect.scatter.add.f32 [tilespmem:s25], [sflag:$0x5], $0x1, s8, s21, $0xb8;
	[tilespmem:$0x1E300] =	vst v63  }
0x1c7: {  	_ =	swait.ge [sflag:s18], $0x80  }
0x1c8: {  	[sflag:s18] =	ssyncset.done $0x0  }
0x1c9: {  	s8 =	simm.s32 @!p0 $0x3;
	[sflag:s18] =	ssyncadd.s32 $0xFFFFFF80  }
0x1ca: {  	_ =	swait.ge @!p0 [sflag:s8], $0x800  }
0x1cb: {  	[sflag:s8] =	ssyncset.done @!p0 $0x0  }
0x1cc: {  	[sflag:s8] =	ssyncadd.s32 @!p0 $0xFFFFF800;
	s8 =	simm.s32 @!p0 $0x4  }
0x1cd: {  	_ =	swait.ge @!p0 [sflag:s8], $0x800  }
0x1ce: {  	[sflag:s8] =	ssyncset.done @!p0 $0x0  }
0x1cf: {  	[sflag:s8] =	ssyncadd.s32 @!p0 $0xFFFFF800  }
0x1d0: {  	_ =	swait.ge [sflag:s24], $0x4000  }
0x1d1: {  	[sflag:s24] =	ssyncset.done $0x0  }
0x1d2: {  	s8 =	sor.u32 $0x1000, s10;
	[sflag:s24] =	ssyncadd.s32 $0xFFFFC000  }
0x1d3: {  	[spmem:s3] =	stream.indirect.scatter.add.f32 [tilespmem:s22], [sflag:$0x5], $0x80, s8, s21, $0xb8;
	[tilespmem:$0x1E300] =	vst v63  }
0x1d4: {  	_ =	swait.ge [sflag:s18], $0x4000  }
0x1d5: {  	[sflag:s18] =	ssyncset.done $0x0  }
0x1d6: {  	s29 =	simm.s32 @!p0 $0x2000;
	s10 =	simm.s32 @!p0 $0x80;
	[sflag:s18] =	ssyncadd.s32 $0xFFFFC000  }
0x1d7: {  	[tilespmem:s29], [sflag:$0x1] =	stream.indirect.gather @!p0 [hbm4b:s1+s10], $0x80, s20, s10, $0xb8;
	[tilespmem:$0x1E300] =	vst v63  }
0x1d8: {  	_ = 	snop  }
0x1d9: {  	[spmem:s4] =	stream.indirect.scatter.add.f32 [tilespmem:s25], [sflag:$0x5], $0x1, s8, s21, $0xb8;
	[tilespmem:$0x1E300] =	vst v63  }
0x1da: {  	_ =	swait.ge [sflag:s18], $0x80  }
0x1db: {  	[sflag:s18] =	ssyncset.done $0x0  }
0x1dc: {  	[sflag:s18] =	ssyncadd.s32 $0xFFFFFF80  }
0x1dd: {  	_ =	swait.ge [sflag:s26], $0x4000  }
0x1de: {  	[sflag:s26] =	ssyncset.done $0x0  }
0x1df: {  	s8 =	sor.u32 $0x1000, s28;
	[sflag:s26] =	ssyncadd.s32 $0xFFFFC000  }
0x1e0: {  	[spmem:s3] =	stream.indirect.scatter.add.f32 [tilespmem:s23], [sflag:$0x5], $0x80, s8, s21, $0xb8;
	[tilespmem:$0x1E300] =	vst v63  }
0x1e1: {  	_ =	swait.ge [sflag:s18], $0x4000  }
0x1e2: {  	[sflag:s18] =	ssyncset.done $0x0  }
0x1e3: {  	s20 =	sor.u32 @!p0 $0x80, s20;
	s28 =	simm.s32 @!p0 $0x6000;
	[sflag:s18] =	ssyncadd.s32 $0xFFFFC000  }
0x1e4: {  	[tilespmem:s28], [sflag:$0x2] =	stream.indirect.gather @!p0 [hbm4b:s1+s10], $0x80, s20, s10, $0xb8;
	[tilespmem:$0x1E300] =	vst v63  }
.Ltmp0:
0x1e5: {  	_ = 	snop;
	(pc) =	sbr.rel @p1 .LBB2_2-.Ltmp0, $4  }
0x1e6: {  	_ = 	snop  }
0x1e7: {  	[spmem:s4] =	stream.indirect.scatter.add.f32 [tilespmem:s25], [sflag:$0x5], $0x1, s8, s21, $0xb8;
	[tilespmem:$0x1E300] =	vst v63  }
0x1e8: {  	s31 =	sadd.s32 $0x800, s31;
	_ =	swait.ge [sflag:s18], $0x80  }
0x1e9: {  	s28 =	sand.u32 $0x1, s2;
	p0 =	seq.s32 s2, $0x4;
	[sflag:s18] =	ssyncset.done $0x0  }
0x1ea: {  	s0 =	sxor.u32 $0x1, s28;
	s2 =	sshrl.u32 @!p0 s31, $0x3;
	[sflag:s18] =	ssyncadd.s32 $0xFFFFFF80  }
0x1eb: {  	s10 =	simm.s32 @!p0 $0x0;
	s0 =	sshll.u32 @!p0 s0, $0xB;
	s8 =	sadd.s32 @!p0 s6, s2  }
0x1ec: {  	[tilespmem:s0], [sflag:$0x3] =	stream.linear.gather @!p0 [hbm4b:s8+s10], $0x800, $0x38;
	[tilespmem:$0x1E300] =	vst v63  }
0x1ed: {  	s2 =	sadd.s32 @!p0 s7, s2;
	s8 =	sor.u32 @!p0 $0x1000, s0  }
0x1ee: {  	[tilespmem:s8], [sflag:$0x4] =	stream.linear.gather @!p0 [hbm4b:s2+s10], $0x800, $0x38;
	[tilespmem:$0x1E300] =	vst v63  }
0x1ef: {  	_ =	swait.ge [sflag:s24], $0x4000  }
0x1f0: {  	s2 =	sshll.u32 s28, $0xB;
	[sflag:s24] =	ssyncset.done $0x0  }
0x1f1: {  	s29 =	sor.u32 $0x1000, s2;
	[sflag:s24] =	ssyncadd.s32 $0xFFFFC000  }
0x1f2: {  	[spmem:s3] =	stream.indirect.scatter.add.f32 [tilespmem:s22], [sflag:$0x5], $0x80, s29, s21, $0xb8;
	[tilespmem:$0x1E300] =	vst v63  }
0x1f3: {  	_ =	swait.ge [sflag:s18], $0x4000  }
0x1f4: {  	[sflag:s18] =	ssyncset.done $0x0  }
0x1f5: {  	s31 =	sor.u32 $0x100, s2;
	[sflag:s18] =	ssyncadd.s32 $0xFFFFC000  }
0x1f6: {  	[tilespmem:s22], [sflag:$0x1] =	stream.indirect.gather [hbm4b:s1+s21], $0x80, s31, s21, $0xb8;
	[tilespmem:$0x1E300] =	vst v63  }
0x1f7: {  	_ = 	snop  }
0x1f8: {  	[spmem:s4] =	stream.indirect.scatter.add.f32 [tilespmem:s25], [sflag:$0x5], $0x1, s29, s21, $0xb8;
	[tilespmem:$0x1E300] =	vst v63  }
0x1f9: {  	_ =	swait.ge [sflag:s18], $0x80  }
0x1fa: {  	[sflag:s18] =	ssyncset.done $0x0  }
0x1fb: {  	[sflag:s18] =	ssyncadd.s32 $0xFFFFFF80  }
0x1fc: {  	_ =	swait.ge [sflag:s26], $0x4000  }
0x1fd: {  	[sflag:s26] =	ssyncset.done $0x0  }
0x1fe: {  	s20 =	sor.u32 $0x1080, s2;
	[sflag:s26] =	ssyncadd.s32 $0xFFFFC000  }
0x1ff: {  	[spmem:s3] =	stream.indirect.scatter.add.f32 [tilespmem:s23], [sflag:$0x5], $0x80, s20, s21, $0xb8;
	[tilespmem:$0x1E300] =	vst v63  }
0x200: {  	_ =	swait.ge [sflag:s18], $0x4000  }
0x201: {  	[sflag:s18] =	ssyncset.done $0x0  }
0x202: {  	s28 =	sor.u32 $0x180, s2;
	[sflag:s18] =	ssyncadd.s32 $0xFFFFC000  }
0x203: {  	[tilespmem:s23], [sflag:$0x2] =	stream.indirect.gather [hbm4b:s1+s21], $0x80, s28, s21, $0xb8;
	[tilespmem:$0x1E300] =	vst v63  }
0x204: {  	_ = 	snop  }
0x205: {  	[spmem:s4] =	stream.indirect.scatter.add.f32 [tilespmem:s25], [sflag:$0x5], $0x1, s20, s21, $0xb8;
	[tilespmem:$0x1E300] =	vst v63  }
0x206: {  	_ =	swait.ge [sflag:s18], $0x80  }
0x207: {  	[sflag:s18] =	ssyncset.done $0x0  }
0x208: {  	[sflag:s18] =	ssyncadd.s32 $0xFFFFFF80  }
0x209: {  	_ =	swait.ge [sflag:s24], $0x4000  }
0x20a: {  	[sflag:s24] =	ssyncset.done $0x0  }
0x20b: {  	s29 =	sor.u32 $0x1100, s2;
	[sflag:s24] =	ssyncadd.s32 $0xFFFFC000  }
0x20c: {  	[spmem:s3] =	stream.indirect.scatter.add.f32 [tilespmem:s22], [sflag:$0x5], $0x80, s29, s21, $0xb8;
	[tilespmem:$0x1E300] =	vst v63  }
0x20d: {  	_ =	swait.ge [sflag:s18], $0x4000  }
0x20e: {  	[sflag:s18] =	ssyncset.done $0x0  }
0x20f: {  	s31 =	sor.u32 $0x200, s2;
	[sflag:s18] =	ssyncadd.s32 $0xFFFFC000  }
0x210: {  	[tilespmem:s22], [sflag:$0x1] =	stream.indirect.gather [hbm4b:s1+s21], $0x80, s31, s21, $0xb8;
	[tilespmem:$0x1E300] =	vst v63  }
0x211: {  	_ = 	snop  }
0x212: {  	[spmem:s4] =	stream.indirect.scatter.add.f32 [tilespmem:s25], [sflag:$0x5], $0x1, s29, s21, $0xb8;
	[tilespmem:$0x1E300] =	vst v63  }
0x213: {  	_ =	swait.ge [sflag:s18], $0x80  }
0x214: {  	[sflag:s18] =	ssyncset.done $0x0  }
0x215: {  	[sflag:s18] =	ssyncadd.s32 $0xFFFFFF80  }
0x216: {  	_ =	swait.ge [sflag:s26], $0x4000  }
0x217: {  	[sflag:s26] =	ssyncset.done $0x0  }
0x218: {  	s20 =	sor.u32 $0x1180, s2;
	[sflag:s26] =	ssyncadd.s32 $0xFFFFC000  }
0x219: {  	[spmem:s3] =	stream.indirect.scatter.add.f32 [tilespmem:s23], [sflag:$0x5], $0x80, s20, s21, $0xb8;
	[tilespmem:$0x1E300] =	vst v63  }
0x21a: {  	_ =	swait.ge [sflag:s18], $0x4000  }
0x21b: {  	[sflag:s18] =	ssyncset.done $0x0  }
0x21c: {  	s28 =	sor.u32 $0x280, s2;
	[sflag:s18] =	ssyncadd.s32 $0xFFFFC000  }
0x21d: {  	[tilespmem:s23], [sflag:$0x2] =	stream.indirect.gather [hbm4b:s1+s21], $0x80, s28, s21, $0xb8;
	[tilespmem:$0x1E300] =	vst v63  }
0x21e: {  	_ = 	snop  }
0x21f: {  	[spmem:s4] =	stream.indirect.scatter.add.f32 [tilespmem:s25], [sflag:$0x5], $0x1, s20, s21, $0xb8;
	[tilespmem:$0x1E300] =	vst v63  }
0x220: {  	_ =	swait.ge [sflag:s18], $0x80  }
0x221: {  	[sflag:s18] =	ssyncset.done $0x0  }
0x222: {  	[sflag:s18] =	ssyncadd.s32 $0xFFFFFF80  }
0x223: {  	_ =	swait.ge [sflag:s24], $0x4000  }
0x224: {  	[sflag:s24] =	ssyncset.done $0x0  }
0x225: {  	s29 =	sor.u32 $0x1200, s2;
	[sflag:s24] =	ssyncadd.s32 $0xFFFFC000  }
0x226: {  	[spmem:s3] =	stream.indirect.scatter.add.f32 [tilespmem:s22], [sflag:$0x5], $0x80, s29, s21, $0xb8;
	[tilespmem:$0x1E300] =	vst v63  }
0x227: {  	_ =	swait.ge [sflag:s18], $0x4000  }
0x228: {  	[sflag:s18] =	ssyncset.done $0x0  }
0x229: {  	s31 =	sor.u32 $0x300, s2;
	[sflag:s18] =	ssyncadd.s32 $0xFFFFC000  }
0x22a: {  	[tilespmem:s22], [sflag:$0x1] =	stream.indirect.gather [hbm4b:s1+s21], $0x80, s31, s21, $0xb8;
	[tilespmem:$0x1E300] =	vst v63  }
0x22b: {  	_ = 	snop  }
0x22c: {  	[spmem:s4] =	stream.indirect.scatter.add.f32 [tilespmem:s25], [sflag:$0x5], $0x1, s29, s21, $0xb8;
	[tilespmem:$0x1E300] =	vst v63  }
0x22d: {  	_ =	swait.ge [sflag:s18], $0x80  }
0x22e: {  	[sflag:s18] =	ssyncset.done $0x0  }
0x22f: {  	[sflag:s18] =	ssyncadd.s32 $0xFFFFFF80  }
0x230: {  	_ =	swait.ge [sflag:s26], $0x4000  }
0x231: {  	[sflag:s26] =	ssyncset.done $0x0  }
0x232: {  	s20 =	sor.u32 $0x1280, s2;
	[sflag:s26] =	ssyncadd.s32 $0xFFFFC000  }
0x233: {  	[spmem:s3] =	stream.indirect.scatter.add.f32 [tilespmem:s23], [sflag:$0x5], $0x80, s20, s21, $0xb8;
	[tilespmem:$0x1E300] =	vst v63  }
0x234: {  	_ =	swait.ge [sflag:s18], $0x4000  }
0x235: {  	[sflag:s18] =	ssyncset.done $0x0  }
0x236: {  	s28 =	sor.u32 $0x380, s2;
	[sflag:s18] =	ssyncadd.s32 $0xFFFFC000  }
0x237: {  	[tilespmem:s23], [sflag:$0x2] =	stream.indirect.gather [hbm4b:s1+s21], $0x80, s28, s21, $0xb8;
	[tilespmem:$0x1E300] =	vst v63  }
0x238: {  	_ = 	snop  }
0x239: {  	[spmem:s4] =	stream.indirect.scatter.add.f32 [tilespmem:s25], [sflag:$0x5], $0x1, s20, s21, $0xb8;
	[tilespmem:$0x1E300] =	vst v63  }
0x23a: {  	_ =	swait.ge [sflag:s18], $0x80  }
0x23b: {  	[sflag:s18] =	ssyncset.done $0x0  }
0x23c: {  	[sflag:s18] =	ssyncadd.s32 $0xFFFFFF80  }
0x23d: {  	_ =	swait.ge [sflag:s24], $0x4000  }
0x23e: {  	[sflag:s24] =	ssyncset.done $0x0  }
0x23f: {  	s29 =	sor.u32 $0x1300, s2;
	[sflag:s24] =	ssyncadd.s32 $0xFFFFC000  }
0x240: {  	[spmem:s3] =	stream.indirect.scatter.add.f32 [tilespmem:s22], [sflag:$0x5], $0x80, s29, s21, $0xb8;
	[tilespmem:$0x1E300] =	vst v63  }
0x241: {  	_ =	swait.ge [sflag:s18], $0x4000  }
0x242: {  	[sflag:s18] =	ssyncset.done $0x0  }
0x243: {  	s31 =	sor.u32 $0x400, s2;
	[sflag:s18] =	ssyncadd.s32 $0xFFFFC000  }
0x244: {  	[tilespmem:s22], [sflag:$0x1] =	stream.indirect.gather [hbm4b:s1+s21], $0x80, s31, s21, $0xb8;
	[tilespmem:$0x1E300] =	vst v63  }
0x245: {  	_ = 	snop  }
0x246: {  	[spmem:s4] =	stream.indirect.scatter.add.f32 [tilespmem:s25], [sflag:$0x5], $0x1, s29, s21, $0xb8;
	[tilespmem:$0x1E300] =	vst v63  }
0x247: {  	_ =	swait.ge [sflag:s18], $0x80  }
0x248: {  	[sflag:s18] =	ssyncset.done $0x0  }
0x249: {  	[sflag:s18] =	ssyncadd.s32 $0xFFFFFF80  }
0x24a: {  	_ =	swait.ge [sflag:s26], $0x4000  }
0x24b: {  	[sflag:s26] =	ssyncset.done $0x0  }
0x24c: {  	s20 =	sor.u32 $0x1380, s2;
	[sflag:s26] =	ssyncadd.s32 $0xFFFFC000  }
0x24d: {  	[spmem:s3] =	stream.indirect.scatter.add.f32 [tilespmem:s23], [sflag:$0x5], $0x80, s20, s21, $0xb8;
	[tilespmem:$0x1E300] =	vst v63  }
0x24e: {  	_ =	swait.ge [sflag:s18], $0x4000  }
0x24f: {  	[sflag:s18] =	ssyncset.done $0x0  }
0x250: {  	s28 =	sor.u32 $0x480, s2;
	[sflag:s18] =	ssyncadd.s32 $0xFFFFC000  }
0x251: {  	[tilespmem:s23], [sflag:$0x2] =	stream.indirect.gather [hbm4b:s1+s21], $0x80, s28, s21, $0xb8;
	[tilespmem:$0x1E300] =	vst v63  }
0x252: {  	_ = 	snop  }
0x253: {  	[spmem:s4] =	stream.indirect.scatter.add.f32 [tilespmem:s25], [sflag:$0x5], $0x1, s20, s21, $0xb8;
	[tilespmem:$0x1E300] =	vst v63  }
0x254: {  	_ =	swait.ge [sflag:s18], $0x80  }
0x255: {  	[sflag:s18] =	ssyncset.done $0x0  }
0x256: {  	[sflag:s18] =	ssyncadd.s32 $0xFFFFFF80  }
0x257: {  	_ =	swait.ge [sflag:s24], $0x4000  }
0x258: {  	[sflag:s24] =	ssyncset.done $0x0  }
0x259: {  	s29 =	sor.u32 $0x1400, s2;
	[sflag:s24] =	ssyncadd.s32 $0xFFFFC000  }
0x25a: {  	[spmem:s3] =	stream.indirect.scatter.add.f32 [tilespmem:s22], [sflag:$0x5], $0x80, s29, s21, $0xb8;
	[tilespmem:$0x1E300] =	vst v63  }
0x25b: {  	_ =	swait.ge [sflag:s18], $0x4000  }
0x25c: {  	[sflag:s18] =	ssyncset.done $0x0  }
0x25d: {  	s31 =	sor.u32 $0x500, s2;
	[sflag:s18] =	ssyncadd.s32 $0xFFFFC000  }
0x25e: {  	[tilespmem:s22], [sflag:$0x1] =	stream.indirect.gather [hbm4b:s1+s21], $0x80, s31, s21, $0xb8;
	[tilespmem:$0x1E300] =	vst v63  }
0x25f: {  	_ = 	snop  }
0x260: {  	[spmem:s4] =	stream.indirect.scatter.add.f32 [tilespmem:s25], [sflag:$0x5], $0x1, s29, s21, $0xb8;
	[tilespmem:$0x1E300] =	vst v63  }
0x261: {  	_ =	swait.ge [sflag:s18], $0x80  }
0x262: {  	[sflag:s18] =	ssyncset.done $0x0  }
0x263: {  	[sflag:s18] =	ssyncadd.s32 $0xFFFFFF80  }
0x264: {  	_ =	swait.ge [sflag:s26], $0x4000  }
0x265: {  	[sflag:s26] =	ssyncset.done $0x0  }
0x266: {  	s20 =	sor.u32 $0x1480, s2;
	[sflag:s26] =	ssyncadd.s32 $0xFFFFC000  }
0x267: {  	[spmem:s3] =	stream.indirect.scatter.add.f32 [tilespmem:s23], [sflag:$0x5], $0x80, s20, s21, $0xb8;
	[tilespmem:$0x1E300] =	vst v63  }
0x268: {  	_ =	swait.ge [sflag:s18], $0x4000  }
0x269: {  	[sflag:s18] =	ssyncset.done $0x0  }
0x26a: {  	s28 =	sor.u32 $0x580, s2;
	[sflag:s18] =	ssyncadd.s32 $0xFFFFC000  }
0x26b: {  	[tilespmem:s23], [sflag:$0x2] =	stream.indirect.gather [hbm4b:s1+s21], $0x80, s28, s21, $0xb8;
	[tilespmem:$0x1E300] =	vst v63  }
0x26c: {  	_ = 	snop  }
0x26d: {  	[spmem:s4] =	stream.indirect.scatter.add.f32 [tilespmem:s25], [sflag:$0x5], $0x1, s20, s21, $0xb8;
	[tilespmem:$0x1E300] =	vst v63  }
0x26e: {  	_ =	swait.ge [sflag:s18], $0x80  }
0x26f: {  	[sflag:s18] =	ssyncset.done $0x0  }
0x270: {  	[sflag:s18] =	ssyncadd.s32 $0xFFFFFF80  }
0x271: {  	_ =	swait.ge [sflag:s24], $0x4000  }
0x272: {  	[sflag:s24] =	ssyncset.done $0x0  }
0x273: {  	s29 =	sor.u32 $0x1500, s2;
	[sflag:s24] =	ssyncadd.s32 $0xFFFFC000  }
0x274: {  	[spmem:s3] =	stream.indirect.scatter.add.f32 [tilespmem:s22], [sflag:$0x5], $0x80, s29, s21, $0xb8;
	[tilespmem:$0x1E300] =	vst v63  }
0x275: {  	_ =	swait.ge [sflag:s18], $0x4000  }
0x276: {  	[sflag:s18] =	ssyncset.done $0x0  }
0x277: {  	s31 =	sor.u32 $0x600, s2;
	[sflag:s18] =	ssyncadd.s32 $0xFFFFC000  }
0x278: {  	[tilespmem:s22], [sflag:$0x1] =	stream.indirect.gather [hbm4b:s1+s21], $0x80, s31, s21, $0xb8;
	[tilespmem:$0x1E300] =	vst v63  }
0x279: {  	_ = 	snop  }
0x27a: {  	[spmem:s4] =	stream.indirect.scatter.add.f32 [tilespmem:s25], [sflag:$0x5], $0x1, s29, s21, $0xb8;
	[tilespmem:$0x1E300] =	vst v63  }
0x27b: {  	_ =	swait.ge [sflag:s18], $0x80  }
0x27c: {  	[sflag:s18] =	ssyncset.done $0x0  }
0x27d: {  	[sflag:s18] =	ssyncadd.s32 $0xFFFFFF80  }
0x27e: {  	_ =	swait.ge [sflag:s26], $0x4000  }
0x27f: {  	[sflag:s26] =	ssyncset.done $0x0  }
0x280: {  	s20 =	sor.u32 $0x1580, s2;
	[sflag:s26] =	ssyncadd.s32 $0xFFFFC000  }
0x281: {  	[spmem:s3] =	stream.indirect.scatter.add.f32 [tilespmem:s23], [sflag:$0x5], $0x80, s20, s21, $0xb8;
	[tilespmem:$0x1E300] =	vst v63  }
0x282: {  	_ =	swait.ge [sflag:s18], $0x4000  }
0x283: {  	[sflag:s18] =	ssyncset.done $0x0  }
0x284: {  	s28 =	sor.u32 $0x680, s2;
	[sflag:s18] =	ssyncadd.s32 $0xFFFFC000  }
0x285: {  	[tilespmem:s23], [sflag:$0x2] =	stream.indirect.gather [hbm4b:s1+s21], $0x80, s28, s21, $0xb8;
	[tilespmem:$0x1E300] =	vst v63  }
0x286: {  	_ = 	snop  }
0x287: {  	[spmem:s4] =	stream.indirect.scatter.add.f32 [tilespmem:s25], [sflag:$0x5], $0x1, s20, s21, $0xb8;
	[tilespmem:$0x1E300] =	vst v63  }
0x288: {  	_ =	swait.ge [sflag:s18], $0x80  }
0x289: {  	[sflag:s18] =	ssyncset.done $0x0  }
0x28a: {  	[sflag:s18] =	ssyncadd.s32 $0xFFFFFF80  }
0x28b: {  	_ =	swait.ge [sflag:s24], $0x4000  }
0x28c: {  	[sflag:s24] =	ssyncset.done $0x0  }
0x28d: {  	s29 =	sor.u32 $0x1600, s2;
	[sflag:s24] =	ssyncadd.s32 $0xFFFFC000  }
0x28e: {  	[spmem:s3] =	stream.indirect.scatter.add.f32 [tilespmem:s22], [sflag:$0x5], $0x80, s29, s21, $0xb8;
	[tilespmem:$0x1E300] =	vst v63  }
0x28f: {  	_ =	swait.ge [sflag:s18], $0x4000  }
0x290: {  	[sflag:s18] =	ssyncset.done $0x0  }
0x291: {  	s31 =	sor.u32 $0x700, s2;
	[sflag:s18] =	ssyncadd.s32 $0xFFFFC000  }
0x292: {  	[tilespmem:s22], [sflag:$0x1] =	stream.indirect.gather [hbm4b:s1+s21], $0x80, s31, s21, $0xb8;
	[tilespmem:$0x1E300] =	vst v63  }
0x293: {  	_ = 	snop  }
0x294: {  	[spmem:s4] =	stream.indirect.scatter.add.f32 [tilespmem:s25], [sflag:$0x5], $0x1, s29, s21, $0xb8;
	[tilespmem:$0x1E300] =	vst v63  }
0x295: {  	_ =	swait.ge [sflag:s18], $0x80  }
0x296: {  	[sflag:s18] =	ssyncset.done $0x0  }
0x297: {  	[sflag:s18] =	ssyncadd.s32 $0xFFFFFF80  }
0x298: {  	_ =	swait.ge [sflag:s26], $0x4000  }
0x299: {  	[sflag:s26] =	ssyncset.done $0x0  }
0x29a: {  	s20 =	sor.u32 $0x1680, s2;
	[sflag:s26] =	ssyncadd.s32 $0xFFFFC000  }
0x29b: {  	[spmem:s3] =	stream.indirect.scatter.add.f32 [tilespmem:s23], [sflag:$0x5], $0x80, s20, s21, $0xb8;
	[tilespmem:$0x1E300] =	vst v63  }
0x29c: {  	_ =	swait.ge [sflag:s18], $0x4000  }
0x29d: {  	[sflag:s18] =	ssyncset.done $0x0  }
0x29e: {  	s2 =	sor.u32 $0x780, s2;
	[sflag:s18] =	ssyncadd.s32 $0xFFFFC000  }
0x29f: {  	[tilespmem:s23], [sflag:$0x2] =	stream.indirect.gather [hbm4b:s1+s21], $0x80, s2, s21, $0xb8;
	[tilespmem:$0x1E300] =	vst v63  }
0x2a0: {  	_ = 	snop  }
0x2a1: {  	[spmem:s4] =	stream.indirect.scatter.add.f32 [tilespmem:s25], [sflag:$0x5], $0x1, s20, s21, $0xb8;
	[tilespmem:$0x1E300] =	vst v63  }
0x2a2: {  	_ =	swait.ge [sflag:s18], $0x80  }
0x2a3: {  	[sflag:s18] =	ssyncset.done $0x0  }
0x2a4: {  	s8 =	simm.s32 @!p0 $0x3;
	[sflag:s18] =	ssyncadd.s32 $0xFFFFFF80  }
0x2a5: {  	_ =	swait.ge @!p0 [sflag:s8], $0x800  }
0x2a6: {  	[sflag:s8] =	ssyncset.done @!p0 $0x0  }
0x2a7: {  	[sflag:s8] =	ssyncadd.s32 @!p0 $0xFFFFF800;
	s8 =	simm.s32 @!p0 $0x4  }
0x2a8: {  	_ =	swait.ge @!p0 [sflag:s8], $0x800  }
0x2a9: {  	[sflag:s8] =	ssyncset.done @!p0 $0x0  }
0x2aa: {  	[sflag:s8] =	ssyncadd.s32 @!p0 $0xFFFFF800  }
0x2ab: {  	_ =	swait.ge [sflag:s24], $0x4000  }
0x2ac: {  	[sflag:s24] =	ssyncset.done $0x0  }
0x2ad: {  	s28 =	sor.u32 $0x1000, s31;
	[sflag:s24] =	ssyncadd.s32 $0xFFFFC000  }
0x2ae: {  	[spmem:s3] =	stream.indirect.scatter.add.f32 [tilespmem:s22], [sflag:$0x5], $0x80, s28, s21, $0xb8;
	[tilespmem:$0x1E300] =	vst v63  }
0x2af: {  	_ =	swait.ge [sflag:s18], $0x4000  }
0x2b0: {  	[sflag:s18] =	ssyncset.done $0x0  }
0x2b1: {  	s10 =	simm.s32 @!p0 $0x80;
	s20 =	simm.s32 @!p0 $0x2000;
	[sflag:s18] =	ssyncadd.s32 $0xFFFFC000  }
0x2b2: {  	[tilespmem:s20], [sflag:$0x1] =	stream.indirect.gather @!p0 [hbm4b:s1+s10], $0x80, s0, s10, $0xb8;
	[tilespmem:$0x1E300] =	vst v63  }
0x2b3: {  	_ = 	snop  }
0x2b4: {  	[spmem:s4] =	stream.indirect.scatter.add.f32 [tilespmem:s25], [sflag:$0x5], $0x1, s28, s21, $0xb8;
	[tilespmem:$0x1E300] =	vst v63  }
0x2b5: {  	_ =	swait.ge [sflag:s18], $0x80  }
0x2b6: {  	[sflag:s18] =	ssyncset.done $0x0  }
0x2b7: {  	[sflag:s18] =	ssyncadd.s32 $0xFFFFFF80  }
0x2b8: {  	_ =	swait.ge [sflag:s26], $0x4000  }
0x2b9: {  	[sflag:s26] =	ssyncset.done $0x0  }
0x2ba: {  	s2 =	sor.u32 $0x1000, s2;
	[sflag:s26] =	ssyncadd.s32 $0xFFFFC000  }
0x2bb: {  	[spmem:s3] =	stream.indirect.scatter.add.f32 [tilespmem:s23], [sflag:$0x5], $0x80, s2, s21, $0xb8;
	[tilespmem:$0x1E300] =	vst v63  }
0x2bc: {  	_ =	swait.ge [sflag:s18], $0x4000  }
0x2bd: {  	[sflag:s18] =	ssyncset.done $0x0  }
0x2be: {  	s8 =	simm.s32 @!p0 $0x6000;
	s0 =	sor.u32 @!p0 $0x80, s0;
	[sflag:s18] =	ssyncadd.s32 $0xFFFFC000  }
0x2bf: {  	[tilespmem:s8], [sflag:$0x2] =	stream.indirect.gather @!p0 [hbm4b:s1+s10], $0x80, s0, s10, $0xb8;
	[tilespmem:$0x1E300] =	vst v63  }
0x2c0: {  	_ = 	snop  }
0x2c1: {  	[spmem:s4] =	stream.indirect.scatter.add.f32 [tilespmem:s25], [sflag:$0x5], $0x1, s2, s21, $0xb8;
	[tilespmem:$0x1E300] =	vst v63  }
0x2c2: {  	_ =	swait.ge [sflag:s18], $0x80  }
0x2c3: {  	[sflag:s18] =	ssyncset.done $0x0  }
0x2c4: {  	[sflag:s18] =	ssyncadd.s32 $0xFFFFFF80  }
0x2c5: {  	[bflag:$0x0] =	sbarrier.arrive $0xFFFF  }
0x2c6: {  	[hbm:s13], [sflag:s9] =	dma.local [spmem:s17], $0x2800  }
0x2c7: {  	s30 =	sadd.s32 $0x1, s30;
	_ =	swait.ge [sflag:s18], $0x2800  }
0x2c8: {  	s31 =	simm.s32 $0x10;
	p0 =	sne.s32 s30, s15;
	[sflag:s18] =	ssyncset.done $0x0  }
.Ltmp1:
0x2c9: {  	s29 =	simm.s32 $0x20;
	[sflag:s18] =	ssyncadd.s32 $0xFFFFD800;
	(pc) =	sbr.rel @p0 .LBB2_1-.Ltmp1, $4  }
0x2ca: {  	[hbm:s14@s29], [sflag:s9] =	dma.strided [spmem:s19@s31], $0x50, s24, $0x10   }
0x2cb: {  	_ =	swait.ge [sflag:s18], $0x50  }
0x2cc: {  	[sflag:s18] =	ssyncset.done $0x0  }
0x2cd: {  	[sflag:s18] =	ssyncadd.s32 $0xFFFFFFB0  }
0x2ce: {  	_ =	sfence.sel $0x180000  }
0x2cf: {  	[bflag:$0x0] =	sbarrier.arrive $0xFFFF  }
0x2d0: {  	_ =	strace $0x90000047  }
0x2d1: {  	s0 =	stileid.u32;
	[bflag:$0x2] =	sbarrier.arrive $0xFFFF  }
0x2d2: {  	p0 =	sne.s32 s0, $0x0;
	s0 =	rddreg [dreg:$0x4]  }
0x2d3: {  	s0 =	sadd.s32 @!p0 $0x100000, s0  }
0x2d4: {  	[sflag:s0] =	ssyncadd.tile.s32 @!p0 $0x1;
	_ =	shalt  }
.Lfunc_end2:
_tile_overlayer_lowered:
.L_overlay_start_2:
0x2d5: {  	(tag) =	ssettag $0x2  }
0x2d6: {  	s0 =	rddreg [dreg:$0x0];
	s2 =	stileid.u32  }
0x2d7: {  	s1 =	rddreg [dreg:$0x1];
	p0 =	sne.s32 s2, $0x0  }
0x2d8: {  	s3 =	rddreg [dreg:$0x2];
	[bflag:$0x3] =	sbarrier.arrive $0xFFFF;
	s2 =	simm.s32 @!p0 $0x1C05  }
0x2d9: {  	[timem:s3], [sflag:s2] =	dma.local @!p0 [hbm:s0], s1  }
0x2da: {  	s0 =	simm.s32 @!p0 $0x5  }
0x2db: {  	_ =	swait.ge @!p0 [sflag:s0], s1  }
0x2dc: {  	s1 =	ssub.s32 @!p0 $0x0, s1;
	[sflag:s0] =	ssyncset.done @!p0 $0x0  }
0x2dd: {  	[sflag:s0] =	ssyncadd.s32 @!p0 s1  }
0x2de: {  	[bflag:$0x3] =	sbarrier.arrive $0xFFFF  }
0x2df: {  	_ =	shalt  }

</sc_bundles>
